<compile_context>
chip_gen: v7x
topology: tpu7x:2x2x1
jax: 0.10.2.dev20260603
libtpu: 0.0.44.dev20260713+nightly
codegen_flags: <defaults>
</compile_context>

<pallas_src>
import functools

import jax
import jax.numpy as jnp
import numpy as np
from jax import lax
from jax.experimental import pallas as pl
from jax.experimental.pallas import tpu as pltpu
from jax.experimental.pallas import tpu_sc as plsc

N_NODES = 10000
N_PAD = 10112
N_EDGES = 320000
D = 128

NC = 2
NS = 16
NW = NC * NS
CH = 64
NB = 4
NPH = 8
PH = 20
EPW = NPH * PH * CH
E_PAD = NW * EPW
ROWS_PER_TILE = N_PAD // NS

_PAD_IOTA = np.arange(E_PAD - N_EDGES, dtype=np.int32)
_PAD_EDGES = np.stack([_PAD_IOTA % N_NODES,
                       N_NODES + _PAD_IOTA % (N_PAD - N_NODES)])


def _sc_aggregate(x, edges):
    mesh = plsc.VectorSubcoreMesh(core_axis_name="c", subcore_axis_name="s")

    @functools.partial(
        pl.kernel,
        mesh=mesh,
        out_type=jax.ShapeDtypeStruct((NC, N_PAD, D), jnp.float32),
        scratch_types=(
            [pltpu.VMEM((2, PH * CH), jnp.int32)] * 2 +
            [pltpu.VMEM((PH, CH), jnp.int32)] +
            [pltpu.VMEM((CH, D), jnp.float32)] * NB +
            [pltpu.VMEM_SHARED((N_PAD, D), jnp.float32)] +
            [pltpu.SemaphoreType.DMA] * (NB + 3)
        ),
    )
    def agg(x_hbm, e_hbm, out_hbm,
            eb0, eb1, didx2d, *rest):
        rows = list(rest[:NB])
        acc = rest[NB]
        gsem = list(rest[NB + 1:2 * NB + 1])
        zsem, isem0, isem1 = rest[2 * NB + 1:]
        cid = lax.axis_index("c")
        sid = lax.axis_index("s")
        wid = sid * NC + cid
        rbase = sid * ROWS_PER_TILE

        zval = jnp.zeros((16,), jnp.float32)

        def zrow(i, carry):
            for j in range(D // 16):
                rows[0][i, pl.ds(j * 16, 16)] = zval
            return carry

        lax.fori_loop(0, CH, zrow, 0)
        zcopies = [pltpu.async_copy(rows[0], acc.at[pl.ds(rbase + k * CH, CH)], zsem)
                   for k in range(ROWS_PER_TILE // CH)]
        ztail = ROWS_PER_TILE % CH
        if ztail:
            zcopies.append(pltpu.async_copy(
                rows[0].at[pl.ds(0, ztail)],
                acc.at[pl.ds(rbase + (ROWS_PER_TILE // CH) * CH, ztail)], zsem))

        def repack(ebuf):
            def rp(k, carry):
                didx2d[k // (CH // 16), pl.ds((k % (CH // 16)) * 16, 16)] = (
                    ebuf[1, pl.ds(k * 16, 16)])
                return carry

            lax.fori_loop(0, PH * CH // 16, rp, 0)

        ebase = wid * EPW
        pblk = PH * CH
        ebufs = [(eb0, isem0), (eb1, isem1)]
        pltpu.sync_copy(e_hbm.at[:, pl.ds(ebase, pblk)], eb0)
        pending = {1: pltpu.async_copy(
            e_hbm.at[:, pl.ds(ebase + pblk, pblk)], eb1, isem1)}
        for b in range(1, NB):
            pltpu.async_copy(
                x_hbm.at[eb0.at[0, pl.ds(b * CH, CH)]], rows[b], gsem[b])
        repack(eb0)
        for h in zcopies:
            h.wait()
        pltpu.async_copy(x_hbm.at[eb0.at[0, pl.ds(0, CH)]], rows[0], gsem[0])
        plsc.subcore_barrier()

        for p in range(NPH):
            eb, _ = ebufs[p % 2]
            if 1 <= p and p + 1 < NPH:
                ne, nsem = ebufs[(p + 1) % 2]
                off = ebase + (p + 1) * pblk
                pending[p + 1] = pltpu.async_copy(
                    e_hbm.at[:, pl.ds(off, pblk)], ne, nsem)
            if p in pending:
                pending.pop(p).wait()
            if p > 0:
                for b in range(NB):
                    pltpu.async_copy(
                        x_hbm.at[eb.at[0, pl.ds(b * CH, CH)]], rows[b], gsem[b])
                repack(eb)

            def body(j4, carry, eb=eb):
                a = NB * j4
                for b in range(NB):
                    pltpu.make_async_copy(
                        x_hbm.at[eb.at[0, pl.ds((a + b) * CH, CH)]],
                        rows[b], gsem[b]).wait()
                    pltpu.sync_copy(rows[b], acc.at[didx2d.at[a + b]], add=True)

                    @pl.when(a + b + NB < PH)
                    def _(b=b, a=a, eb=eb):
                        pltpu.async_copy(
                            x_hbm.at[eb.at[0, pl.ds((a + b + NB) * CH, CH)]],
                            rows[b], gsem[b])
                return carry

            lax.fori_loop(0, PH // NB, body, 0)
        plsc.subcore_barrier()

        pltpu.sync_copy(acc.at[pl.ds(rbase, ROWS_PER_TILE)],
                        out_hbm.at[cid, pl.ds(rbase, ROWS_PER_TILE)])

    return agg(x, edges)


def _tc_combine(partials, W, bias):
    BR = 2000

    def body(p_ref, w_ref, b_ref, o_ref):
        s = p_ref[0] + p_ref[1]
        o_ref[...] = lax.dot_general(
            s, w_ref[...], (((1,), (1,)), ((), ())),
            preferred_element_type=jnp.float32) + b_ref[...]

    return pl.pallas_call(
        body,
        grid=(N_NODES // BR,),
        in_specs=[
            pl.BlockSpec((NC, BR, D), lambda i: (0, i, 0)),
            pl.BlockSpec((D, D), lambda i: (0, 0)),
            pl.BlockSpec((1, D), lambda i: (0, 0)),
        ],
        out_specs=pl.BlockSpec((BR, D), lambda i: (i, 0)),
        out_shape=jax.ShapeDtypeStruct((N_NODES, D), jnp.float32),
    )(partials, W, bias.reshape(1, D))


def kernel(x, edge_index, W, bias):
    ei = edge_index.astype(jnp.int32)
    edges = jnp.concatenate([ei, jnp.asarray(_PAD_EDGES)], axis=1)
    partials = _sc_aggregate(x, edges)
    return _tc_combine(partials, W, bias)

# --- scband reference (transcript-rebuilt; emitter-appended) ---
"""Pipeline reference for scband-graph-conv-ncn-5592047419467 (READ-ONLY COPY).

The authoritative reference and input builder live on the scoring server;
editing this copy changes nothing except your own understanding.
"""

import jax, jax.numpy as jnp
import numpy as np

N_NODES = 10000
N_EDGES = 320000
D_IN = 128
D_OUT = 128


def setup_inputs(seed: int = 0) -> dict:
    key = jax.random.key(seed)
    k1, k2, k3 = jax.random.split(key, 3)
    x = jax.random.normal(k1, (N_NODES, D_IN), dtype=jnp.float32)
    edge_index = jax.random.randint(k2, (2, N_EDGES), 0, N_NODES, dtype=jnp.int64)
    # learned parameters: lin.weight [out, in] (no bias), bias [out]
    W = jax.random.normal(k3, (D_OUT, D_IN), dtype=jnp.float32) * (1.0 / np.sqrt(D_IN))
    bias = jnp.zeros((D_OUT,), dtype=jnp.float32)
    return {"x": x, "edge_index": edge_index, "W": W, "bias": bias}


def reference(x, edge_index, W, bias):
    # aggr == 'collab-gcn' branch (dropout p=0.0 -> identity in eval)
    h = x @ W.T                       # lin(x)
    src = edge_index[0]
    dst = edge_index[1]
    # spmm_add(adj_t, h): out[dst] += h[src]  (gather + scatter-add)
    gathered = jnp.take(h, src, axis=0)
    out = jax.ops.segment_sum(gathered, dst, num_segments=x.shape[0])
    out = out + bias
    return out

if __name__ == "__main__":
    import jax
    _d = setup_inputs()
    print(jax.jit(kernel)(*tuple(_d.values())))

</pallas_src>

<mosaic_0001>
#map = affine_map<(d0, d1) -> (0, 0)>
#map1 = affine_map<(d0, d1) -> (0, 0, 0)>
module attributes {stable_mosaic.version = 14 : i64} {
  func.func @agg(%arg0: i32, %arg1: i32, %arg2: memref<10000x128xf32, #tpu.memory_space<hbm>>, %arg3: memref<2x327680xi32, #tpu.memory_space<hbm>>, %arg4: memref<2x10112x128xf32, #tpu.memory_space<hbm>>, %arg5: memref<2x1280xi32, #tpu.memory_space<vmem>>, %arg6: memref<2x1280xi32, #tpu.memory_space<vmem>>, %arg7: memref<20x64xi32, #tpu.memory_space<vmem>>, %arg8: memref<64x128xf32, #tpu.memory_space<vmem>>, %arg9: memref<64x128xf32, #tpu.memory_space<vmem>>, %arg10: memref<64x128xf32, #tpu.memory_space<vmem>>, %arg11: memref<64x128xf32, #tpu.memory_space<vmem>>, %arg12: memref<10112x128xf32, #tpu.memory_space<vmem_shared>>, %arg13: memref<!tpu.dma_semaphore, #tpu.memory_space<semaphore_mem>>, %arg14: memref<!tpu.dma_semaphore, #tpu.memory_space<semaphore_mem>>, %arg15: memref<!tpu.dma_semaphore, #tpu.memory_space<semaphore_mem>>, %arg16: memref<!tpu.dma_semaphore, #tpu.memory_space<semaphore_mem>>, %arg17: memref<!tpu.dma_semaphore, #tpu.memory_space<semaphore_mem>>, %arg18: memref<!tpu.dma_semaphore, #tpu.memory_space<semaphore_mem>>, %arg19: memref<!tpu.dma_semaphore, #tpu.memory_space<semaphore_mem>>) attributes {dimension_semantics = [#tpu.dimension_semantics<core_parallel>, #tpu.dimension_semantics<subcore_parallel>], iteration_bounds = array<i64: 2, 16>, scalar_prefetch = 0 : i64, scratch_operands = 15 : i64, tpu.core_type = #tpu.core_type<sc_vector_subcore>, window_params = [{transform_indices = #map}, {transform_indices = #map}, {transform_indices = #map1}]} {
    %mul3A = arith.constant 2 : i32
    %mul3A_0 = arith.muli %arg1, %mul3A : i32
    %add3A = arith.addi %mul3A_0, %arg0 : i32
    %mul3A_1 = arith.constant 632 : i32
    %mul3A_2 = arith.muli %arg1, %mul3A_1 : i32
    %broadcast_in_dim3A = arith.constant 0.000000e+00 : f32
    %broadcast_in_dim3A_3 = vector.broadcast %broadcast_in_dim3A : f32 to vector<16xf32>
    %scan3A = arith.constant 0 : i32
    %scan3A_4 = arith.constant 0 : i32
    %scan3A_5 = arith.constant 64 : i32
    %scan3A_6 = arith.addi %scan3A_4, %scan3A_5 : i32
    %scan3A_7 = arith.constant 1 : i32
    scf.for %scan3A_512 = %scan3A_4 to %scan3A_6 step %scan3A_7  : i32 {
      %swap3A = arith.index_cast %scan3A_512 : i32 to index
      %swap3A_513 = arith.constant 0 : index
      %swap3A_514 = tpu.vector_load %arg8[%swap3A, %swap3A_513] {strides = array<i32>} : memref<64x128xf32, #tpu.memory_space<vmem>>, vector<1x16xf32>,
      %swap3A_515 = vector.shape_cast %swap3A_514 : vector<1x16xf32> to vector<16xf32>
      %swap3A_516 = vector.shape_cast %broadcast_in_dim3A_3 : vector<16xf32> to vector<1x16xf32>
      tpu.vector_store %arg8[%swap3A, %swap3A_513], %swap3A_516 {strides = array<i32>} : memref<64x128xf32, #tpu.memory_space<vmem>>, vector<1x16xf32>,
      %swap3A_517 = arith.index_cast %scan3A_512 : i32 to index
      %swap3A_518 = arith.constant 16 : index
      %swap3A_519 = tpu.vector_load %arg8[%swap3A_517, %swap3A_518] {strides = array<i32>} : memref<64x128xf32, #tpu.memory_space<vmem>>, vector<1x16xf32>,
      %swap3A_520 = vector.shape_cast %swap3A_519 : vector<1x16xf32> to vector<16xf32>
      %swap3A_521 = vector.shape_cast %broadcast_in_dim3A_3 : vector<16xf32> to vector<1x16xf32>
      tpu.vector_store %arg8[%swap3A_517, %swap3A_518], %swap3A_521 {strides = array<i32>} : memref<64x128xf32, #tpu.memory_space<vmem>>, vector<1x16xf32>,
      %swap3A_522 = arith.index_cast %scan3A_512 : i32 to index
      %swap3A_523 = arith.constant 32 : index
      %swap3A_524 = tpu.vector_load %arg8[%swap3A_522, %swap3A_523] {strides = array<i32>} : memref<64x128xf32, #tpu.memory_space<vmem>>, vector<1x16xf32>,
      %swap3A_525 = vector.shape_cast %swap3A_524 : vector<1x16xf32> to vector<16xf32>
      %swap3A_526 = vector.shape_cast %broadcast_in_dim3A_3 : vector<16xf32> to vector<1x16xf32>
      tpu.vector_store %arg8[%swap3A_522, %swap3A_523], %swap3A_526 {strides = array<i32>} : memref<64x128xf32, #tpu.memory_space<vmem>>, vector<1x16xf32>,
      %swap3A_527 = arith.index_cast %scan3A_512 : i32 to index
      %swap3A_528 = arith.constant 48 : index
      %swap3A_529 = tpu.vector_load %arg8[%swap3A_527, %swap3A_528] {strides = array<i32>} : memref<64x128xf32, #tpu.memory_space<vmem>>, vector<1x16xf32>,
      %swap3A_530 = vector.shape_cast %swap3A_529 : vector<1x16xf32> to vector<16xf32>
      %swap3A_531 = vector.shape_cast %broadcast_in_dim3A_3 : vector<16xf32> to vector<1x16xf32>
      tpu.vector_store %arg8[%swap3A_527, %swap3A_528], %swap3A_531 {strides = array<i32>} : memref<64x128xf32, #tpu.memory_space<vmem>>, vector<1x16xf32>,
      %swap3A_532 = arith.index_cast %scan3A_512 : i32 to index
      %swap3A_533 = arith.constant 64 : index
      %swap3A_534 = tpu.vector_load %arg8[%swap3A_532, %swap3A_533] {strides = array<i32>} : memref<64x128xf32, #tpu.memory_space<vmem>>, vector<1x16xf32>,
      %swap3A_535 = vector.shape_cast %swap3A_534 : vector<1x16xf32> to vector<16xf32>
      %swap3A_536 = vector.shape_cast %broadcast_in_dim3A_3 : vector<16xf32> to vector<1x16xf32>
      tpu.vector_store %arg8[%swap3A_532, %swap3A_533], %swap3A_536 {strides = array<i32>} : memref<64x128xf32, #tpu.memory_space<vmem>>, vector<1x16xf32>,
      %swap3A_537 = arith.index_cast %scan3A_512 : i32 to index
      %swap3A_538 = arith.constant 80 : index
      %swap3A_539 = tpu.vector_load %arg8[%swap3A_537, %swap3A_538] {strides = array<i32>} : memref<64x128xf32, #tpu.memory_space<vmem>>, vector<1x16xf32>,
      %swap3A_540 = vector.shape_cast %swap3A_539 : vector<1x16xf32> to vector<16xf32>
      %swap3A_541 = vector.shape_cast %broadcast_in_dim3A_3 : vector<16xf32> to vector<1x16xf32>
      tpu.vector_store %arg8[%swap3A_537, %swap3A_538], %swap3A_541 {strides = array<i32>} : memref<64x128xf32, #tpu.memory_space<vmem>>, vector<1x16xf32>,
      %swap3A_542 = arith.index_cast %scan3A_512 : i32 to index
      %swap3A_543 = arith.constant 96 : index
      %swap3A_544 = tpu.vector_load %arg8[%swap3A_542, %swap3A_543] {strides = array<i32>} : memref<64x128xf32, #tpu.memory_space<vmem>>, vector<1x16xf32>,
      %swap3A_545 = vector.shape_cast %swap3A_544 : vector<1x16xf32> to vector<16xf32>
      %swap3A_546 = vector.shape_cast %broadcast_in_dim3A_3 : vector<16xf32> to vector<1x16xf32>
      tpu.vector_store %arg8[%swap3A_542, %swap3A_543], %swap3A_546 {strides = array<i32>} : memref<64x128xf32, #tpu.memory_space<vmem>>, vector<1x16xf32>,
      %swap3A_547 = arith.index_cast %scan3A_512 : i32 to index
      %swap3A_548 = arith.constant 112 : index
      %swap3A_549 = tpu.vector_load %arg8[%swap3A_547, %swap3A_548] {strides = array<i32>} : memref<64x128xf32, #tpu.memory_space<vmem>>, vector<1x16xf32>,
      %swap3A_550 = vector.shape_cast %swap3A_549 : vector<1x16xf32> to vector<16xf32>
      %swap3A_551 = vector.shape_cast %broadcast_in_dim3A_3 : vector<16xf32> to vector<1x16xf32>
      tpu.vector_store %arg8[%swap3A_547, %swap3A_548], %swap3A_551 {strides = array<i32>} : memref<64x128xf32, #tpu.memory_space<vmem>>, vector<1x16xf32>,
    }
    %scan3A_8 = arith.constant 64 : i32
    %add3A_9 = arith.constant 0 : i32
    %add3A_10 = arith.addi %mul3A_2, %add3A_9 : i32
    %dma_start3A = arith.constant 0 : i32
    %dma_start3A_11 = tpu.memref_slice %arg12[%add3A_10, %dma_start3A] : memref<10112x128xf32, #tpu.memory_space<vmem_shared>> -> memref<64x128xf32, #tpu.memory_space<vmem_shared>>
    %dma_start3A_12 = arith.constant 0 : i32
    %dma_start3A_13 = tpu.memref_slice %arg12[%add3A_10, %dma_start3A_12] : memref<10112x128xf32, #tpu.memory_space<vmem_shared>> -> memref<64x128xf32, #tpu.memory_space<vmem_shared>>
    tpu.enqueue_dma source(%arg8 : memref<64x128xf32, #tpu.memory_space<vmem>>) target(%dma_start3A_13 : memref<64x128xf32, #tpu.memory_space<vmem_shared>>) target_semaphore(%arg17 : memref<!tpu.dma_semaphore, #tpu.memory_space<semaphore_mem>>)
    %add3A_14 = arith.constant 64 : i32
    %add3A_15 = arith.addi %mul3A_2, %add3A_14 : i32
    %dma_start3A_16 = arith.constant 0 : i32
    %dma_start3A_17 = tpu.memref_slice %arg12[%add3A_15, %dma_start3A_16] : memref<10112x128xf32, #tpu.memory_space<vmem_shared>> -> memref<64x128xf32, #tpu.memory_space<vmem_shared>>
    %dma_start3A_18 = arith.constant 0 : i32
    %dma_start3A_19 = tpu.memref_slice %arg12[%add3A_15, %dma_start3A_18] : memref<10112x128xf32, #tpu.memory_space<vmem_shared>> -> memref<64x128xf32, #tpu.memory_space<vmem_shared>>
    tpu.enqueue_dma source(%arg8 : memref<64x128xf32, #tpu.memory_space<vmem>>) target(%dma_start3A_19 : memref<64x128xf32, #tpu.memory_space<vmem_shared>>) target_semaphore(%arg17 : memref<!tpu.dma_semaphore, #tpu.memory_space<semaphore_mem>>)
    %add3A_20 = arith.constant 128 : i32
    %add3A_21 = arith.addi %mul3A_2, %add3A_20 : i32
    %dma_start3A_22 = arith.constant 0 : i32
    %dma_start3A_23 = tpu.memref_slice %arg12[%add3A_21, %dma_start3A_22] : memref<10112x128xf32, #tpu.memory_space<vmem_shared>> -> memref<64x128xf32, #tpu.memory_space<vmem_shared>>
    %dma_start3A_24 = arith.constant 0 : i32
    %dma_start3A_25 = tpu.memref_slice %arg12[%add3A_21, %dma_start3A_24] : memref<10112x128xf32, #tpu.memory_space<vmem_shared>> -> memref<64x128xf32, #tpu.memory_space<vmem_shared>>
    tpu.enqueue_dma source(%arg8 : memref<64x128xf32, #tpu.memory_space<vmem>>) target(%dma_start3A_25 : memref<64x128xf32, #tpu.memory_space<vmem_shared>>) target_semaphore(%arg17 : memref<!tpu.dma_semaphore, #tpu.memory_space<semaphore_mem>>)
    %add3A_26 = arith.constant 192 : i32
    %add3A_27 = arith.addi %mul3A_2, %add3A_26 : i32
    %dma_start3A_28 = arith.constant 0 : i32
    %dma_start3A_29 = tpu.memref_slice %arg12[%add3A_27, %dma_start3A_28] : memref<10112x128xf32, #tpu.memory_space<vmem_shared>> -> memref<64x128xf32, #tpu.memory_space<vmem_shared>>
    %dma_start3A_30 = arith.constant 0 : i32
    %dma_start3A_31 = tpu.memref_slice %arg12[%add3A_27, %dma_start3A_30] : memref<10112x128xf32, #tpu.memory_space<vmem_shared>> -> memref<64x128xf32, #tpu.memory_space<vmem_shared>>
    tpu.enqueue_dma source(%arg8 : memref<64x128xf32, #tpu.memory_space<vmem>>) target(%dma_start3A_31 : memref<64x128xf32, #tpu.memory_space<vmem_shared>>) target_semaphore(%arg17 : memref<!tpu.dma_semaphore, #tpu.memory_space<semaphore_mem>>)
    %add3A_32 = arith.constant 256 : i32
    %add3A_33 = arith.addi %mul3A_2, %add3A_32 : i32
    %dma_start3A_34 = arith.constant 0 : i32
    %dma_start3A_35 = tpu.memref_slice %arg12[%add3A_33, %dma_start3A_34] : memref<10112x128xf32, #tpu.memory_space<vmem_shared>> -> memref<64x128xf32, #tpu.memory_space<vmem_shared>>
    %dma_start3A_36 = arith.constant 0 : i32
    %dma_start3A_37 = tpu.memref_slice %arg12[%add3A_33, %dma_start3A_36] : memref<10112x128xf32, #tpu.memory_space<vmem_shared>> -> memref<64x128xf32, #tpu.memory_space<vmem_shared>>
    tpu.enqueue_dma source(%arg8 : memref<64x128xf32, #tpu.memory_space<vmem>>) target(%dma_start3A_37 : memref<64x128xf32, #tpu.memory_space<vmem_shared>>) target_semaphore(%arg17 : memref<!tpu.dma_semaphore, #tpu.memory_space<semaphore_mem>>)
    %add3A_38 = arith.constant 320 : i32
    %add3A_39 = arith.addi %mul3A_2, %add3A_38 : i32
    %dma_start3A_40 = arith.constant 0 : i32
    %dma_start3A_41 = tpu.memref_slice %arg12[%add3A_39, %dma_start3A_40] : memref<10112x128xf32, #tpu.memory_space<vmem_shared>> -> memref<64x128xf32, #tpu.memory_space<vmem_shared>>
    %dma_start3A_42 = arith.constant 0 : i32
    %dma_start3A_43 = tpu.memref_slice %arg12[%add3A_39, %dma_start3A_42] : memref<10112x128xf32, #tpu.memory_space<vmem_shared>> -> memref<64x128xf32, #tpu.memory_space<vmem_shared>>
    tpu.enqueue_dma source(%arg8 : memref<64x128xf32, #tpu.memory_space<vmem>>) target(%dma_start3A_43 : memref<64x128xf32, #tpu.memory_space<vmem_shared>>) target_semaphore(%arg17 : memref<!tpu.dma_semaphore, #tpu.memory_space<semaphore_mem>>)
    %add3A_44 = arith.constant 384 : i32
    %add3A_45 = arith.addi %mul3A_2, %add3A_44 : i32
    %dma_start3A_46 = arith.constant 0 : i32
    %dma_start3A_47 = tpu.memref_slice %arg12[%add3A_45, %dma_start3A_46] : memref<10112x128xf32, #tpu.memory_space<vmem_shared>> -> memref<64x128xf32, #tpu.memory_space<vmem_shared>>
    %dma_start3A_48 = arith.constant 0 : i32
    %dma_start3A_49 = tpu.memref_slice %arg12[%add3A_45, %dma_start3A_48] : memref<10112x128xf32, #tpu.memory_space<vmem_shared>> -> memref<64x128xf32, #tpu.memory_space<vmem_shared>>
    tpu.enqueue_dma source(%arg8 : memref<64x128xf32, #tpu.memory_space<vmem>>) target(%dma_start3A_49 : memref<64x128xf32, #tpu.memory_space<vmem_shared>>) target_semaphore(%arg17 : memref<!tpu.dma_semaphore, #tpu.memory_space<semaphore_mem>>)
    %add3A_50 = arith.constant 448 : i32
    %add3A_51 = arith.addi %mul3A_2, %add3A_50 : i32
    %dma_start3A_52 = arith.constant 0 : i32
    %dma_start3A_53 = tpu.memref_slice %arg12[%add3A_51, %dma_start3A_52] : memref<10112x128xf32, #tpu.memory_space<vmem_shared>> -> memref<64x128xf32, #tpu.memory_space<vmem_shared>>
    %dma_start3A_54 = arith.constant 0 : i32
    %dma_start3A_55 = tpu.memref_slice %arg12[%add3A_51, %dma_start3A_54] : memref<10112x128xf32, #tpu.memory_space<vmem_shared>> -> memref<64x128xf32, #tpu.memory_space<vmem_shared>>
    tpu.enqueue_dma source(%arg8 : memref<64x128xf32, #tpu.memory_space<vmem>>) target(%dma_start3A_55 : memref<64x128xf32, #tpu.memory_space<vmem_shared>>) target_semaphore(%arg17 : memref<!tpu.dma_semaphore, #tpu.memory_space<semaphore_mem>>)
    %add3A_56 = arith.constant 512 : i32
    %add3A_57 = arith.addi %mul3A_2, %add3A_56 : i32
    %dma_start3A_58 = arith.constant 0 : i32
    %dma_start3A_59 = tpu.memref_slice %arg12[%add3A_57, %dma_start3A_58] : memref<10112x128xf32, #tpu.memory_space<vmem_shared>> -> memref<64x128xf32, #tpu.memory_space<vmem_shared>>
    %dma_start3A_60 = arith.constant 0 : i32
    %dma_start3A_61 = tpu.memref_slice %arg12[%add3A_57, %dma_start3A_60] : memref<10112x128xf32, #tpu.memory_space<vmem_shared>> -> memref<64x128xf32, #tpu.memory_space<vmem_shared>>
    tpu.enqueue_dma source(%arg8 : memref<64x128xf32, #tpu.memory_space<vmem>>) target(%dma_start3A_61 : memref<64x128xf32, #tpu.memory_space<vmem_shared>>) target_semaphore(%arg17 : memref<!tpu.dma_semaphore, #tpu.memory_space<semaphore_mem>>)
    %add3A_62 = arith.constant 576 : i32
    %add3A_63 = arith.addi %mul3A_2, %add3A_62 : i32
    %dma_start3A_64 = arith.constant 0 : i32
    %dma_start3A_65 = arith.constant 0 : i32
    %dma_start3A_66 = tpu.memref_slice %arg8[%dma_start3A_64, %dma_start3A_65] : memref<64x128xf32, #tpu.memory_space<vmem>> -> memref<56x128xf32, #tpu.memory_space<vmem>>
    %dma_start3A_67 = arith.constant 0 : i32
    %dma_start3A_68 = tpu.memref_slice %arg12[%add3A_63, %dma_start3A_67] : memref<10112x128xf32, #tpu.memory_space<vmem_shared>> -> memref<56x128xf32, #tpu.memory_space<vmem_shared>>
    %dma_start3A_69 = arith.constant 0 : i32
    %dma_start3A_70 = tpu.memref_slice %arg12[%add3A_63, %dma_start3A_69] : memref<10112x128xf32, #tpu.memory_space<vmem_shared>> -> memref<56x128xf32, #tpu.memory_space<vmem_shared>>
    %dma_start3A_71 = arith.constant 0 : i32
    %dma_start3A_72 = arith.constant 0 : i32
    %dma_start3A_73 = tpu.memref_slice %arg8[%dma_start3A_71, %dma_start3A_72] : memref<64x128xf32, #tpu.memory_space<vmem>> -> memref<56x128xf32, #tpu.memory_space<vmem>>
    tpu.enqueue_dma source(%dma_start3A_73 : memref<56x128xf32, #tpu.memory_space<vmem>>) target(%dma_start3A_70 : memref<56x128xf32, #tpu.memory_space<vmem_shared>>) target_semaphore(%arg17 : memref<!tpu.dma_semaphore, #tpu.memory_space<semaphore_mem>>)
    %mul3A_74 = arith.constant 10240 : i32
    %mul3A_75 = arith.muli %add3A, %mul3A_74 : i32
    "tpu.region"() ({
      %run_scoped3A = tpu.sem_alloc : memref<!tpu.dma_semaphore, #tpu.memory_space<semaphore_mem>>
      %dma_start3A_512 = arith.constant 0 : i32
      %dma_start3A_513 = tpu.memref_slice %arg3[%dma_start3A_512, %mul3A_75] : memref<2x327680xi32, #tpu.memory_space<hbm>> -> memref<2x1280xi32, #tpu.memory_space<hbm>>
      %dma_start3A_514 = arith.constant 0 : i32
      %dma_start3A_515 = tpu.memref_slice %arg3[%dma_start3A_514, %mul3A_75] : memref<2x327680xi32, #tpu.memory_space<hbm>> -> memref<2x1280xi32, #tpu.memory_space<hbm>>
      tpu.enqueue_dma source(%dma_start3A_515 : memref<2x1280xi32, #tpu.memory_space<hbm>>) target(%arg5 : memref<2x1280xi32, #tpu.memory_space<vmem>>) target_semaphore(%run_scoped3A : memref<!tpu.dma_semaphore, #tpu.memory_space<semaphore_mem>>)
      %dma_wait3A_516 = arith.constant 0 : i32
      %dma_wait3A_517 = tpu.memref_slice %arg3[%dma_wait3A_516, %mul3A_75] : memref<2x327680xi32, #tpu.memory_space<hbm>> -> memref<2x1280xi32, #tpu.memory_space<hbm>>
      %dma_wait3A_518 = arith.constant 0 : i32
      %dma_wait3A_519 = tpu.memref_slice %arg3[%dma_wait3A_518, %mul3A_75] : memref<2x327680xi32, #tpu.memory_space<hbm>> -> memref<2x1280xi32, #tpu.memory_space<hbm>>
      tpu.wait_dma2 semaphore(%run_scoped3A : memref<!tpu.dma_semaphore, #tpu.memory_space<semaphore_mem>>) src(%dma_wait3A_519 : memref<2x1280xi32, #tpu.memory_space<hbm>>) dst(%arg5 : memref<2x1280xi32, #tpu.memory_space<vmem>>)
      tpu.yield
    }) : () -> ()
    %add3A_76 = arith.constant 1280 : i32
    %add3A_77 = arith.addi %mul3A_75, %add3A_76 : i32
    %dma_start3A_78 = arith.constant 0 : i32
    %dma_start3A_79 = tpu.memref_slice %arg3[%dma_start3A_78, %add3A_77] : memref<2x327680xi32, #tpu.memory_space<hbm>> -> memref<2x1280xi32, #tpu.memory_space<hbm>>
    %dma_start3A_80 = arith.constant 0 : i32
    %dma_start3A_81 = tpu.memref_slice %arg3[%dma_start3A_80, %add3A_77] : memref<2x327680xi32, #tpu.memory_space<hbm>> -> memref<2x1280xi32, #tpu.memory_space<hbm>>
    tpu.enqueue_dma source(%dma_start3A_81 : memref<2x1280xi32, #tpu.memory_space<hbm>>) target(%arg6 : memref<2x1280xi32, #tpu.memory_space<vmem>>) target_semaphore(%arg19 : memref<!tpu.dma_semaphore, #tpu.memory_space<semaphore_mem>>)
    %dma_start3A_82 = arith.constant 0 : i32
    %dma_start3A_83 = arith.constant 64 : i32
    %dma_start3A_84 = tpu.memref_slice %arg5[%dma_start3A_82, %dma_start3A_83] : memref<2x1280xi32, #tpu.memory_space<vmem>> -> memref<1x64xi32, #tpu.memory_space<vmem>>
    %dma_start3A_85 = tpu.memref_squeeze %dma_start3A_84 : memref<1x64xi32, #tpu.memory_space<vmem>> -> memref<64xi32, #tpu.memory_space<vmem>>
    %dma_start3A_86 = arith.constant 0 : i32
    %dma_start3A_87 = arith.constant 0 : i32
    %dma_start3A_88 = tpu.memref_slice %arg2[%dma_start3A_86, %dma_start3A_87] : memref<10000x128xf32, #tpu.memory_space<hbm>> -> memref<10000x128xf32, #tpu.memory_space<hbm>>
    tpu.enqueue_indirect_dma source(%dma_start3A_88 : memref<10000x128xf32, #tpu.memory_space<hbm>>) target(%arg9 : memref<64x128xf32, #tpu.memory_space<vmem>>) offsets(%dma_start3A_85 : memref<64xi32, #tpu.memory_space<vmem>>) semaphore(%arg14 : memref<!tpu.dma_semaphore, #tpu.memory_space<semaphore_mem>>)
    %dma_start3A_89 = arith.constant 0 : i32
    %dma_start3A_90 = arith.constant 128 : i32
    %dma_start3A_91 = tpu.memref_slice %arg5[%dma_start3A_89, %dma_start3A_90] : memref<2x1280xi32, #tpu.memory_space<vmem>> -> memref<1x64xi32, #tpu.memory_space<vmem>>
    %dma_start3A_92 = tpu.memref_squeeze %dma_start3A_91 : memref<1x64xi32, #tpu.memory_space<vmem>> -> memref<64xi32, #tpu.memory_space<vmem>>
    %dma_start3A_93 = arith.constant 0 : i32
    %dma_start3A_94 = arith.constant 0 : i32
    %dma_start3A_95 = tpu.memref_slice %arg2[%dma_start3A_93, %dma_start3A_94] : memref<10000x128xf32, #tpu.memory_space<hbm>> -> memref<10000x128xf32, #tpu.memory_space<hbm>>
    tpu.enqueue_indirect_dma source(%dma_start3A_95 : memref<10000x128xf32, #tpu.memory_space<hbm>>) target(%arg10 : memref<64x128xf32, #tpu.memory_space<vmem>>) offsets(%dma_start3A_92 : memref<64xi32, #tpu.memory_space<vmem>>) semaphore(%arg15 : memref<!tpu.dma_semaphore, #tpu.memory_space<semaphore_mem>>)
    %dma_start3A_96 = arith.constant 0 : i32
    %dma_start3A_97 = arith.constant 192 : i32
    %dma_start3A_98 = tpu.memref_slice %arg5[%dma_start3A_96, %dma_start3A_97] : memref<2x1280xi32, #tpu.memory_space<vmem>> -> memref<1x64xi32, #tpu.memory_space<vmem>>
    %dma_start3A_99 = tpu.memref_squeeze %dma_start3A_98 : memref<1x64xi32, #tpu.memory_space<vmem>> -> memref<64xi32, #tpu.memory_space<vmem>>
    %dma_start3A_100 = arith.constant 0 : i32
    %dma_start3A_101 = arith.constant 0 : i32
    %dma_start3A_102 = tpu.memref_slice %arg2[%dma_start3A_100, %dma_start3A_101] : memref<10000x128xf32, #tpu.memory_space<hbm>> -> memref<10000x128xf32, #tpu.memory_space<hbm>>
    tpu.enqueue_indirect_dma source(%dma_start3A_102 : memref<10000x128xf32, #tpu.memory_space<hbm>>) target(%arg11 : memref<64x128xf32, #tpu.memory_space<vmem>>) offsets(%dma_start3A_99 : memref<64xi32, #tpu.memory_space<vmem>>) semaphore(%arg16 : memref<!tpu.dma_semaphore, #tpu.memory_space<semaphore_mem>>)
    %scan3A_103 = arith.constant 0 : i32
    %scan3A_104 = arith.constant 0 : i32
    %scan3A_105 = arith.constant 80 : i32
    %scan3A_106 = arith.addi %scan3A_104, %scan3A_105 : i32
    %scan3A_107 = arith.constant 1 : i32
    scf.for %scan3A_512 = %scan3A_104 to %scan3A_106 step %scan3A_107  : i32 {
      %mul3A_513 = arith.constant 16 : i32
      %mul3A_514 = arith.muli %scan3A_512, %mul3A_513 : i32
      %get3A = arith.constant 1 : i32
      %get3A_515 = arith.index_cast %get3A : i32 to index
      %get3A_516 = arith.index_cast %mul3A_514 : i32 to index
      %get3A_517 = tpu.vector_load %arg5[%get3A_515, %get3A_516] {strides = array<i32>} : memref<2x1280xi32, #tpu.memory_space<vmem>>, vector<1x16xi32>,
      %get3A_518 = vector.shape_cast %get3A_517 : vector<1x16xi32> to vector<16xi32>
      %jit3A = arith.constant 4 : i32
      %div3A = arith.divsi %scan3A_512, %jit3A : i32
      %sign3A = arith.constant 0 : i32
      %sign3A_519 = arith.cmpi sgt, %scan3A_512, %sign3A : i32
      %sign3A_520 = arith.extui %sign3A_519 : i1 to i32
      %sign3A_521 = arith.constant 0 : i32
      %sign3A_522 = arith.cmpi slt, %scan3A_512, %sign3A_521 : i32
      %sign3A_523 = arith.extui %sign3A_522 : i1 to i32
      %sign3A_524 = arith.subi %sign3A_520, %sign3A_523 : i32
      %sign3A_525 = arith.constant 0 : i32
      %sign3A_526 = arith.cmpi sgt, %jit3A, %sign3A_525 : i32
      %sign3A_527 = arith.extui %sign3A_526 : i1 to i32
      %sign3A_528 = arith.constant 0 : i32
      %sign3A_529 = arith.cmpi slt, %jit3A, %sign3A_528 : i32
      %sign3A_530 = arith.extui %sign3A_529 : i1 to i32
      %sign3A_531 = arith.subi %sign3A_527, %sign3A_530 : i32
      %ne3A = arith.cmpi ne, %sign3A_524, %sign3A_531 : i32
      %rem3A = arith.remsi %scan3A_512, %jit3A : i32
      %ne3A_532 = arith.constant 0 : i32
      %ne3A_533 = arith.cmpi ne, %rem3A, %ne3A_532 : i32
      %and3A = arith.andi %ne3A, %ne3A_533 : i1
      %sub3A = arith.constant 1 : i32
      %sub3A_534 = arith.subi %div3A, %sub3A : i32
      %select_n3A = arith.select %and3A, %sub3A_534, %div3A : i32
      %jit3A_535 = arith.constant 4 : i32
      %eq3A = arith.constant 0 : i32
      %eq3A_536 = arith.cmpi eq, %jit3A_535, %eq3A : i32
      %jit3A_537 = arith.constant 1 : i32
      %select_n3A_538 = arith.select %eq3A_536, %jit3A_537, %jit3A_535 : i32
      %rem3A_539 = arith.remsi %scan3A_512, %select_n3A_538 : i32
      %ne3A_540 = arith.constant 0 : i32
      %ne3A_541 = arith.cmpi ne, %rem3A_539, %ne3A_540 : i32
      %lt3A = arith.constant 0 : i32
      %lt3A_542 = arith.cmpi slt, %rem3A_539, %lt3A : i32
      %lt3A_543 = arith.constant 0 : i32
      %lt3A_544 = arith.cmpi slt, %select_n3A_538, %lt3A_543 : i32
      %ne3A_545 = arith.xori %lt3A_542, %lt3A_544 : i1
      %and3A_546 = arith.andi %ne3A_545, %ne3A_541 : i1
      %add3A_547 = arith.addi %rem3A_539, %select_n3A_538 : i32
      %select_n3A_548 = arith.select %and3A_546, %add3A_547, %rem3A_539 : i32
      %mul3A_549 = arith.constant 16 : i32
      %mul3A_550 = arith.muli %select_n3A_548, %mul3A_549 : i32
      %swap3A = arith.index_cast %select_n3A : i32 to index
      %swap3A_551 = arith.index_cast %mul3A_550 : i32 to index
      %swap3A_552 = tpu.vector_load %arg7[%swap3A, %swap3A_551] {strides = array<i32>} : memref<20x64xi32, #tpu.memory_space<vmem>>, vector<1x16xi32>,
      %swap3A_553 = vector.shape_cast %swap3A_552 : vector<1x16xi32> to vector<16xi32>
      %swap3A_554 = vector.shape_cast %get3A_518 : vector<16xi32> to vector<1x16xi32>
      tpu.vector_store %arg7[%swap3A, %swap3A_551], %swap3A_554 {strides = array<i32>} : memref<20x64xi32, #tpu.memory_space<vmem>>, vector<1x16xi32>,
    }
    %scan3A_108 = arith.constant 80 : i32
    %dma_wait3A = arith.constant 0 : i32
    %dma_wait3A_109 = tpu.memref_slice %arg12[%add3A_10, %dma_wait3A] : memref<10112x128xf32, #tpu.memory_space<vmem_shared>> -> memref<64x128xf32, #tpu.memory_space<vmem_shared>>
    %dma_wait3A_110 = arith.constant 0 : i32
    %dma_wait3A_111 = tpu.memref_slice %arg12[%add3A_10, %dma_wait3A_110] : memref<10112x128xf32, #tpu.memory_space<vmem_shared>> -> memref<64x128xf32, #tpu.memory_space<vmem_shared>>
    tpu.wait_dma2 semaphore(%arg17 : memref<!tpu.dma_semaphore, #tpu.memory_space<semaphore_mem>>) src(%arg8 : memref<64x128xf32, #tpu.memory_space<vmem>>) dst(%dma_wait3A_111 : memref<64x128xf32, #tpu.memory_space<vmem_shared>>)
    %dma_wait3A_112 = arith.constant 0 : i32
    %dma_wait3A_113 = tpu.memref_slice %arg12[%add3A_15, %dma_wait3A_112] : memref<10112x128xf32, #tpu.memory_space<vmem_shared>> -> memref<64x128xf32, #tpu.memory_space<vmem_shared>>
    %dma_wait3A_114 = arith.constant 0 : i32
    %dma_wait3A_115 = tpu.memref_slice %arg12[%add3A_15, %dma_wait3A_114] : memref<10112x128xf32, #tpu.memory_space<vmem_shared>> -> memref<64x128xf32, #tpu.memory_space<vmem_shared>>
    tpu.wait_dma2 semaphore(%arg17 : memref<!tpu.dma_semaphore, #tpu.memory_space<semaphore_mem>>) src(%arg8 : memref<64x128xf32, #tpu.memory_space<vmem>>) dst(%dma_wait3A_115 : memref<64x128xf32, #tpu.memory_space<vmem_shared>>)
    %dma_wait3A_116 = arith.constant 0 : i32
    %dma_wait3A_117 = tpu.memref_slice %arg12[%add3A_21, %dma_wait3A_116] : memref<10112x128xf32, #tpu.memory_space<vmem_shared>> -> memref<64x128xf32, #tpu.memory_space<vmem_shared>>
    %dma_wait3A_118 = arith.constant 0 : i32
    %dma_wait3A_119 = tpu.memref_slice %arg12[%add3A_21, %dma_wait3A_118] : memref<10112x128xf32, #tpu.memory_space<vmem_shared>> -> memref<64x128xf32, #tpu.memory_space<vmem_shared>>
    tpu.wait_dma2 semaphore(%arg17 : memref<!tpu.dma_semaphore, #tpu.memory_space<semaphore_mem>>) src(%arg8 : memref<64x128xf32, #tpu.memory_space<vmem>>) dst(%dma_wait3A_119 : memref<64x128xf32, #tpu.memory_space<vmem_shared>>)
    %dma_wait3A_120 = arith.constant 0 : i32
    %dma_wait3A_121 = tpu.memref_slice %arg12[%add3A_27, %dma_wait3A_120] : memref<10112x128xf32, #tpu.memory_space<vmem_shared>> -> memref<64x128xf32, #tpu.memory_space<vmem_shared>>
    %dma_wait3A_122 = arith.constant 0 : i32
    %dma_wait3A_123 = tpu.memref_slice %arg12[%add3A_27, %dma_wait3A_122] : memref<10112x128xf32, #tpu.memory_space<vmem_shared>> -> memref<64x128xf32, #tpu.memory_space<vmem_shared>>
    tpu.wait_dma2 semaphore(%arg17 : memref<!tpu.dma_semaphore, #tpu.memory_space<semaphore_mem>>) src(%arg8 : memref<64x128xf32, #tpu.memory_space<vmem>>) dst(%dma_wait3A_123 : memref<64x128xf32, #tpu.memory_space<vmem_shared>>)
    %dma_wait3A_124 = arith.constant 0 : i32
    %dma_wait3A_125 = tpu.memref_slice %arg12[%add3A_33, %dma_wait3A_124] : memref<10112x128xf32, #tpu.memory_space<vmem_shared>> -> memref<64x128xf32, #tpu.memory_space<vmem_shared>>
    %dma_wait3A_126 = arith.constant 0 : i32
    %dma_wait3A_127 = tpu.memref_slice %arg12[%add3A_33, %dma_wait3A_126] : memref<10112x128xf32, #tpu.memory_space<vmem_shared>> -> memref<64x128xf32, #tpu.memory_space<vmem_shared>>
    tpu.wait_dma2 semaphore(%arg17 : memref<!tpu.dma_semaphore, #tpu.memory_space<semaphore_mem>>) src(%arg8 : memref<64x128xf32, #tpu.memory_space<vmem>>) dst(%dma_wait3A_127 : memref<64x128xf32, #tpu.memory_space<vmem_shared>>)
    %dma_wait3A_128 = arith.constant 0 : i32
    %dma_wait3A_129 = tpu.memref_slice %arg12[%add3A_39, %dma_wait3A_128] : memref<10112x128xf32, #tpu.memory_space<vmem_shared>> -> memref<64x128xf32, #tpu.memory_space<vmem_shared>>
    %dma_wait3A_130 = arith.constant 0 : i32
    %dma_wait3A_131 = tpu.memref_slice %arg12[%add3A_39, %dma_wait3A_130] : memref<10112x128xf32, #tpu.memory_space<vmem_shared>> -> memref<64x128xf32, #tpu.memory_space<vmem_shared>>
    tpu.wait_dma2 semaphore(%arg17 : memref<!tpu.dma_semaphore, #tpu.memory_space<semaphore_mem>>) src(%arg8 : memref<64x128xf32, #tpu.memory_space<vmem>>) dst(%dma_wait3A_131 : memref<64x128xf32, #tpu.memory_space<vmem_shared>>)
    %dma_wait3A_132 = arith.constant 0 : i32
    %dma_wait3A_133 = tpu.memref_slice %arg12[%add3A_45, %dma_wait3A_132] : memref<10112x128xf32, #tpu.memory_space<vmem_shared>> -> memref<64x128xf32, #tpu.memory_space<vmem_shared>>
    %dma_wait3A_134 = arith.constant 0 : i32
    %dma_wait3A_135 = tpu.memref_slice %arg12[%add3A_45, %dma_wait3A_134] : memref<10112x128xf32, #tpu.memory_space<vmem_shared>> -> memref<64x128xf32, #tpu.memory_space<vmem_shared>>
    tpu.wait_dma2 semaphore(%arg17 : memref<!tpu.dma_semaphore, #tpu.memory_space<semaphore_mem>>) src(%arg8 : memref<64x128xf32, #tpu.memory_space<vmem>>) dst(%dma_wait3A_135 : memref<64x128xf32, #tpu.memory_space<vmem_shared>>)
    %dma_wait3A_136 = arith.constant 0 : i32
    %dma_wait3A_137 = tpu.memref_slice %arg12[%add3A_51, %dma_wait3A_136] : memref<10112x128xf32, #tpu.memory_space<vmem_shared>> -> memref<64x128xf32, #tpu.memory_space<vmem_shared>>
    %dma_wait3A_138 = arith.constant 0 : i32
    %dma_wait3A_139 = tpu.memref_slice %arg12[%add3A_51, %dma_wait3A_138] : memref<10112x128xf32, #tpu.memory_space<vmem_shared>> -> memref<64x128xf32, #tpu.memory_space<vmem_shared>>
    tpu.wait_dma2 semaphore(%arg17 : memref<!tpu.dma_semaphore, #tpu.memory_space<semaphore_mem>>) src(%arg8 : memref<64x128xf32, #tpu.memory_space<vmem>>) dst(%dma_wait3A_139 : memref<64x128xf32, #tpu.memory_space<vmem_shared>>)
    %dma_wait3A_140 = arith.constant 0 : i32
    %dma_wait3A_141 = tpu.memref_slice %arg12[%add3A_57, %dma_wait3A_140] : memref<10112x128xf32, #tpu.memory_space<vmem_shared>> -> memref<64x128xf32, #tpu.memory_space<vmem_shared>>
    %dma_wait3A_142 = arith.constant 0 : i32
    %dma_wait3A_143 = tpu.memref_slice %arg12[%add3A_57, %dma_wait3A_142] : memref<10112x128xf32, #tpu.memory_space<vmem_shared>> -> memref<64x128xf32, #tpu.memory_space<vmem_shared>>
    tpu.wait_dma2 semaphore(%arg17 : memref<!tpu.dma_semaphore, #tpu.memory_space<semaphore_mem>>) src(%arg8 : memref<64x128xf32, #tpu.memory_space<vmem>>) dst(%dma_wait3A_143 : memref<64x128xf32, #tpu.memory_space<vmem_shared>>)
    %dma_wait3A_144 = arith.constant 0 : i32
    %dma_wait3A_145 = arith.constant 0 : i32
    %dma_wait3A_146 = tpu.memref_slice %arg8[%dma_wait3A_144, %dma_wait3A_145] : memref<64x128xf32, #tpu.memory_space<vmem>> -> memref<56x128xf32, #tpu.memory_space<vmem>>
    %dma_wait3A_147 = arith.constant 0 : i32
    %dma_wait3A_148 = tpu.memref_slice %arg12[%add3A_63, %dma_wait3A_147] : memref<10112x128xf32, #tpu.memory_space<vmem_shared>> -> memref<56x128xf32, #tpu.memory_space<vmem_shared>>
    %dma_wait3A_149 = arith.constant 0 : i32
    %dma_wait3A_150 = tpu.memref_slice %arg12[%add3A_63, %dma_wait3A_149] : memref<10112x128xf32, #tpu.memory_space<vmem_shared>> -> memref<56x128xf32, #tpu.memory_space<vmem_shared>>
    %dma_wait3A_151 = arith.constant 0 : i32
    %dma_wait3A_152 = arith.constant 0 : i32
    %dma_wait3A_153 = tpu.memref_slice %arg8[%dma_wait3A_151, %dma_wait3A_152] : memref<64x128xf32, #tpu.memory_space<vmem>> -> memref<56x128xf32, #tpu.memory_space<vmem>>
    tpu.wait_dma2 semaphore(%arg17 : memref<!tpu.dma_semaphore, #tpu.memory_space<semaphore_mem>>) src(%dma_wait3A_153 : memref<56x128xf32, #tpu.memory_space<vmem>>) dst(%dma_wait3A_150 : memref<56x128xf32, #tpu.memory_space<vmem_shared>>)
    %dma_start3A_154 = arith.constant 0 : i32
    %dma_start3A_155 = arith.constant 0 : i32
    %dma_start3A_156 = tpu.memref_slice %arg5[%dma_start3A_154, %dma_start3A_155] : memref<2x1280xi32, #tpu.memory_space<vmem>> -> memref<1x64xi32, #tpu.memory_space<vmem>>
    %dma_start3A_157 = tpu.memref_squeeze %dma_start3A_156 : memref<1x64xi32, #tpu.memory_space<vmem>> -> memref<64xi32, #tpu.memory_space<vmem>>
    %dma_start3A_158 = arith.constant 0 : i32
    %dma_start3A_159 = arith.constant 0 : i32
    %dma_start3A_160 = tpu.memref_slice %arg2[%dma_start3A_158, %dma_start3A_159] : memref<10000x128xf32, #tpu.memory_space<hbm>> -> memref<10000x128xf32, #tpu.memory_space<hbm>>
    tpu.enqueue_indirect_dma source(%dma_start3A_160 : memref<10000x128xf32, #tpu.memory_space<hbm>>) target(%arg8 : memref<64x128xf32, #tpu.memory_space<vmem>>) offsets(%dma_start3A_157 : memref<64xi32, #tpu.memory_space<vmem>>) semaphore(%arg13 : memref<!tpu.dma_semaphore, #tpu.memory_space<semaphore_mem>>)
    %barrier3A = arith.constant 0 : index
    tpu.barrier barrier_id(%barrier3A)
    %scan3A_161 = arith.constant 0 : i32
    %scan3A_162 = arith.constant 0 : i32
    %scan3A_163 = arith.constant 5 : i32
    %scan3A_164 = arith.addi %scan3A_162, %scan3A_163 : i32
    %scan3A_165 = arith.constant 1 : i32
    scf.for %scan3A_512 = %scan3A_162 to %scan3A_164 step %scan3A_165  : i32 {
      %mul3A_513 = arith.constant 4 : i32
      %mul3A_514 = arith.muli %mul3A_513, %scan3A_512 : i32
      %add3A_515 = arith.constant 0 : i32
      %add3A_516 = arith.addi %mul3A_514, %add3A_515 : i32
      %mul3A_517 = arith.constant 64 : i32
      %mul3A_518 = arith.muli %add3A_516, %mul3A_517 : i32
      %dma_wait3A_519 = arith.constant 0 : i32
      %dma_wait3A_520 = tpu.memref_slice %arg5[%dma_wait3A_519, %mul3A_518] : memref<2x1280xi32, #tpu.memory_space<vmem>> -> memref<1x64xi32, #tpu.memory_space<vmem>>
      %dma_wait3A_521 = tpu.memref_squeeze %dma_wait3A_520 : memref<1x64xi32, #tpu.memory_space<vmem>> -> memref<64xi32, #tpu.memory_space<vmem>>
      %dma_wait3A_522 = arith.constant 0 : i32
      %dma_wait3A_523 = arith.constant 0 : i32
      %dma_wait3A_524 = tpu.memref_slice %arg2[%dma_wait3A_522, %dma_wait3A_523] : memref<10000x128xf32, #tpu.memory_space<hbm>> -> memref<10000x128xf32, #tpu.memory_space<hbm>>
      tpu.wait_indirect_dma semaphore(%arg13 : memref<!tpu.dma_semaphore, #tpu.memory_space<semaphore_mem>>) src(%dma_wait3A_524 : memref<10000x128xf32, #tpu.memory_space<hbm>>) dst(%arg8 : memref<64x128xf32, #tpu.memory_space<vmem>>)
      %add3A_525 = arith.constant 0 : i32
      %add3A_526 = arith.addi %mul3A_514, %add3A_525 : i32
      "tpu.region"() ({
        %run_scoped3A = tpu.sem_alloc : memref<!tpu.dma_semaphore, #tpu.memory_space<semaphore_mem>>
        %dma_start3A_596 = arith.constant 0 : i32
        %dma_start3A_597 = tpu.memref_slice %arg7[%add3A_526, %dma_start3A_596] : memref<20x64xi32, #tpu.memory_space<vmem>> -> memref<1x64xi32, #tpu.memory_space<vmem>>
        %dma_start3A_598 = tpu.memref_squeeze %dma_start3A_597 : memref<1x64xi32, #tpu.memory_space<vmem>> -> memref<64xi32, #tpu.memory_space<vmem>>
        %dma_start3A_599 = arith.constant 0 : i32
        %dma_start3A_600 = arith.constant 0 : i32
        %dma_start3A_601 = tpu.memref_slice %arg12[%dma_start3A_599, %dma_start3A_600] : memref<10112x128xf32, #tpu.memory_space<vmem_shared>> -> memref<10112x128xf32, #tpu.memory_space<vmem_shared>>
        tpu.enqueue_indirect_dma source(%arg8 : memref<64x128xf32, #tpu.memory_space<vmem>>) target(%dma_start3A_601 : memref<10112x128xf32, #tpu.memory_space<vmem_shared>>) offsets(%dma_start3A_598 : memref<64xi32, #tpu.memory_space<vmem>>) semaphore(%run_scoped3A : memref<!tpu.dma_semaphore, #tpu.memory_space<semaphore_mem>>) {add = true}
        %dma_wait3A_602 = arith.constant 0 : i32
        %dma_wait3A_603 = tpu.memref_slice %arg7[%add3A_526, %dma_wait3A_602] : memref<20x64xi32, #tpu.memory_space<vmem>> -> memref<1x64xi32, #tpu.memory_space<vmem>>
        %dma_wait3A_604 = tpu.memref_squeeze %dma_wait3A_603 : memref<1x64xi32, #tpu.memory_space<vmem>> -> memref<64xi32, #tpu.memory_space<vmem>>
        %dma_wait3A_605 = arith.constant 0 : i32
        %dma_wait3A_606 = arith.constant 0 : i32
        %dma_wait3A_607 = tpu.memref_slice %arg12[%dma_wait3A_605, %dma_wait3A_606] : memref<10112x128xf32, #tpu.memory_space<vmem_shared>> -> memref<10112x128xf32, #tpu.memory_space<vmem_shared>>
        tpu.wait_indirect_dma semaphore(%run_scoped3A : memref<!tpu.dma_semaphore, #tpu.memory_space<semaphore_mem>>) src(%arg8 : memref<64x128xf32, #tpu.memory_space<vmem>>) dst(%dma_wait3A_607 : memref<10112x128xf32, #tpu.memory_space<vmem_shared>>)
        tpu.yield
      }) : () -> ()
      %add3A_527 = arith.constant 0 : i32
      %add3A_528 = arith.addi %mul3A_514, %add3A_527 : i32
      %add3A_529 = arith.constant 4 : i32
      %add3A_530 = arith.addi %add3A_528, %add3A_529 : i32
      %lt3A = arith.constant 20 : i32
      %lt3A_531 = arith.cmpi slt, %add3A_530, %lt3A : i32
      %convert_element_type3A = arith.extui %lt3A_531 : i1 to i32
      %cond3A = arith.constant 0 : i32
      %cond3A_532 = arith.cmpi ne, %convert_element_type3A, %cond3A : i32
      scf.if %cond3A_532 {
        %add3A_596 = arith.constant 0 : i32
        %add3A_597 = arith.addi %mul3A_514, %add3A_596 : i32
        %add3A_598 = arith.constant 4 : i32
        %add3A_599 = arith.addi %add3A_597, %add3A_598 : i32
        %mul3A_600 = arith.constant 64 : i32
        %mul3A_601 = arith.muli %add3A_599, %mul3A_600 : i32
        %dma_start3A_602 = arith.constant 0 : i32
        %dma_start3A_603 = tpu.memref_slice %arg5[%dma_start3A_602, %mul3A_601] : memref<2x1280xi32, #tpu.memory_space<vmem>> -> memref<1x64xi32, #tpu.memory_space<vmem>>
        %dma_start3A_604 = tpu.memref_squeeze %dma_start3A_603 : memref<1x64xi32, #tpu.memory_space<vmem>> -> memref<64xi32, #tpu.memory_space<vmem>>
        %dma_start3A_605 = arith.constant 0 : i32
        %dma_start3A_606 = arith.constant 0 : i32
        %dma_start3A_607 = tpu.memref_slice %arg2[%dma_start3A_605, %dma_start3A_606] : memref<10000x128xf32, #tpu.memory_space<hbm>> -> memref<10000x128xf32, #tpu.memory_space<hbm>>
        tpu.enqueue_indirect_dma source(%dma_start3A_607 : memref<10000x128xf32, #tpu.memory_space<hbm>>) target(%arg8 : memref<64x128xf32, #tpu.memory_space<vmem>>) offsets(%dma_start3A_604 : memref<64xi32, #tpu.memory_space<vmem>>) semaphore(%arg13 : memref<!tpu.dma_semaphore, #tpu.memory_space<semaphore_mem>>)
      } else {
      }
      %add3A_533 = arith.constant 1 : i32
      %add3A_534 = arith.addi %mul3A_514, %add3A_533 : i32
      %mul3A_535 = arith.constant 64 : i32
      %mul3A_536 = arith.muli %add3A_534, %mul3A_535 : i32
      %dma_wait3A_537 = arith.constant 0 : i32
      %dma_wait3A_538 = tpu.memref_slice %arg5[%dma_wait3A_537, %mul3A_536] : memref<2x1280xi32, #tpu.memory_space<vmem>> -> memref<1x64xi32, #tpu.memory_space<vmem>>
      %dma_wait3A_539 = tpu.memref_squeeze %dma_wait3A_538 : memref<1x64xi32, #tpu.memory_space<vmem>> -> memref<64xi32, #tpu.memory_space<vmem>>
      %dma_wait3A_540 = arith.constant 0 : i32
      %dma_wait3A_541 = arith.constant 0 : i32
      %dma_wait3A_542 = tpu.memref_slice %arg2[%dma_wait3A_540, %dma_wait3A_541] : memref<10000x128xf32, #tpu.memory_space<hbm>> -> memref<10000x128xf32, #tpu.memory_space<hbm>>
      tpu.wait_indirect_dma semaphore(%arg14 : memref<!tpu.dma_semaphore, #tpu.memory_space<semaphore_mem>>) src(%dma_wait3A_542 : memref<10000x128xf32, #tpu.memory_space<hbm>>) dst(%arg9 : memref<64x128xf32, #tpu.memory_space<vmem>>)
      %add3A_543 = arith.constant 1 : i32
      %add3A_544 = arith.addi %mul3A_514, %add3A_543 : i32
      "tpu.region"() ({
        %run_scoped3A = tpu.sem_alloc : memref<!tpu.dma_semaphore, #tpu.memory_space<semaphore_mem>>
        %dma_start3A_596 = arith.constant 0 : i32
        %dma_start3A_597 = tpu.memref_slice %arg7[%add3A_544, %dma_start3A_596] : memref<20x64xi32, #tpu.memory_space<vmem>> -> memref<1x64xi32, #tpu.memory_space<vmem>>
        %dma_start3A_598 = tpu.memref_squeeze %dma_start3A_597 : memref<1x64xi32, #tpu.memory_space<vmem>> -> memref<64xi32, #tpu.memory_space<vmem>>
        %dma_start3A_599 = arith.constant 0 : i32
        %dma_start3A_600 = arith.constant 0 : i32
        %dma_start3A_601 = tpu.memref_slice %arg12[%dma_start3A_599, %dma_start3A_600] : memref<10112x128xf32, #tpu.memory_space<vmem_shared>> -> memref<10112x128xf32, #tpu.memory_space<vmem_shared>>
        tpu.enqueue_indirect_dma source(%arg9 : memref<64x128xf32, #tpu.memory_space<vmem>>) target(%dma_start3A_601 : memref<10112x128xf32, #tpu.memory_space<vmem_shared>>) offsets(%dma_start3A_598 : memref<64xi32, #tpu.memory_space<vmem>>) semaphore(%run_scoped3A : memref<!tpu.dma_semaphore, #tpu.memory_space<semaphore_mem>>) {add = true}
        %dma_wait3A_602 = arith.constant 0 : i32
        %dma_wait3A_603 = tpu.memref_slice %arg7[%add3A_544, %dma_wait3A_602] : memref<20x64xi32, #tpu.memory_space<vmem>> -> memref<1x64xi32, #tpu.memory_space<vmem>>
        %dma_wait3A_604 = tpu.memref_squeeze %dma_wait3A_603 : memref<1x64xi32, #tpu.memory_space<vmem>> -> memref<64xi32, #tpu.memory_space<vmem>>
        %dma_wait3A_605 = arith.constant 0 : i32
        %dma_wait3A_606 = arith.constant 0 : i32
        %dma_wait3A_607 = tpu.memref_slice %arg12[%dma_wait3A_605, %dma_wait3A_606] : memref<10112x128xf32, #tpu.memory_space<vmem_shared>> -> memref<10112x128xf32, #tpu.memory_space<vmem_shared>>
        tpu.wait_indirect_dma semaphore(%run_scoped3A : memref<!tpu.dma_semaphore, #tpu.memory_space<semaphore_mem>>) src(%arg9 : memref<64x128xf32, #tpu.memory_space<vmem>>) dst(%dma_wait3A_607 : memref<10112x128xf32, #tpu.memory_space<vmem_shared>>)
        tpu.yield
      }) : () -> ()
      %add3A_545 = arith.constant 1 : i32
      %add3A_546 = arith.addi %mul3A_514, %add3A_545 : i32
      %add3A_547 = arith.constant 4 : i32
      %add3A_548 = arith.addi %add3A_546, %add3A_547 : i32
      %lt3A_549 = arith.constant 20 : i32
      %lt3A_550 = arith.cmpi slt, %add3A_548, %lt3A_549 : i32
      %convert_element_type3A_551 = arith.extui %lt3A_550 : i1 to i32
      %cond3A_552 = arith.constant 0 : i32
      %cond3A_553 = arith.cmpi ne, %convert_element_type3A_551, %cond3A_552 : i32
      scf.if %cond3A_553 {
        %add3A_596 = arith.constant 1 : i32
        %add3A_597 = arith.addi %mul3A_514, %add3A_596 : i32
        %add3A_598 = arith.constant 4 : i32
        %add3A_599 = arith.addi %add3A_597, %add3A_598 : i32
        %mul3A_600 = arith.constant 64 : i32
        %mul3A_601 = arith.muli %add3A_599, %mul3A_600 : i32
        %dma_start3A_602 = arith.constant 0 : i32
        %dma_start3A_603 = tpu.memref_slice %arg5[%dma_start3A_602, %mul3A_601] : memref<2x1280xi32, #tpu.memory_space<vmem>> -> memref<1x64xi32, #tpu.memory_space<vmem>>
        %dma_start3A_604 = tpu.memref_squeeze %dma_start3A_603 : memref<1x64xi32, #tpu.memory_space<vmem>> -> memref<64xi32, #tpu.memory_space<vmem>>
        %dma_start3A_605 = arith.constant 0 : i32
        %dma_start3A_606 = arith.constant 0 : i32
        %dma_start3A_607 = tpu.memref_slice %arg2[%dma_start3A_605, %dma_start3A_606] : memref<10000x128xf32, #tpu.memory_space<hbm>> -> memref<10000x128xf32, #tpu.memory_space<hbm>>
        tpu.enqueue_indirect_dma source(%dma_start3A_607 : memref<10000x128xf32, #tpu.memory_space<hbm>>) target(%arg9 : memref<64x128xf32, #tpu.memory_space<vmem>>) offsets(%dma_start3A_604 : memref<64xi32, #tpu.memory_space<vmem>>) semaphore(%arg14 : memref<!tpu.dma_semaphore, #tpu.memory_space<semaphore_mem>>)
      } else {
      }
      %add3A_554 = arith.constant 2 : i32
      %add3A_555 = arith.addi %mul3A_514, %add3A_554 : i32
      %mul3A_556 = arith.constant 64 : i32
      %mul3A_557 = arith.muli %add3A_555, %mul3A_556 : i32
      %dma_wait3A_558 = arith.constant 0 : i32
      %dma_wait3A_559 = tpu.memref_slice %arg5[%dma_wait3A_558, %mul3A_557] : memref<2x1280xi32, #tpu.memory_space<vmem>> -> memref<1x64xi32, #tpu.memory_space<vmem>>
      %dma_wait3A_560 = tpu.memref_squeeze %dma_wait3A_559 : memref<1x64xi32, #tpu.memory_space<vmem>> -> memref<64xi32, #tpu.memory_space<vmem>>
      %dma_wait3A_561 = arith.constant 0 : i32
      %dma_wait3A_562 = arith.constant 0 : i32
      %dma_wait3A_563 = tpu.memref_slice %arg2[%dma_wait3A_561, %dma_wait3A_562] : memref<10000x128xf32, #tpu.memory_space<hbm>> -> memref<10000x128xf32, #tpu.memory_space<hbm>>
      tpu.wait_indirect_dma semaphore(%arg15 : memref<!tpu.dma_semaphore, #tpu.memory_space<semaphore_mem>>) src(%dma_wait3A_563 : memref<10000x128xf32, #tpu.memory_space<hbm>>) dst(%arg10 : memref<64x128xf32, #tpu.memory_space<vmem>>)
      %add3A_564 = arith.constant 2 : i32
      %add3A_565 = arith.addi %mul3A_514, %add3A_564 : i32
      "tpu.region"() ({
        %run_scoped3A = tpu.sem_alloc : memref<!tpu.dma_semaphore, #tpu.memory_space<semaphore_mem>>
        %dma_start3A_596 = arith.constant 0 : i32
        %dma_start3A_597 = tpu.memref_slice %arg7[%add3A_565, %dma_start3A_596] : memref<20x64xi32, #tpu.memory_space<vmem>> -> memref<1x64xi32, #tpu.memory_space<vmem>>
        %dma_start3A_598 = tpu.memref_squeeze %dma_start3A_597 : memref<1x64xi32, #tpu.memory_space<vmem>> -> memref<64xi32, #tpu.memory_space<vmem>>
        %dma_start3A_599 = arith.constant 0 : i32
        %dma_start3A_600 = arith.constant 0 : i32
        %dma_start3A_601 = tpu.memref_slice %arg12[%dma_start3A_599, %dma_start3A_600] : memref<10112x128xf32, #tpu.memory_space<vmem_shared>> -> memref<10112x128xf32, #tpu.memory_space<vmem_shared>>
        tpu.enqueue_indirect_dma source(%arg10 : memref<64x128xf32, #tpu.memory_space<vmem>>) target(%dma_start3A_601 : memref<10112x128xf32, #tpu.memory_space<vmem_shared>>) offsets(%dma_start3A_598 : memref<64xi32, #tpu.memory_space<vmem>>) semaphore(%run_scoped3A : memref<!tpu.dma_semaphore, #tpu.memory_space<semaphore_mem>>) {add = true}
        %dma_wait3A_602 = arith.constant 0 : i32
        %dma_wait3A_603 = tpu.memref_slice %arg7[%add3A_565, %dma_wait3A_602] : memref<20x64xi32, #tpu.memory_space<vmem>> -> memref<1x64xi32, #tpu.memory_space<vmem>>
        %dma_wait3A_604 = tpu.memref_squeeze %dma_wait3A_603 : memref<1x64xi32, #tpu.memory_space<vmem>> -> memref<64xi32, #tpu.memory_space<vmem>>
        %dma_wait3A_605 = arith.constant 0 : i32
        %dma_wait3A_606 = arith.constant 0 : i32
        %dma_wait3A_607 = tpu.memref_slice %arg12[%dma_wait3A_605, %dma_wait3A_606] : memref<10112x128xf32, #tpu.memory_space<vmem_shared>> -> memref<10112x128xf32, #tpu.memory_space<vmem_shared>>
        tpu.wait_indirect_dma semaphore(%run_scoped3A : memref<!tpu.dma_semaphore, #tpu.memory_space<semaphore_mem>>) src(%arg10 : memref<64x128xf32, #tpu.memory_space<vmem>>) dst(%dma_wait3A_607 : memref<10112x128xf32, #tpu.memory_space<vmem_shared>>)
        tpu.yield
      }) : () -> ()
      %add3A_566 = arith.constant 2 : i32
      %add3A_567 = arith.addi %mul3A_514, %add3A_566 : i32
      %add3A_568 = arith.constant 4 : i32
      %add3A_569 = arith.addi %add3A_567, %add3A_568 : i32
      %lt3A_570 = arith.constant 20 : i32
      %lt3A_571 = arith.cmpi slt, %add3A_569, %lt3A_570 : i32
      %convert_element_type3A_572 = arith.extui %lt3A_571 : i1 to i32
      %cond3A_573 = arith.constant 0 : i32
      %cond3A_574 = arith.cmpi ne, %convert_element_type3A_572, %cond3A_573 : i32
      scf.if %cond3A_574 {
        %add3A_596 = arith.constant 2 : i32
        %add3A_597 = arith.addi %mul3A_514, %add3A_596 : i32
        %add3A_598 = arith.constant 4 : i32
        %add3A_599 = arith.addi %add3A_597, %add3A_598 : i32
        %mul3A_600 = arith.constant 64 : i32
        %mul3A_601 = arith.muli %add3A_599, %mul3A_600 : i32
        %dma_start3A_602 = arith.constant 0 : i32
        %dma_start3A_603 = tpu.memref_slice %arg5[%dma_start3A_602, %mul3A_601] : memref<2x1280xi32, #tpu.memory_space<vmem>> -> memref<1x64xi32, #tpu.memory_space<vmem>>
        %dma_start3A_604 = tpu.memref_squeeze %dma_start3A_603 : memref<1x64xi32, #tpu.memory_space<vmem>> -> memref<64xi32, #tpu.memory_space<vmem>>
        %dma_start3A_605 = arith.constant 0 : i32
        %dma_start3A_606 = arith.constant 0 : i32
        %dma_start3A_607 = tpu.memref_slice %arg2[%dma_start3A_605, %dma_start3A_606] : memref<10000x128xf32, #tpu.memory_space<hbm>> -> memref<10000x128xf32, #tpu.memory_space<hbm>>
        tpu.enqueue_indirect_dma source(%dma_start3A_607 : memref<10000x128xf32, #tpu.memory_space<hbm>>) target(%arg10 : memref<64x128xf32, #tpu.memory_space<vmem>>) offsets(%dma_start3A_604 : memref<64xi32, #tpu.memory_space<vmem>>) semaphore(%arg15 : memref<!tpu.dma_semaphore, #tpu.memory_space<semaphore_mem>>)
      } else {
      }
      %add3A_575 = arith.constant 3 : i32
      %add3A_576 = arith.addi %mul3A_514, %add3A_575 : i32
      %mul3A_577 = arith.constant 64 : i32
      %mul3A_578 = arith.muli %add3A_576, %mul3A_577 : i32
      %dma_wait3A_579 = arith.constant 0 : i32
      %dma_wait3A_580 = tpu.memref_slice %arg5[%dma_wait3A_579, %mul3A_578] : memref<2x1280xi32, #tpu.memory_space<vmem>> -> memref<1x64xi32, #tpu.memory_space<vmem>>
      %dma_wait3A_581 = tpu.memref_squeeze %dma_wait3A_580 : memref<1x64xi32, #tpu.memory_space<vmem>> -> memref<64xi32, #tpu.memory_space<vmem>>
      %dma_wait3A_582 = arith.constant 0 : i32
      %dma_wait3A_583 = arith.constant 0 : i32
      %dma_wait3A_584 = tpu.memref_slice %arg2[%dma_wait3A_582, %dma_wait3A_583] : memref<10000x128xf32, #tpu.memory_space<hbm>> -> memref<10000x128xf32, #tpu.memory_space<hbm>>
      tpu.wait_indirect_dma semaphore(%arg16 : memref<!tpu.dma_semaphore, #tpu.memory_space<semaphore_mem>>) src(%dma_wait3A_584 : memref<10000x128xf32, #tpu.memory_space<hbm>>) dst(%arg11 : memref<64x128xf32, #tpu.memory_space<vmem>>)
      %add3A_585 = arith.constant 3 : i32
      %add3A_586 = arith.addi %mul3A_514, %add3A_585 : i32
      "tpu.region"() ({
        %run_scoped3A = tpu.sem_alloc : memref<!tpu.dma_semaphore, #tpu.memory_space<semaphore_mem>>
        %dma_start3A_596 = arith.constant 0 : i32
        %dma_start3A_597 = tpu.memref_slice %arg7[%add3A_586, %dma_start3A_596] : memref<20x64xi32, #tpu.memory_space<vmem>> -> memref<1x64xi32, #tpu.memory_space<vmem>>
        %dma_start3A_598 = tpu.memref_squeeze %dma_start3A_597 : memref<1x64xi32, #tpu.memory_space<vmem>> -> memref<64xi32, #tpu.memory_space<vmem>>
        %dma_start3A_599 = arith.constant 0 : i32
        %dma_start3A_600 = arith.constant 0 : i32
        %dma_start3A_601 = tpu.memref_slice %arg12[%dma_start3A_599, %dma_start3A_600] : memref<10112x128xf32, #tpu.memory_space<vmem_shared>> -> memref<10112x128xf32, #tpu.memory_space<vmem_shared>>
        tpu.enqueue_indirect_dma source(%arg11 : memref<64x128xf32, #tpu.memory_space<vmem>>) target(%dma_start3A_601 : memref<10112x128xf32, #tpu.memory_space<vmem_shared>>) offsets(%dma_start3A_598 : memref<64xi32, #tpu.memory_space<vmem>>) semaphore(%run_scoped3A : memref<!tpu.dma_semaphore, #tpu.memory_space<semaphore_mem>>) {add = true}
        %dma_wait3A_602 = arith.constant 0 : i32
        %dma_wait3A_603 = tpu.memref_slice %arg7[%add3A_586, %dma_wait3A_602] : memref<20x64xi32, #tpu.memory_space<vmem>> -> memref<1x64xi32, #tpu.memory_space<vmem>>
        %dma_wait3A_604 = tpu.memref_squeeze %dma_wait3A_603 : memref<1x64xi32, #tpu.memory_space<vmem>> -> memref<64xi32, #tpu.memory_space<vmem>>
        %dma_wait3A_605 = arith.constant 0 : i32
        %dma_wait3A_606 = arith.constant 0 : i32
        %dma_wait3A_607 = tpu.memref_slice %arg12[%dma_wait3A_605, %dma_wait3A_606] : memref<10112x128xf32, #tpu.memory_space<vmem_shared>> -> memref<10112x128xf32, #tpu.memory_space<vmem_shared>>
        tpu.wait_indirect_dma semaphore(%run_scoped3A : memref<!tpu.dma_semaphore, #tpu.memory_space<semaphore_mem>>) src(%arg11 : memref<64x128xf32, #tpu.memory_space<vmem>>) dst(%dma_wait3A_607 : memref<10112x128xf32, #tpu.memory_space<vmem_shared>>)
        tpu.yield
      }) : () -> ()
      %add3A_587 = arith.constant 3 : i32
      %add3A_588 = arith.addi %mul3A_514, %add3A_587 : i32
      %add3A_589 = arith.constant 4 : i32
      %add3A_590 = arith.addi %add3A_588, %add3A_589 : i32
      %lt3A_591 = arith.constant 20 : i32
      %lt3A_592 = arith.cmpi slt, %add3A_590, %lt3A_591 : i32
      %convert_element_type3A_593 = arith.extui %lt3A_592 : i1 to i32
      %cond3A_594 = arith.constant 0 : i32
      %cond3A_595 = arith.cmpi ne, %convert_element_type3A_593, %cond3A_594 : i32
      scf.if %cond3A_595 {
        %add3A_596 = arith.constant 3 : i32
        %add3A_597 = arith.addi %mul3A_514, %add3A_596 : i32
        %add3A_598 = arith.constant 4 : i32
        %add3A_599 = arith.addi %add3A_597, %add3A_598 : i32
        %mul3A_600 = arith.constant 64 : i32
        %mul3A_601 = arith.muli %add3A_599, %mul3A_600 : i32
        %dma_start3A_602 = arith.constant 0 : i32
        %dma_start3A_603 = tpu.memref_slice %arg5[%dma_start3A_602, %mul3A_601] : memref<2x1280xi32, #tpu.memory_space<vmem>> -> memref<1x64xi32, #tpu.memory_space<vmem>>
        %dma_start3A_604 = tpu.memref_squeeze %dma_start3A_603 : memref<1x64xi32, #tpu.memory_space<vmem>> -> memref<64xi32, #tpu.memory_space<vmem>>
        %dma_start3A_605 = arith.constant 0 : i32
        %dma_start3A_606 = arith.constant 0 : i32
        %dma_start3A_607 = tpu.memref_slice %arg2[%dma_start3A_605, %dma_start3A_606] : memref<10000x128xf32, #tpu.memory_space<hbm>> -> memref<10000x128xf32, #tpu.memory_space<hbm>>
        tpu.enqueue_indirect_dma source(%dma_start3A_607 : memref<10000x128xf32, #tpu.memory_space<hbm>>) target(%arg11 : memref<64x128xf32, #tpu.memory_space<vmem>>) offsets(%dma_start3A_604 : memref<64xi32, #tpu.memory_space<vmem>>) semaphore(%arg16 : memref<!tpu.dma_semaphore, #tpu.memory_space<semaphore_mem>>)
      } else {
      }
    }
    %scan3A_166 = arith.constant 5 : i32
    %add3A_167 = arith.constant 2560 : i32
    %add3A_168 = arith.addi %mul3A_75, %add3A_167 : i32
    %dma_start3A_169 = arith.constant 0 : i32
    %dma_start3A_170 = tpu.memref_slice %arg3[%dma_start3A_169, %add3A_168] : memref<2x327680xi32, #tpu.memory_space<hbm>> -> memref<2x1280xi32, #tpu.memory_space<hbm>>
    %dma_start3A_171 = arith.constant 0 : i32
    %dma_start3A_172 = tpu.memref_slice %arg3[%dma_start3A_171, %add3A_168] : memref<2x327680xi32, #tpu.memory_space<hbm>> -> memref<2x1280xi32, #tpu.memory_space<hbm>>
    tpu.enqueue_dma source(%dma_start3A_172 : memref<2x1280xi32, #tpu.memory_space<hbm>>) target(%arg5 : memref<2x1280xi32, #tpu.memory_space<vmem>>) target_semaphore(%arg18 : memref<!tpu.dma_semaphore, #tpu.memory_space<semaphore_mem>>)
    %dma_wait3A_173 = arith.constant 0 : i32
    %dma_wait3A_174 = tpu.memref_slice %arg3[%dma_wait3A_173, %add3A_77] : memref<2x327680xi32, #tpu.memory_space<hbm>> -> memref<2x1280xi32, #tpu.memory_space<hbm>>
    %dma_wait3A_175 = arith.constant 0 : i32
    %dma_wait3A_176 = tpu.memref_slice %arg3[%dma_wait3A_175, %add3A_77] : memref<2x327680xi32, #tpu.memory_space<hbm>> -> memref<2x1280xi32, #tpu.memory_space<hbm>>
    tpu.wait_dma2 semaphore(%arg19 : memref<!tpu.dma_semaphore, #tpu.memory_space<semaphore_mem>>) src(%dma_wait3A_176 : memref<2x1280xi32, #tpu.memory_space<hbm>>) dst(%arg6 : memref<2x1280xi32, #tpu.memory_space<vmem>>)
    %dma_start3A_177 = arith.constant 0 : i32
    %dma_start3A_178 = arith.constant 0 : i32
    %dma_start3A_179 = tpu.memref_slice %arg6[%dma_start3A_177, %dma_start3A_178] : memref<2x1280xi32, #tpu.memory_space<vmem>> -> memref<1x64xi32, #tpu.memory_space<vmem>>
    %dma_start3A_180 = tpu.memref_squeeze %dma_start3A_179 : memref<1x64xi32, #tpu.memory_space<vmem>> -> memref<64xi32, #tpu.memory_space<vmem>>
    %dma_start3A_181 = arith.constant 0 : i32
    %dma_start3A_182 = arith.constant 0 : i32
    %dma_start3A_183 = tpu.memref_slice %arg2[%dma_start3A_181, %dma_start3A_182] : memref<10000x128xf32, #tpu.memory_space<hbm>> -> memref<10000x128xf32, #tpu.memory_space<hbm>>
    tpu.enqueue_indirect_dma source(%dma_start3A_183 : memref<10000x128xf32, #tpu.memory_space<hbm>>) target(%arg8 : memref<64x128xf32, #tpu.memory_space<vmem>>) offsets(%dma_start3A_180 : memref<64xi32, #tpu.memory_space<vmem>>) semaphore(%arg13 : memref<!tpu.dma_semaphore, #tpu.memory_space<semaphore_mem>>)
    %dma_start3A_184 = arith.constant 0 : i32
    %dma_start3A_185 = arith.constant 64 : i32
    %dma_start3A_186 = tpu.memref_slice %arg6[%dma_start3A_184, %dma_start3A_185] : memref<2x1280xi32, #tpu.memory_space<vmem>> -> memref<1x64xi32, #tpu.memory_space<vmem>>
    %dma_start3A_187 = tpu.memref_squeeze %dma_start3A_186 : memref<1x64xi32, #tpu.memory_space<vmem>> -> memref<64xi32, #tpu.memory_space<vmem>>
    %dma_start3A_188 = arith.constant 0 : i32
    %dma_start3A_189 = arith.constant 0 : i32
    %dma_start3A_190 = tpu.memref_slice %arg2[%dma_start3A_188, %dma_start3A_189] : memref<10000x128xf32, #tpu.memory_space<hbm>> -> memref<10000x128xf32, #tpu.memory_space<hbm>>
    tpu.enqueue_indirect_dma source(%dma_start3A_190 : memref<10000x128xf32, #tpu.memory_space<hbm>>) target(%arg9 : memref<64x128xf32, #tpu.memory_space<vmem>>) offsets(%dma_start3A_187 : memref<64xi32, #tpu.memory_space<vmem>>) semaphore(%arg14 : memref<!tpu.dma_semaphore, #tpu.memory_space<semaphore_mem>>)
    %dma_start3A_191 = arith.constant 0 : i32
    %dma_start3A_192 = arith.constant 128 : i32
    %dma_start3A_193 = tpu.memref_slice %arg6[%dma_start3A_191, %dma_start3A_192] : memref<2x1280xi32, #tpu.memory_space<vmem>> -> memref<1x64xi32, #tpu.memory_space<vmem>>
    %dma_start3A_194 = tpu.memref_squeeze %dma_start3A_193 : memref<1x64xi32, #tpu.memory_space<vmem>> -> memref<64xi32, #tpu.memory_space<vmem>>
    %dma_start3A_195 = arith.constant 0 : i32
    %dma_start3A_196 = arith.constant 0 : i32
    %dma_start3A_197 = tpu.memref_slice %arg2[%dma_start3A_195, %dma_start3A_196] : memref<10000x128xf32, #tpu.memory_space<hbm>> -> memref<10000x128xf32, #tpu.memory_space<hbm>>
    tpu.enqueue_indirect_dma source(%dma_start3A_197 : memref<10000x128xf32, #tpu.memory_space<hbm>>) target(%arg10 : memref<64x128xf32, #tpu.memory_space<vmem>>) offsets(%dma_start3A_194 : memref<64xi32, #tpu.memory_space<vmem>>) semaphore(%arg15 : memref<!tpu.dma_semaphore, #tpu.memory_space<semaphore_mem>>)
    %dma_start3A_198 = arith.constant 0 : i32
    %dma_start3A_199 = arith.constant 192 : i32
    %dma_start3A_200 = tpu.memref_slice %arg6[%dma_start3A_198, %dma_start3A_199] : memref<2x1280xi32, #tpu.memory_space<vmem>> -> memref<1x64xi32, #tpu.memory_space<vmem>>
    %dma_start3A_201 = tpu.memref_squeeze %dma_start3A_200 : memref<1x64xi32, #tpu.memory_space<vmem>> -> memref<64xi32, #tpu.memory_space<vmem>>
    %dma_start3A_202 = arith.constant 0 : i32
    %dma_start3A_203 = arith.constant 0 : i32
    %dma_start3A_204 = tpu.memref_slice %arg2[%dma_start3A_202, %dma_start3A_203] : memref<10000x128xf32, #tpu.memory_space<hbm>> -> memref<10000x128xf32, #tpu.memory_space<hbm>>
    tpu.enqueue_indirect_dma source(%dma_start3A_204 : memref<10000x128xf32, #tpu.memory_space<hbm>>) target(%arg11 : memref<64x128xf32, #tpu.memory_space<vmem>>) offsets(%dma_start3A_201 : memref<64xi32, #tpu.memory_space<vmem>>) semaphore(%arg16 : memref<!tpu.dma_semaphore, #tpu.memory_space<semaphore_mem>>)
    %scan3A_205 = arith.constant 0 : i32
    %scan3A_206 = arith.constant 0 : i32
    %scan3A_207 = arith.constant 80 : i32
    %scan3A_208 = arith.addi %scan3A_206, %scan3A_207 : i32
    %scan3A_209 = arith.constant 1 : i32
    scf.for %scan3A_512 = %scan3A_206 to %scan3A_208 step %scan3A_209  : i32 {
      %mul3A_513 = arith.constant 16 : i32
      %mul3A_514 = arith.muli %scan3A_512, %mul3A_513 : i32
      %get3A = arith.constant 1 : i32
      %get3A_515 = arith.index_cast %get3A : i32 to index
      %get3A_516 = arith.index_cast %mul3A_514 : i32 to index
      %get3A_517 = tpu.vector_load %arg6[%get3A_515, %get3A_516] {strides = array<i32>} : memref<2x1280xi32, #tpu.memory_space<vmem>>, vector<1x16xi32>,
      %get3A_518 = vector.shape_cast %get3A_517 : vector<1x16xi32> to vector<16xi32>
      %jit3A = arith.constant 4 : i32
      %div3A = arith.divsi %scan3A_512, %jit3A : i32
      %sign3A = arith.constant 0 : i32
      %sign3A_519 = arith.cmpi sgt, %scan3A_512, %sign3A : i32
      %sign3A_520 = arith.extui %sign3A_519 : i1 to i32
      %sign3A_521 = arith.constant 0 : i32
      %sign3A_522 = arith.cmpi slt, %scan3A_512, %sign3A_521 : i32
      %sign3A_523 = arith.extui %sign3A_522 : i1 to i32
      %sign3A_524 = arith.subi %sign3A_520, %sign3A_523 : i32
      %sign3A_525 = arith.constant 0 : i32
      %sign3A_526 = arith.cmpi sgt, %jit3A, %sign3A_525 : i32
      %sign3A_527 = arith.extui %sign3A_526 : i1 to i32
      %sign3A_528 = arith.constant 0 : i32
      %sign3A_529 = arith.cmpi slt, %jit3A, %sign3A_528 : i32
      %sign3A_530 = arith.extui %sign3A_529 : i1 to i32
      %sign3A_531 = arith.subi %sign3A_527, %sign3A_530 : i32
      %ne3A = arith.cmpi ne, %sign3A_524, %sign3A_531 : i32
      %rem3A = arith.remsi %scan3A_512, %jit3A : i32
      %ne3A_532 = arith.constant 0 : i32
      %ne3A_533 = arith.cmpi ne, %rem3A, %ne3A_532 : i32
      %and3A = arith.andi %ne3A, %ne3A_533 : i1
      %sub3A = arith.constant 1 : i32
      %sub3A_534 = arith.subi %div3A, %sub3A : i32
      %select_n3A = arith.select %and3A, %sub3A_534, %div3A : i32
      %jit3A_535 = arith.constant 4 : i32
      %eq3A = arith.constant 0 : i32
      %eq3A_536 = arith.cmpi eq, %jit3A_535, %eq3A : i32
      %jit3A_537 = arith.constant 1 : i32
      %select_n3A_538 = arith.select %eq3A_536, %jit3A_537, %jit3A_535 : i32
      %rem3A_539 = arith.remsi %scan3A_512, %select_n3A_538 : i32
      %ne3A_540 = arith.constant 0 : i32
      %ne3A_541 = arith.cmpi ne, %rem3A_539, %ne3A_540 : i32
      %lt3A = arith.constant 0 : i32
      %lt3A_542 = arith.cmpi slt, %rem3A_539, %lt3A : i32
      %lt3A_543 = arith.constant 0 : i32
      %lt3A_544 = arith.cmpi slt, %select_n3A_538, %lt3A_543 : i32
      %ne3A_545 = arith.xori %lt3A_542, %lt3A_544 : i1
      %and3A_546 = arith.andi %ne3A_545, %ne3A_541 : i1
      %add3A_547 = arith.addi %rem3A_539, %select_n3A_538 : i32
      %select_n3A_548 = arith.select %and3A_546, %add3A_547, %rem3A_539 : i32
      %mul3A_549 = arith.constant 16 : i32
      %mul3A_550 = arith.muli %select_n3A_548, %mul3A_549 : i32
      %swap3A = arith.index_cast %select_n3A : i32 to index
      %swap3A_551 = arith.index_cast %mul3A_550 : i32 to index
      %swap3A_552 = tpu.vector_load %arg7[%swap3A, %swap3A_551] {strides = array<i32>} : memref<20x64xi32, #tpu.memory_space<vmem>>, vector<1x16xi32>,
      %swap3A_553 = vector.shape_cast %swap3A_552 : vector<1x16xi32> to vector<16xi32>
      %swap3A_554 = vector.shape_cast %get3A_518 : vector<16xi32> to vector<1x16xi32>
      tpu.vector_store %arg7[%swap3A, %swap3A_551], %swap3A_554 {strides = array<i32>} : memref<20x64xi32, #tpu.memory_space<vmem>>, vector<1x16xi32>,
    }
    %scan3A_210 = arith.constant 80 : i32
    %scan3A_211 = arith.constant 0 : i32
    %scan3A_212 = arith.constant 0 : i32
    %scan3A_213 = arith.constant 5 : i32
    %scan3A_214 = arith.addi %scan3A_212, %scan3A_213 : i32
    %scan3A_215 = arith.constant 1 : i32
    scf.for %scan3A_512 = %scan3A_212 to %scan3A_214 step %scan3A_215  : i32 {
      %mul3A_513 = arith.constant 4 : i32
      %mul3A_514 = arith.muli %mul3A_513, %scan3A_512 : i32
      %add3A_515 = arith.constant 0 : i32
      %add3A_516 = arith.addi %mul3A_514, %add3A_515 : i32
      %mul3A_517 = arith.constant 64 : i32
      %mul3A_518 = arith.muli %add3A_516, %mul3A_517 : i32
      %dma_wait3A_519 = arith.constant 0 : i32
      %dma_wait3A_520 = tpu.memref_slice %arg6[%dma_wait3A_519, %mul3A_518] : memref<2x1280xi32, #tpu.memory_space<vmem>> -> memref<1x64xi32, #tpu.memory_space<vmem>>
      %dma_wait3A_521 = tpu.memref_squeeze %dma_wait3A_520 : memref<1x64xi32, #tpu.memory_space<vmem>> -> memref<64xi32, #tpu.memory_space<vmem>>
      %dma_wait3A_522 = arith.constant 0 : i32
      %dma_wait3A_523 = arith.constant 0 : i32
      %dma_wait3A_524 = tpu.memref_slice %arg2[%dma_wait3A_522, %dma_wait3A_523] : memref<10000x128xf32, #tpu.memory_space<hbm>> -> memref<10000x128xf32, #tpu.memory_space<hbm>>
      tpu.wait_indirect_dma semaphore(%arg13 : memref<!tpu.dma_semaphore, #tpu.memory_space<semaphore_mem>>) src(%dma_wait3A_524 : memref<10000x128xf32, #tpu.memory_space<hbm>>) dst(%arg8 : memref<64x128xf32, #tpu.memory_space<vmem>>)
      %add3A_525 = arith.constant 0 : i32
      %add3A_526 = arith.addi %mul3A_514, %add3A_525 : i32
      "tpu.region"() ({
        %run_scoped3A = tpu.sem_alloc : memref<!tpu.dma_semaphore, #tpu.memory_space<semaphore_mem>>
        %dma_start3A_596 = arith.constant 0 : i32
        %dma_start3A_597 = tpu.memref_slice %arg7[%add3A_526, %dma_start3A_596] : memref<20x64xi32, #tpu.memory_space<vmem>> -> memref<1x64xi32, #tpu.memory_space<vmem>>
        %dma_start3A_598 = tpu.memref_squeeze %dma_start3A_597 : memref<1x64xi32, #tpu.memory_space<vmem>> -> memref<64xi32, #tpu.memory_space<vmem>>
        %dma_start3A_599 = arith.constant 0 : i32
        %dma_start3A_600 = arith.constant 0 : i32
        %dma_start3A_601 = tpu.memref_slice %arg12[%dma_start3A_599, %dma_start3A_600] : memref<10112x128xf32, #tpu.memory_space<vmem_shared>> -> memref<10112x128xf32, #tpu.memory_space<vmem_shared>>
        tpu.enqueue_indirect_dma source(%arg8 : memref<64x128xf32, #tpu.memory_space<vmem>>) target(%dma_start3A_601 : memref<10112x128xf32, #tpu.memory_space<vmem_shared>>) offsets(%dma_start3A_598 : memref<64xi32, #tpu.memory_space<vmem>>) semaphore(%run_scoped3A : memref<!tpu.dma_semaphore, #tpu.memory_space<semaphore_mem>>) {add = true}
        %dma_wait3A_602 = arith.constant 0 : i32
        %dma_wait3A_603 = tpu.memref_slice %arg7[%add3A_526, %dma_wait3A_602] : memref<20x64xi32, #tpu.memory_space<vmem>> -> memref<1x64xi32, #tpu.memory_space<vmem>>
        %dma_wait3A_604 = tpu.memref_squeeze %dma_wait3A_603 : memref<1x64xi32, #tpu.memory_space<vmem>> -> memref<64xi32, #tpu.memory_space<vmem>>
        %dma_wait3A_605 = arith.constant 0 : i32
        %dma_wait3A_606 = arith.constant 0 : i32
        %dma_wait3A_607 = tpu.memref_slice %arg12[%dma_wait3A_605, %dma_wait3A_606] : memref<10112x128xf32, #tpu.memory_space<vmem_shared>> -> memref<10112x128xf32, #tpu.memory_space<vmem_shared>>
        tpu.wait_indirect_dma semaphore(%run_scoped3A : memref<!tpu.dma_semaphore, #tpu.memory_space<semaphore_mem>>) src(%arg8 : memref<64x128xf32, #tpu.memory_space<vmem>>) dst(%dma_wait3A_607 : memref<10112x128xf32, #tpu.memory_space<vmem_shared>>)
        tpu.yield
      }) : () -> ()
      %add3A_527 = arith.constant 0 : i32
      %add3A_528 = arith.addi %mul3A_514, %add3A_527 : i32
      %add3A_529 = arith.constant 4 : i32
      %add3A_530 = arith.addi %add3A_528, %add3A_529 : i32
      %lt3A = arith.constant 20 : i32
      %lt3A_531 = arith.cmpi slt, %add3A_530, %lt3A : i32
      %convert_element_type3A = arith.extui %lt3A_531 : i1 to i32
      %cond3A = arith.constant 0 : i32
      %cond3A_532 = arith.cmpi ne, %convert_element_type3A, %cond3A : i32
      scf.if %cond3A_532 {
        %add3A_596 = arith.constant 0 : i32
        %add3A_597 = arith.addi %mul3A_514, %add3A_596 : i32
        %add3A_598 = arith.constant 4 : i32
        %add3A_599 = arith.addi %add3A_597, %add3A_598 : i32
        %mul3A_600 = arith.constant 64 : i32
        %mul3A_601 = arith.muli %add3A_599, %mul3A_600 : i32
        %dma_start3A_602 = arith.constant 0 : i32
        %dma_start3A_603 = tpu.memref_slice %arg6[%dma_start3A_602, %mul3A_601] : memref<2x1280xi32, #tpu.memory_space<vmem>> -> memref<1x64xi32, #tpu.memory_space<vmem>>
        %dma_start3A_604 = tpu.memref_squeeze %dma_start3A_603 : memref<1x64xi32, #tpu.memory_space<vmem>> -> memref<64xi32, #tpu.memory_space<vmem>>
        %dma_start3A_605 = arith.constant 0 : i32
        %dma_start3A_606 = arith.constant 0 : i32
        %dma_start3A_607 = tpu.memref_slice %arg2[%dma_start3A_605, %dma_start3A_606] : memref<10000x128xf32, #tpu.memory_space<hbm>> -> memref<10000x128xf32, #tpu.memory_space<hbm>>
        tpu.enqueue_indirect_dma source(%dma_start3A_607 : memref<10000x128xf32, #tpu.memory_space<hbm>>) target(%arg8 : memref<64x128xf32, #tpu.memory_space<vmem>>) offsets(%dma_start3A_604 : memref<64xi32, #tpu.memory_space<vmem>>) semaphore(%arg13 : memref<!tpu.dma_semaphore, #tpu.memory_space<semaphore_mem>>)
      } else {
      }
      %add3A_533 = arith.constant 1 : i32
      %add3A_534 = arith.addi %mul3A_514, %add3A_533 : i32
      %mul3A_535 = arith.constant 64 : i32
      %mul3A_536 = arith.muli %add3A_534, %mul3A_535 : i32
      %dma_wait3A_537 = arith.constant 0 : i32
      %dma_wait3A_538 = tpu.memref_slice %arg6[%dma_wait3A_537, %mul3A_536] : memref<2x1280xi32, #tpu.memory_space<vmem>> -> memref<1x64xi32, #tpu.memory_space<vmem>>
      %dma_wait3A_539 = tpu.memref_squeeze %dma_wait3A_538 : memref<1x64xi32, #tpu.memory_space<vmem>> -> memref<64xi32, #tpu.memory_space<vmem>>
      %dma_wait3A_540 = arith.constant 0 : i32
      %dma_wait3A_541 = arith.constant 0 : i32
      %dma_wait3A_542 = tpu.memref_slice %arg2[%dma_wait3A_540, %dma_wait3A_541] : memref<10000x128xf32, #tpu.memory_space<hbm>> -> memref<10000x128xf32, #tpu.memory_space<hbm>>
      tpu.wait_indirect_dma semaphore(%arg14 : memref<!tpu.dma_semaphore, #tpu.memory_space<semaphore_mem>>) src(%dma_wait3A_542 : memref<10000x128xf32, #tpu.memory_space<hbm>>) dst(%arg9 : memref<64x128xf32, #tpu.memory_space<vmem>>)
      %add3A_543 = arith.constant 1 : i32
      %add3A_544 = arith.addi %mul3A_514, %add3A_543 : i32
      "tpu.region"() ({
        %run_scoped3A = tpu.sem_alloc : memref<!tpu.dma_semaphore, #tpu.memory_space<semaphore_mem>>
        %dma_start3A_596 = arith.constant 0 : i32
        %dma_start3A_597 = tpu.memref_slice %arg7[%add3A_544, %dma_start3A_596] : memref<20x64xi32, #tpu.memory_space<vmem>> -> memref<1x64xi32, #tpu.memory_space<vmem>>
        %dma_start3A_598 = tpu.memref_squeeze %dma_start3A_597 : memref<1x64xi32, #tpu.memory_space<vmem>> -> memref<64xi32, #tpu.memory_space<vmem>>
        %dma_start3A_599 = arith.constant 0 : i32
        %dma_start3A_600 = arith.constant 0 : i32
        %dma_start3A_601 = tpu.memref_slice %arg12[%dma_start3A_599, %dma_start3A_600] : memref<10112x128xf32, #tpu.memory_space<vmem_shared>> -> memref<10112x128xf32, #tpu.memory_space<vmem_shared>>
        tpu.enqueue_indirect_dma source(%arg9 : memref<64x128xf32, #tpu.memory_space<vmem>>) target(%dma_start3A_601 : memref<10112x128xf32, #tpu.memory_space<vmem_shared>>) offsets(%dma_start3A_598 : memref<64xi32, #tpu.memory_space<vmem>>) semaphore(%run_scoped3A : memref<!tpu.dma_semaphore, #tpu.memory_space<semaphore_mem>>) {add = true}
        %dma_wait3A_602 = arith.constant 0 : i32
        %dma_wait3A_603 = tpu.memref_slice %arg7[%add3A_544, %dma_wait3A_602] : memref<20x64xi32, #tpu.memory_space<vmem>> -> memref<1x64xi32, #tpu.memory_space<vmem>>
        %dma_wait3A_604 = tpu.memref_squeeze %dma_wait3A_603 : memref<1x64xi32, #tpu.memory_space<vmem>> -> memref<64xi32, #tpu.memory_space<vmem>>
        %dma_wait3A_605 = arith.constant 0 : i32
        %dma_wait3A_606 = arith.constant 0 : i32
        %dma_wait3A_607 = tpu.memref_slice %arg12[%dma_wait3A_605, %dma_wait3A_606] : memref<10112x128xf32, #tpu.memory_space<vmem_shared>> -> memref<10112x128xf32, #tpu.memory_space<vmem_shared>>
        tpu.wait_indirect_dma semaphore(%run_scoped3A : memref<!tpu.dma_semaphore, #tpu.memory_space<semaphore_mem>>) src(%arg9 : memref<64x128xf32, #tpu.memory_space<vmem>>) dst(%dma_wait3A_607 : memref<10112x128xf32, #tpu.memory_space<vmem_shared>>)
        tpu.yield
      }) : () -> ()
      %add3A_545 = arith.constant 1 : i32
      %add3A_546 = arith.addi %mul3A_514, %add3A_545 : i32
      %add3A_547 = arith.constant 4 : i32
      %add3A_548 = arith.addi %add3A_546, %add3A_547 : i32
      %lt3A_549 = arith.constant 20 : i32
      %lt3A_550 = arith.cmpi slt, %add3A_548, %lt3A_549 : i32
      %convert_element_type3A_551 = arith.extui %lt3A_550 : i1 to i32
      %cond3A_552 = arith.constant 0 : i32
      %cond3A_553 = arith.cmpi ne, %convert_element_type3A_551, %cond3A_552 : i32
      scf.if %cond3A_553 {
        %add3A_596 = arith.constant 1 : i32
        %add3A_597 = arith.addi %mul3A_514, %add3A_596 : i32
        %add3A_598 = arith.constant 4 : i32
        %add3A_599 = arith.addi %add3A_597, %add3A_598 : i32
        %mul3A_600 = arith.constant 64 : i32
        %mul3A_601 = arith.muli %add3A_599, %mul3A_600 : i32
        %dma_start3A_602 = arith.constant 0 : i32
        %dma_start3A_603 = tpu.memref_slice %arg6[%dma_start3A_602, %mul3A_601] : memref<2x1280xi32, #tpu.memory_space<vmem>> -> memref<1x64xi32, #tpu.memory_space<vmem>>
        %dma_start3A_604 = tpu.memref_squeeze %dma_start3A_603 : memref<1x64xi32, #tpu.memory_space<vmem>> -> memref<64xi32, #tpu.memory_space<vmem>>
        %dma_start3A_605 = arith.constant 0 : i32
        %dma_start3A_606 = arith.constant 0 : i32
        %dma_start3A_607 = tpu.memref_slice %arg2[%dma_start3A_605, %dma_start3A_606] : memref<10000x128xf32, #tpu.memory_space<hbm>> -> memref<10000x128xf32, #tpu.memory_space<hbm>>
        tpu.enqueue_indirect_dma source(%dma_start3A_607 : memref<10000x128xf32, #tpu.memory_space<hbm>>) target(%arg9 : memref<64x128xf32, #tpu.memory_space<vmem>>) offsets(%dma_start3A_604 : memref<64xi32, #tpu.memory_space<vmem>>) semaphore(%arg14 : memref<!tpu.dma_semaphore, #tpu.memory_space<semaphore_mem>>)
      } else {
      }
      %add3A_554 = arith.constant 2 : i32
      %add3A_555 = arith.addi %mul3A_514, %add3A_554 : i32
      %mul3A_556 = arith.constant 64 : i32
      %mul3A_557 = arith.muli %add3A_555, %mul3A_556 : i32
      %dma_wait3A_558 = arith.constant 0 : i32
      %dma_wait3A_559 = tpu.memref_slice %arg6[%dma_wait3A_558, %mul3A_557] : memref<2x1280xi32, #tpu.memory_space<vmem>> -> memref<1x64xi32, #tpu.memory_space<vmem>>
      %dma_wait3A_560 = tpu.memref_squeeze %dma_wait3A_559 : memref<1x64xi32, #tpu.memory_space<vmem>> -> memref<64xi32, #tpu.memory_space<vmem>>
      %dma_wait3A_561 = arith.constant 0 : i32
      %dma_wait3A_562 = arith.constant 0 : i32
      %dma_wait3A_563 = tpu.memref_slice %arg2[%dma_wait3A_561, %dma_wait3A_562] : memref<10000x128xf32, #tpu.memory_space<hbm>> -> memref<10000x128xf32, #tpu.memory_space<hbm>>
      tpu.wait_indirect_dma semaphore(%arg15 : memref<!tpu.dma_semaphore, #tpu.memory_space<semaphore_mem>>) src(%dma_wait3A_563 : memref<10000x128xf32, #tpu.memory_space<hbm>>) dst(%arg10 : memref<64x128xf32, #tpu.memory_space<vmem>>)
      %add3A_564 = arith.constant 2 : i32
      %add3A_565 = arith.addi %mul3A_514, %add3A_564 : i32
      "tpu.region"() ({
        %run_scoped3A = tpu.sem_alloc : memref<!tpu.dma_semaphore, #tpu.memory_space<semaphore_mem>>
        %dma_start3A_596 = arith.constant 0 : i32
        %dma_start3A_597 = tpu.memref_slice %arg7[%add3A_565, %dma_start3A_596] : memref<20x64xi32, #tpu.memory_space<vmem>> -> memref<1x64xi32, #tpu.memory_space<vmem>>
        %dma_start3A_598 = tpu.memref_squeeze %dma_start3A_597 : memref<1x64xi32, #tpu.memory_space<vmem>> -> memref<64xi32, #tpu.memory_space<vmem>>
        %dma_start3A_599 = arith.constant 0 : i32
        %dma_start3A_600 = arith.constant 0 : i32
        %dma_start3A_601 = tpu.memref_slice %arg12[%dma_start3A_599, %dma_start3A_600] : memref<10112x128xf32, #tpu.memory_space<vmem_shared>> -> memref<10112x128xf32, #tpu.memory_space<vmem_shared>>
        tpu.enqueue_indirect_dma source(%arg10 : memref<64x128xf32, #tpu.memory_space<vmem>>) target(%dma_start3A_601 : memref<10112x128xf32, #tpu.memory_space<vmem_shared>>) offsets(%dma_start3A_598 : memref<64xi32, #tpu.memory_space<vmem>>) semaphore(%run_scoped3A : memref<!tpu.dma_semaphore, #tpu.memory_space<semaphore_mem>>) {add = true}
        %dma_wait3A_602 = arith.constant 0 : i32
        %dma_wait3A_603 = tpu.memref_slice %arg7[%add3A_565, %dma_wait3A_602] : memref<20x64xi32, #tpu.memory_space<vmem>> -> memref<1x64xi32, #tpu.memory_space<vmem>>
        %dma_wait3A_604 = tpu.memref_squeeze %dma_wait3A_603 : memref<1x64xi32, #tpu.memory_space<vmem>> -> memref<64xi32, #tpu.memory_space<vmem>>
        %dma_wait3A_605 = arith.constant 0 : i32
        %dma_wait3A_606 = arith.constant 0 : i32
        %dma_wait3A_607 = tpu.memref_slice %arg12[%dma_wait3A_605, %dma_wait3A_606] : memref<10112x128xf32, #tpu.memory_space<vmem_shared>> -> memref<10112x128xf32, #tpu.memory_space<vmem_shared>>
        tpu.wait_indirect_dma semaphore(%run_scoped3A : memref<!tpu.dma_semaphore, #tpu.memory_space<semaphore_mem>>) src(%arg10 : memref<64x128xf32, #tpu.memory_space<vmem>>) dst(%dma_wait3A_607 : memref<10112x128xf32, #tpu.memory_space<vmem_shared>>)
        tpu.yield
      }) : () -> ()
      %add3A_566 = arith.constant 2 : i32
      %add3A_567 = arith.addi %mul3A_514, %add3A_566 : i32
      %add3A_568 = arith.constant 4 : i32
      %add3A_569 = arith.addi %add3A_567, %add3A_568 : i32
      %lt3A_570 = arith.constant 20 : i32
      %lt3A_571 = arith.cmpi slt, %add3A_569, %lt3A_570 : i32
      %convert_element_type3A_572 = arith.extui %lt3A_571 : i1 to i32
      %cond3A_573 = arith.constant 0 : i32
      %cond3A_574 = arith.cmpi ne, %convert_element_type3A_572, %cond3A_573 : i32
      scf.if %cond3A_574 {
        %add3A_596 = arith.constant 2 : i32
        %add3A_597 = arith.addi %mul3A_514, %add3A_596 : i32
        %add3A_598 = arith.constant 4 : i32
        %add3A_599 = arith.addi %add3A_597, %add3A_598 : i32
        %mul3A_600 = arith.constant 64 : i32
        %mul3A_601 = arith.muli %add3A_599, %mul3A_600 : i32
        %dma_start3A_602 = arith.constant 0 : i32
        %dma_start3A_603 = tpu.memref_slice %arg6[%dma_start3A_602, %mul3A_601] : memref<2x1280xi32, #tpu.memory_space<vmem>> -> memref<1x64xi32, #tpu.memory_space<vmem>>
        %dma_start3A_604 = tpu.memref_squeeze %dma_start3A_603 : memref<1x64xi32, #tpu.memory_space<vmem>> -> memref<64xi32, #tpu.memory_space<vmem>>
        %dma_start3A_605 = arith.constant 0 : i32
        %dma_start3A_606 = arith.constant 0 : i32
        %dma_start3A_607 = tpu.memref_slice %arg2[%dma_start3A_605, %dma_start3A_606] : memref<10000x128xf32, #tpu.memory_space<hbm>> -> memref<10000x128xf32, #tpu.memory_space<hbm>>
        tpu.enqueue_indirect_dma source(%dma_start3A_607 : memref<10000x128xf32, #tpu.memory_space<hbm>>) target(%arg10 : memref<64x128xf32, #tpu.memory_space<vmem>>) offsets(%dma_start3A_604 : memref<64xi32, #tpu.memory_space<vmem>>) semaphore(%arg15 : memref<!tpu.dma_semaphore, #tpu.memory_space<semaphore_mem>>)
      } else {
      }
      %add3A_575 = arith.constant 3 : i32
      %add3A_576 = arith.addi %mul3A_514, %add3A_575 : i32
      %mul3A_577 = arith.constant 64 : i32
      %mul3A_578 = arith.muli %add3A_576, %mul3A_577 : i32
      %dma_wait3A_579 = arith.constant 0 : i32
      %dma_wait3A_580 = tpu.memref_slice %arg6[%dma_wait3A_579, %mul3A_578] : memref<2x1280xi32, #tpu.memory_space<vmem>> -> memref<1x64xi32, #tpu.memory_space<vmem>>
      %dma_wait3A_581 = tpu.memref_squeeze %dma_wait3A_580 : memref<1x64xi32, #tpu.memory_space<vmem>> -> memref<64xi32, #tpu.memory_space<vmem>>
      %dma_wait3A_582 = arith.constant 0 : i32
      %dma_wait3A_583 = arith.constant 0 : i32
      %dma_wait3A_584 = tpu.memref_slice %arg2[%dma_wait3A_582, %dma_wait3A_583] : memref<10000x128xf32, #tpu.memory_space<hbm>> -> memref<10000x128xf32, #tpu.memory_space<hbm>>
      tpu.wait_indirect_dma semaphore(%arg16 : memref<!tpu.dma_semaphore, #tpu.memory_space<semaphore_mem>>) src(%dma_wait3A_584 : memref<10000x128xf32, #tpu.memory_space<hbm>>) dst(%arg11 : memref<64x128xf32, #tpu.memory_space<vmem>>)
      %add3A_585 = arith.constant 3 : i32
      %add3A_586 = arith.addi %mul3A_514, %add3A_585 : i32
      "tpu.region"() ({
        %run_scoped3A = tpu.sem_alloc : memref<!tpu.dma_semaphore, #tpu.memory_space<semaphore_mem>>
        %dma_start3A_596 = arith.constant 0 : i32
        %dma_start3A_597 = tpu.memref_slice %arg7[%add3A_586, %dma_start3A_596] : memref<20x64xi32, #tpu.memory_space<vmem>> -> memref<1x64xi32, #tpu.memory_space<vmem>>
        %dma_start3A_598 = tpu.memref_squeeze %dma_start3A_597 : memref<1x64xi32, #tpu.memory_space<vmem>> -> memref<64xi32, #tpu.memory_space<vmem>>
        %dma_start3A_599 = arith.constant 0 : i32
        %dma_start3A_600 = arith.constant 0 : i32
        %dma_start3A_601 = tpu.memref_slice %arg12[%dma_start3A_599, %dma_start3A_600] : memref<10112x128xf32, #tpu.memory_space<vmem_shared>> -> memref<10112x128xf32, #tpu.memory_space<vmem_shared>>
        tpu.enqueue_indirect_dma source(%arg11 : memref<64x128xf32, #tpu.memory_space<vmem>>) target(%dma_start3A_601 : memref<10112x128xf32, #tpu.memory_space<vmem_shared>>) offsets(%dma_start3A_598 : memref<64xi32, #tpu.memory_space<vmem>>) semaphore(%run_scoped3A : memref<!tpu.dma_semaphore, #tpu.memory_space<semaphore_mem>>) {add = true}
        %dma_wait3A_602 = arith.constant 0 : i32
        %dma_wait3A_603 = tpu.memref_slice %arg7[%add3A_586, %dma_wait3A_602] : memref<20x64xi32, #tpu.memory_space<vmem>> -> memref<1x64xi32, #tpu.memory_space<vmem>>
        %dma_wait3A_604 = tpu.memref_squeeze %dma_wait3A_603 : memref<1x64xi32, #tpu.memory_space<vmem>> -> memref<64xi32, #tpu.memory_space<vmem>>
        %dma_wait3A_605 = arith.constant 0 : i32
        %dma_wait3A_606 = arith.constant 0 : i32
        %dma_wait3A_607 = tpu.memref_slice %arg12[%dma_wait3A_605, %dma_wait3A_606] : memref<10112x128xf32, #tpu.memory_space<vmem_shared>> -> memref<10112x128xf32, #tpu.memory_space<vmem_shared>>
        tpu.wait_indirect_dma semaphore(%run_scoped3A : memref<!tpu.dma_semaphore, #tpu.memory_space<semaphore_mem>>) src(%arg11 : memref<64x128xf32, #tpu.memory_space<vmem>>) dst(%dma_wait3A_607 : memref<10112x128xf32, #tpu.memory_space<vmem_shared>>)
        tpu.yield
      }) : () -> ()
      %add3A_587 = arith.constant 3 : i32
      %add3A_588 = arith.addi %mul3A_514, %add3A_587 : i32
      %add3A_589 = arith.constant 4 : i32
      %add3A_590 = arith.addi %add3A_588, %add3A_589 : i32
      %lt3A_591 = arith.constant 20 : i32
      %lt3A_592 = arith.cmpi slt, %add3A_590, %lt3A_591 : i32
      %convert_element_type3A_593 = arith.extui %lt3A_592 : i1 to i32
      %cond3A_594 = arith.constant 0 : i32
      %cond3A_595 = arith.cmpi ne, %convert_element_type3A_593, %cond3A_594 : i32
      scf.if %cond3A_595 {
        %add3A_596 = arith.constant 3 : i32
        %add3A_597 = arith.addi %mul3A_514, %add3A_596 : i32
        %add3A_598 = arith.constant 4 : i32
        %add3A_599 = arith.addi %add3A_597, %add3A_598 : i32
        %mul3A_600 = arith.constant 64 : i32
        %mul3A_601 = arith.muli %add3A_599, %mul3A_600 : i32
        %dma_start3A_602 = arith.constant 0 : i32
        %dma_start3A_603 = tpu.memref_slice %arg6[%dma_start3A_602, %mul3A_601] : memref<2x1280xi32, #tpu.memory_space<vmem>> -> memref<1x64xi32, #tpu.memory_space<vmem>>
        %dma_start3A_604 = tpu.memref_squeeze %dma_start3A_603 : memref<1x64xi32, #tpu.memory_space<vmem>> -> memref<64xi32, #tpu.memory_space<vmem>>
        %dma_start3A_605 = arith.constant 0 : i32
        %dma_start3A_606 = arith.constant 0 : i32
        %dma_start3A_607 = tpu.memref_slice %arg2[%dma_start3A_605, %dma_start3A_606] : memref<10000x128xf32, #tpu.memory_space<hbm>> -> memref<10000x128xf32, #tpu.memory_space<hbm>>
        tpu.enqueue_indirect_dma source(%dma_start3A_607 : memref<10000x128xf32, #tpu.memory_space<hbm>>) target(%arg11 : memref<64x128xf32, #tpu.memory_space<vmem>>) offsets(%dma_start3A_604 : memref<64xi32, #tpu.memory_space<vmem>>) semaphore(%arg16 : memref<!tpu.dma_semaphore, #tpu.memory_space<semaphore_mem>>)
      } else {
      }
    }
    %scan3A_216 = arith.constant 5 : i32
    %add3A_217 = arith.constant 3840 : i32
    %add3A_218 = arith.addi %mul3A_75, %add3A_217 : i32
    %dma_start3A_219 = arith.constant 0 : i32
    %dma_start3A_220 = tpu.memref_slice %arg3[%dma_start3A_219, %add3A_218] : memref<2x327680xi32, #tpu.memory_space<hbm>> -> memref<2x1280xi32, #tpu.memory_space<hbm>>
    %dma_start3A_221 = arith.constant 0 : i32
    %dma_start3A_222 = tpu.memref_slice %arg3[%dma_start3A_221, %add3A_218] : memref<2x327680xi32, #tpu.memory_space<hbm>> -> memref<2x1280xi32, #tpu.memory_space<hbm>>
    tpu.enqueue_dma source(%dma_start3A_222 : memref<2x1280xi32, #tpu.memory_space<hbm>>) target(%arg6 : memref<2x1280xi32, #tpu.memory_space<vmem>>) target_semaphore(%arg19 : memref<!tpu.dma_semaphore, #tpu.memory_space<semaphore_mem>>)
    %dma_wait3A_223 = arith.constant 0 : i32
    %dma_wait3A_224 = tpu.memref_slice %arg3[%dma_wait3A_223, %add3A_168] : memref<2x327680xi32, #tpu.memory_space<hbm>> -> memref<2x1280xi32, #tpu.memory_space<hbm>>
    %dma_wait3A_225 = arith.constant 0 : i32
    %dma_wait3A_226 = tpu.memref_slice %arg3[%dma_wait3A_225, %add3A_168] : memref<2x327680xi32, #tpu.memory_space<hbm>> -> memref<2x1280xi32, #tpu.memory_space<hbm>>
    tpu.wait_dma2 semaphore(%arg18 : memref<!tpu.dma_semaphore, #tpu.memory_space<semaphore_mem>>) src(%dma_wait3A_226 : memref<2x1280xi32, #tpu.memory_space<hbm>>) dst(%arg5 : memref<2x1280xi32, #tpu.memory_space<vmem>>)
    %dma_start3A_227 = arith.constant 0 : i32
    %dma_start3A_228 = arith.constant 0 : i32
    %dma_start3A_229 = tpu.memref_slice %arg5[%dma_start3A_227, %dma_start3A_228] : memref<2x1280xi32, #tpu.memory_space<vmem>> -> memref<1x64xi32, #tpu.memory_space<vmem>>
    %dma_start3A_230 = tpu.memref_squeeze %dma_start3A_229 : memref<1x64xi32, #tpu.memory_space<vmem>> -> memref<64xi32, #tpu.memory_space<vmem>>
    %dma_start3A_231 = arith.constant 0 : i32
    %dma_start3A_232 = arith.constant 0 : i32
    %dma_start3A_233 = tpu.memref_slice %arg2[%dma_start3A_231, %dma_start3A_232] : memref<10000x128xf32, #tpu.memory_space<hbm>> -> memref<10000x128xf32, #tpu.memory_space<hbm>>
    tpu.enqueue_indirect_dma source(%dma_start3A_233 : memref<10000x128xf32, #tpu.memory_space<hbm>>) target(%arg8 : memref<64x128xf32, #tpu.memory_space<vmem>>) offsets(%dma_start3A_230 : memref<64xi32, #tpu.memory_space<vmem>>) semaphore(%arg13 : memref<!tpu.dma_semaphore, #tpu.memory_space<semaphore_mem>>)
    %dma_start3A_234 = arith.constant 0 : i32
    %dma_start3A_235 = arith.constant 64 : i32
    %dma_start3A_236 = tpu.memref_slice %arg5[%dma_start3A_234, %dma_start3A_235] : memref<2x1280xi32, #tpu.memory_space<vmem>> -> memref<1x64xi32, #tpu.memory_space<vmem>>
    %dma_start3A_237 = tpu.memref_squeeze %dma_start3A_236 : memref<1x64xi32, #tpu.memory_space<vmem>> -> memref<64xi32, #tpu.memory_space<vmem>>
    %dma_start3A_238 = arith.constant 0 : i32
    %dma_start3A_239 = arith.constant 0 : i32
    %dma_start3A_240 = tpu.memref_slice %arg2[%dma_start3A_238, %dma_start3A_239] : memref<10000x128xf32, #tpu.memory_space<hbm>> -> memref<10000x128xf32, #tpu.memory_space<hbm>>
    tpu.enqueue_indirect_dma source(%dma_start3A_240 : memref<10000x128xf32, #tpu.memory_space<hbm>>) target(%arg9 : memref<64x128xf32, #tpu.memory_space<vmem>>) offsets(%dma_start3A_237 : memref<64xi32, #tpu.memory_space<vmem>>) semaphore(%arg14 : memref<!tpu.dma_semaphore, #tpu.memory_space<semaphore_mem>>)
    %dma_start3A_241 = arith.constant 0 : i32
    %dma_start3A_242 = arith.constant 128 : i32
    %dma_start3A_243 = tpu.memref_slice %arg5[%dma_start3A_241, %dma_start3A_242] : memref<2x1280xi32, #tpu.memory_space<vmem>> -> memref<1x64xi32, #tpu.memory_space<vmem>>
    %dma_start3A_244 = tpu.memref_squeeze %dma_start3A_243 : memref<1x64xi32, #tpu.memory_space<vmem>> -> memref<64xi32, #tpu.memory_space<vmem>>
    %dma_start3A_245 = arith.constant 0 : i32
    %dma_start3A_246 = arith.constant 0 : i32
    %dma_start3A_247 = tpu.memref_slice %arg2[%dma_start3A_245, %dma_start3A_246] : memref<10000x128xf32, #tpu.memory_space<hbm>> -> memref<10000x128xf32, #tpu.memory_space<hbm>>
    tpu.enqueue_indirect_dma source(%dma_start3A_247 : memref<10000x128xf32, #tpu.memory_space<hbm>>) target(%arg10 : memref<64x128xf32, #tpu.memory_space<vmem>>) offsets(%dma_start3A_244 : memref<64xi32, #tpu.memory_space<vmem>>) semaphore(%arg15 : memref<!tpu.dma_semaphore, #tpu.memory_space<semaphore_mem>>)
    %dma_start3A_248 = arith.constant 0 : i32
    %dma_start3A_249 = arith.constant 192 : i32
    %dma_start3A_250 = tpu.memref_slice %arg5[%dma_start3A_248, %dma_start3A_249] : memref<2x1280xi32, #tpu.memory_space<vmem>> -> memref<1x64xi32, #tpu.memory_space<vmem>>
    %dma_start3A_251 = tpu.memref_squeeze %dma_start3A_250 : memref<1x64xi32, #tpu.memory_space<vmem>> -> memref<64xi32, #tpu.memory_space<vmem>>
    %dma_start3A_252 = arith.constant 0 : i32
    %dma_start3A_253 = arith.constant 0 : i32
    %dma_start3A_254 = tpu.memref_slice %arg2[%dma_start3A_252, %dma_start3A_253] : memref<10000x128xf32, #tpu.memory_space<hbm>> -> memref<10000x128xf32, #tpu.memory_space<hbm>>
    tpu.enqueue_indirect_dma source(%dma_start3A_254 : memref<10000x128xf32, #tpu.memory_space<hbm>>) target(%arg11 : memref<64x128xf32, #tpu.memory_space<vmem>>) offsets(%dma_start3A_251 : memref<64xi32, #tpu.memory_space<vmem>>) semaphore(%arg16 : memref<!tpu.dma_semaphore, #tpu.memory_space<semaphore_mem>>)
    %scan3A_255 = arith.constant 0 : i32
    %scan3A_256 = arith.constant 0 : i32
    %scan3A_257 = arith.constant 80 : i32
    %scan3A_258 = arith.addi %scan3A_256, %scan3A_257 : i32
    %scan3A_259 = arith.constant 1 : i32
    scf.for %scan3A_512 = %scan3A_256 to %scan3A_258 step %scan3A_259  : i32 {
      %mul3A_513 = arith.constant 16 : i32
      %mul3A_514 = arith.muli %scan3A_512, %mul3A_513 : i32
      %get3A = arith.constant 1 : i32
      %get3A_515 = arith.index_cast %get3A : i32 to index
      %get3A_516 = arith.index_cast %mul3A_514 : i32 to index
      %get3A_517 = tpu.vector_load %arg5[%get3A_515, %get3A_516] {strides = array<i32>} : memref<2x1280xi32, #tpu.memory_space<vmem>>, vector<1x16xi32>,
      %get3A_518 = vector.shape_cast %get3A_517 : vector<1x16xi32> to vector<16xi32>
      %jit3A = arith.constant 4 : i32
      %div3A = arith.divsi %scan3A_512, %jit3A : i32
      %sign3A = arith.constant 0 : i32
      %sign3A_519 = arith.cmpi sgt, %scan3A_512, %sign3A : i32
      %sign3A_520 = arith.extui %sign3A_519 : i1 to i32
      %sign3A_521 = arith.constant 0 : i32
      %sign3A_522 = arith.cmpi slt, %scan3A_512, %sign3A_521 : i32
      %sign3A_523 = arith.extui %sign3A_522 : i1 to i32
      %sign3A_524 = arith.subi %sign3A_520, %sign3A_523 : i32
      %sign3A_525 = arith.constant 0 : i32
      %sign3A_526 = arith.cmpi sgt, %jit3A, %sign3A_525 : i32
      %sign3A_527 = arith.extui %sign3A_526 : i1 to i32
      %sign3A_528 = arith.constant 0 : i32
      %sign3A_529 = arith.cmpi slt, %jit3A, %sign3A_528 : i32
      %sign3A_530 = arith.extui %sign3A_529 : i1 to i32
      %sign3A_531 = arith.subi %sign3A_527, %sign3A_530 : i32
      %ne3A = arith.cmpi ne, %sign3A_524, %sign3A_531 : i32
      %rem3A = arith.remsi %scan3A_512, %jit3A : i32
      %ne3A_532 = arith.constant 0 : i32
      %ne3A_533 = arith.cmpi ne, %rem3A, %ne3A_532 : i32
      %and3A = arith.andi %ne3A, %ne3A_533 : i1
      %sub3A = arith.constant 1 : i32
      %sub3A_534 = arith.subi %div3A, %sub3A : i32
      %select_n3A = arith.select %and3A, %sub3A_534, %div3A : i32
      %jit3A_535 = arith.constant 4 : i32
      %eq3A = arith.constant 0 : i32
      %eq3A_536 = arith.cmpi eq, %jit3A_535, %eq3A : i32
      %jit3A_537 = arith.constant 1 : i32
      %select_n3A_538 = arith.select %eq3A_536, %jit3A_537, %jit3A_535 : i32
      %rem3A_539 = arith.remsi %scan3A_512, %select_n3A_538 : i32
      %ne3A_540 = arith.constant 0 : i32
      %ne3A_541 = arith.cmpi ne, %rem3A_539, %ne3A_540 : i32
      %lt3A = arith.constant 0 : i32
      %lt3A_542 = arith.cmpi slt, %rem3A_539, %lt3A : i32
      %lt3A_543 = arith.constant 0 : i32
      %lt3A_544 = arith.cmpi slt, %select_n3A_538, %lt3A_543 : i32
      %ne3A_545 = arith.xori %lt3A_542, %lt3A_544 : i1
      %and3A_546 = arith.andi %ne3A_545, %ne3A_541 : i1
      %add3A_547 = arith.addi %rem3A_539, %select_n3A_538 : i32
      %select_n3A_548 = arith.select %and3A_546, %add3A_547, %rem3A_539 : i32
      %mul3A_549 = arith.constant 16 : i32
      %mul3A_550 = arith.muli %select_n3A_548, %mul3A_549 : i32
      %swap3A = arith.index_cast %select_n3A : i32 to index
      %swap3A_551 = arith.index_cast %mul3A_550 : i32 to index
      %swap3A_552 = tpu.vector_load %arg7[%swap3A, %swap3A_551] {strides = array<i32>} : memref<20x64xi32, #tpu.memory_space<vmem>>, vector<1x16xi32>,
      %swap3A_553 = vector.shape_cast %swap3A_552 : vector<1x16xi32> to vector<16xi32>
      %swap3A_554 = vector.shape_cast %get3A_518 : vector<16xi32> to vector<1x16xi32>
      tpu.vector_store %arg7[%swap3A, %swap3A_551], %swap3A_554 {strides = array<i32>} : memref<20x64xi32, #tpu.memory_space<vmem>>, vector<1x16xi32>,
    }
    %scan3A_260 = arith.constant 80 : i32
    %scan3A_261 = arith.constant 0 : i32
    %scan3A_262 = arith.constant 0 : i32
    %scan3A_263 = arith.constant 5 : i32
    %scan3A_264 = arith.addi %scan3A_262, %scan3A_263 : i32
    %scan3A_265 = arith.constant 1 : i32
    scf.for %scan3A_512 = %scan3A_262 to %scan3A_264 step %scan3A_265  : i32 {
      %mul3A_513 = arith.constant 4 : i32
      %mul3A_514 = arith.muli %mul3A_513, %scan3A_512 : i32
      %add3A_515 = arith.constant 0 : i32
      %add3A_516 = arith.addi %mul3A_514, %add3A_515 : i32
      %mul3A_517 = arith.constant 64 : i32
      %mul3A_518 = arith.muli %add3A_516, %mul3A_517 : i32
      %dma_wait3A_519 = arith.constant 0 : i32
      %dma_wait3A_520 = tpu.memref_slice %arg5[%dma_wait3A_519, %mul3A_518] : memref<2x1280xi32, #tpu.memory_space<vmem>> -> memref<1x64xi32, #tpu.memory_space<vmem>>
      %dma_wait3A_521 = tpu.memref_squeeze %dma_wait3A_520 : memref<1x64xi32, #tpu.memory_space<vmem>> -> memref<64xi32, #tpu.memory_space<vmem>>
      %dma_wait3A_522 = arith.constant 0 : i32
      %dma_wait3A_523 = arith.constant 0 : i32
      %dma_wait3A_524 = tpu.memref_slice %arg2[%dma_wait3A_522, %dma_wait3A_523] : memref<10000x128xf32, #tpu.memory_space<hbm>> -> memref<10000x128xf32, #tpu.memory_space<hbm>>
      tpu.wait_indirect_dma semaphore(%arg13 : memref<!tpu.dma_semaphore, #tpu.memory_space<semaphore_mem>>) src(%dma_wait3A_524 : memref<10000x128xf32, #tpu.memory_space<hbm>>) dst(%arg8 : memref<64x128xf32, #tpu.memory_space<vmem>>)
      %add3A_525 = arith.constant 0 : i32
      %add3A_526 = arith.addi %mul3A_514, %add3A_525 : i32
      "tpu.region"() ({
        %run_scoped3A = tpu.sem_alloc : memref<!tpu.dma_semaphore, #tpu.memory_space<semaphore_mem>>
        %dma_start3A_596 = arith.constant 0 : i32
        %dma_start3A_597 = tpu.memref_slice %arg7[%add3A_526, %dma_start3A_596] : memref<20x64xi32, #tpu.memory_space<vmem>> -> memref<1x64xi32, #tpu.memory_space<vmem>>
        %dma_start3A_598 = tpu.memref_squeeze %dma_start3A_597 : memref<1x64xi32, #tpu.memory_space<vmem>> -> memref<64xi32, #tpu.memory_space<vmem>>
        %dma_start3A_599 = arith.constant 0 : i32
        %dma_start3A_600 = arith.constant 0 : i32
        %dma_start3A_601 = tpu.memref_slice %arg12[%dma_start3A_599, %dma_start3A_600] : memref<10112x128xf32, #tpu.memory_space<vmem_shared>> -> memref<10112x128xf32, #tpu.memory_space<vmem_shared>>
        tpu.enqueue_indirect_dma source(%arg8 : memref<64x128xf32, #tpu.memory_space<vmem>>) target(%dma_start3A_601 : memref<10112x128xf32, #tpu.memory_space<vmem_shared>>) offsets(%dma_start3A_598 : memref<64xi32, #tpu.memory_space<vmem>>) semaphore(%run_scoped3A : memref<!tpu.dma_semaphore, #tpu.memory_space<semaphore_mem>>) {add = true}
        %dma_wait3A_602 = arith.constant 0 : i32
        %dma_wait3A_603 = tpu.memref_slice %arg7[%add3A_526, %dma_wait3A_602] : memref<20x64xi32, #tpu.memory_space<vmem>> -> memref<1x64xi32, #tpu.memory_space<vmem>>
        %dma_wait3A_604 = tpu.memref_squeeze %dma_wait3A_603 : memref<1x64xi32, #tpu.memory_space<vmem>> -> memref<64xi32, #tpu.memory_space<vmem>>
        %dma_wait3A_605 = arith.constant 0 : i32
        %dma_wait3A_606 = arith.constant 0 : i32
        %dma_wait3A_607 = tpu.memref_slice %arg12[%dma_wait3A_605, %dma_wait3A_606] : memref<10112x128xf32, #tpu.memory_space<vmem_shared>> -> memref<10112x128xf32, #tpu.memory_space<vmem_shared>>
        tpu.wait_indirect_dma semaphore(%run_scoped3A : memref<!tpu.dma_semaphore, #tpu.memory_space<semaphore_mem>>) src(%arg8 : memref<64x128xf32, #tpu.memory_space<vmem>>) dst(%dma_wait3A_607 : memref<10112x128xf32, #tpu.memory_space<vmem_shared>>)
        tpu.yield
      }) : () -> ()
      %add3A_527 = arith.constant 0 : i32
      %add3A_528 = arith.addi %mul3A_514, %add3A_527 : i32
      %add3A_529 = arith.constant 4 : i32
      %add3A_530 = arith.addi %add3A_528, %add3A_529 : i32
      %lt3A = arith.constant 20 : i32
      %lt3A_531 = arith.cmpi slt, %add3A_530, %lt3A : i32
      %convert_element_type3A = arith.extui %lt3A_531 : i1 to i32
      %cond3A = arith.constant 0 : i32
      %cond3A_532 = arith.cmpi ne, %convert_element_type3A, %cond3A : i32
      scf.if %cond3A_532 {
        %add3A_596 = arith.constant 0 : i32
        %add3A_597 = arith.addi %mul3A_514, %add3A_596 : i32
        %add3A_598 = arith.constant 4 : i32
        %add3A_599 = arith.addi %add3A_597, %add3A_598 : i32
        %mul3A_600 = arith.constant 64 : i32
        %mul3A_601 = arith.muli %add3A_599, %mul3A_600 : i32
        %dma_start3A_602 = arith.constant 0 : i32
        %dma_start3A_603 = tpu.memref_slice %arg5[%dma_start3A_602, %mul3A_601] : memref<2x1280xi32, #tpu.memory_space<vmem>> -> memref<1x64xi32, #tpu.memory_space<vmem>>
        %dma_start3A_604 = tpu.memref_squeeze %dma_start3A_603 : memref<1x64xi32, #tpu.memory_space<vmem>> -> memref<64xi32, #tpu.memory_space<vmem>>
        %dma_start3A_605 = arith.constant 0 : i32
        %dma_start3A_606 = arith.constant 0 : i32
        %dma_start3A_607 = tpu.memref_slice %arg2[%dma_start3A_605, %dma_start3A_606] : memref<10000x128xf32, #tpu.memory_space<hbm>> -> memref<10000x128xf32, #tpu.memory_space<hbm>>
        tpu.enqueue_indirect_dma source(%dma_start3A_607 : memref<10000x128xf32, #tpu.memory_space<hbm>>) target(%arg8 : memref<64x128xf32, #tpu.memory_space<vmem>>) offsets(%dma_start3A_604 : memref<64xi32, #tpu.memory_space<vmem>>) semaphore(%arg13 : memref<!tpu.dma_semaphore, #tpu.memory_space<semaphore_mem>>)
      } else {
      }
      %add3A_533 = arith.constant 1 : i32
      %add3A_534 = arith.addi %mul3A_514, %add3A_533 : i32
      %mul3A_535 = arith.constant 64 : i32
      %mul3A_536 = arith.muli %add3A_534, %mul3A_535 : i32
      %dma_wait3A_537 = arith.constant 0 : i32
      %dma_wait3A_538 = tpu.memref_slice %arg5[%dma_wait3A_537, %mul3A_536] : memref<2x1280xi32, #tpu.memory_space<vmem>> -> memref<1x64xi32, #tpu.memory_space<vmem>>
      %dma_wait3A_539 = tpu.memref_squeeze %dma_wait3A_538 : memref<1x64xi32, #tpu.memory_space<vmem>> -> memref<64xi32, #tpu.memory_space<vmem>>
      %dma_wait3A_540 = arith.constant 0 : i32
      %dma_wait3A_541 = arith.constant 0 : i32
      %dma_wait3A_542 = tpu.memref_slice %arg2[%dma_wait3A_540, %dma_wait3A_541] : memref<10000x128xf32, #tpu.memory_space<hbm>> -> memref<10000x128xf32, #tpu.memory_space<hbm>>
      tpu.wait_indirect_dma semaphore(%arg14 : memref<!tpu.dma_semaphore, #tpu.memory_space<semaphore_mem>>) src(%dma_wait3A_542 : memref<10000x128xf32, #tpu.memory_space<hbm>>) dst(%arg9 : memref<64x128xf32, #tpu.memory_space<vmem>>)
      %add3A_543 = arith.constant 1 : i32
      %add3A_544 = arith.addi %mul3A_514, %add3A_543 : i32
      "tpu.region"() ({
        %run_scoped3A = tpu.sem_alloc : memref<!tpu.dma_semaphore, #tpu.memory_space<semaphore_mem>>
        %dma_start3A_596 = arith.constant 0 : i32
        %dma_start3A_597 = tpu.memref_slice %arg7[%add3A_544, %dma_start3A_596] : memref<20x64xi32, #tpu.memory_space<vmem>> -> memref<1x64xi32, #tpu.memory_space<vmem>>
        %dma_start3A_598 = tpu.memref_squeeze %dma_start3A_597 : memref<1x64xi32, #tpu.memory_space<vmem>> -> memref<64xi32, #tpu.memory_space<vmem>>
        %dma_start3A_599 = arith.constant 0 : i32
        %dma_start3A_600 = arith.constant 0 : i32
        %dma_start3A_601 = tpu.memref_slice %arg12[%dma_start3A_599, %dma_start3A_600] : memref<10112x128xf32, #tpu.memory_space<vmem_shared>> -> memref<10112x128xf32, #tpu.memory_space<vmem_shared>>
        tpu.enqueue_indirect_dma source(%arg9 : memref<64x128xf32, #tpu.memory_space<vmem>>) target(%dma_start3A_601 : memref<10112x128xf32, #tpu.memory_space<vmem_shared>>) offsets(%dma_start3A_598 : memref<64xi32, #tpu.memory_space<vmem>>) semaphore(%run_scoped3A : memref<!tpu.dma_semaphore, #tpu.memory_space<semaphore_mem>>) {add = true}
        %dma_wait3A_602 = arith.constant 0 : i32
        %dma_wait3A_603 = tpu.memref_slice %arg7[%add3A_544, %dma_wait3A_602] : memref<20x64xi32, #tpu.memory_space<vmem>> -> memref<1x64xi32, #tpu.memory_space<vmem>>
        %dma_wait3A_604 = tpu.memref_squeeze %dma_wait3A_603 : memref<1x64xi32, #tpu.memory_space<vmem>> -> memref<64xi32, #tpu.memory_space<vmem>>
        %dma_wait3A_605 = arith.constant 0 : i32
        %dma_wait3A_606 = arith.constant 0 : i32
        %dma_wait3A_607 = tpu.memref_slice %arg12[%dma_wait3A_605, %dma_wait3A_606] : memref<10112x128xf32, #tpu.memory_space<vmem_shared>> -> memref<10112x128xf32, #tpu.memory_space<vmem_shared>>
        tpu.wait_indirect_dma semaphore(%run_scoped3A : memref<!tpu.dma_semaphore, #tpu.memory_space<semaphore_mem>>) src(%arg9 : memref<64x128xf32, #tpu.memory_space<vmem>>) dst(%dma_wait3A_607 : memref<10112x128xf32, #tpu.memory_space<vmem_shared>>)
        tpu.yield
      }) : () -> ()
      %add3A_545 = arith.constant 1 : i32
      %add3A_546 = arith.addi %mul3A_514, %add3A_545 : i32
      %add3A_547 = arith.constant 4 : i32
      %add3A_548 = arith.addi %add3A_546, %add3A_547 : i32
      %lt3A_549 = arith.constant 20 : i32
      %lt3A_550 = arith.cmpi slt, %add3A_548, %lt3A_549 : i32
      %convert_element_type3A_551 = arith.extui %lt3A_550 : i1 to i32
      %cond3A_552 = arith.constant 0 : i32
      %cond3A_553 = arith.cmpi ne, %convert_element_type3A_551, %cond3A_552 : i32
      scf.if %cond3A_553 {
        %add3A_596 = arith.constant 1 : i32
        %add3A_597 = arith.addi %mul3A_514, %add3A_596 : i32
        %add3A_598 = arith.constant 4 : i32
        %add3A_599 = arith.addi %add3A_597, %add3A_598 : i32
        %mul3A_600 = arith.constant 64 : i32
        %mul3A_601 = arith.muli %add3A_599, %mul3A_600 : i32
        %dma_start3A_602 = arith.constant 0 : i32
        %dma_start3A_603 = tpu.memref_slice %arg5[%dma_start3A_602, %mul3A_601] : memref<2x1280xi32, #tpu.memory_space<vmem>> -> memref<1x64xi32, #tpu.memory_space<vmem>>
        %dma_start3A_604 = tpu.memref_squeeze %dma_start3A_603 : memref<1x64xi32, #tpu.memory_space<vmem>> -> memref<64xi32, #tpu.memory_space<vmem>>
        %dma_start3A_605 = arith.constant 0 : i32
        %dma_start3A_606 = arith.constant 0 : i32
        %dma_start3A_607 = tpu.memref_slice %arg2[%dma_start3A_605, %dma_start3A_606] : memref<10000x128xf32, #tpu.memory_space<hbm>> -> memref<10000x128xf32, #tpu.memory_space<hbm>>
        tpu.enqueue_indirect_dma source(%dma_start3A_607 : memref<10000x128xf32, #tpu.memory_space<hbm>>) target(%arg9 : memref<64x128xf32, #tpu.memory_space<vmem>>) offsets(%dma_start3A_604 : memref<64xi32, #tpu.memory_space<vmem>>) semaphore(%arg14 : memref<!tpu.dma_semaphore, #tpu.memory_space<semaphore_mem>>)
      } else {
      }
      %add3A_554 = arith.constant 2 : i32
      %add3A_555 = arith.addi %mul3A_514, %add3A_554 : i32
      %mul3A_556 = arith.constant 64 : i32
      %mul3A_557 = arith.muli %add3A_555, %mul3A_556 : i32
      %dma_wait3A_558 = arith.constant 0 : i32
      %dma_wait3A_559 = tpu.memref_slice %arg5[%dma_wait3A_558, %mul3A_557] : memref<2x1280xi32, #tpu.memory_space<vmem>> -> memref<1x64xi32, #tpu.memory_space<vmem>>
      %dma_wait3A_560 = tpu.memref_squeeze %dma_wait3A_559 : memref<1x64xi32, #tpu.memory_space<vmem>> -> memref<64xi32, #tpu.memory_space<vmem>>
      %dma_wait3A_561 = arith.constant 0 : i32
      %dma_wait3A_562 = arith.constant 0 : i32
      %dma_wait3A_563 = tpu.memref_slice %arg2[%dma_wait3A_561, %dma_wait3A_562] : memref<10000x128xf32, #tpu.memory_space<hbm>> -> memref<10000x128xf32, #tpu.memory_space<hbm>>
      tpu.wait_indirect_dma semaphore(%arg15 : memref<!tpu.dma_semaphore, #tpu.memory_space<semaphore_mem>>) src(%dma_wait3A_563 : memref<10000x128xf32, #tpu.memory_space<hbm>>) dst(%arg10 : memref<64x128xf32, #tpu.memory_space<vmem>>)
      %add3A_564 = arith.constant 2 : i32
      %add3A_565 = arith.addi %mul3A_514, %add3A_564 : i32
      "tpu.region"() ({
        %run_scoped3A = tpu.sem_alloc : memref<!tpu.dma_semaphore, #tpu.memory_space<semaphore_mem>>
        %dma_start3A_596 = arith.constant 0 : i32
        %dma_start3A_597 = tpu.memref_slice %arg7[%add3A_565, %dma_start3A_596] : memref<20x64xi32, #tpu.memory_space<vmem>> -> memref<1x64xi32, #tpu.memory_space<vmem>>
        %dma_start3A_598 = tpu.memref_squeeze %dma_start3A_597 : memref<1x64xi32, #tpu.memory_space<vmem>> -> memref<64xi32, #tpu.memory_space<vmem>>
        %dma_start3A_599 = arith.constant 0 : i32
        %dma_start3A_600 = arith.constant 0 : i32
        %dma_start3A_601 = tpu.memref_slice %arg12[%dma_start3A_599, %dma_start3A_600] : memref<10112x128xf32, #tpu.memory_space<vmem_shared>> -> memref<10112x128xf32, #tpu.memory_space<vmem_shared>>
        tpu.enqueue_indirect_dma source(%arg10 : memref<64x128xf32, #tpu.memory_space<vmem>>) target(%dma_start3A_601 : memref<10112x128xf32, #tpu.memory_space<vmem_shared>>) offsets(%dma_start3A_598 : memref<64xi32, #tpu.memory_space<vmem>>) semaphore(%run_scoped3A : memref<!tpu.dma_semaphore, #tpu.memory_space<semaphore_mem>>) {add = true}
        %dma_wait3A_602 = arith.constant 0 : i32
        %dma_wait3A_603 = tpu.memref_slice %arg7[%add3A_565, %dma_wait3A_602] : memref<20x64xi32, #tpu.memory_space<vmem>> -> memref<1x64xi32, #tpu.memory_space<vmem>>
        %dma_wait3A_604 = tpu.memref_squeeze %dma_wait3A_603 : memref<1x64xi32, #tpu.memory_space<vmem>> -> memref<64xi32, #tpu.memory_space<vmem>>
        %dma_wait3A_605 = arith.constant 0 : i32
        %dma_wait3A_606 = arith.constant 0 : i32
        %dma_wait3A_607 = tpu.memref_slice %arg12[%dma_wait3A_605, %dma_wait3A_606] : memref<10112x128xf32, #tpu.memory_space<vmem_shared>> -> memref<10112x128xf32, #tpu.memory_space<vmem_shared>>
        tpu.wait_indirect_dma semaphore(%run_scoped3A : memref<!tpu.dma_semaphore, #tpu.memory_space<semaphore_mem>>) src(%arg10 : memref<64x128xf32, #tpu.memory_space<vmem>>) dst(%dma_wait3A_607 : memref<10112x128xf32, #tpu.memory_space<vmem_shared>>)
        tpu.yield
      }) : () -> ()
      %add3A_566 = arith.constant 2 : i32
      %add3A_567 = arith.addi %mul3A_514, %add3A_566 : i32
      %add3A_568 = arith.constant 4 : i32
      %add3A_569 = arith.addi %add3A_567, %add3A_568 : i32
      %lt3A_570 = arith.constant 20 : i32
      %lt3A_571 = arith.cmpi slt, %add3A_569, %lt3A_570 : i32
      %convert_element_type3A_572 = arith.extui %lt3A_571 : i1 to i32
      %cond3A_573 = arith.constant 0 : i32
      %cond3A_574 = arith.cmpi ne, %convert_element_type3A_572, %cond3A_573 : i32
      scf.if %cond3A_574 {
        %add3A_596 = arith.constant 2 : i32
        %add3A_597 = arith.addi %mul3A_514, %add3A_596 : i32
        %add3A_598 = arith.constant 4 : i32
        %add3A_599 = arith.addi %add3A_597, %add3A_598 : i32
        %mul3A_600 = arith.constant 64 : i32
        %mul3A_601 = arith.muli %add3A_599, %mul3A_600 : i32
        %dma_start3A_602 = arith.constant 0 : i32
        %dma_start3A_603 = tpu.memref_slice %arg5[%dma_start3A_602, %mul3A_601] : memref<2x1280xi32, #tpu.memory_space<vmem>> -> memref<1x64xi32, #tpu.memory_space<vmem>>
        %dma_start3A_604 = tpu.memref_squeeze %dma_start3A_603 : memref<1x64xi32, #tpu.memory_space<vmem>> -> memref<64xi32, #tpu.memory_space<vmem>>
        %dma_start3A_605 = arith.constant 0 : i32
        %dma_start3A_606 = arith.constant 0 : i32
        %dma_start3A_607 = tpu.memref_slice %arg2[%dma_start3A_605, %dma_start3A_606] : memref<10000x128xf32, #tpu.memory_space<hbm>> -> memref<10000x128xf32, #tpu.memory_space<hbm>>
        tpu.enqueue_indirect_dma source(%dma_start3A_607 : memref<10000x128xf32, #tpu.memory_space<hbm>>) target(%arg10 : memref<64x128xf32, #tpu.memory_space<vmem>>) offsets(%dma_start3A_604 : memref<64xi32, #tpu.memory_space<vmem>>) semaphore(%arg15 : memref<!tpu.dma_semaphore, #tpu.memory_space<semaphore_mem>>)
      } else {
      }
      %add3A_575 = arith.constant 3 : i32
      %add3A_576 = arith.addi %mul3A_514, %add3A_575 : i32
      %mul3A_577 = arith.constant 64 : i32
      %mul3A_578 = arith.muli %add3A_576, %mul3A_577 : i32
      %dma_wait3A_579 = arith.constant 0 : i32
      %dma_wait3A_580 = tpu.memref_slice %arg5[%dma_wait3A_579, %mul3A_578] : memref<2x1280xi32, #tpu.memory_space<vmem>> -> memref<1x64xi32, #tpu.memory_space<vmem>>
      %dma_wait3A_581 = tpu.memref_squeeze %dma_wait3A_580 : memref<1x64xi32, #tpu.memory_space<vmem>> -> memref<64xi32, #tpu.memory_space<vmem>>
      %dma_wait3A_582 = arith.constant 0 : i32
      %dma_wait3A_583 = arith.constant 0 : i32
      %dma_wait3A_584 = tpu.memref_slice %arg2[%dma_wait3A_582, %dma_wait3A_583] : memref<10000x128xf32, #tpu.memory_space<hbm>> -> memref<10000x128xf32, #tpu.memory_space<hbm>>
      tpu.wait_indirect_dma semaphore(%arg16 : memref<!tpu.dma_semaphore, #tpu.memory_space<semaphore_mem>>) src(%dma_wait3A_584 : memref<10000x128xf32, #tpu.memory_space<hbm>>) dst(%arg11 : memref<64x128xf32, #tpu.memory_space<vmem>>)
      %add3A_585 = arith.constant 3 : i32
      %add3A_586 = arith.addi %mul3A_514, %add3A_585 : i32
      "tpu.region"() ({
        %run_scoped3A = tpu.sem_alloc : memref<!tpu.dma_semaphore, #tpu.memory_space<semaphore_mem>>
        %dma_start3A_596 = arith.constant 0 : i32
        %dma_start3A_597 = tpu.memref_slice %arg7[%add3A_586, %dma_start3A_596] : memref<20x64xi32, #tpu.memory_space<vmem>> -> memref<1x64xi32, #tpu.memory_space<vmem>>
        %dma_start3A_598 = tpu.memref_squeeze %dma_start3A_597 : memref<1x64xi32, #tpu.memory_space<vmem>> -> memref<64xi32, #tpu.memory_space<vmem>>
        %dma_start3A_599 = arith.constant 0 : i32
        %dma_start3A_600 = arith.constant 0 : i32
        %dma_start3A_601 = tpu.memref_slice %arg12[%dma_start3A_599, %dma_start3A_600] : memref<10112x128xf32, #tpu.memory_space<vmem_shared>> -> memref<10112x128xf32, #tpu.memory_space<vmem_shared>>
        tpu.enqueue_indirect_dma source(%arg11 : memref<64x128xf32, #tpu.memory_space<vmem>>) target(%dma_start3A_601 : memref<10112x128xf32, #tpu.memory_space<vmem_shared>>) offsets(%dma_start3A_598 : memref<64xi32, #tpu.memory_space<vmem>>) semaphore(%run_scoped3A : memref<!tpu.dma_semaphore, #tpu.memory_space<semaphore_mem>>) {add = true}
        %dma_wait3A_602 = arith.constant 0 : i32
        %dma_wait3A_603 = tpu.memref_slice %arg7[%add3A_586, %dma_wait3A_602] : memref<20x64xi32, #tpu.memory_space<vmem>> -> memref<1x64xi32, #tpu.memory_space<vmem>>
        %dma_wait3A_604 = tpu.memref_squeeze %dma_wait3A_603 : memref<1x64xi32, #tpu.memory_space<vmem>> -> memref<64xi32, #tpu.memory_space<vmem>>
        %dma_wait3A_605 = arith.constant 0 : i32
        %dma_wait3A_606 = arith.constant 0 : i32
        %dma_wait3A_607 = tpu.memref_slice %arg12[%dma_wait3A_605, %dma_wait3A_606] : memref<10112x128xf32, #tpu.memory_space<vmem_shared>> -> memref<10112x128xf32, #tpu.memory_space<vmem_shared>>
        tpu.wait_indirect_dma semaphore(%run_scoped3A : memref<!tpu.dma_semaphore, #tpu.memory_space<semaphore_mem>>) src(%arg11 : memref<64x128xf32, #tpu.memory_space<vmem>>) dst(%dma_wait3A_607 : memref<10112x128xf32, #tpu.memory_space<vmem_shared>>)
        tpu.yield
      }) : () -> ()
      %add3A_587 = arith.constant 3 : i32
      %add3A_588 = arith.addi %mul3A_514, %add3A_587 : i32
      %add3A_589 = arith.constant 4 : i32
      %add3A_590 = arith.addi %add3A_588, %add3A_589 : i32
      %lt3A_591 = arith.constant 20 : i32
      %lt3A_592 = arith.cmpi slt, %add3A_590, %lt3A_591 : i32
      %convert_element_type3A_593 = arith.extui %lt3A_592 : i1 to i32
      %cond3A_594 = arith.constant 0 : i32
      %cond3A_595 = arith.cmpi ne, %convert_element_type3A_593, %cond3A_594 : i32
      scf.if %cond3A_595 {
        %add3A_596 = arith.constant 3 : i32
        %add3A_597 = arith.addi %mul3A_514, %add3A_596 : i32
        %add3A_598 = arith.constant 4 : i32
        %add3A_599 = arith.addi %add3A_597, %add3A_598 : i32
        %mul3A_600 = arith.constant 64 : i32
        %mul3A_601 = arith.muli %add3A_599, %mul3A_600 : i32
        %dma_start3A_602 = arith.constant 0 : i32
        %dma_start3A_603 = tpu.memref_slice %arg5[%dma_start3A_602, %mul3A_601] : memref<2x1280xi32, #tpu.memory_space<vmem>> -> memref<1x64xi32, #tpu.memory_space<vmem>>
        %dma_start3A_604 = tpu.memref_squeeze %dma_start3A_603 : memref<1x64xi32, #tpu.memory_space<vmem>> -> memref<64xi32, #tpu.memory_space<vmem>>
        %dma_start3A_605 = arith.constant 0 : i32
        %dma_start3A_606 = arith.constant 0 : i32
        %dma_start3A_607 = tpu.memref_slice %arg2[%dma_start3A_605, %dma_start3A_606] : memref<10000x128xf32, #tpu.memory_space<hbm>> -> memref<10000x128xf32, #tpu.memory_space<hbm>>
        tpu.enqueue_indirect_dma source(%dma_start3A_607 : memref<10000x128xf32, #tpu.memory_space<hbm>>) target(%arg11 : memref<64x128xf32, #tpu.memory_space<vmem>>) offsets(%dma_start3A_604 : memref<64xi32, #tpu.memory_space<vmem>>) semaphore(%arg16 : memref<!tpu.dma_semaphore, #tpu.memory_space<semaphore_mem>>)
      } else {
      }
    }
    %scan3A_266 = arith.constant 5 : i32
    %add3A_267 = arith.constant 5120 : i32
    %add3A_268 = arith.addi %mul3A_75, %add3A_267 : i32
    %dma_start3A_269 = arith.constant 0 : i32
    %dma_start3A_270 = tpu.memref_slice %arg3[%dma_start3A_269, %add3A_268] : memref<2x327680xi32, #tpu.memory_space<hbm>> -> memref<2x1280xi32, #tpu.memory_space<hbm>>
    %dma_start3A_271 = arith.constant 0 : i32
    %dma_start3A_272 = tpu.memref_slice %arg3[%dma_start3A_271, %add3A_268] : memref<2x327680xi32, #tpu.memory_space<hbm>> -> memref<2x1280xi32, #tpu.memory_space<hbm>>
    tpu.enqueue_dma source(%dma_start3A_272 : memref<2x1280xi32, #tpu.memory_space<hbm>>) target(%arg5 : memref<2x1280xi32, #tpu.memory_space<vmem>>) target_semaphore(%arg18 : memref<!tpu.dma_semaphore, #tpu.memory_space<semaphore_mem>>)
    %dma_wait3A_273 = arith.constant 0 : i32
    %dma_wait3A_274 = tpu.memref_slice %arg3[%dma_wait3A_273, %add3A_218] : memref<2x327680xi32, #tpu.memory_space<hbm>> -> memref<2x1280xi32, #tpu.memory_space<hbm>>
    %dma_wait3A_275 = arith.constant 0 : i32
    %dma_wait3A_276 = tpu.memref_slice %arg3[%dma_wait3A_275, %add3A_218] : memref<2x327680xi32, #tpu.memory_space<hbm>> -> memref<2x1280xi32, #tpu.memory_space<hbm>>
    tpu.wait_dma2 semaphore(%arg19 : memref<!tpu.dma_semaphore, #tpu.memory_space<semaphore_mem>>) src(%dma_wait3A_276 : memref<2x1280xi32, #tpu.memory_space<hbm>>) dst(%arg6 : memref<2x1280xi32, #tpu.memory_space<vmem>>)
    %dma_start3A_277 = arith.constant 0 : i32
    %dma_start3A_278 = arith.constant 0 : i32
    %dma_start3A_279 = tpu.memref_slice %arg6[%dma_start3A_277, %dma_start3A_278] : memref<2x1280xi32, #tpu.memory_space<vmem>> -> memref<1x64xi32, #tpu.memory_space<vmem>>
    %dma_start3A_280 = tpu.memref_squeeze %dma_start3A_279 : memref<1x64xi32, #tpu.memory_space<vmem>> -> memref<64xi32, #tpu.memory_space<vmem>>
    %dma_start3A_281 = arith.constant 0 : i32
    %dma_start3A_282 = arith.constant 0 : i32
    %dma_start3A_283 = tpu.memref_slice %arg2[%dma_start3A_281, %dma_start3A_282] : memref<10000x128xf32, #tpu.memory_space<hbm>> -> memref<10000x128xf32, #tpu.memory_space<hbm>>
    tpu.enqueue_indirect_dma source(%dma_start3A_283 : memref<10000x128xf32, #tpu.memory_space<hbm>>) target(%arg8 : memref<64x128xf32, #tpu.memory_space<vmem>>) offsets(%dma_start3A_280 : memref<64xi32, #tpu.memory_space<vmem>>) semaphore(%arg13 : memref<!tpu.dma_semaphore, #tpu.memory_space<semaphore_mem>>)
    %dma_start3A_284 = arith.constant 0 : i32
    %dma_start3A_285 = arith.constant 64 : i32
    %dma_start3A_286 = tpu.memref_slice %arg6[%dma_start3A_284, %dma_start3A_285] : memref<2x1280xi32, #tpu.memory_space<vmem>> -> memref<1x64xi32, #tpu.memory_space<vmem>>
    %dma_start3A_287 = tpu.memref_squeeze %dma_start3A_286 : memref<1x64xi32, #tpu.memory_space<vmem>> -> memref<64xi32, #tpu.memory_space<vmem>>
    %dma_start3A_288 = arith.constant 0 : i32
    %dma_start3A_289 = arith.constant 0 : i32
    %dma_start3A_290 = tpu.memref_slice %arg2[%dma_start3A_288, %dma_start3A_289] : memref<10000x128xf32, #tpu.memory_space<hbm>> -> memref<10000x128xf32, #tpu.memory_space<hbm>>
    tpu.enqueue_indirect_dma source(%dma_start3A_290 : memref<10000x128xf32, #tpu.memory_space<hbm>>) target(%arg9 : memref<64x128xf32, #tpu.memory_space<vmem>>) offsets(%dma_start3A_287 : memref<64xi32, #tpu.memory_space<vmem>>) semaphore(%arg14 : memref<!tpu.dma_semaphore, #tpu.memory_space<semaphore_mem>>)
    %dma_start3A_291 = arith.constant 0 : i32
    %dma_start3A_292 = arith.constant 128 : i32
    %dma_start3A_293 = tpu.memref_slice %arg6[%dma_start3A_291, %dma_start3A_292] : memref<2x1280xi32, #tpu.memory_space<vmem>> -> memref<1x64xi32, #tpu.memory_space<vmem>>
    %dma_start3A_294 = tpu.memref_squeeze %dma_start3A_293 : memref<1x64xi32, #tpu.memory_space<vmem>> -> memref<64xi32, #tpu.memory_space<vmem>>
    %dma_start3A_295 = arith.constant 0 : i32
    %dma_start3A_296 = arith.constant 0 : i32
    %dma_start3A_297 = tpu.memref_slice %arg2[%dma_start3A_295, %dma_start3A_296] : memref<10000x128xf32, #tpu.memory_space<hbm>> -> memref<10000x128xf32, #tpu.memory_space<hbm>>
    tpu.enqueue_indirect_dma source(%dma_start3A_297 : memref<10000x128xf32, #tpu.memory_space<hbm>>) target(%arg10 : memref<64x128xf32, #tpu.memory_space<vmem>>) offsets(%dma_start3A_294 : memref<64xi32, #tpu.memory_space<vmem>>) semaphore(%arg15 : memref<!tpu.dma_semaphore, #tpu.memory_space<semaphore_mem>>)
    %dma_start3A_298 = arith.constant 0 : i32
    %dma_start3A_299 = arith.constant 192 : i32
    %dma_start3A_300 = tpu.memref_slice %arg6[%dma_start3A_298, %dma_start3A_299] : memref<2x1280xi32, #tpu.memory_space<vmem>> -> memref<1x64xi32, #tpu.memory_space<vmem>>
    %dma_start3A_301 = tpu.memref_squeeze %dma_start3A_300 : memref<1x64xi32, #tpu.memory_space<vmem>> -> memref<64xi32, #tpu.memory_space<vmem>>
    %dma_start3A_302 = arith.constant 0 : i32
    %dma_start3A_303 = arith.constant 0 : i32
    %dma_start3A_304 = tpu.memref_slice %arg2[%dma_start3A_302, %dma_start3A_303] : memref<10000x128xf32, #tpu.memory_space<hbm>> -> memref<10000x128xf32, #tpu.memory_space<hbm>>
    tpu.enqueue_indirect_dma source(%dma_start3A_304 : memref<10000x128xf32, #tpu.memory_space<hbm>>) target(%arg11 : memref<64x128xf32, #tpu.memory_space<vmem>>) offsets(%dma_start3A_301 : memref<64xi32, #tpu.memory_space<vmem>>) semaphore(%arg16 : memref<!tpu.dma_semaphore, #tpu.memory_space<semaphore_mem>>)
    %scan3A_305 = arith.constant 0 : i32
    %scan3A_306 = arith.constant 0 : i32
    %scan3A_307 = arith.constant 80 : i32
    %scan3A_308 = arith.addi %scan3A_306, %scan3A_307 : i32
    %scan3A_309 = arith.constant 1 : i32
    scf.for %scan3A_512 = %scan3A_306 to %scan3A_308 step %scan3A_309  : i32 {
      %mul3A_513 = arith.constant 16 : i32
      %mul3A_514 = arith.muli %scan3A_512, %mul3A_513 : i32
      %get3A = arith.constant 1 : i32
      %get3A_515 = arith.index_cast %get3A : i32 to index
      %get3A_516 = arith.index_cast %mul3A_514 : i32 to index
      %get3A_517 = tpu.vector_load %arg6[%get3A_515, %get3A_516] {strides = array<i32>} : memref<2x1280xi32, #tpu.memory_space<vmem>>, vector<1x16xi32>,
      %get3A_518 = vector.shape_cast %get3A_517 : vector<1x16xi32> to vector<16xi32>
      %jit3A = arith.constant 4 : i32
      %div3A = arith.divsi %scan3A_512, %jit3A : i32
      %sign3A = arith.constant 0 : i32
      %sign3A_519 = arith.cmpi sgt, %scan3A_512, %sign3A : i32
      %sign3A_520 = arith.extui %sign3A_519 : i1 to i32
      %sign3A_521 = arith.constant 0 : i32
      %sign3A_522 = arith.cmpi slt, %scan3A_512, %sign3A_521 : i32
      %sign3A_523 = arith.extui %sign3A_522 : i1 to i32
      %sign3A_524 = arith.subi %sign3A_520, %sign3A_523 : i32
      %sign3A_525 = arith.constant 0 : i32
      %sign3A_526 = arith.cmpi sgt, %jit3A, %sign3A_525 : i32
      %sign3A_527 = arith.extui %sign3A_526 : i1 to i32
      %sign3A_528 = arith.constant 0 : i32
      %sign3A_529 = arith.cmpi slt, %jit3A, %sign3A_528 : i32
      %sign3A_530 = arith.extui %sign3A_529 : i1 to i32
      %sign3A_531 = arith.subi %sign3A_527, %sign3A_530 : i32
      %ne3A = arith.cmpi ne, %sign3A_524, %sign3A_531 : i32
      %rem3A = arith.remsi %scan3A_512, %jit3A : i32
      %ne3A_532 = arith.constant 0 : i32
      %ne3A_533 = arith.cmpi ne, %rem3A, %ne3A_532 : i32
      %and3A = arith.andi %ne3A, %ne3A_533 : i1
      %sub3A = arith.constant 1 : i32
      %sub3A_534 = arith.subi %div3A, %sub3A : i32
      %select_n3A = arith.select %and3A, %sub3A_534, %div3A : i32
      %jit3A_535 = arith.constant 4 : i32
      %eq3A = arith.constant 0 : i32
      %eq3A_536 = arith.cmpi eq, %jit3A_535, %eq3A : i32
      %jit3A_537 = arith.constant 1 : i32
      %select_n3A_538 = arith.select %eq3A_536, %jit3A_537, %jit3A_535 : i32
      %rem3A_539 = arith.remsi %scan3A_512, %select_n3A_538 : i32
      %ne3A_540 = arith.constant 0 : i32
      %ne3A_541 = arith.cmpi ne, %rem3A_539, %ne3A_540 : i32
      %lt3A = arith.constant 0 : i32
      %lt3A_542 = arith.cmpi slt, %rem3A_539, %lt3A : i32
      %lt3A_543 = arith.constant 0 : i32
      %lt3A_544 = arith.cmpi slt, %select_n3A_538, %lt3A_543 : i32
      %ne3A_545 = arith.xori %lt3A_542, %lt3A_544 : i1
      %and3A_546 = arith.andi %ne3A_545, %ne3A_541 : i1
      %add3A_547 = arith.addi %rem3A_539, %select_n3A_538 : i32
      %select_n3A_548 = arith.select %and3A_546, %add3A_547, %rem3A_539 : i32
      %mul3A_549 = arith.constant 16 : i32
      %mul3A_550 = arith.muli %select_n3A_548, %mul3A_549 : i32
      %swap3A = arith.index_cast %select_n3A : i32 to index
      %swap3A_551 = arith.index_cast %mul3A_550 : i32 to index
      %swap3A_552 = tpu.vector_load %arg7[%swap3A, %swap3A_551] {strides = array<i32>} : memref<20x64xi32, #tpu.memory_space<vmem>>, vector<1x16xi32>,
      %swap3A_553 = vector.shape_cast %swap3A_552 : vector<1x16xi32> to vector<16xi32>
      %swap3A_554 = vector.shape_cast %get3A_518 : vector<16xi32> to vector<1x16xi32>
      tpu.vector_store %arg7[%swap3A, %swap3A_551], %swap3A_554 {strides = array<i32>} : memref<20x64xi32, #tpu.memory_space<vmem>>, vector<1x16xi32>,
    }
    %scan3A_310 = arith.constant 80 : i32
    %scan3A_311 = arith.constant 0 : i32
    %scan3A_312 = arith.constant 0 : i32
    %scan3A_313 = arith.constant 5 : i32
    %scan3A_314 = arith.addi %scan3A_312, %scan3A_313 : i32
    %scan3A_315 = arith.constant 1 : i32
    scf.for %scan3A_512 = %scan3A_312 to %scan3A_314 step %scan3A_315  : i32 {
      %mul3A_513 = arith.constant 4 : i32
      %mul3A_514 = arith.muli %mul3A_513, %scan3A_512 : i32
      %add3A_515 = arith.constant 0 : i32
      %add3A_516 = arith.addi %mul3A_514, %add3A_515 : i32
      %mul3A_517 = arith.constant 64 : i32
      %mul3A_518 = arith.muli %add3A_516, %mul3A_517 : i32
      %dma_wait3A_519 = arith.constant 0 : i32
      %dma_wait3A_520 = tpu.memref_slice %arg6[%dma_wait3A_519, %mul3A_518] : memref<2x1280xi32, #tpu.memory_space<vmem>> -> memref<1x64xi32, #tpu.memory_space<vmem>>
      %dma_wait3A_521 = tpu.memref_squeeze %dma_wait3A_520 : memref<1x64xi32, #tpu.memory_space<vmem>> -> memref<64xi32, #tpu.memory_space<vmem>>
      %dma_wait3A_522 = arith.constant 0 : i32
      %dma_wait3A_523 = arith.constant 0 : i32
      %dma_wait3A_524 = tpu.memref_slice %arg2[%dma_wait3A_522, %dma_wait3A_523] : memref<10000x128xf32, #tpu.memory_space<hbm>> -> memref<10000x128xf32, #tpu.memory_space<hbm>>
      tpu.wait_indirect_dma semaphore(%arg13 : memref<!tpu.dma_semaphore, #tpu.memory_space<semaphore_mem>>) src(%dma_wait3A_524 : memref<10000x128xf32, #tpu.memory_space<hbm>>) dst(%arg8 : memref<64x128xf32, #tpu.memory_space<vmem>>)
      %add3A_525 = arith.constant 0 : i32
      %add3A_526 = arith.addi %mul3A_514, %add3A_525 : i32
      "tpu.region"() ({
        %run_scoped3A = tpu.sem_alloc : memref<!tpu.dma_semaphore, #tpu.memory_space<semaphore_mem>>
        %dma_start3A_596 = arith.constant 0 : i32
        %dma_start3A_597 = tpu.memref_slice %arg7[%add3A_526, %dma_start3A_596] : memref<20x64xi32, #tpu.memory_space<vmem>> -> memref<1x64xi32, #tpu.memory_space<vmem>>
        %dma_start3A_598 = tpu.memref_squeeze %dma_start3A_597 : memref<1x64xi32, #tpu.memory_space<vmem>> -> memref<64xi32, #tpu.memory_space<vmem>>
        %dma_start3A_599 = arith.constant 0 : i32
        %dma_start3A_600 = arith.constant 0 : i32
        %dma_start3A_601 = tpu.memref_slice %arg12[%dma_start3A_599, %dma_start3A_600] : memref<10112x128xf32, #tpu.memory_space<vmem_shared>> -> memref<10112x128xf32, #tpu.memory_space<vmem_shared>>
        tpu.enqueue_indirect_dma source(%arg8 : memref<64x128xf32, #tpu.memory_space<vmem>>) target(%dma_start3A_601 : memref<10112x128xf32, #tpu.memory_space<vmem_shared>>) offsets(%dma_start3A_598 : memref<64xi32, #tpu.memory_space<vmem>>) semaphore(%run_scoped3A : memref<!tpu.dma_semaphore, #tpu.memory_space<semaphore_mem>>) {add = true}
        %dma_wait3A_602 = arith.constant 0 : i32
        %dma_wait3A_603 = tpu.memref_slice %arg7[%add3A_526, %dma_wait3A_602] : memref<20x64xi32, #tpu.memory_space<vmem>> -> memref<1x64xi32, #tpu.memory_space<vmem>>
        %dma_wait3A_604 = tpu.memref_squeeze %dma_wait3A_603 : memref<1x64xi32, #tpu.memory_space<vmem>> -> memref<64xi32, #tpu.memory_space<vmem>>
        %dma_wait3A_605 = arith.constant 0 : i32
        %dma_wait3A_606 = arith.constant 0 : i32
        %dma_wait3A_607 = tpu.memref_slice %arg12[%dma_wait3A_605, %dma_wait3A_606] : memref<10112x128xf32, #tpu.memory_space<vmem_shared>> -> memref<10112x128xf32, #tpu.memory_space<vmem_shared>>
        tpu.wait_indirect_dma semaphore(%run_scoped3A : memref<!tpu.dma_semaphore, #tpu.memory_space<semaphore_mem>>) src(%arg8 : memref<64x128xf32, #tpu.memory_space<vmem>>) dst(%dma_wait3A_607 : memref<10112x128xf32, #tpu.memory_space<vmem_shared>>)
        tpu.yield
      }) : () -> ()
      %add3A_527 = arith.constant 0 : i32
      %add3A_528 = arith.addi %mul3A_514, %add3A_527 : i32
      %add3A_529 = arith.constant 4 : i32
      %add3A_530 = arith.addi %add3A_528, %add3A_529 : i32
      %lt3A = arith.constant 20 : i32
      %lt3A_531 = arith.cmpi slt, %add3A_530, %lt3A : i32
      %convert_element_type3A = arith.extui %lt3A_531 : i1 to i32
      %cond3A = arith.constant 0 : i32
      %cond3A_532 = arith.cmpi ne, %convert_element_type3A, %cond3A : i32
      scf.if %cond3A_532 {
        %add3A_596 = arith.constant 0 : i32
        %add3A_597 = arith.addi %mul3A_514, %add3A_596 : i32
        %add3A_598 = arith.constant 4 : i32
        %add3A_599 = arith.addi %add3A_597, %add3A_598 : i32
        %mul3A_600 = arith.constant 64 : i32
        %mul3A_601 = arith.muli %add3A_599, %mul3A_600 : i32
        %dma_start3A_602 = arith.constant 0 : i32
        %dma_start3A_603 = tpu.memref_slice %arg6[%dma_start3A_602, %mul3A_601] : memref<2x1280xi32, #tpu.memory_space<vmem>> -> memref<1x64xi32, #tpu.memory_space<vmem>>
        %dma_start3A_604 = tpu.memref_squeeze %dma_start3A_603 : memref<1x64xi32, #tpu.memory_space<vmem>> -> memref<64xi32, #tpu.memory_space<vmem>>
        %dma_start3A_605 = arith.constant 0 : i32
        %dma_start3A_606 = arith.constant 0 : i32
        %dma_start3A_607 = tpu.memref_slice %arg2[%dma_start3A_605, %dma_start3A_606] : memref<10000x128xf32, #tpu.memory_space<hbm>> -> memref<10000x128xf32, #tpu.memory_space<hbm>>
        tpu.enqueue_indirect_dma source(%dma_start3A_607 : memref<10000x128xf32, #tpu.memory_space<hbm>>) target(%arg8 : memref<64x128xf32, #tpu.memory_space<vmem>>) offsets(%dma_start3A_604 : memref<64xi32, #tpu.memory_space<vmem>>) semaphore(%arg13 : memref<!tpu.dma_semaphore, #tpu.memory_space<semaphore_mem>>)
      } else {
      }
      %add3A_533 = arith.constant 1 : i32
      %add3A_534 = arith.addi %mul3A_514, %add3A_533 : i32
      %mul3A_535 = arith.constant 64 : i32
      %mul3A_536 = arith.muli %add3A_534, %mul3A_535 : i32
      %dma_wait3A_537 = arith.constant 0 : i32
      %dma_wait3A_538 = tpu.memref_slice %arg6[%dma_wait3A_537, %mul3A_536] : memref<2x1280xi32, #tpu.memory_space<vmem>> -> memref<1x64xi32, #tpu.memory_space<vmem>>
      %dma_wait3A_539 = tpu.memref_squeeze %dma_wait3A_538 : memref<1x64xi32, #tpu.memory_space<vmem>> -> memref<64xi32, #tpu.memory_space<vmem>>
      %dma_wait3A_540 = arith.constant 0 : i32
      %dma_wait3A_541 = arith.constant 0 : i32
      %dma_wait3A_542 = tpu.memref_slice %arg2[%dma_wait3A_540, %dma_wait3A_541] : memref<10000x128xf32, #tpu.memory_space<hbm>> -> memref<10000x128xf32, #tpu.memory_space<hbm>>
      tpu.wait_indirect_dma semaphore(%arg14 : memref<!tpu.dma_semaphore, #tpu.memory_space<semaphore_mem>>) src(%dma_wait3A_542 : memref<10000x128xf32, #tpu.memory_space<hbm>>) dst(%arg9 : memref<64x128xf32, #tpu.memory_space<vmem>>)
      %add3A_543 = arith.constant 1 : i32
      %add3A_544 = arith.addi %mul3A_514, %add3A_543 : i32
      "tpu.region"() ({
        %run_scoped3A = tpu.sem_alloc : memref<!tpu.dma_semaphore, #tpu.memory_space<semaphore_mem>>
        %dma_start3A_596 = arith.constant 0 : i32
        %dma_start3A_597 = tpu.memref_slice %arg7[%add3A_544, %dma_start3A_596] : memref<20x64xi32, #tpu.memory_space<vmem>> -> memref<1x64xi32, #tpu.memory_space<vmem>>
        %dma_start3A_598 = tpu.memref_squeeze %dma_start3A_597 : memref<1x64xi32, #tpu.memory_space<vmem>> -> memref<64xi32, #tpu.memory_space<vmem>>
        %dma_start3A_599 = arith.constant 0 : i32
        %dma_start3A_600 = arith.constant 0 : i32
        %dma_start3A_601 = tpu.memref_slice %arg12[%dma_start3A_599, %dma_start3A_600] : memref<10112x128xf32, #tpu.memory_space<vmem_shared>> -> memref<10112x128xf32, #tpu.memory_space<vmem_shared>>
        tpu.enqueue_indirect_dma source(%arg9 : memref<64x128xf32, #tpu.memory_space<vmem>>) target(%dma_start3A_601 : memref<10112x128xf32, #tpu.memory_space<vmem_shared>>) offsets(%dma_start3A_598 : memref<64xi32, #tpu.memory_space<vmem>>) semaphore(%run_scoped3A : memref<!tpu.dma_semaphore, #tpu.memory_space<semaphore_mem>>) {add = true}
        %dma_wait3A_602 = arith.constant 0 : i32
        %dma_wait3A_603 = tpu.memref_slice %arg7[%add3A_544, %dma_wait3A_602] : memref<20x64xi32, #tpu.memory_space<vmem>> -> memref<1x64xi32, #tpu.memory_space<vmem>>
        %dma_wait3A_604 = tpu.memref_squeeze %dma_wait3A_603 : memref<1x64xi32, #tpu.memory_space<vmem>> -> memref<64xi32, #tpu.memory_space<vmem>>
        %dma_wait3A_605 = arith.constant 0 : i32
        %dma_wait3A_606 = arith.constant 0 : i32
        %dma_wait3A_607 = tpu.memref_slice %arg12[%dma_wait3A_605, %dma_wait3A_606] : memref<10112x128xf32, #tpu.memory_space<vmem_shared>> -> memref<10112x128xf32, #tpu.memory_space<vmem_shared>>
        tpu.wait_indirect_dma semaphore(%run_scoped3A : memref<!tpu.dma_semaphore, #tpu.memory_space<semaphore_mem>>) src(%arg9 : memref<64x128xf32, #tpu.memory_space<vmem>>) dst(%dma_wait3A_607 : memref<10112x128xf32, #tpu.memory_space<vmem_shared>>)
        tpu.yield
      }) : () -> ()
      %add3A_545 = arith.constant 1 : i32
      %add3A_546 = arith.addi %mul3A_514, %add3A_545 : i32
      %add3A_547 = arith.constant 4 : i32
      %add3A_548 = arith.addi %add3A_546, %add3A_547 : i32
      %lt3A_549 = arith.constant 20 : i32
      %lt3A_550 = arith.cmpi slt, %add3A_548, %lt3A_549 : i32
      %convert_element_type3A_551 = arith.extui %lt3A_550 : i1 to i32
      %cond3A_552 = arith.constant 0 : i32
      %cond3A_553 = arith.cmpi ne, %convert_element_type3A_551, %cond3A_552 : i32
      scf.if %cond3A_553 {
        %add3A_596 = arith.constant 1 : i32
        %add3A_597 = arith.addi %mul3A_514, %add3A_596 : i32
        %add3A_598 = arith.constant 4 : i32
        %add3A_599 = arith.addi %add3A_597, %add3A_598 : i32
        %mul3A_600 = arith.constant 64 : i32
        %mul3A_601 = arith.muli %add3A_599, %mul3A_600 : i32
        %dma_start3A_602 = arith.constant 0 : i32
        %dma_start3A_603 = tpu.memref_slice %arg6[%dma_start3A_602, %mul3A_601] : memref<2x1280xi32, #tpu.memory_space<vmem>> -> memref<1x64xi32, #tpu.memory_space<vmem>>
        %dma_start3A_604 = tpu.memref_squeeze %dma_start3A_603 : memref<1x64xi32, #tpu.memory_space<vmem>> -> memref<64xi32, #tpu.memory_space<vmem>>
        %dma_start3A_605 = arith.constant 0 : i32
        %dma_start3A_606 = arith.constant 0 : i32
        %dma_start3A_607 = tpu.memref_slice %arg2[%dma_start3A_605, %dma_start3A_606] : memref<10000x128xf32, #tpu.memory_space<hbm>> -> memref<10000x128xf32, #tpu.memory_space<hbm>>
        tpu.enqueue_indirect_dma source(%dma_start3A_607 : memref<10000x128xf32, #tpu.memory_space<hbm>>) target(%arg9 : memref<64x128xf32, #tpu.memory_space<vmem>>) offsets(%dma_start3A_604 : memref<64xi32, #tpu.memory_space<vmem>>) semaphore(%arg14 : memref<!tpu.dma_semaphore, #tpu.memory_space<semaphore_mem>>)
      } else {
      }
      %add3A_554 = arith.constant 2 : i32
      %add3A_555 = arith.addi %mul3A_514, %add3A_554 : i32
      %mul3A_556 = arith.constant 64 : i32
      %mul3A_557 = arith.muli %add3A_555, %mul3A_556 : i32
      %dma_wait3A_558 = arith.constant 0 : i32
      %dma_wait3A_559 = tpu.memref_slice %arg6[%dma_wait3A_558, %mul3A_557] : memref<2x1280xi32, #tpu.memory_space<vmem>> -> memref<1x64xi32, #tpu.memory_space<vmem>>
      %dma_wait3A_560 = tpu.memref_squeeze %dma_wait3A_559 : memref<1x64xi32, #tpu.memory_space<vmem>> -> memref<64xi32, #tpu.memory_space<vmem>>
      %dma_wait3A_561 = arith.constant 0 : i32
      %dma_wait3A_562 = arith.constant 0 : i32
      %dma_wait3A_563 = tpu.memref_slice %arg2[%dma_wait3A_561, %dma_wait3A_562] : memref<10000x128xf32, #tpu.memory_space<hbm>> -> memref<10000x128xf32, #tpu.memory_space<hbm>>
      tpu.wait_indirect_dma semaphore(%arg15 : memref<!tpu.dma_semaphore, #tpu.memory_space<semaphore_mem>>) src(%dma_wait3A_563 : memref<10000x128xf32, #tpu.memory_space<hbm>>) dst(%arg10 : memref<64x128xf32, #tpu.memory_space<vmem>>)
      %add3A_564 = arith.constant 2 : i32
      %add3A_565 = arith.addi %mul3A_514, %add3A_564 : i32
      "tpu.region"() ({
        %run_scoped3A = tpu.sem_alloc : memref<!tpu.dma_semaphore, #tpu.memory_space<semaphore_mem>>
        %dma_start3A_596 = arith.constant 0 : i32
        %dma_start3A_597 = tpu.memref_slice %arg7[%add3A_565, %dma_start3A_596] : memref<20x64xi32, #tpu.memory_space<vmem>> -> memref<1x64xi32, #tpu.memory_space<vmem>>
        %dma_start3A_598 = tpu.memref_squeeze %dma_start3A_597 : memref<1x64xi32, #tpu.memory_space<vmem>> -> memref<64xi32, #tpu.memory_space<vmem>>
        %dma_start3A_599 = arith.constant 0 : i32
        %dma_start3A_600 = arith.constant 0 : i32
        %dma_start3A_601 = tpu.memref_slice %arg12[%dma_start3A_599, %dma_start3A_600] : memref<10112x128xf32, #tpu.memory_space<vmem_shared>> -> memref<10112x128xf32, #tpu.memory_space<vmem_shared>>
        tpu.enqueue_indirect_dma source(%arg10 : memref<64x128xf32, #tpu.memory_space<vmem>>) target(%dma_start3A_601 : memref<10112x128xf32, #tpu.memory_space<vmem_shared>>) offsets(%dma_start3A_598 : memref<64xi32, #tpu.memory_space<vmem>>) semaphore(%run_scoped3A : memref<!tpu.dma_semaphore, #tpu.memory_space<semaphore_mem>>) {add = true}
        %dma_wait3A_602 = arith.constant 0 : i32
        %dma_wait3A_603 = tpu.memref_slice %arg7[%add3A_565, %dma_wait3A_602] : memref<20x64xi32, #tpu.memory_space<vmem>> -> memref<1x64xi32, #tpu.memory_space<vmem>>
        %dma_wait3A_604 = tpu.memref_squeeze %dma_wait3A_603 : memref<1x64xi32, #tpu.memory_space<vmem>> -> memref<64xi32, #tpu.memory_space<vmem>>
        %dma_wait3A_605 = arith.constant 0 : i32
        %dma_wait3A_606 = arith.constant 0 : i32
        %dma_wait3A_607 = tpu.memref_slice %arg12[%dma_wait3A_605, %dma_wait3A_606] : memref<10112x128xf32, #tpu.memory_space<vmem_shared>> -> memref<10112x128xf32, #tpu.memory_space<vmem_shared>>
        tpu.wait_indirect_dma semaphore(%run_scoped3A : memref<!tpu.dma_semaphore, #tpu.memory_space<semaphore_mem>>) src(%arg10 : memref<64x128xf32, #tpu.memory_space<vmem>>) dst(%dma_wait3A_607 : memref<10112x128xf32, #tpu.memory_space<vmem_shared>>)
        tpu.yield
      }) : () -> ()
      %add3A_566 = arith.constant 2 : i32
      %add3A_567 = arith.addi %mul3A_514, %add3A_566 : i32
      %add3A_568 = arith.constant 4 : i32
      %add3A_569 = arith.addi %add3A_567, %add3A_568 : i32
      %lt3A_570 = arith.constant 20 : i32
      %lt3A_571 = arith.cmpi slt, %add3A_569, %lt3A_570 : i32
      %convert_element_type3A_572 = arith.extui %lt3A_571 : i1 to i32
      %cond3A_573 = arith.constant 0 : i32
      %cond3A_574 = arith.cmpi ne, %convert_element_type3A_572, %cond3A_573 : i32
      scf.if %cond3A_574 {
        %add3A_596 = arith.constant 2 : i32
        %add3A_597 = arith.addi %mul3A_514, %add3A_596 : i32
        %add3A_598 = arith.constant 4 : i32
        %add3A_599 = arith.addi %add3A_597, %add3A_598 : i32
        %mul3A_600 = arith.constant 64 : i32
        %mul3A_601 = arith.muli %add3A_599, %mul3A_600 : i32
        %dma_start3A_602 = arith.constant 0 : i32
        %dma_start3A_603 = tpu.memref_slice %arg6[%dma_start3A_602, %mul3A_601] : memref<2x1280xi32, #tpu.memory_space<vmem>> -> memref<1x64xi32, #tpu.memory_space<vmem>>
        %dma_start3A_604 = tpu.memref_squeeze %dma_start3A_603 : memref<1x64xi32, #tpu.memory_space<vmem>> -> memref<64xi32, #tpu.memory_space<vmem>>
        %dma_start3A_605 = arith.constant 0 : i32
        %dma_start3A_606 = arith.constant 0 : i32
        %dma_start3A_607 = tpu.memref_slice %arg2[%dma_start3A_605, %dma_start3A_606] : memref<10000x128xf32, #tpu.memory_space<hbm>> -> memref<10000x128xf32, #tpu.memory_space<hbm>>
        tpu.enqueue_indirect_dma source(%dma_start3A_607 : memref<10000x128xf32, #tpu.memory_space<hbm>>) target(%arg10 : memref<64x128xf32, #tpu.memory_space<vmem>>) offsets(%dma_start3A_604 : memref<64xi32, #tpu.memory_space<vmem>>) semaphore(%arg15 : memref<!tpu.dma_semaphore, #tpu.memory_space<semaphore_mem>>)
      } else {
      }
      %add3A_575 = arith.constant 3 : i32
      %add3A_576 = arith.addi %mul3A_514, %add3A_575 : i32
      %mul3A_577 = arith.constant 64 : i32
      %mul3A_578 = arith.muli %add3A_576, %mul3A_577 : i32
      %dma_wait3A_579 = arith.constant 0 : i32
      %dma_wait3A_580 = tpu.memref_slice %arg6[%dma_wait3A_579, %mul3A_578] : memref<2x1280xi32, #tpu.memory_space<vmem>> -> memref<1x64xi32, #tpu.memory_space<vmem>>
      %dma_wait3A_581 = tpu.memref_squeeze %dma_wait3A_580 : memref<1x64xi32, #tpu.memory_space<vmem>> -> memref<64xi32, #tpu.memory_space<vmem>>
      %dma_wait3A_582 = arith.constant 0 : i32
      %dma_wait3A_583 = arith.constant 0 : i32
      %dma_wait3A_584 = tpu.memref_slice %arg2[%dma_wait3A_582, %dma_wait3A_583] : memref<10000x128xf32, #tpu.memory_space<hbm>> -> memref<10000x128xf32, #tpu.memory_space<hbm>>
      tpu.wait_indirect_dma semaphore(%arg16 : memref<!tpu.dma_semaphore, #tpu.memory_space<semaphore_mem>>) src(%dma_wait3A_584 : memref<10000x128xf32, #tpu.memory_space<hbm>>) dst(%arg11 : memref<64x128xf32, #tpu.memory_space<vmem>>)
      %add3A_585 = arith.constant 3 : i32
      %add3A_586 = arith.addi %mul3A_514, %add3A_585 : i32
      "tpu.region"() ({
        %run_scoped3A = tpu.sem_alloc : memref<!tpu.dma_semaphore, #tpu.memory_space<semaphore_mem>>
        %dma_start3A_596 = arith.constant 0 : i32
        %dma_start3A_597 = tpu.memref_slice %arg7[%add3A_586, %dma_start3A_596] : memref<20x64xi32, #tpu.memory_space<vmem>> -> memref<1x64xi32, #tpu.memory_space<vmem>>
        %dma_start3A_598 = tpu.memref_squeeze %dma_start3A_597 : memref<1x64xi32, #tpu.memory_space<vmem>> -> memref<64xi32, #tpu.memory_space<vmem>>
        %dma_start3A_599 = arith.constant 0 : i32
        %dma_start3A_600 = arith.constant 0 : i32
        %dma_start3A_601 = tpu.memref_slice %arg12[%dma_start3A_599, %dma_start3A_600] : memref<10112x128xf32, #tpu.memory_space<vmem_shared>> -> memref<10112x128xf32, #tpu.memory_space<vmem_shared>>
        tpu.enqueue_indirect_dma source(%arg11 : memref<64x128xf32, #tpu.memory_space<vmem>>) target(%dma_start3A_601 : memref<10112x128xf32, #tpu.memory_space<vmem_shared>>) offsets(%dma_start3A_598 : memref<64xi32, #tpu.memory_space<vmem>>) semaphore(%run_scoped3A : memref<!tpu.dma_semaphore, #tpu.memory_space<semaphore_mem>>) {add = true}
        %dma_wait3A_602 = arith.constant 0 : i32
        %dma_wait3A_603 = tpu.memref_slice %arg7[%add3A_586, %dma_wait3A_602] : memref<20x64xi32, #tpu.memory_space<vmem>> -> memref<1x64xi32, #tpu.memory_space<vmem>>
        %dma_wait3A_604 = tpu.memref_squeeze %dma_wait3A_603 : memref<1x64xi32, #tpu.memory_space<vmem>> -> memref<64xi32, #tpu.memory_space<vmem>>
        %dma_wait3A_605 = arith.constant 0 : i32
        %dma_wait3A_606 = arith.constant 0 : i32
        %dma_wait3A_607 = tpu.memref_slice %arg12[%dma_wait3A_605, %dma_wait3A_606] : memref<10112x128xf32, #tpu.memory_space<vmem_shared>> -> memref<10112x128xf32, #tpu.memory_space<vmem_shared>>
        tpu.wait_indirect_dma semaphore(%run_scoped3A : memref<!tpu.dma_semaphore, #tpu.memory_space<semaphore_mem>>) src(%arg11 : memref<64x128xf32, #tpu.memory_space<vmem>>) dst(%dma_wait3A_607 : memref<10112x128xf32, #tpu.memory_space<vmem_shared>>)
        tpu.yield
      }) : () -> ()
      %add3A_587 = arith.constant 3 : i32
      %add3A_588 = arith.addi %mul3A_514, %add3A_587 : i32
      %add3A_589 = arith.constant 4 : i32
      %add3A_590 = arith.addi %add3A_588, %add3A_589 : i32
      %lt3A_591 = arith.constant 20 : i32
      %lt3A_592 = arith.cmpi slt, %add3A_590, %lt3A_591 : i32
      %convert_element_type3A_593 = arith.extui %lt3A_592 : i1 to i32
      %cond3A_594 = arith.constant 0 : i32
      %cond3A_595 = arith.cmpi ne, %convert_element_type3A_593, %cond3A_594 : i32
      scf.if %cond3A_595 {
        %add3A_596 = arith.constant 3 : i32
        %add3A_597 = arith.addi %mul3A_514, %add3A_596 : i32
        %add3A_598 = arith.constant 4 : i32
        %add3A_599 = arith.addi %add3A_597, %add3A_598 : i32
        %mul3A_600 = arith.constant 64 : i32
        %mul3A_601 = arith.muli %add3A_599, %mul3A_600 : i32
        %dma_start3A_602 = arith.constant 0 : i32
        %dma_start3A_603 = tpu.memref_slice %arg6[%dma_start3A_602, %mul3A_601] : memref<2x1280xi32, #tpu.memory_space<vmem>> -> memref<1x64xi32, #tpu.memory_space<vmem>>
        %dma_start3A_604 = tpu.memref_squeeze %dma_start3A_603 : memref<1x64xi32, #tpu.memory_space<vmem>> -> memref<64xi32, #tpu.memory_space<vmem>>
        %dma_start3A_605 = arith.constant 0 : i32
        %dma_start3A_606 = arith.constant 0 : i32
        %dma_start3A_607 = tpu.memref_slice %arg2[%dma_start3A_605, %dma_start3A_606] : memref<10000x128xf32, #tpu.memory_space<hbm>> -> memref<10000x128xf32, #tpu.memory_space<hbm>>
        tpu.enqueue_indirect_dma source(%dma_start3A_607 : memref<10000x128xf32, #tpu.memory_space<hbm>>) target(%arg11 : memref<64x128xf32, #tpu.memory_space<vmem>>) offsets(%dma_start3A_604 : memref<64xi32, #tpu.memory_space<vmem>>) semaphore(%arg16 : memref<!tpu.dma_semaphore, #tpu.memory_space<semaphore_mem>>)
      } else {
      }
    }
    %scan3A_316 = arith.constant 5 : i32
    %add3A_317 = arith.constant 6400 : i32
    %add3A_318 = arith.addi %mul3A_75, %add3A_317 : i32
    %dma_start3A_319 = arith.constant 0 : i32
    %dma_start3A_320 = tpu.memref_slice %arg3[%dma_start3A_319, %add3A_318] : memref<2x327680xi32, #tpu.memory_space<hbm>> -> memref<2x1280xi32, #tpu.memory_space<hbm>>
    %dma_start3A_321 = arith.constant 0 : i32
    %dma_start3A_322 = tpu.memref_slice %arg3[%dma_start3A_321, %add3A_318] : memref<2x327680xi32, #tpu.memory_space<hbm>> -> memref<2x1280xi32, #tpu.memory_space<hbm>>
    tpu.enqueue_dma source(%dma_start3A_322 : memref<2x1280xi32, #tpu.memory_space<hbm>>) target(%arg6 : memref<2x1280xi32, #tpu.memory_space<vmem>>) target_semaphore(%arg19 : memref<!tpu.dma_semaphore, #tpu.memory_space<semaphore_mem>>)
    %dma_wait3A_323 = arith.constant 0 : i32
    %dma_wait3A_324 = tpu.memref_slice %arg3[%dma_wait3A_323, %add3A_268] : memref<2x327680xi32, #tpu.memory_space<hbm>> -> memref<2x1280xi32, #tpu.memory_space<hbm>>
    %dma_wait3A_325 = arith.constant 0 : i32
    %dma_wait3A_326 = tpu.memref_slice %arg3[%dma_wait3A_325, %add3A_268] : memref<2x327680xi32, #tpu.memory_space<hbm>> -> memref<2x1280xi32, #tpu.memory_space<hbm>>
    tpu.wait_dma2 semaphore(%arg18 : memref<!tpu.dma_semaphore, #tpu.memory_space<semaphore_mem>>) src(%dma_wait3A_326 : memref<2x1280xi32, #tpu.memory_space<hbm>>) dst(%arg5 : memref<2x1280xi32, #tpu.memory_space<vmem>>)
    %dma_start3A_327 = arith.constant 0 : i32
    %dma_start3A_328 = arith.constant 0 : i32
    %dma_start3A_329 = tpu.memref_slice %arg5[%dma_start3A_327, %dma_start3A_328] : memref<2x1280xi32, #tpu.memory_space<vmem>> -> memref<1x64xi32, #tpu.memory_space<vmem>>
    %dma_start3A_330 = tpu.memref_squeeze %dma_start3A_329 : memref<1x64xi32, #tpu.memory_space<vmem>> -> memref<64xi32, #tpu.memory_space<vmem>>
    %dma_start3A_331 = arith.constant 0 : i32
    %dma_start3A_332 = arith.constant 0 : i32
    %dma_start3A_333 = tpu.memref_slice %arg2[%dma_start3A_331, %dma_start3A_332] : memref<10000x128xf32, #tpu.memory_space<hbm>> -> memref<10000x128xf32, #tpu.memory_space<hbm>>
    tpu.enqueue_indirect_dma source(%dma_start3A_333 : memref<10000x128xf32, #tpu.memory_space<hbm>>) target(%arg8 : memref<64x128xf32, #tpu.memory_space<vmem>>) offsets(%dma_start3A_330 : memref<64xi32, #tpu.memory_space<vmem>>) semaphore(%arg13 : memref<!tpu.dma_semaphore, #tpu.memory_space<semaphore_mem>>)
    %dma_start3A_334 = arith.constant 0 : i32
    %dma_start3A_335 = arith.constant 64 : i32
    %dma_start3A_336 = tpu.memref_slice %arg5[%dma_start3A_334, %dma_start3A_335] : memref<2x1280xi32, #tpu.memory_space<vmem>> -> memref<1x64xi32, #tpu.memory_space<vmem>>
    %dma_start3A_337 = tpu.memref_squeeze %dma_start3A_336 : memref<1x64xi32, #tpu.memory_space<vmem>> -> memref<64xi32, #tpu.memory_space<vmem>>
    %dma_start3A_338 = arith.constant 0 : i32
    %dma_start3A_339 = arith.constant 0 : i32
    %dma_start3A_340 = tpu.memref_slice %arg2[%dma_start3A_338, %dma_start3A_339] : memref<10000x128xf32, #tpu.memory_space<hbm>> -> memref<10000x128xf32, #tpu.memory_space<hbm>>
    tpu.enqueue_indirect_dma source(%dma_start3A_340 : memref<10000x128xf32, #tpu.memory_space<hbm>>) target(%arg9 : memref<64x128xf32, #tpu.memory_space<vmem>>) offsets(%dma_start3A_337 : memref<64xi32, #tpu.memory_space<vmem>>) semaphore(%arg14 : memref<!tpu.dma_semaphore, #tpu.memory_space<semaphore_mem>>)
    %dma_start3A_341 = arith.constant 0 : i32
    %dma_start3A_342 = arith.constant 128 : i32
    %dma_start3A_343 = tpu.memref_slice %arg5[%dma_start3A_341, %dma_start3A_342] : memref<2x1280xi32, #tpu.memory_space<vmem>> -> memref<1x64xi32, #tpu.memory_space<vmem>>
    %dma_start3A_344 = tpu.memref_squeeze %dma_start3A_343 : memref<1x64xi32, #tpu.memory_space<vmem>> -> memref<64xi32, #tpu.memory_space<vmem>>
    %dma_start3A_345 = arith.constant 0 : i32
    %dma_start3A_346 = arith.constant 0 : i32
    %dma_start3A_347 = tpu.memref_slice %arg2[%dma_start3A_345, %dma_start3A_346] : memref<10000x128xf32, #tpu.memory_space<hbm>> -> memref<10000x128xf32, #tpu.memory_space<hbm>>
    tpu.enqueue_indirect_dma source(%dma_start3A_347 : memref<10000x128xf32, #tpu.memory_space<hbm>>) target(%arg10 : memref<64x128xf32, #tpu.memory_space<vmem>>) offsets(%dma_start3A_344 : memref<64xi32, #tpu.memory_space<vmem>>) semaphore(%arg15 : memref<!tpu.dma_semaphore, #tpu.memory_space<semaphore_mem>>)
    %dma_start3A_348 = arith.constant 0 : i32
    %dma_start3A_349 = arith.constant 192 : i32
    %dma_start3A_350 = tpu.memref_slice %arg5[%dma_start3A_348, %dma_start3A_349] : memref<2x1280xi32, #tpu.memory_space<vmem>> -> memref<1x64xi32, #tpu.memory_space<vmem>>
    %dma_start3A_351 = tpu.memref_squeeze %dma_start3A_350 : memref<1x64xi32, #tpu.memory_space<vmem>> -> memref<64xi32, #tpu.memory_space<vmem>>
    %dma_start3A_352 = arith.constant 0 : i32
    %dma_start3A_353 = arith.constant 0 : i32
    %dma_start3A_354 = tpu.memref_slice %arg2[%dma_start3A_352, %dma_start3A_353] : memref<10000x128xf32, #tpu.memory_space<hbm>> -> memref<10000x128xf32, #tpu.memory_space<hbm>>
    tpu.enqueue_indirect_dma source(%dma_start3A_354 : memref<10000x128xf32, #tpu.memory_space<hbm>>) target(%arg11 : memref<64x128xf32, #tpu.memory_space<vmem>>) offsets(%dma_start3A_351 : memref<64xi32, #tpu.memory_space<vmem>>) semaphore(%arg16 : memref<!tpu.dma_semaphore, #tpu.memory_space<semaphore_mem>>)
    %scan3A_355 = arith.constant 0 : i32
    %scan3A_356 = arith.constant 0 : i32
    %scan3A_357 = arith.constant 80 : i32
    %scan3A_358 = arith.addi %scan3A_356, %scan3A_357 : i32
    %scan3A_359 = arith.constant 1 : i32
    scf.for %scan3A_512 = %scan3A_356 to %scan3A_358 step %scan3A_359  : i32 {
      %mul3A_513 = arith.constant 16 : i32
      %mul3A_514 = arith.muli %scan3A_512, %mul3A_513 : i32
      %get3A = arith.constant 1 : i32
      %get3A_515 = arith.index_cast %get3A : i32 to index
      %get3A_516 = arith.index_cast %mul3A_514 : i32 to index
      %get3A_517 = tpu.vector_load %arg5[%get3A_515, %get3A_516] {strides = array<i32>} : memref<2x1280xi32, #tpu.memory_space<vmem>>, vector<1x16xi32>,
      %get3A_518 = vector.shape_cast %get3A_517 : vector<1x16xi32> to vector<16xi32>
      %jit3A = arith.constant 4 : i32
      %div3A = arith.divsi %scan3A_512, %jit3A : i32
      %sign3A = arith.constant 0 : i32
      %sign3A_519 = arith.cmpi sgt, %scan3A_512, %sign3A : i32
      %sign3A_520 = arith.extui %sign3A_519 : i1 to i32
      %sign3A_521 = arith.constant 0 : i32
      %sign3A_522 = arith.cmpi slt, %scan3A_512, %sign3A_521 : i32
      %sign3A_523 = arith.extui %sign3A_522 : i1 to i32
      %sign3A_524 = arith.subi %sign3A_520, %sign3A_523 : i32
      %sign3A_525 = arith.constant 0 : i32
      %sign3A_526 = arith.cmpi sgt, %jit3A, %sign3A_525 : i32
      %sign3A_527 = arith.extui %sign3A_526 : i1 to i32
      %sign3A_528 = arith.constant 0 : i32
      %sign3A_529 = arith.cmpi slt, %jit3A, %sign3A_528 : i32
      %sign3A_530 = arith.extui %sign3A_529 : i1 to i32
      %sign3A_531 = arith.subi %sign3A_527, %sign3A_530 : i32
      %ne3A = arith.cmpi ne, %sign3A_524, %sign3A_531 : i32
      %rem3A = arith.remsi %scan3A_512, %jit3A : i32
      %ne3A_532 = arith.constant 0 : i32
      %ne3A_533 = arith.cmpi ne, %rem3A, %ne3A_532 : i32
      %and3A = arith.andi %ne3A, %ne3A_533 : i1
      %sub3A = arith.constant 1 : i32
      %sub3A_534 = arith.subi %div3A, %sub3A : i32
      %select_n3A = arith.select %and3A, %sub3A_534, %div3A : i32
      %jit3A_535 = arith.constant 4 : i32
      %eq3A = arith.constant 0 : i32
      %eq3A_536 = arith.cmpi eq, %jit3A_535, %eq3A : i32
      %jit3A_537 = arith.constant 1 : i32
      %select_n3A_538 = arith.select %eq3A_536, %jit3A_537, %jit3A_535 : i32
      %rem3A_539 = arith.remsi %scan3A_512, %select_n3A_538 : i32
      %ne3A_540 = arith.constant 0 : i32
      %ne3A_541 = arith.cmpi ne, %rem3A_539, %ne3A_540 : i32
      %lt3A = arith.constant 0 : i32
      %lt3A_542 = arith.cmpi slt, %rem3A_539, %lt3A : i32
      %lt3A_543 = arith.constant 0 : i32
      %lt3A_544 = arith.cmpi slt, %select_n3A_538, %lt3A_543 : i32
      %ne3A_545 = arith.xori %lt3A_542, %lt3A_544 : i1
      %and3A_546 = arith.andi %ne3A_545, %ne3A_541 : i1
      %add3A_547 = arith.addi %rem3A_539, %select_n3A_538 : i32
      %select_n3A_548 = arith.select %and3A_546, %add3A_547, %rem3A_539 : i32
      %mul3A_549 = arith.constant 16 : i32
      %mul3A_550 = arith.muli %select_n3A_548, %mul3A_549 : i32
      %swap3A = arith.index_cast %select_n3A : i32 to index
      %swap3A_551 = arith.index_cast %mul3A_550 : i32 to index
      %swap3A_552 = tpu.vector_load %arg7[%swap3A, %swap3A_551] {strides = array<i32>} : memref<20x64xi32, #tpu.memory_space<vmem>>, vector<1x16xi32>,
      %swap3A_553 = vector.shape_cast %swap3A_552 : vector<1x16xi32> to vector<16xi32>
      %swap3A_554 = vector.shape_cast %get3A_518 : vector<16xi32> to vector<1x16xi32>
      tpu.vector_store %arg7[%swap3A, %swap3A_551], %swap3A_554 {strides = array<i32>} : memref<20x64xi32, #tpu.memory_space<vmem>>, vector<1x16xi32>,
    }
    %scan3A_360 = arith.constant 80 : i32
    %scan3A_361 = arith.constant 0 : i32
    %scan3A_362 = arith.constant 0 : i32
    %scan3A_363 = arith.constant 5 : i32
    %scan3A_364 = arith.addi %scan3A_362, %scan3A_363 : i32
    %scan3A_365 = arith.constant 1 : i32
    scf.for %scan3A_512 = %scan3A_362 to %scan3A_364 step %scan3A_365  : i32 {
      %mul3A_513 = arith.constant 4 : i32
      %mul3A_514 = arith.muli %mul3A_513, %scan3A_512 : i32
      %add3A_515 = arith.constant 0 : i32
      %add3A_516 = arith.addi %mul3A_514, %add3A_515 : i32
      %mul3A_517 = arith.constant 64 : i32
      %mul3A_518 = arith.muli %add3A_516, %mul3A_517 : i32
      %dma_wait3A_519 = arith.constant 0 : i32
      %dma_wait3A_520 = tpu.memref_slice %arg5[%dma_wait3A_519, %mul3A_518] : memref<2x1280xi32, #tpu.memory_space<vmem>> -> memref<1x64xi32, #tpu.memory_space<vmem>>
      %dma_wait3A_521 = tpu.memref_squeeze %dma_wait3A_520 : memref<1x64xi32, #tpu.memory_space<vmem>> -> memref<64xi32, #tpu.memory_space<vmem>>
      %dma_wait3A_522 = arith.constant 0 : i32
      %dma_wait3A_523 = arith.constant 0 : i32
      %dma_wait3A_524 = tpu.memref_slice %arg2[%dma_wait3A_522, %dma_wait3A_523] : memref<10000x128xf32, #tpu.memory_space<hbm>> -> memref<10000x128xf32, #tpu.memory_space<hbm>>
      tpu.wait_indirect_dma semaphore(%arg13 : memref<!tpu.dma_semaphore, #tpu.memory_space<semaphore_mem>>) src(%dma_wait3A_524 : memref<10000x128xf32, #tpu.memory_space<hbm>>) dst(%arg8 : memref<64x128xf32, #tpu.memory_space<vmem>>)
      %add3A_525 = arith.constant 0 : i32
      %add3A_526 = arith.addi %mul3A_514, %add3A_525 : i32
      "tpu.region"() ({
        %run_scoped3A = tpu.sem_alloc : memref<!tpu.dma_semaphore, #tpu.memory_space<semaphore_mem>>
        %dma_start3A_596 = arith.constant 0 : i32
        %dma_start3A_597 = tpu.memref_slice %arg7[%add3A_526, %dma_start3A_596] : memref<20x64xi32, #tpu.memory_space<vmem>> -> memref<1x64xi32, #tpu.memory_space<vmem>>
        %dma_start3A_598 = tpu.memref_squeeze %dma_start3A_597 : memref<1x64xi32, #tpu.memory_space<vmem>> -> memref<64xi32, #tpu.memory_space<vmem>>
        %dma_start3A_599 = arith.constant 0 : i32
        %dma_start3A_600 = arith.constant 0 : i32
        %dma_start3A_601 = tpu.memref_slice %arg12[%dma_start3A_599, %dma_start3A_600] : memref<10112x128xf32, #tpu.memory_space<vmem_shared>> -> memref<10112x128xf32, #tpu.memory_space<vmem_shared>>
        tpu.enqueue_indirect_dma source(%arg8 : memref<64x128xf32, #tpu.memory_space<vmem>>) target(%dma_start3A_601 : memref<10112x128xf32, #tpu.memory_space<vmem_shared>>) offsets(%dma_start3A_598 : memref<64xi32, #tpu.memory_space<vmem>>) semaphore(%run_scoped3A : memref<!tpu.dma_semaphore, #tpu.memory_space<semaphore_mem>>) {add = true}
        %dma_wait3A_602 = arith.constant 0 : i32
        %dma_wait3A_603 = tpu.memref_slice %arg7[%add3A_526, %dma_wait3A_602] : memref<20x64xi32, #tpu.memory_space<vmem>> -> memref<1x64xi32, #tpu.memory_space<vmem>>
        %dma_wait3A_604 = tpu.memref_squeeze %dma_wait3A_603 : memref<1x64xi32, #tpu.memory_space<vmem>> -> memref<64xi32, #tpu.memory_space<vmem>>
        %dma_wait3A_605 = arith.constant 0 : i32
        %dma_wait3A_606 = arith.constant 0 : i32
        %dma_wait3A_607 = tpu.memref_slice %arg12[%dma_wait3A_605, %dma_wait3A_606] : memref<10112x128xf32, #tpu.memory_space<vmem_shared>> -> memref<10112x128xf32, #tpu.memory_space<vmem_shared>>
        tpu.wait_indirect_dma semaphore(%run_scoped3A : memref<!tpu.dma_semaphore, #tpu.memory_space<semaphore_mem>>) src(%arg8 : memref<64x128xf32, #tpu.memory_space<vmem>>) dst(%dma_wait3A_607 : memref<10112x128xf32, #tpu.memory_space<vmem_shared>>)
        tpu.yield
      }) : () -> ()
      %add3A_527 = arith.constant 0 : i32
      %add3A_528 = arith.addi %mul3A_514, %add3A_527 : i32
      %add3A_529 = arith.constant 4 : i32
      %add3A_530 = arith.addi %add3A_528, %add3A_529 : i32
      %lt3A = arith.constant 20 : i32
      %lt3A_531 = arith.cmpi slt, %add3A_530, %lt3A : i32
      %convert_element_type3A = arith.extui %lt3A_531 : i1 to i32
      %cond3A = arith.constant 0 : i32
      %cond3A_532 = arith.cmpi ne, %convert_element_type3A, %cond3A : i32
      scf.if %cond3A_532 {
        %add3A_596 = arith.constant 0 : i32
        %add3A_597 = arith.addi %mul3A_514, %add3A_596 : i32
        %add3A_598 = arith.constant 4 : i32
        %add3A_599 = arith.addi %add3A_597, %add3A_598 : i32
        %mul3A_600 = arith.constant 64 : i32
        %mul3A_601 = arith.muli %add3A_599, %mul3A_600 : i32
        %dma_start3A_602 = arith.constant 0 : i32
        %dma_start3A_603 = tpu.memref_slice %arg5[%dma_start3A_602, %mul3A_601] : memref<2x1280xi32, #tpu.memory_space<vmem>> -> memref<1x64xi32, #tpu.memory_space<vmem>>
        %dma_start3A_604 = tpu.memref_squeeze %dma_start3A_603 : memref<1x64xi32, #tpu.memory_space<vmem>> -> memref<64xi32, #tpu.memory_space<vmem>>
        %dma_start3A_605 = arith.constant 0 : i32
        %dma_start3A_606 = arith.constant 0 : i32
        %dma_start3A_607 = tpu.memref_slice %arg2[%dma_start3A_605, %dma_start3A_606] : memref<10000x128xf32, #tpu.memory_space<hbm>> -> memref<10000x128xf32, #tpu.memory_space<hbm>>
        tpu.enqueue_indirect_dma source(%dma_start3A_607 : memref<10000x128xf32, #tpu.memory_space<hbm>>) target(%arg8 : memref<64x128xf32, #tpu.memory_space<vmem>>) offsets(%dma_start3A_604 : memref<64xi32, #tpu.memory_space<vmem>>) semaphore(%arg13 : memref<!tpu.dma_semaphore, #tpu.memory_space<semaphore_mem>>)
      } else {
      }
      %add3A_533 = arith.constant 1 : i32
      %add3A_534 = arith.addi %mul3A_514, %add3A_533 : i32
      %mul3A_535 = arith.constant 64 : i32
      %mul3A_536 = arith.muli %add3A_534, %mul3A_535 : i32
      %dma_wait3A_537 = arith.constant 0 : i32
      %dma_wait3A_538 = tpu.memref_slice %arg5[%dma_wait3A_537, %mul3A_536] : memref<2x1280xi32, #tpu.memory_space<vmem>> -> memref<1x64xi32, #tpu.memory_space<vmem>>
      %dma_wait3A_539 = tpu.memref_squeeze %dma_wait3A_538 : memref<1x64xi32, #tpu.memory_space<vmem>> -> memref<64xi32, #tpu.memory_space<vmem>>
      %dma_wait3A_540 = arith.constant 0 : i32
      %dma_wait3A_541 = arith.constant 0 : i32
      %dma_wait3A_542 = tpu.memref_slice %arg2[%dma_wait3A_540, %dma_wait3A_541] : memref<10000x128xf32, #tpu.memory_space<hbm>> -> memref<10000x128xf32, #tpu.memory_space<hbm>>
      tpu.wait_indirect_dma semaphore(%arg14 : memref<!tpu.dma_semaphore, #tpu.memory_space<semaphore_mem>>) src(%dma_wait3A_542 : memref<10000x128xf32, #tpu.memory_space<hbm>>) dst(%arg9 : memref<64x128xf32, #tpu.memory_space<vmem>>)
      %add3A_543 = arith.constant 1 : i32
      %add3A_544 = arith.addi %mul3A_514, %add3A_543 : i32
      "tpu.region"() ({
        %run_scoped3A = tpu.sem_alloc : memref<!tpu.dma_semaphore, #tpu.memory_space<semaphore_mem>>
        %dma_start3A_596 = arith.constant 0 : i32
        %dma_start3A_597 = tpu.memref_slice %arg7[%add3A_544, %dma_start3A_596] : memref<20x64xi32, #tpu.memory_space<vmem>> -> memref<1x64xi32, #tpu.memory_space<vmem>>
        %dma_start3A_598 = tpu.memref_squeeze %dma_start3A_597 : memref<1x64xi32, #tpu.memory_space<vmem>> -> memref<64xi32, #tpu.memory_space<vmem>>
        %dma_start3A_599 = arith.constant 0 : i32
        %dma_start3A_600 = arith.constant 0 : i32
        %dma_start3A_601 = tpu.memref_slice %arg12[%dma_start3A_599, %dma_start3A_600] : memref<10112x128xf32, #tpu.memory_space<vmem_shared>> -> memref<10112x128xf32, #tpu.memory_space<vmem_shared>>
        tpu.enqueue_indirect_dma source(%arg9 : memref<64x128xf32, #tpu.memory_space<vmem>>) target(%dma_start3A_601 : memref<10112x128xf32, #tpu.memory_space<vmem_shared>>) offsets(%dma_start3A_598 : memref<64xi32, #tpu.memory_space<vmem>>) semaphore(%run_scoped3A : memref<!tpu.dma_semaphore, #tpu.memory_space<semaphore_mem>>) {add = true}
        %dma_wait3A_602 = arith.constant 0 : i32
        %dma_wait3A_603 = tpu.memref_slice %arg7[%add3A_544, %dma_wait3A_602] : memref<20x64xi32, #tpu.memory_space<vmem>> -> memref<1x64xi32, #tpu.memory_space<vmem>>
        %dma_wait3A_604 = tpu.memref_squeeze %dma_wait3A_603 : memref<1x64xi32, #tpu.memory_space<vmem>> -> memref<64xi32, #tpu.memory_space<vmem>>
        %dma_wait3A_605 = arith.constant 0 : i32
        %dma_wait3A_606 = arith.constant 0 : i32
        %dma_wait3A_607 = tpu.memref_slice %arg12[%dma_wait3A_605, %dma_wait3A_606] : memref<10112x128xf32, #tpu.memory_space<vmem_shared>> -> memref<10112x128xf32, #tpu.memory_space<vmem_shared>>
        tpu.wait_indirect_dma semaphore(%run_scoped3A : memref<!tpu.dma_semaphore, #tpu.memory_space<semaphore_mem>>) src(%arg9 : memref<64x128xf32, #tpu.memory_space<vmem>>) dst(%dma_wait3A_607 : memref<10112x128xf32, #tpu.memory_space<vmem_shared>>)
        tpu.yield
      }) : () -> ()
      %add3A_545 = arith.constant 1 : i32
      %add3A_546 = arith.addi %mul3A_514, %add3A_545 : i32
      %add3A_547 = arith.constant 4 : i32
      %add3A_548 = arith.addi %add3A_546, %add3A_547 : i32
      %lt3A_549 = arith.constant 20 : i32
      %lt3A_550 = arith.cmpi slt, %add3A_548, %lt3A_549 : i32
      %convert_element_type3A_551 = arith.extui %lt3A_550 : i1 to i32
      %cond3A_552 = arith.constant 0 : i32
      %cond3A_553 = arith.cmpi ne, %convert_element_type3A_551, %cond3A_552 : i32
      scf.if %cond3A_553 {
        %add3A_596 = arith.constant 1 : i32
        %add3A_597 = arith.addi %mul3A_514, %add3A_596 : i32
        %add3A_598 = arith.constant 4 : i32
        %add3A_599 = arith.addi %add3A_597, %add3A_598 : i32
        %mul3A_600 = arith.constant 64 : i32
        %mul3A_601 = arith.muli %add3A_599, %mul3A_600 : i32
        %dma_start3A_602 = arith.constant 0 : i32
        %dma_start3A_603 = tpu.memref_slice %arg5[%dma_start3A_602, %mul3A_601] : memref<2x1280xi32, #tpu.memory_space<vmem>> -> memref<1x64xi32, #tpu.memory_space<vmem>>
        %dma_start3A_604 = tpu.memref_squeeze %dma_start3A_603 : memref<1x64xi32, #tpu.memory_space<vmem>> -> memref<64xi32, #tpu.memory_space<vmem>>
        %dma_start3A_605 = arith.constant 0 : i32
        %dma_start3A_606 = arith.constant 0 : i32
        %dma_start3A_607 = tpu.memref_slice %arg2[%dma_start3A_605, %dma_start3A_606] : memref<10000x128xf32, #tpu.memory_space<hbm>> -> memref<10000x128xf32, #tpu.memory_space<hbm>>
        tpu.enqueue_indirect_dma source(%dma_start3A_607 : memref<10000x128xf32, #tpu.memory_space<hbm>>) target(%arg9 : memref<64x128xf32, #tpu.memory_space<vmem>>) offsets(%dma_start3A_604 : memref<64xi32, #tpu.memory_space<vmem>>) semaphore(%arg14 : memref<!tpu.dma_semaphore, #tpu.memory_space<semaphore_mem>>)
      } else {
      }
      %add3A_554 = arith.constant 2 : i32
      %add3A_555 = arith.addi %mul3A_514, %add3A_554 : i32
      %mul3A_556 = arith.constant 64 : i32
      %mul3A_557 = arith.muli %add3A_555, %mul3A_556 : i32
      %dma_wait3A_558 = arith.constant 0 : i32
      %dma_wait3A_559 = tpu.memref_slice %arg5[%dma_wait3A_558, %mul3A_557] : memref<2x1280xi32, #tpu.memory_space<vmem>> -> memref<1x64xi32, #tpu.memory_space<vmem>>
      %dma_wait3A_560 = tpu.memref_squeeze %dma_wait3A_559 : memref<1x64xi32, #tpu.memory_space<vmem>> -> memref<64xi32, #tpu.memory_space<vmem>>
      %dma_wait3A_561 = arith.constant 0 : i32
      %dma_wait3A_562 = arith.constant 0 : i32
      %dma_wait3A_563 = tpu.memref_slice %arg2[%dma_wait3A_561, %dma_wait3A_562] : memref<10000x128xf32, #tpu.memory_space<hbm>> -> memref<10000x128xf32, #tpu.memory_space<hbm>>
      tpu.wait_indirect_dma semaphore(%arg15 : memref<!tpu.dma_semaphore, #tpu.memory_space<semaphore_mem>>) src(%dma_wait3A_563 : memref<10000x128xf32, #tpu.memory_space<hbm>>) dst(%arg10 : memref<64x128xf32, #tpu.memory_space<vmem>>)
      %add3A_564 = arith.constant 2 : i32
      %add3A_565 = arith.addi %mul3A_514, %add3A_564 : i32
      "tpu.region"() ({
        %run_scoped3A = tpu.sem_alloc : memref<!tpu.dma_semaphore, #tpu.memory_space<semaphore_mem>>
        %dma_start3A_596 = arith.constant 0 : i32
        %dma_start3A_597 = tpu.memref_slice %arg7[%add3A_565, %dma_start3A_596] : memref<20x64xi32, #tpu.memory_space<vmem>> -> memref<1x64xi32, #tpu.memory_space<vmem>>
        %dma_start3A_598 = tpu.memref_squeeze %dma_start3A_597 : memref<1x64xi32, #tpu.memory_space<vmem>> -> memref<64xi32, #tpu.memory_space<vmem>>
        %dma_start3A_599 = arith.constant 0 : i32
        %dma_start3A_600 = arith.constant 0 : i32
        %dma_start3A_601 = tpu.memref_slice %arg12[%dma_start3A_599, %dma_start3A_600] : memref<10112x128xf32, #tpu.memory_space<vmem_shared>> -> memref<10112x128xf32, #tpu.memory_space<vmem_shared>>
        tpu.enqueue_indirect_dma source(%arg10 : memref<64x128xf32, #tpu.memory_space<vmem>>) target(%dma_start3A_601 : memref<10112x128xf32, #tpu.memory_space<vmem_shared>>) offsets(%dma_start3A_598 : memref<64xi32, #tpu.memory_space<vmem>>) semaphore(%run_scoped3A : memref<!tpu.dma_semaphore, #tpu.memory_space<semaphore_mem>>) {add = true}
        %dma_wait3A_602 = arith.constant 0 : i32
        %dma_wait3A_603 = tpu.memref_slice %arg7[%add3A_565, %dma_wait3A_602] : memref<20x64xi32, #tpu.memory_space<vmem>> -> memref<1x64xi32, #tpu.memory_space<vmem>>
        %dma_wait3A_604 = tpu.memref_squeeze %dma_wait3A_603 : memref<1x64xi32, #tpu.memory_space<vmem>> -> memref<64xi32, #tpu.memory_space<vmem>>
        %dma_wait3A_605 = arith.constant 0 : i32
        %dma_wait3A_606 = arith.constant 0 : i32
        %dma_wait3A_607 = tpu.memref_slice %arg12[%dma_wait3A_605, %dma_wait3A_606] : memref<10112x128xf32, #tpu.memory_space<vmem_shared>> -> memref<10112x128xf32, #tpu.memory_space<vmem_shared>>
        tpu.wait_indirect_dma semaphore(%run_scoped3A : memref<!tpu.dma_semaphore, #tpu.memory_space<semaphore_mem>>) src(%arg10 : memref<64x128xf32, #tpu.memory_space<vmem>>) dst(%dma_wait3A_607 : memref<10112x128xf32, #tpu.memory_space<vmem_shared>>)
        tpu.yield
      }) : () -> ()
      %add3A_566 = arith.constant 2 : i32
      %add3A_567 = arith.addi %mul3A_514, %add3A_566 : i32
      %add3A_568 = arith.constant 4 : i32
      %add3A_569 = arith.addi %add3A_567, %add3A_568 : i32
      %lt3A_570 = arith.constant 20 : i32
      %lt3A_571 = arith.cmpi slt, %add3A_569, %lt3A_570 : i32
      %convert_element_type3A_572 = arith.extui %lt3A_571 : i1 to i32
      %cond3A_573 = arith.constant 0 : i32
      %cond3A_574 = arith.cmpi ne, %convert_element_type3A_572, %cond3A_573 : i32
      scf.if %cond3A_574 {
        %add3A_596 = arith.constant 2 : i32
        %add3A_597 = arith.addi %mul3A_514, %add3A_596 : i32
        %add3A_598 = arith.constant 4 : i32
        %add3A_599 = arith.addi %add3A_597, %add3A_598 : i32
        %mul3A_600 = arith.constant 64 : i32
        %mul3A_601 = arith.muli %add3A_599, %mul3A_600 : i32
        %dma_start3A_602 = arith.constant 0 : i32
        %dma_start3A_603 = tpu.memref_slice %arg5[%dma_start3A_602, %mul3A_601] : memref<2x1280xi32, #tpu.memory_space<vmem>> -> memref<1x64xi32, #tpu.memory_space<vmem>>
        %dma_start3A_604 = tpu.memref_squeeze %dma_start3A_603 : memref<1x64xi32, #tpu.memory_space<vmem>> -> memref<64xi32, #tpu.memory_space<vmem>>
        %dma_start3A_605 = arith.constant 0 : i32
        %dma_start3A_606 = arith.constant 0 : i32
        %dma_start3A_607 = tpu.memref_slice %arg2[%dma_start3A_605, %dma_start3A_606] : memref<10000x128xf32, #tpu.memory_space<hbm>> -> memref<10000x128xf32, #tpu.memory_space<hbm>>
        tpu.enqueue_indirect_dma source(%dma_start3A_607 : memref<10000x128xf32, #tpu.memory_space<hbm>>) target(%arg10 : memref<64x128xf32, #tpu.memory_space<vmem>>) offsets(%dma_start3A_604 : memref<64xi32, #tpu.memory_space<vmem>>) semaphore(%arg15 : memref<!tpu.dma_semaphore, #tpu.memory_space<semaphore_mem>>)
      } else {
      }
      %add3A_575 = arith.constant 3 : i32
      %add3A_576 = arith.addi %mul3A_514, %add3A_575 : i32
      %mul3A_577 = arith.constant 64 : i32
      %mul3A_578 = arith.muli %add3A_576, %mul3A_577 : i32
      %dma_wait3A_579 = arith.constant 0 : i32
      %dma_wait3A_580 = tpu.memref_slice %arg5[%dma_wait3A_579, %mul3A_578] : memref<2x1280xi32, #tpu.memory_space<vmem>> -> memref<1x64xi32, #tpu.memory_space<vmem>>
      %dma_wait3A_581 = tpu.memref_squeeze %dma_wait3A_580 : memref<1x64xi32, #tpu.memory_space<vmem>> -> memref<64xi32, #tpu.memory_space<vmem>>
      %dma_wait3A_582 = arith.constant 0 : i32
      %dma_wait3A_583 = arith.constant 0 : i32
      %dma_wait3A_584 = tpu.memref_slice %arg2[%dma_wait3A_582, %dma_wait3A_583] : memref<10000x128xf32, #tpu.memory_space<hbm>> -> memref<10000x128xf32, #tpu.memory_space<hbm>>
      tpu.wait_indirect_dma semaphore(%arg16 : memref<!tpu.dma_semaphore, #tpu.memory_space<semaphore_mem>>) src(%dma_wait3A_584 : memref<10000x128xf32, #tpu.memory_space<hbm>>) dst(%arg11 : memref<64x128xf32, #tpu.memory_space<vmem>>)
      %add3A_585 = arith.constant 3 : i32
      %add3A_586 = arith.addi %mul3A_514, %add3A_585 : i32
      "tpu.region"() ({
        %run_scoped3A = tpu.sem_alloc : memref<!tpu.dma_semaphore, #tpu.memory_space<semaphore_mem>>
        %dma_start3A_596 = arith.constant 0 : i32
        %dma_start3A_597 = tpu.memref_slice %arg7[%add3A_586, %dma_start3A_596] : memref<20x64xi32, #tpu.memory_space<vmem>> -> memref<1x64xi32, #tpu.memory_space<vmem>>
        %dma_start3A_598 = tpu.memref_squeeze %dma_start3A_597 : memref<1x64xi32, #tpu.memory_space<vmem>> -> memref<64xi32, #tpu.memory_space<vmem>>
        %dma_start3A_599 = arith.constant 0 : i32
        %dma_start3A_600 = arith.constant 0 : i32
        %dma_start3A_601 = tpu.memref_slice %arg12[%dma_start3A_599, %dma_start3A_600] : memref<10112x128xf32, #tpu.memory_space<vmem_shared>> -> memref<10112x128xf32, #tpu.memory_space<vmem_shared>>
        tpu.enqueue_indirect_dma source(%arg11 : memref<64x128xf32, #tpu.memory_space<vmem>>) target(%dma_start3A_601 : memref<10112x128xf32, #tpu.memory_space<vmem_shared>>) offsets(%dma_start3A_598 : memref<64xi32, #tpu.memory_space<vmem>>) semaphore(%run_scoped3A : memref<!tpu.dma_semaphore, #tpu.memory_space<semaphore_mem>>) {add = true}
        %dma_wait3A_602 = arith.constant 0 : i32
        %dma_wait3A_603 = tpu.memref_slice %arg7[%add3A_586, %dma_wait3A_602] : memref<20x64xi32, #tpu.memory_space<vmem>> -> memref<1x64xi32, #tpu.memory_space<vmem>>
        %dma_wait3A_604 = tpu.memref_squeeze %dma_wait3A_603 : memref<1x64xi32, #tpu.memory_space<vmem>> -> memref<64xi32, #tpu.memory_space<vmem>>
        %dma_wait3A_605 = arith.constant 0 : i32
        %dma_wait3A_606 = arith.constant 0 : i32
        %dma_wait3A_607 = tpu.memref_slice %arg12[%dma_wait3A_605, %dma_wait3A_606] : memref<10112x128xf32, #tpu.memory_space<vmem_shared>> -> memref<10112x128xf32, #tpu.memory_space<vmem_shared>>
        tpu.wait_indirect_dma semaphore(%run_scoped3A : memref<!tpu.dma_semaphore, #tpu.memory_space<semaphore_mem>>) src(%arg11 : memref<64x128xf32, #tpu.memory_space<vmem>>) dst(%dma_wait3A_607 : memref<10112x128xf32, #tpu.memory_space<vmem_shared>>)
        tpu.yield
      }) : () -> ()
      %add3A_587 = arith.constant 3 : i32
      %add3A_588 = arith.addi %mul3A_514, %add3A_587 : i32
      %add3A_589 = arith.constant 4 : i32
      %add3A_590 = arith.addi %add3A_588, %add3A_589 : i32
      %lt3A_591 = arith.constant 20 : i32
      %lt3A_592 = arith.cmpi slt, %add3A_590, %lt3A_591 : i32
      %convert_element_type3A_593 = arith.extui %lt3A_592 : i1 to i32
      %cond3A_594 = arith.constant 0 : i32
      %cond3A_595 = arith.cmpi ne, %convert_element_type3A_593, %cond3A_594 : i32
      scf.if %cond3A_595 {
        %add3A_596 = arith.constant 3 : i32
        %add3A_597 = arith.addi %mul3A_514, %add3A_596 : i32
        %add3A_598 = arith.constant 4 : i32
        %add3A_599 = arith.addi %add3A_597, %add3A_598 : i32
        %mul3A_600 = arith.constant 64 : i32
        %mul3A_601 = arith.muli %add3A_599, %mul3A_600 : i32
        %dma_start3A_602 = arith.constant 0 : i32
        %dma_start3A_603 = tpu.memref_slice %arg5[%dma_start3A_602, %mul3A_601] : memref<2x1280xi32, #tpu.memory_space<vmem>> -> memref<1x64xi32, #tpu.memory_space<vmem>>
        %dma_start3A_604 = tpu.memref_squeeze %dma_start3A_603 : memref<1x64xi32, #tpu.memory_space<vmem>> -> memref<64xi32, #tpu.memory_space<vmem>>
        %dma_start3A_605 = arith.constant 0 : i32
        %dma_start3A_606 = arith.constant 0 : i32
        %dma_start3A_607 = tpu.memref_slice %arg2[%dma_start3A_605, %dma_start3A_606] : memref<10000x128xf32, #tpu.memory_space<hbm>> -> memref<10000x128xf32, #tpu.memory_space<hbm>>
        tpu.enqueue_indirect_dma source(%dma_start3A_607 : memref<10000x128xf32, #tpu.memory_space<hbm>>) target(%arg11 : memref<64x128xf32, #tpu.memory_space<vmem>>) offsets(%dma_start3A_604 : memref<64xi32, #tpu.memory_space<vmem>>) semaphore(%arg16 : memref<!tpu.dma_semaphore, #tpu.memory_space<semaphore_mem>>)
      } else {
      }
    }
    %scan3A_366 = arith.constant 5 : i32
    %add3A_367 = arith.constant 7680 : i32
    %add3A_368 = arith.addi %mul3A_75, %add3A_367 : i32
    %dma_start3A_369 = arith.constant 0 : i32
    %dma_start3A_370 = tpu.memref_slice %arg3[%dma_start3A_369, %add3A_368] : memref<2x327680xi32, #tpu.memory_space<hbm>> -> memref<2x1280xi32, #tpu.memory_space<hbm>>
    %dma_start3A_371 = arith.constant 0 : i32
    %dma_start3A_372 = tpu.memref_slice %arg3[%dma_start3A_371, %add3A_368] : memref<2x327680xi32, #tpu.memory_space<hbm>> -> memref<2x1280xi32, #tpu.memory_space<hbm>>
    tpu.enqueue_dma source(%dma_start3A_372 : memref<2x1280xi32, #tpu.memory_space<hbm>>) target(%arg5 : memref<2x1280xi32, #tpu.memory_space<vmem>>) target_semaphore(%arg18 : memref<!tpu.dma_semaphore, #tpu.memory_space<semaphore_mem>>)
    %dma_wait3A_373 = arith.constant 0 : i32
    %dma_wait3A_374 = tpu.memref_slice %arg3[%dma_wait3A_373, %add3A_318] : memref<2x327680xi32, #tpu.memory_space<hbm>> -> memref<2x1280xi32, #tpu.memory_space<hbm>>
    %dma_wait3A_375 = arith.constant 0 : i32
    %dma_wait3A_376 = tpu.memref_slice %arg3[%dma_wait3A_375, %add3A_318] : memref<2x327680xi32, #tpu.memory_space<hbm>> -> memref<2x1280xi32, #tpu.memory_space<hbm>>
    tpu.wait_dma2 semaphore(%arg19 : memref<!tpu.dma_semaphore, #tpu.memory_space<semaphore_mem>>) src(%dma_wait3A_376 : memref<2x1280xi32, #tpu.memory_space<hbm>>) dst(%arg6 : memref<2x1280xi32, #tpu.memory_space<vmem>>)
    %dma_start3A_377 = arith.constant 0 : i32
    %dma_start3A_378 = arith.constant 0 : i32
    %dma_start3A_379 = tpu.memref_slice %arg6[%dma_start3A_377, %dma_start3A_378] : memref<2x1280xi32, #tpu.memory_space<vmem>> -> memref<1x64xi32, #tpu.memory_space<vmem>>
    %dma_start3A_380 = tpu.memref_squeeze %dma_start3A_379 : memref<1x64xi32, #tpu.memory_space<vmem>> -> memref<64xi32, #tpu.memory_space<vmem>>
    %dma_start3A_381 = arith.constant 0 : i32
    %dma_start3A_382 = arith.constant 0 : i32
    %dma_start3A_383 = tpu.memref_slice %arg2[%dma_start3A_381, %dma_start3A_382] : memref<10000x128xf32, #tpu.memory_space<hbm>> -> memref<10000x128xf32, #tpu.memory_space<hbm>>
    tpu.enqueue_indirect_dma source(%dma_start3A_383 : memref<10000x128xf32, #tpu.memory_space<hbm>>) target(%arg8 : memref<64x128xf32, #tpu.memory_space<vmem>>) offsets(%dma_start3A_380 : memref<64xi32, #tpu.memory_space<vmem>>) semaphore(%arg13 : memref<!tpu.dma_semaphore, #tpu.memory_space<semaphore_mem>>)
    %dma_start3A_384 = arith.constant 0 : i32
    %dma_start3A_385 = arith.constant 64 : i32
    %dma_start3A_386 = tpu.memref_slice %arg6[%dma_start3A_384, %dma_start3A_385] : memref<2x1280xi32, #tpu.memory_space<vmem>> -> memref<1x64xi32, #tpu.memory_space<vmem>>
    %dma_start3A_387 = tpu.memref_squeeze %dma_start3A_386 : memref<1x64xi32, #tpu.memory_space<vmem>> -> memref<64xi32, #tpu.memory_space<vmem>>
    %dma_start3A_388 = arith.constant 0 : i32
    %dma_start3A_389 = arith.constant 0 : i32
    %dma_start3A_390 = tpu.memref_slice %arg2[%dma_start3A_388, %dma_start3A_389] : memref<10000x128xf32, #tpu.memory_space<hbm>> -> memref<10000x128xf32, #tpu.memory_space<hbm>>
    tpu.enqueue_indirect_dma source(%dma_start3A_390 : memref<10000x128xf32, #tpu.memory_space<hbm>>) target(%arg9 : memref<64x128xf32, #tpu.memory_space<vmem>>) offsets(%dma_start3A_387 : memref<64xi32, #tpu.memory_space<vmem>>) semaphore(%arg14 : memref<!tpu.dma_semaphore, #tpu.memory_space<semaphore_mem>>)
    %dma_start3A_391 = arith.constant 0 : i32
    %dma_start3A_392 = arith.constant 128 : i32
    %dma_start3A_393 = tpu.memref_slice %arg6[%dma_start3A_391, %dma_start3A_392] : memref<2x1280xi32, #tpu.memory_space<vmem>> -> memref<1x64xi32, #tpu.memory_space<vmem>>
    %dma_start3A_394 = tpu.memref_squeeze %dma_start3A_393 : memref<1x64xi32, #tpu.memory_space<vmem>> -> memref<64xi32, #tpu.memory_space<vmem>>
    %dma_start3A_395 = arith.constant 0 : i32
    %dma_start3A_396 = arith.constant 0 : i32
    %dma_start3A_397 = tpu.memref_slice %arg2[%dma_start3A_395, %dma_start3A_396] : memref<10000x128xf32, #tpu.memory_space<hbm>> -> memref<10000x128xf32, #tpu.memory_space<hbm>>
    tpu.enqueue_indirect_dma source(%dma_start3A_397 : memref<10000x128xf32, #tpu.memory_space<hbm>>) target(%arg10 : memref<64x128xf32, #tpu.memory_space<vmem>>) offsets(%dma_start3A_394 : memref<64xi32, #tpu.memory_space<vmem>>) semaphore(%arg15 : memref<!tpu.dma_semaphore, #tpu.memory_space<semaphore_mem>>)
    %dma_start3A_398 = arith.constant 0 : i32
    %dma_start3A_399 = arith.constant 192 : i32
    %dma_start3A_400 = tpu.memref_slice %arg6[%dma_start3A_398, %dma_start3A_399] : memref<2x1280xi32, #tpu.memory_space<vmem>> -> memref<1x64xi32, #tpu.memory_space<vmem>>
    %dma_start3A_401 = tpu.memref_squeeze %dma_start3A_400 : memref<1x64xi32, #tpu.memory_space<vmem>> -> memref<64xi32, #tpu.memory_space<vmem>>
    %dma_start3A_402 = arith.constant 0 : i32
    %dma_start3A_403 = arith.constant 0 : i32
    %dma_start3A_404 = tpu.memref_slice %arg2[%dma_start3A_402, %dma_start3A_403] : memref<10000x128xf32, #tpu.memory_space<hbm>> -> memref<10000x128xf32, #tpu.memory_space<hbm>>
    tpu.enqueue_indirect_dma source(%dma_start3A_404 : memref<10000x128xf32, #tpu.memory_space<hbm>>) target(%arg11 : memref<64x128xf32, #tpu.memory_space<vmem>>) offsets(%dma_start3A_401 : memref<64xi32, #tpu.memory_space<vmem>>) semaphore(%arg16 : memref<!tpu.dma_semaphore, #tpu.memory_space<semaphore_mem>>)
    %scan3A_405 = arith.constant 0 : i32
    %scan3A_406 = arith.constant 0 : i32
    %scan3A_407 = arith.constant 80 : i32
    %scan3A_408 = arith.addi %scan3A_406, %scan3A_407 : i32
    %scan3A_409 = arith.constant 1 : i32
    scf.for %scan3A_512 = %scan3A_406 to %scan3A_408 step %scan3A_409  : i32 {
      %mul3A_513 = arith.constant 16 : i32
      %mul3A_514 = arith.muli %scan3A_512, %mul3A_513 : i32
      %get3A = arith.constant 1 : i32
      %get3A_515 = arith.index_cast %get3A : i32 to index
      %get3A_516 = arith.index_cast %mul3A_514 : i32 to index
      %get3A_517 = tpu.vector_load %arg6[%get3A_515, %get3A_516] {strides = array<i32>} : memref<2x1280xi32, #tpu.memory_space<vmem>>, vector<1x16xi32>,
      %get3A_518 = vector.shape_cast %get3A_517 : vector<1x16xi32> to vector<16xi32>
      %jit3A = arith.constant 4 : i32
      %div3A = arith.divsi %scan3A_512, %jit3A : i32
      %sign3A = arith.constant 0 : i32
      %sign3A_519 = arith.cmpi sgt, %scan3A_512, %sign3A : i32
      %sign3A_520 = arith.extui %sign3A_519 : i1 to i32
      %sign3A_521 = arith.constant 0 : i32
      %sign3A_522 = arith.cmpi slt, %scan3A_512, %sign3A_521 : i32
      %sign3A_523 = arith.extui %sign3A_522 : i1 to i32
      %sign3A_524 = arith.subi %sign3A_520, %sign3A_523 : i32
      %sign3A_525 = arith.constant 0 : i32
      %sign3A_526 = arith.cmpi sgt, %jit3A, %sign3A_525 : i32
      %sign3A_527 = arith.extui %sign3A_526 : i1 to i32
      %sign3A_528 = arith.constant 0 : i32
      %sign3A_529 = arith.cmpi slt, %jit3A, %sign3A_528 : i32
      %sign3A_530 = arith.extui %sign3A_529 : i1 to i32
      %sign3A_531 = arith.subi %sign3A_527, %sign3A_530 : i32
      %ne3A = arith.cmpi ne, %sign3A_524, %sign3A_531 : i32
      %rem3A = arith.remsi %scan3A_512, %jit3A : i32
      %ne3A_532 = arith.constant 0 : i32
      %ne3A_533 = arith.cmpi ne, %rem3A, %ne3A_532 : i32
      %and3A = arith.andi %ne3A, %ne3A_533 : i1
      %sub3A = arith.constant 1 : i32
      %sub3A_534 = arith.subi %div3A, %sub3A : i32
      %select_n3A = arith.select %and3A, %sub3A_534, %div3A : i32
      %jit3A_535 = arith.constant 4 : i32
      %eq3A = arith.constant 0 : i32
      %eq3A_536 = arith.cmpi eq, %jit3A_535, %eq3A : i32
      %jit3A_537 = arith.constant 1 : i32
      %select_n3A_538 = arith.select %eq3A_536, %jit3A_537, %jit3A_535 : i32
      %rem3A_539 = arith.remsi %scan3A_512, %select_n3A_538 : i32
      %ne3A_540 = arith.constant 0 : i32
      %ne3A_541 = arith.cmpi ne, %rem3A_539, %ne3A_540 : i32
      %lt3A = arith.constant 0 : i32
      %lt3A_542 = arith.cmpi slt, %rem3A_539, %lt3A : i32
      %lt3A_543 = arith.constant 0 : i32
      %lt3A_544 = arith.cmpi slt, %select_n3A_538, %lt3A_543 : i32
      %ne3A_545 = arith.xori %lt3A_542, %lt3A_544 : i1
      %and3A_546 = arith.andi %ne3A_545, %ne3A_541 : i1
      %add3A_547 = arith.addi %rem3A_539, %select_n3A_538 : i32
      %select_n3A_548 = arith.select %and3A_546, %add3A_547, %rem3A_539 : i32
      %mul3A_549 = arith.constant 16 : i32
      %mul3A_550 = arith.muli %select_n3A_548, %mul3A_549 : i32
      %swap3A = arith.index_cast %select_n3A : i32 to index
      %swap3A_551 = arith.index_cast %mul3A_550 : i32 to index
      %swap3A_552 = tpu.vector_load %arg7[%swap3A, %swap3A_551] {strides = array<i32>} : memref<20x64xi32, #tpu.memory_space<vmem>>, vector<1x16xi32>,
      %swap3A_553 = vector.shape_cast %swap3A_552 : vector<1x16xi32> to vector<16xi32>
      %swap3A_554 = vector.shape_cast %get3A_518 : vector<16xi32> to vector<1x16xi32>
      tpu.vector_store %arg7[%swap3A, %swap3A_551], %swap3A_554 {strides = array<i32>} : memref<20x64xi32, #tpu.memory_space<vmem>>, vector<1x16xi32>,
    }
    %scan3A_410 = arith.constant 80 : i32
    %scan3A_411 = arith.constant 0 : i32
    %scan3A_412 = arith.constant 0 : i32
    %scan3A_413 = arith.constant 5 : i32
    %scan3A_414 = arith.addi %scan3A_412, %scan3A_413 : i32
    %scan3A_415 = arith.constant 1 : i32
    scf.for %scan3A_512 = %scan3A_412 to %scan3A_414 step %scan3A_415  : i32 {
      %mul3A_513 = arith.constant 4 : i32
      %mul3A_514 = arith.muli %mul3A_513, %scan3A_512 : i32
      %add3A_515 = arith.constant 0 : i32
      %add3A_516 = arith.addi %mul3A_514, %add3A_515 : i32
      %mul3A_517 = arith.constant 64 : i32
      %mul3A_518 = arith.muli %add3A_516, %mul3A_517 : i32
      %dma_wait3A_519 = arith.constant 0 : i32
      %dma_wait3A_520 = tpu.memref_slice %arg6[%dma_wait3A_519, %mul3A_518] : memref<2x1280xi32, #tpu.memory_space<vmem>> -> memref<1x64xi32, #tpu.memory_space<vmem>>
      %dma_wait3A_521 = tpu.memref_squeeze %dma_wait3A_520 : memref<1x64xi32, #tpu.memory_space<vmem>> -> memref<64xi32, #tpu.memory_space<vmem>>
      %dma_wait3A_522 = arith.constant 0 : i32
      %dma_wait3A_523 = arith.constant 0 : i32
      %dma_wait3A_524 = tpu.memref_slice %arg2[%dma_wait3A_522, %dma_wait3A_523] : memref<10000x128xf32, #tpu.memory_space<hbm>> -> memref<10000x128xf32, #tpu.memory_space<hbm>>
      tpu.wait_indirect_dma semaphore(%arg13 : memref<!tpu.dma_semaphore, #tpu.memory_space<semaphore_mem>>) src(%dma_wait3A_524 : memref<10000x128xf32, #tpu.memory_space<hbm>>) dst(%arg8 : memref<64x128xf32, #tpu.memory_space<vmem>>)
      %add3A_525 = arith.constant 0 : i32
      %add3A_526 = arith.addi %mul3A_514, %add3A_525 : i32
      "tpu.region"() ({
        %run_scoped3A = tpu.sem_alloc : memref<!tpu.dma_semaphore, #tpu.memory_space<semaphore_mem>>
        %dma_start3A_596 = arith.constant 0 : i32
        %dma_start3A_597 = tpu.memref_slice %arg7[%add3A_526, %dma_start3A_596] : memref<20x64xi32, #tpu.memory_space<vmem>> -> memref<1x64xi32, #tpu.memory_space<vmem>>
        %dma_start3A_598 = tpu.memref_squeeze %dma_start3A_597 : memref<1x64xi32, #tpu.memory_space<vmem>> -> memref<64xi32, #tpu.memory_space<vmem>>
        %dma_start3A_599 = arith.constant 0 : i32
        %dma_start3A_600 = arith.constant 0 : i32
        %dma_start3A_601 = tpu.memref_slice %arg12[%dma_start3A_599, %dma_start3A_600] : memref<10112x128xf32, #tpu.memory_space<vmem_shared>> -> memref<10112x128xf32, #tpu.memory_space<vmem_shared>>
        tpu.enqueue_indirect_dma source(%arg8 : memref<64x128xf32, #tpu.memory_space<vmem>>) target(%dma_start3A_601 : memref<10112x128xf32, #tpu.memory_space<vmem_shared>>) offsets(%dma_start3A_598 : memref<64xi32, #tpu.memory_space<vmem>>) semaphore(%run_scoped3A : memref<!tpu.dma_semaphore, #tpu.memory_space<semaphore_mem>>) {add = true}
        %dma_wait3A_602 = arith.constant 0 : i32
        %dma_wait3A_603 = tpu.memref_slice %arg7[%add3A_526, %dma_wait3A_602] : memref<20x64xi32, #tpu.memory_space<vmem>> -> memref<1x64xi32, #tpu.memory_space<vmem>>
        %dma_wait3A_604 = tpu.memref_squeeze %dma_wait3A_603 : memref<1x64xi32, #tpu.memory_space<vmem>> -> memref<64xi32, #tpu.memory_space<vmem>>
        %dma_wait3A_605 = arith.constant 0 : i32
        %dma_wait3A_606 = arith.constant 0 : i32
        %dma_wait3A_607 = tpu.memref_slice %arg12[%dma_wait3A_605, %dma_wait3A_606] : memref<10112x128xf32, #tpu.memory_space<vmem_shared>> -> memref<10112x128xf32, #tpu.memory_space<vmem_shared>>
        tpu.wait_indirect_dma semaphore(%run_scoped3A : memref<!tpu.dma_semaphore, #tpu.memory_space<semaphore_mem>>) src(%arg8 : memref<64x128xf32, #tpu.memory_space<vmem>>) dst(%dma_wait3A_607 : memref<10112x128xf32, #tpu.memory_space<vmem_shared>>)
        tpu.yield
      }) : () -> ()
      %add3A_527 = arith.constant 0 : i32
      %add3A_528 = arith.addi %mul3A_514, %add3A_527 : i32
      %add3A_529 = arith.constant 4 : i32
      %add3A_530 = arith.addi %add3A_528, %add3A_529 : i32
      %lt3A = arith.constant 20 : i32
      %lt3A_531 = arith.cmpi slt, %add3A_530, %lt3A : i32
      %convert_element_type3A = arith.extui %lt3A_531 : i1 to i32
      %cond3A = arith.constant 0 : i32
      %cond3A_532 = arith.cmpi ne, %convert_element_type3A, %cond3A : i32
      scf.if %cond3A_532 {
        %add3A_596 = arith.constant 0 : i32
        %add3A_597 = arith.addi %mul3A_514, %add3A_596 : i32
        %add3A_598 = arith.constant 4 : i32
        %add3A_599 = arith.addi %add3A_597, %add3A_598 : i32
        %mul3A_600 = arith.constant 64 : i32
        %mul3A_601 = arith.muli %add3A_599, %mul3A_600 : i32
        %dma_start3A_602 = arith.constant 0 : i32
        %dma_start3A_603 = tpu.memref_slice %arg6[%dma_start3A_602, %mul3A_601] : memref<2x1280xi32, #tpu.memory_space<vmem>> -> memref<1x64xi32, #tpu.memory_space<vmem>>
        %dma_start3A_604 = tpu.memref_squeeze %dma_start3A_603 : memref<1x64xi32, #tpu.memory_space<vmem>> -> memref<64xi32, #tpu.memory_space<vmem>>
        %dma_start3A_605 = arith.constant 0 : i32
        %dma_start3A_606 = arith.constant 0 : i32
        %dma_start3A_607 = tpu.memref_slice %arg2[%dma_start3A_605, %dma_start3A_606] : memref<10000x128xf32, #tpu.memory_space<hbm>> -> memref<10000x128xf32, #tpu.memory_space<hbm>>
        tpu.enqueue_indirect_dma source(%dma_start3A_607 : memref<10000x128xf32, #tpu.memory_space<hbm>>) target(%arg8 : memref<64x128xf32, #tpu.memory_space<vmem>>) offsets(%dma_start3A_604 : memref<64xi32, #tpu.memory_space<vmem>>) semaphore(%arg13 : memref<!tpu.dma_semaphore, #tpu.memory_space<semaphore_mem>>)
      } else {
      }
      %add3A_533 = arith.constant 1 : i32
      %add3A_534 = arith.addi %mul3A_514, %add3A_533 : i32
      %mul3A_535 = arith.constant 64 : i32
      %mul3A_536 = arith.muli %add3A_534, %mul3A_535 : i32
      %dma_wait3A_537 = arith.constant 0 : i32
      %dma_wait3A_538 = tpu.memref_slice %arg6[%dma_wait3A_537, %mul3A_536] : memref<2x1280xi32, #tpu.memory_space<vmem>> -> memref<1x64xi32, #tpu.memory_space<vmem>>
      %dma_wait3A_539 = tpu.memref_squeeze %dma_wait3A_538 : memref<1x64xi32, #tpu.memory_space<vmem>> -> memref<64xi32, #tpu.memory_space<vmem>>
      %dma_wait3A_540 = arith.constant 0 : i32
      %dma_wait3A_541 = arith.constant 0 : i32
      %dma_wait3A_542 = tpu.memref_slice %arg2[%dma_wait3A_540, %dma_wait3A_541] : memref<10000x128xf32, #tpu.memory_space<hbm>> -> memref<10000x128xf32, #tpu.memory_space<hbm>>
      tpu.wait_indirect_dma semaphore(%arg14 : memref<!tpu.dma_semaphore, #tpu.memory_space<semaphore_mem>>) src(%dma_wait3A_542 : memref<10000x128xf32, #tpu.memory_space<hbm>>) dst(%arg9 : memref<64x128xf32, #tpu.memory_space<vmem>>)
      %add3A_543 = arith.constant 1 : i32
      %add3A_544 = arith.addi %mul3A_514, %add3A_543 : i32
      "tpu.region"() ({
        %run_scoped3A = tpu.sem_alloc : memref<!tpu.dma_semaphore, #tpu.memory_space<semaphore_mem>>
        %dma_start3A_596 = arith.constant 0 : i32
        %dma_start3A_597 = tpu.memref_slice %arg7[%add3A_544, %dma_start3A_596] : memref<20x64xi32, #tpu.memory_space<vmem>> -> memref<1x64xi32, #tpu.memory_space<vmem>>
        %dma_start3A_598 = tpu.memref_squeeze %dma_start3A_597 : memref<1x64xi32, #tpu.memory_space<vmem>> -> memref<64xi32, #tpu.memory_space<vmem>>
        %dma_start3A_599 = arith.constant 0 : i32
        %dma_start3A_600 = arith.constant 0 : i32
        %dma_start3A_601 = tpu.memref_slice %arg12[%dma_start3A_599, %dma_start3A_600] : memref<10112x128xf32, #tpu.memory_space<vmem_shared>> -> memref<10112x128xf32, #tpu.memory_space<vmem_shared>>
        tpu.enqueue_indirect_dma source(%arg9 : memref<64x128xf32, #tpu.memory_space<vmem>>) target(%dma_start3A_601 : memref<10112x128xf32, #tpu.memory_space<vmem_shared>>) offsets(%dma_start3A_598 : memref<64xi32, #tpu.memory_space<vmem>>) semaphore(%run_scoped3A : memref<!tpu.dma_semaphore, #tpu.memory_space<semaphore_mem>>) {add = true}
        %dma_wait3A_602 = arith.constant 0 : i32
        %dma_wait3A_603 = tpu.memref_slice %arg7[%add3A_544, %dma_wait3A_602] : memref<20x64xi32, #tpu.memory_space<vmem>> -> memref<1x64xi32, #tpu.memory_space<vmem>>
        %dma_wait3A_604 = tpu.memref_squeeze %dma_wait3A_603 : memref<1x64xi32, #tpu.memory_space<vmem>> -> memref<64xi32, #tpu.memory_space<vmem>>
        %dma_wait3A_605 = arith.constant 0 : i32
        %dma_wait3A_606 = arith.constant 0 : i32
        %dma_wait3A_607 = tpu.memref_slice %arg12[%dma_wait3A_605, %dma_wait3A_606] : memref<10112x128xf32, #tpu.memory_space<vmem_shared>> -> memref<10112x128xf32, #tpu.memory_space<vmem_shared>>
        tpu.wait_indirect_dma semaphore(%run_scoped3A : memref<!tpu.dma_semaphore, #tpu.memory_space<semaphore_mem>>) src(%arg9 : memref<64x128xf32, #tpu.memory_space<vmem>>) dst(%dma_wait3A_607 : memref<10112x128xf32, #tpu.memory_space<vmem_shared>>)
        tpu.yield
      }) : () -> ()
      %add3A_545 = arith.constant 1 : i32
      %add3A_546 = arith.addi %mul3A_514, %add3A_545 : i32
      %add3A_547 = arith.constant 4 : i32
      %add3A_548 = arith.addi %add3A_546, %add3A_547 : i32
      %lt3A_549 = arith.constant 20 : i32
      %lt3A_550 = arith.cmpi slt, %add3A_548, %lt3A_549 : i32
      %convert_element_type3A_551 = arith.extui %lt3A_550 : i1 to i32
      %cond3A_552 = arith.constant 0 : i32
      %cond3A_553 = arith.cmpi ne, %convert_element_type3A_551, %cond3A_552 : i32
      scf.if %cond3A_553 {
        %add3A_596 = arith.constant 1 : i32
        %add3A_597 = arith.addi %mul3A_514, %add3A_596 : i32
        %add3A_598 = arith.constant 4 : i32
        %add3A_599 = arith.addi %add3A_597, %add3A_598 : i32
        %mul3A_600 = arith.constant 64 : i32
        %mul3A_601 = arith.muli %add3A_599, %mul3A_600 : i32
        %dma_start3A_602 = arith.constant 0 : i32
        %dma_start3A_603 = tpu.memref_slice %arg6[%dma_start3A_602, %mul3A_601] : memref<2x1280xi32, #tpu.memory_space<vmem>> -> memref<1x64xi32, #tpu.memory_space<vmem>>
        %dma_start3A_604 = tpu.memref_squeeze %dma_start3A_603 : memref<1x64xi32, #tpu.memory_space<vmem>> -> memref<64xi32, #tpu.memory_space<vmem>>
        %dma_start3A_605 = arith.constant 0 : i32
        %dma_start3A_606 = arith.constant 0 : i32
        %dma_start3A_607 = tpu.memref_slice %arg2[%dma_start3A_605, %dma_start3A_606] : memref<10000x128xf32, #tpu.memory_space<hbm>> -> memref<10000x128xf32, #tpu.memory_space<hbm>>
        tpu.enqueue_indirect_dma source(%dma_start3A_607 : memref<10000x128xf32, #tpu.memory_space<hbm>>) target(%arg9 : memref<64x128xf32, #tpu.memory_space<vmem>>) offsets(%dma_start3A_604 : memref<64xi32, #tpu.memory_space<vmem>>) semaphore(%arg14 : memref<!tpu.dma_semaphore, #tpu.memory_space<semaphore_mem>>)
      } else {
      }
      %add3A_554 = arith.constant 2 : i32
      %add3A_555 = arith.addi %mul3A_514, %add3A_554 : i32
      %mul3A_556 = arith.constant 64 : i32
      %mul3A_557 = arith.muli %add3A_555, %mul3A_556 : i32
      %dma_wait3A_558 = arith.constant 0 : i32
      %dma_wait3A_559 = tpu.memref_slice %arg6[%dma_wait3A_558, %mul3A_557] : memref<2x1280xi32, #tpu.memory_space<vmem>> -> memref<1x64xi32, #tpu.memory_space<vmem>>
      %dma_wait3A_560 = tpu.memref_squeeze %dma_wait3A_559 : memref<1x64xi32, #tpu.memory_space<vmem>> -> memref<64xi32, #tpu.memory_space<vmem>>
      %dma_wait3A_561 = arith.constant 0 : i32
      %dma_wait3A_562 = arith.constant 0 : i32
      %dma_wait3A_563 = tpu.memref_slice %arg2[%dma_wait3A_561, %dma_wait3A_562] : memref<10000x128xf32, #tpu.memory_space<hbm>> -> memref<10000x128xf32, #tpu.memory_space<hbm>>
      tpu.wait_indirect_dma semaphore(%arg15 : memref<!tpu.dma_semaphore, #tpu.memory_space<semaphore_mem>>) src(%dma_wait3A_563 : memref<10000x128xf32, #tpu.memory_space<hbm>>) dst(%arg10 : memref<64x128xf32, #tpu.memory_space<vmem>>)
      %add3A_564 = arith.constant 2 : i32
      %add3A_565 = arith.addi %mul3A_514, %add3A_564 : i32
      "tpu.region"() ({
        %run_scoped3A = tpu.sem_alloc : memref<!tpu.dma_semaphore, #tpu.memory_space<semaphore_mem>>
        %dma_start3A_596 = arith.constant 0 : i32
        %dma_start3A_597 = tpu.memref_slice %arg7[%add3A_565, %dma_start3A_596] : memref<20x64xi32, #tpu.memory_space<vmem>> -> memref<1x64xi32, #tpu.memory_space<vmem>>
        %dma_start3A_598 = tpu.memref_squeeze %dma_start3A_597 : memref<1x64xi32, #tpu.memory_space<vmem>> -> memref<64xi32, #tpu.memory_space<vmem>>
        %dma_start3A_599 = arith.constant 0 : i32
        %dma_start3A_600 = arith.constant 0 : i32
        %dma_start3A_601 = tpu.memref_slice %arg12[%dma_start3A_599, %dma_start3A_600] : memref<10112x128xf32, #tpu.memory_space<vmem_shared>> -> memref<10112x128xf32, #tpu.memory_space<vmem_shared>>
        tpu.enqueue_indirect_dma source(%arg10 : memref<64x128xf32, #tpu.memory_space<vmem>>) target(%dma_start3A_601 : memref<10112x128xf32, #tpu.memory_space<vmem_shared>>) offsets(%dma_start3A_598 : memref<64xi32, #tpu.memory_space<vmem>>) semaphore(%run_scoped3A : memref<!tpu.dma_semaphore, #tpu.memory_space<semaphore_mem>>) {add = true}
        %dma_wait3A_602 = arith.constant 0 : i32
        %dma_wait3A_603 = tpu.memref_slice %arg7[%add3A_565, %dma_wait3A_602] : memref<20x64xi32, #tpu.memory_space<vmem>> -> memref<1x64xi32, #tpu.memory_space<vmem>>
        %dma_wait3A_604 = tpu.memref_squeeze %dma_wait3A_603 : memref<1x64xi32, #tpu.memory_space<vmem>> -> memref<64xi32, #tpu.memory_space<vmem>>
        %dma_wait3A_605 = arith.constant 0 : i32
        %dma_wait3A_606 = arith.constant 0 : i32
        %dma_wait3A_607 = tpu.memref_slice %arg12[%dma_wait3A_605, %dma_wait3A_606] : memref<10112x128xf32, #tpu.memory_space<vmem_shared>> -> memref<10112x128xf32, #tpu.memory_space<vmem_shared>>
        tpu.wait_indirect_dma semaphore(%run_scoped3A : memref<!tpu.dma_semaphore, #tpu.memory_space<semaphore_mem>>) src(%arg10 : memref<64x128xf32, #tpu.memory_space<vmem>>) dst(%dma_wait3A_607 : memref<10112x128xf32, #tpu.memory_space<vmem_shared>>)
        tpu.yield
      }) : () -> ()
      %add3A_566 = arith.constant 2 : i32
      %add3A_567 = arith.addi %mul3A_514, %add3A_566 : i32
      %add3A_568 = arith.constant 4 : i32
      %add3A_569 = arith.addi %add3A_567, %add3A_568 : i32
      %lt3A_570 = arith.constant 20 : i32
      %lt3A_571 = arith.cmpi slt, %add3A_569, %lt3A_570 : i32
      %convert_element_type3A_572 = arith.extui %lt3A_571 : i1 to i32
      %cond3A_573 = arith.constant 0 : i32
      %cond3A_574 = arith.cmpi ne, %convert_element_type3A_572, %cond3A_573 : i32
      scf.if %cond3A_574 {
        %add3A_596 = arith.constant 2 : i32
        %add3A_597 = arith.addi %mul3A_514, %add3A_596 : i32
        %add3A_598 = arith.constant 4 : i32
        %add3A_599 = arith.addi %add3A_597, %add3A_598 : i32
        %mul3A_600 = arith.constant 64 : i32
        %mul3A_601 = arith.muli %add3A_599, %mul3A_600 : i32
        %dma_start3A_602 = arith.constant 0 : i32
        %dma_start3A_603 = tpu.memref_slice %arg6[%dma_start3A_602, %mul3A_601] : memref<2x1280xi32, #tpu.memory_space<vmem>> -> memref<1x64xi32, #tpu.memory_space<vmem>>
        %dma_start3A_604 = tpu.memref_squeeze %dma_start3A_603 : memref<1x64xi32, #tpu.memory_space<vmem>> -> memref<64xi32, #tpu.memory_space<vmem>>
        %dma_start3A_605 = arith.constant 0 : i32
        %dma_start3A_606 = arith.constant 0 : i32
        %dma_start3A_607 = tpu.memref_slice %arg2[%dma_start3A_605, %dma_start3A_606] : memref<10000x128xf32, #tpu.memory_space<hbm>> -> memref<10000x128xf32, #tpu.memory_space<hbm>>
        tpu.enqueue_indirect_dma source(%dma_start3A_607 : memref<10000x128xf32, #tpu.memory_space<hbm>>) target(%arg10 : memref<64x128xf32, #tpu.memory_space<vmem>>) offsets(%dma_start3A_604 : memref<64xi32, #tpu.memory_space<vmem>>) semaphore(%arg15 : memref<!tpu.dma_semaphore, #tpu.memory_space<semaphore_mem>>)
      } else {
      }
      %add3A_575 = arith.constant 3 : i32
      %add3A_576 = arith.addi %mul3A_514, %add3A_575 : i32
      %mul3A_577 = arith.constant 64 : i32
      %mul3A_578 = arith.muli %add3A_576, %mul3A_577 : i32
      %dma_wait3A_579 = arith.constant 0 : i32
      %dma_wait3A_580 = tpu.memref_slice %arg6[%dma_wait3A_579, %mul3A_578] : memref<2x1280xi32, #tpu.memory_space<vmem>> -> memref<1x64xi32, #tpu.memory_space<vmem>>
      %dma_wait3A_581 = tpu.memref_squeeze %dma_wait3A_580 : memref<1x64xi32, #tpu.memory_space<vmem>> -> memref<64xi32, #tpu.memory_space<vmem>>
      %dma_wait3A_582 = arith.constant 0 : i32
      %dma_wait3A_583 = arith.constant 0 : i32
      %dma_wait3A_584 = tpu.memref_slice %arg2[%dma_wait3A_582, %dma_wait3A_583] : memref<10000x128xf32, #tpu.memory_space<hbm>> -> memref<10000x128xf32, #tpu.memory_space<hbm>>
      tpu.wait_indirect_dma semaphore(%arg16 : memref<!tpu.dma_semaphore, #tpu.memory_space<semaphore_mem>>) src(%dma_wait3A_584 : memref<10000x128xf32, #tpu.memory_space<hbm>>) dst(%arg11 : memref<64x128xf32, #tpu.memory_space<vmem>>)
      %add3A_585 = arith.constant 3 : i32
      %add3A_586 = arith.addi %mul3A_514, %add3A_585 : i32
      "tpu.region"() ({
        %run_scoped3A = tpu.sem_alloc : memref<!tpu.dma_semaphore, #tpu.memory_space<semaphore_mem>>
        %dma_start3A_596 = arith.constant 0 : i32
        %dma_start3A_597 = tpu.memref_slice %arg7[%add3A_586, %dma_start3A_596] : memref<20x64xi32, #tpu.memory_space<vmem>> -> memref<1x64xi32, #tpu.memory_space<vmem>>
        %dma_start3A_598 = tpu.memref_squeeze %dma_start3A_597 : memref<1x64xi32, #tpu.memory_space<vmem>> -> memref<64xi32, #tpu.memory_space<vmem>>
        %dma_start3A_599 = arith.constant 0 : i32
        %dma_start3A_600 = arith.constant 0 : i32
        %dma_start3A_601 = tpu.memref_slice %arg12[%dma_start3A_599, %dma_start3A_600] : memref<10112x128xf32, #tpu.memory_space<vmem_shared>> -> memref<10112x128xf32, #tpu.memory_space<vmem_shared>>
        tpu.enqueue_indirect_dma source(%arg11 : memref<64x128xf32, #tpu.memory_space<vmem>>) target(%dma_start3A_601 : memref<10112x128xf32, #tpu.memory_space<vmem_shared>>) offsets(%dma_start3A_598 : memref<64xi32, #tpu.memory_space<vmem>>) semaphore(%run_scoped3A : memref<!tpu.dma_semaphore, #tpu.memory_space<semaphore_mem>>) {add = true}
        %dma_wait3A_602 = arith.constant 0 : i32
        %dma_wait3A_603 = tpu.memref_slice %arg7[%add3A_586, %dma_wait3A_602] : memref<20x64xi32, #tpu.memory_space<vmem>> -> memref<1x64xi32, #tpu.memory_space<vmem>>
        %dma_wait3A_604 = tpu.memref_squeeze %dma_wait3A_603 : memref<1x64xi32, #tpu.memory_space<vmem>> -> memref<64xi32, #tpu.memory_space<vmem>>
        %dma_wait3A_605 = arith.constant 0 : i32
        %dma_wait3A_606 = arith.constant 0 : i32
        %dma_wait3A_607 = tpu.memref_slice %arg12[%dma_wait3A_605, %dma_wait3A_606] : memref<10112x128xf32, #tpu.memory_space<vmem_shared>> -> memref<10112x128xf32, #tpu.memory_space<vmem_shared>>
        tpu.wait_indirect_dma semaphore(%run_scoped3A : memref<!tpu.dma_semaphore, #tpu.memory_space<semaphore_mem>>) src(%arg11 : memref<64x128xf32, #tpu.memory_space<vmem>>) dst(%dma_wait3A_607 : memref<10112x128xf32, #tpu.memory_space<vmem_shared>>)
        tpu.yield
      }) : () -> ()
      %add3A_587 = arith.constant 3 : i32
      %add3A_588 = arith.addi %mul3A_514, %add3A_587 : i32
      %add3A_589 = arith.constant 4 : i32
      %add3A_590 = arith.addi %add3A_588, %add3A_589 : i32
      %lt3A_591 = arith.constant 20 : i32
      %lt3A_592 = arith.cmpi slt, %add3A_590, %lt3A_591 : i32
      %convert_element_type3A_593 = arith.extui %lt3A_592 : i1 to i32
      %cond3A_594 = arith.constant 0 : i32
      %cond3A_595 = arith.cmpi ne, %convert_element_type3A_593, %cond3A_594 : i32
      scf.if %cond3A_595 {
        %add3A_596 = arith.constant 3 : i32
        %add3A_597 = arith.addi %mul3A_514, %add3A_596 : i32
        %add3A_598 = arith.constant 4 : i32
        %add3A_599 = arith.addi %add3A_597, %add3A_598 : i32
        %mul3A_600 = arith.constant 64 : i32
        %mul3A_601 = arith.muli %add3A_599, %mul3A_600 : i32
        %dma_start3A_602 = arith.constant 0 : i32
        %dma_start3A_603 = tpu.memref_slice %arg6[%dma_start3A_602, %mul3A_601] : memref<2x1280xi32, #tpu.memory_space<vmem>> -> memref<1x64xi32, #tpu.memory_space<vmem>>
        %dma_start3A_604 = tpu.memref_squeeze %dma_start3A_603 : memref<1x64xi32, #tpu.memory_space<vmem>> -> memref<64xi32, #tpu.memory_space<vmem>>
        %dma_start3A_605 = arith.constant 0 : i32
        %dma_start3A_606 = arith.constant 0 : i32
        %dma_start3A_607 = tpu.memref_slice %arg2[%dma_start3A_605, %dma_start3A_606] : memref<10000x128xf32, #tpu.memory_space<hbm>> -> memref<10000x128xf32, #tpu.memory_space<hbm>>
        tpu.enqueue_indirect_dma source(%dma_start3A_607 : memref<10000x128xf32, #tpu.memory_space<hbm>>) target(%arg11 : memref<64x128xf32, #tpu.memory_space<vmem>>) offsets(%dma_start3A_604 : memref<64xi32, #tpu.memory_space<vmem>>) semaphore(%arg16 : memref<!tpu.dma_semaphore, #tpu.memory_space<semaphore_mem>>)
      } else {
      }
    }
    %scan3A_416 = arith.constant 5 : i32
    %add3A_417 = arith.constant 8960 : i32
    %add3A_418 = arith.addi %mul3A_75, %add3A_417 : i32
    %dma_start3A_419 = arith.constant 0 : i32
    %dma_start3A_420 = tpu.memref_slice %arg3[%dma_start3A_419, %add3A_418] : memref<2x327680xi32, #tpu.memory_space<hbm>> -> memref<2x1280xi32, #tpu.memory_space<hbm>>
    %dma_start3A_421 = arith.constant 0 : i32
    %dma_start3A_422 = tpu.memref_slice %arg3[%dma_start3A_421, %add3A_418] : memref<2x327680xi32, #tpu.memory_space<hbm>> -> memref<2x1280xi32, #tpu.memory_space<hbm>>
    tpu.enqueue_dma source(%dma_start3A_422 : memref<2x1280xi32, #tpu.memory_space<hbm>>) target(%arg6 : memref<2x1280xi32, #tpu.memory_space<vmem>>) target_semaphore(%arg19 : memref<!tpu.dma_semaphore, #tpu.memory_space<semaphore_mem>>)
    %dma_wait3A_423 = arith.constant 0 : i32
    %dma_wait3A_424 = tpu.memref_slice %arg3[%dma_wait3A_423, %add3A_368] : memref<2x327680xi32, #tpu.memory_space<hbm>> -> memref<2x1280xi32, #tpu.memory_space<hbm>>
    %dma_wait3A_425 = arith.constant 0 : i32
    %dma_wait3A_426 = tpu.memref_slice %arg3[%dma_wait3A_425, %add3A_368] : memref<2x327680xi32, #tpu.memory_space<hbm>> -> memref<2x1280xi32, #tpu.memory_space<hbm>>
    tpu.wait_dma2 semaphore(%arg18 : memref<!tpu.dma_semaphore, #tpu.memory_space<semaphore_mem>>) src(%dma_wait3A_426 : memref<2x1280xi32, #tpu.memory_space<hbm>>) dst(%arg5 : memref<2x1280xi32, #tpu.memory_space<vmem>>)
    %dma_start3A_427 = arith.constant 0 : i32
    %dma_start3A_428 = arith.constant 0 : i32
    %dma_start3A_429 = tpu.memref_slice %arg5[%dma_start3A_427, %dma_start3A_428] : memref<2x1280xi32, #tpu.memory_space<vmem>> -> memref<1x64xi32, #tpu.memory_space<vmem>>
    %dma_start3A_430 = tpu.memref_squeeze %dma_start3A_429 : memref<1x64xi32, #tpu.memory_space<vmem>> -> memref<64xi32, #tpu.memory_space<vmem>>
    %dma_start3A_431 = arith.constant 0 : i32
    %dma_start3A_432 = arith.constant 0 : i32
    %dma_start3A_433 = tpu.memref_slice %arg2[%dma_start3A_431, %dma_start3A_432] : memref<10000x128xf32, #tpu.memory_space<hbm>> -> memref<10000x128xf32, #tpu.memory_space<hbm>>
    tpu.enqueue_indirect_dma source(%dma_start3A_433 : memref<10000x128xf32, #tpu.memory_space<hbm>>) target(%arg8 : memref<64x128xf32, #tpu.memory_space<vmem>>) offsets(%dma_start3A_430 : memref<64xi32, #tpu.memory_space<vmem>>) semaphore(%arg13 : memref<!tpu.dma_semaphore, #tpu.memory_space<semaphore_mem>>)
    %dma_start3A_434 = arith.constant 0 : i32
    %dma_start3A_435 = arith.constant 64 : i32
    %dma_start3A_436 = tpu.memref_slice %arg5[%dma_start3A_434, %dma_start3A_435] : memref<2x1280xi32, #tpu.memory_space<vmem>> -> memref<1x64xi32, #tpu.memory_space<vmem>>
    %dma_start3A_437 = tpu.memref_squeeze %dma_start3A_436 : memref<1x64xi32, #tpu.memory_space<vmem>> -> memref<64xi32, #tpu.memory_space<vmem>>
    %dma_start3A_438 = arith.constant 0 : i32
    %dma_start3A_439 = arith.constant 0 : i32
    %dma_start3A_440 = tpu.memref_slice %arg2[%dma_start3A_438, %dma_start3A_439] : memref<10000x128xf32, #tpu.memory_space<hbm>> -> memref<10000x128xf32, #tpu.memory_space<hbm>>
    tpu.enqueue_indirect_dma source(%dma_start3A_440 : memref<10000x128xf32, #tpu.memory_space<hbm>>) target(%arg9 : memref<64x128xf32, #tpu.memory_space<vmem>>) offsets(%dma_start3A_437 : memref<64xi32, #tpu.memory_space<vmem>>) semaphore(%arg14 : memref<!tpu.dma_semaphore, #tpu.memory_space<semaphore_mem>>)
    %dma_start3A_441 = arith.constant 0 : i32
    %dma_start3A_442 = arith.constant 128 : i32
    %dma_start3A_443 = tpu.memref_slice %arg5[%dma_start3A_441, %dma_start3A_442] : memref<2x1280xi32, #tpu.memory_space<vmem>> -> memref<1x64xi32, #tpu.memory_space<vmem>>
    %dma_start3A_444 = tpu.memref_squeeze %dma_start3A_443 : memref<1x64xi32, #tpu.memory_space<vmem>> -> memref<64xi32, #tpu.memory_space<vmem>>
    %dma_start3A_445 = arith.constant 0 : i32
    %dma_start3A_446 = arith.constant 0 : i32
    %dma_start3A_447 = tpu.memref_slice %arg2[%dma_start3A_445, %dma_start3A_446] : memref<10000x128xf32, #tpu.memory_space<hbm>> -> memref<10000x128xf32, #tpu.memory_space<hbm>>
    tpu.enqueue_indirect_dma source(%dma_start3A_447 : memref<10000x128xf32, #tpu.memory_space<hbm>>) target(%arg10 : memref<64x128xf32, #tpu.memory_space<vmem>>) offsets(%dma_start3A_444 : memref<64xi32, #tpu.memory_space<vmem>>) semaphore(%arg15 : memref<!tpu.dma_semaphore, #tpu.memory_space<semaphore_mem>>)
    %dma_start3A_448 = arith.constant 0 : i32
    %dma_start3A_449 = arith.constant 192 : i32
    %dma_start3A_450 = tpu.memref_slice %arg5[%dma_start3A_448, %dma_start3A_449] : memref<2x1280xi32, #tpu.memory_space<vmem>> -> memref<1x64xi32, #tpu.memory_space<vmem>>
    %dma_start3A_451 = tpu.memref_squeeze %dma_start3A_450 : memref<1x64xi32, #tpu.memory_space<vmem>> -> memref<64xi32, #tpu.memory_space<vmem>>
    %dma_start3A_452 = arith.constant 0 : i32
    %dma_start3A_453 = arith.constant 0 : i32
    %dma_start3A_454 = tpu.memref_slice %arg2[%dma_start3A_452, %dma_start3A_453] : memref<10000x128xf32, #tpu.memory_space<hbm>> -> memref<10000x128xf32, #tpu.memory_space<hbm>>
    tpu.enqueue_indirect_dma source(%dma_start3A_454 : memref<10000x128xf32, #tpu.memory_space<hbm>>) target(%arg11 : memref<64x128xf32, #tpu.memory_space<vmem>>) offsets(%dma_start3A_451 : memref<64xi32, #tpu.memory_space<vmem>>) semaphore(%arg16 : memref<!tpu.dma_semaphore, #tpu.memory_space<semaphore_mem>>)
    %scan3A_455 = arith.constant 0 : i32
    %scan3A_456 = arith.constant 0 : i32
    %scan3A_457 = arith.constant 80 : i32
    %scan3A_458 = arith.addi %scan3A_456, %scan3A_457 : i32
    %scan3A_459 = arith.constant 1 : i32
    scf.for %scan3A_512 = %scan3A_456 to %scan3A_458 step %scan3A_459  : i32 {
      %mul3A_513 = arith.constant 16 : i32
      %mul3A_514 = arith.muli %scan3A_512, %mul3A_513 : i32
      %get3A = arith.constant 1 : i32
      %get3A_515 = arith.index_cast %get3A : i32 to index
      %get3A_516 = arith.index_cast %mul3A_514 : i32 to index
      %get3A_517 = tpu.vector_load %arg5[%get3A_515, %get3A_516] {strides = array<i32>} : memref<2x1280xi32, #tpu.memory_space<vmem>>, vector<1x16xi32>,
      %get3A_518 = vector.shape_cast %get3A_517 : vector<1x16xi32> to vector<16xi32>
      %jit3A = arith.constant 4 : i32
      %div3A = arith.divsi %scan3A_512, %jit3A : i32
      %sign3A = arith.constant 0 : i32
      %sign3A_519 = arith.cmpi sgt, %scan3A_512, %sign3A : i32
      %sign3A_520 = arith.extui %sign3A_519 : i1 to i32
      %sign3A_521 = arith.constant 0 : i32
      %sign3A_522 = arith.cmpi slt, %scan3A_512, %sign3A_521 : i32
      %sign3A_523 = arith.extui %sign3A_522 : i1 to i32
      %sign3A_524 = arith.subi %sign3A_520, %sign3A_523 : i32
      %sign3A_525 = arith.constant 0 : i32
      %sign3A_526 = arith.cmpi sgt, %jit3A, %sign3A_525 : i32
      %sign3A_527 = arith.extui %sign3A_526 : i1 to i32
      %sign3A_528 = arith.constant 0 : i32
      %sign3A_529 = arith.cmpi slt, %jit3A, %sign3A_528 : i32
      %sign3A_530 = arith.extui %sign3A_529 : i1 to i32
      %sign3A_531 = arith.subi %sign3A_527, %sign3A_530 : i32
      %ne3A = arith.cmpi ne, %sign3A_524, %sign3A_531 : i32
      %rem3A = arith.remsi %scan3A_512, %jit3A : i32
      %ne3A_532 = arith.constant 0 : i32
      %ne3A_533 = arith.cmpi ne, %rem3A, %ne3A_532 : i32
      %and3A = arith.andi %ne3A, %ne3A_533 : i1
      %sub3A = arith.constant 1 : i32
      %sub3A_534 = arith.subi %div3A, %sub3A : i32
      %select_n3A = arith.select %and3A, %sub3A_534, %div3A : i32
      %jit3A_535 = arith.constant 4 : i32
      %eq3A = arith.constant 0 : i32
      %eq3A_536 = arith.cmpi eq, %jit3A_535, %eq3A : i32
      %jit3A_537 = arith.constant 1 : i32
      %select_n3A_538 = arith.select %eq3A_536, %jit3A_537, %jit3A_535 : i32
      %rem3A_539 = arith.remsi %scan3A_512, %select_n3A_538 : i32
      %ne3A_540 = arith.constant 0 : i32
      %ne3A_541 = arith.cmpi ne, %rem3A_539, %ne3A_540 : i32
      %lt3A = arith.constant 0 : i32
      %lt3A_542 = arith.cmpi slt, %rem3A_539, %lt3A : i32
      %lt3A_543 = arith.constant 0 : i32
      %lt3A_544 = arith.cmpi slt, %select_n3A_538, %lt3A_543 : i32
      %ne3A_545 = arith.xori %lt3A_542, %lt3A_544 : i1
      %and3A_546 = arith.andi %ne3A_545, %ne3A_541 : i1
      %add3A_547 = arith.addi %rem3A_539, %select_n3A_538 : i32
      %select_n3A_548 = arith.select %and3A_546, %add3A_547, %rem3A_539 : i32
      %mul3A_549 = arith.constant 16 : i32
      %mul3A_550 = arith.muli %select_n3A_548, %mul3A_549 : i32
      %swap3A = arith.index_cast %select_n3A : i32 to index
      %swap3A_551 = arith.index_cast %mul3A_550 : i32 to index
      %swap3A_552 = tpu.vector_load %arg7[%swap3A, %swap3A_551] {strides = array<i32>} : memref<20x64xi32, #tpu.memory_space<vmem>>, vector<1x16xi32>,
      %swap3A_553 = vector.shape_cast %swap3A_552 : vector<1x16xi32> to vector<16xi32>
      %swap3A_554 = vector.shape_cast %get3A_518 : vector<16xi32> to vector<1x16xi32>
      tpu.vector_store %arg7[%swap3A, %swap3A_551], %swap3A_554 {strides = array<i32>} : memref<20x64xi32, #tpu.memory_space<vmem>>, vector<1x16xi32>,
    }
    %scan3A_460 = arith.constant 80 : i32
    %scan3A_461 = arith.constant 0 : i32
    %scan3A_462 = arith.constant 0 : i32
    %scan3A_463 = arith.constant 5 : i32
    %scan3A_464 = arith.addi %scan3A_462, %scan3A_463 : i32
    %scan3A_465 = arith.constant 1 : i32
    scf.for %scan3A_512 = %scan3A_462 to %scan3A_464 step %scan3A_465  : i32 {
      %mul3A_513 = arith.constant 4 : i32
      %mul3A_514 = arith.muli %mul3A_513, %scan3A_512 : i32
      %add3A_515 = arith.constant 0 : i32
      %add3A_516 = arith.addi %mul3A_514, %add3A_515 : i32
      %mul3A_517 = arith.constant 64 : i32
      %mul3A_518 = arith.muli %add3A_516, %mul3A_517 : i32
      %dma_wait3A_519 = arith.constant 0 : i32
      %dma_wait3A_520 = tpu.memref_slice %arg5[%dma_wait3A_519, %mul3A_518] : memref<2x1280xi32, #tpu.memory_space<vmem>> -> memref<1x64xi32, #tpu.memory_space<vmem>>
      %dma_wait3A_521 = tpu.memref_squeeze %dma_wait3A_520 : memref<1x64xi32, #tpu.memory_space<vmem>> -> memref<64xi32, #tpu.memory_space<vmem>>
      %dma_wait3A_522 = arith.constant 0 : i32
      %dma_wait3A_523 = arith.constant 0 : i32
      %dma_wait3A_524 = tpu.memref_slice %arg2[%dma_wait3A_522, %dma_wait3A_523] : memref<10000x128xf32, #tpu.memory_space<hbm>> -> memref<10000x128xf32, #tpu.memory_space<hbm>>
      tpu.wait_indirect_dma semaphore(%arg13 : memref<!tpu.dma_semaphore, #tpu.memory_space<semaphore_mem>>) src(%dma_wait3A_524 : memref<10000x128xf32, #tpu.memory_space<hbm>>) dst(%arg8 : memref<64x128xf32, #tpu.memory_space<vmem>>)
      %add3A_525 = arith.constant 0 : i32
      %add3A_526 = arith.addi %mul3A_514, %add3A_525 : i32
      "tpu.region"() ({
        %run_scoped3A = tpu.sem_alloc : memref<!tpu.dma_semaphore, #tpu.memory_space<semaphore_mem>>
        %dma_start3A_596 = arith.constant 0 : i32
        %dma_start3A_597 = tpu.memref_slice %arg7[%add3A_526, %dma_start3A_596] : memref<20x64xi32, #tpu.memory_space<vmem>> -> memref<1x64xi32, #tpu.memory_space<vmem>>
        %dma_start3A_598 = tpu.memref_squeeze %dma_start3A_597 : memref<1x64xi32, #tpu.memory_space<vmem>> -> memref<64xi32, #tpu.memory_space<vmem>>
        %dma_start3A_599 = arith.constant 0 : i32
        %dma_start3A_600 = arith.constant 0 : i32
        %dma_start3A_601 = tpu.memref_slice %arg12[%dma_start3A_599, %dma_start3A_600] : memref<10112x128xf32, #tpu.memory_space<vmem_shared>> -> memref<10112x128xf32, #tpu.memory_space<vmem_shared>>
        tpu.enqueue_indirect_dma source(%arg8 : memref<64x128xf32, #tpu.memory_space<vmem>>) target(%dma_start3A_601 : memref<10112x128xf32, #tpu.memory_space<vmem_shared>>) offsets(%dma_start3A_598 : memref<64xi32, #tpu.memory_space<vmem>>) semaphore(%run_scoped3A : memref<!tpu.dma_semaphore, #tpu.memory_space<semaphore_mem>>) {add = true}
        %dma_wait3A_602 = arith.constant 0 : i32
        %dma_wait3A_603 = tpu.memref_slice %arg7[%add3A_526, %dma_wait3A_602] : memref<20x64xi32, #tpu.memory_space<vmem>> -> memref<1x64xi32, #tpu.memory_space<vmem>>
        %dma_wait3A_604 = tpu.memref_squeeze %dma_wait3A_603 : memref<1x64xi32, #tpu.memory_space<vmem>> -> memref<64xi32, #tpu.memory_space<vmem>>
        %dma_wait3A_605 = arith.constant 0 : i32
        %dma_wait3A_606 = arith.constant 0 : i32
        %dma_wait3A_607 = tpu.memref_slice %arg12[%dma_wait3A_605, %dma_wait3A_606] : memref<10112x128xf32, #tpu.memory_space<vmem_shared>> -> memref<10112x128xf32, #tpu.memory_space<vmem_shared>>
        tpu.wait_indirect_dma semaphore(%run_scoped3A : memref<!tpu.dma_semaphore, #tpu.memory_space<semaphore_mem>>) src(%arg8 : memref<64x128xf32, #tpu.memory_space<vmem>>) dst(%dma_wait3A_607 : memref<10112x128xf32, #tpu.memory_space<vmem_shared>>)
        tpu.yield
      }) : () -> ()
      %add3A_527 = arith.constant 0 : i32
      %add3A_528 = arith.addi %mul3A_514, %add3A_527 : i32
      %add3A_529 = arith.constant 4 : i32
      %add3A_530 = arith.addi %add3A_528, %add3A_529 : i32
      %lt3A = arith.constant 20 : i32
      %lt3A_531 = arith.cmpi slt, %add3A_530, %lt3A : i32
      %convert_element_type3A = arith.extui %lt3A_531 : i1 to i32
      %cond3A = arith.constant 0 : i32
      %cond3A_532 = arith.cmpi ne, %convert_element_type3A, %cond3A : i32
      scf.if %cond3A_532 {
        %add3A_596 = arith.constant 0 : i32
        %add3A_597 = arith.addi %mul3A_514, %add3A_596 : i32
        %add3A_598 = arith.constant 4 : i32
        %add3A_599 = arith.addi %add3A_597, %add3A_598 : i32
        %mul3A_600 = arith.constant 64 : i32
        %mul3A_601 = arith.muli %add3A_599, %mul3A_600 : i32
        %dma_start3A_602 = arith.constant 0 : i32
        %dma_start3A_603 = tpu.memref_slice %arg5[%dma_start3A_602, %mul3A_601] : memref<2x1280xi32, #tpu.memory_space<vmem>> -> memref<1x64xi32, #tpu.memory_space<vmem>>
        %dma_start3A_604 = tpu.memref_squeeze %dma_start3A_603 : memref<1x64xi32, #tpu.memory_space<vmem>> -> memref<64xi32, #tpu.memory_space<vmem>>
        %dma_start3A_605 = arith.constant 0 : i32
        %dma_start3A_606 = arith.constant 0 : i32
        %dma_start3A_607 = tpu.memref_slice %arg2[%dma_start3A_605, %dma_start3A_606] : memref<10000x128xf32, #tpu.memory_space<hbm>> -> memref<10000x128xf32, #tpu.memory_space<hbm>>
        tpu.enqueue_indirect_dma source(%dma_start3A_607 : memref<10000x128xf32, #tpu.memory_space<hbm>>) target(%arg8 : memref<64x128xf32, #tpu.memory_space<vmem>>) offsets(%dma_start3A_604 : memref<64xi32, #tpu.memory_space<vmem>>) semaphore(%arg13 : memref<!tpu.dma_semaphore, #tpu.memory_space<semaphore_mem>>)
      } else {
      }
      %add3A_533 = arith.constant 1 : i32
      %add3A_534 = arith.addi %mul3A_514, %add3A_533 : i32
      %mul3A_535 = arith.constant 64 : i32
      %mul3A_536 = arith.muli %add3A_534, %mul3A_535 : i32
      %dma_wait3A_537 = arith.constant 0 : i32
      %dma_wait3A_538 = tpu.memref_slice %arg5[%dma_wait3A_537, %mul3A_536] : memref<2x1280xi32, #tpu.memory_space<vmem>> -> memref<1x64xi32, #tpu.memory_space<vmem>>
      %dma_wait3A_539 = tpu.memref_squeeze %dma_wait3A_538 : memref<1x64xi32, #tpu.memory_space<vmem>> -> memref<64xi32, #tpu.memory_space<vmem>>
      %dma_wait3A_540 = arith.constant 0 : i32
      %dma_wait3A_541 = arith.constant 0 : i32
      %dma_wait3A_542 = tpu.memref_slice %arg2[%dma_wait3A_540, %dma_wait3A_541] : memref<10000x128xf32, #tpu.memory_space<hbm>> -> memref<10000x128xf32, #tpu.memory_space<hbm>>
      tpu.wait_indirect_dma semaphore(%arg14 : memref<!tpu.dma_semaphore, #tpu.memory_space<semaphore_mem>>) src(%dma_wait3A_542 : memref<10000x128xf32, #tpu.memory_space<hbm>>) dst(%arg9 : memref<64x128xf32, #tpu.memory_space<vmem>>)
      %add3A_543 = arith.constant 1 : i32
      %add3A_544 = arith.addi %mul3A_514, %add3A_543 : i32
      "tpu.region"() ({
        %run_scoped3A = tpu.sem_alloc : memref<!tpu.dma_semaphore, #tpu.memory_space<semaphore_mem>>
        %dma_start3A_596 = arith.constant 0 : i32
        %dma_start3A_597 = tpu.memref_slice %arg7[%add3A_544, %dma_start3A_596] : memref<20x64xi32, #tpu.memory_space<vmem>> -> memref<1x64xi32, #tpu.memory_space<vmem>>
        %dma_start3A_598 = tpu.memref_squeeze %dma_start3A_597 : memref<1x64xi32, #tpu.memory_space<vmem>> -> memref<64xi32, #tpu.memory_space<vmem>>
        %dma_start3A_599 = arith.constant 0 : i32
        %dma_start3A_600 = arith.constant 0 : i32
        %dma_start3A_601 = tpu.memref_slice %arg12[%dma_start3A_599, %dma_start3A_600] : memref<10112x128xf32, #tpu.memory_space<vmem_shared>> -> memref<10112x128xf32, #tpu.memory_space<vmem_shared>>
        tpu.enqueue_indirect_dma source(%arg9 : memref<64x128xf32, #tpu.memory_space<vmem>>) target(%dma_start3A_601 : memref<10112x128xf32, #tpu.memory_space<vmem_shared>>) offsets(%dma_start3A_598 : memref<64xi32, #tpu.memory_space<vmem>>) semaphore(%run_scoped3A : memref<!tpu.dma_semaphore, #tpu.memory_space<semaphore_mem>>) {add = true}
        %dma_wait3A_602 = arith.constant 0 : i32
        %dma_wait3A_603 = tpu.memref_slice %arg7[%add3A_544, %dma_wait3A_602] : memref<20x64xi32, #tpu.memory_space<vmem>> -> memref<1x64xi32, #tpu.memory_space<vmem>>
        %dma_wait3A_604 = tpu.memref_squeeze %dma_wait3A_603 : memref<1x64xi32, #tpu.memory_space<vmem>> -> memref<64xi32, #tpu.memory_space<vmem>>
        %dma_wait3A_605 = arith.constant 0 : i32
        %dma_wait3A_606 = arith.constant 0 : i32
        %dma_wait3A_607 = tpu.memref_slice %arg12[%dma_wait3A_605, %dma_wait3A_606] : memref<10112x128xf32, #tpu.memory_space<vmem_shared>> -> memref<10112x128xf32, #tpu.memory_space<vmem_shared>>
        tpu.wait_indirect_dma semaphore(%run_scoped3A : memref<!tpu.dma_semaphore, #tpu.memory_space<semaphore_mem>>) src(%arg9 : memref<64x128xf32, #tpu.memory_space<vmem>>) dst(%dma_wait3A_607 : memref<10112x128xf32, #tpu.memory_space<vmem_shared>>)
        tpu.yield
      }) : () -> ()
      %add3A_545 = arith.constant 1 : i32
      %add3A_546 = arith.addi %mul3A_514, %add3A_545 : i32
      %add3A_547 = arith.constant 4 : i32
      %add3A_548 = arith.addi %add3A_546, %add3A_547 : i32
      %lt3A_549 = arith.constant 20 : i32
      %lt3A_550 = arith.cmpi slt, %add3A_548, %lt3A_549 : i32
      %convert_element_type3A_551 = arith.extui %lt3A_550 : i1 to i32
      %cond3A_552 = arith.constant 0 : i32
      %cond3A_553 = arith.cmpi ne, %convert_element_type3A_551, %cond3A_552 : i32
      scf.if %cond3A_553 {
        %add3A_596 = arith.constant 1 : i32
        %add3A_597 = arith.addi %mul3A_514, %add3A_596 : i32
        %add3A_598 = arith.constant 4 : i32
        %add3A_599 = arith.addi %add3A_597, %add3A_598 : i32
        %mul3A_600 = arith.constant 64 : i32
        %mul3A_601 = arith.muli %add3A_599, %mul3A_600 : i32
        %dma_start3A_602 = arith.constant 0 : i32
        %dma_start3A_603 = tpu.memref_slice %arg5[%dma_start3A_602, %mul3A_601] : memref<2x1280xi32, #tpu.memory_space<vmem>> -> memref<1x64xi32, #tpu.memory_space<vmem>>
        %dma_start3A_604 = tpu.memref_squeeze %dma_start3A_603 : memref<1x64xi32, #tpu.memory_space<vmem>> -> memref<64xi32, #tpu.memory_space<vmem>>
        %dma_start3A_605 = arith.constant 0 : i32
        %dma_start3A_606 = arith.constant 0 : i32
        %dma_start3A_607 = tpu.memref_slice %arg2[%dma_start3A_605, %dma_start3A_606] : memref<10000x128xf32, #tpu.memory_space<hbm>> -> memref<10000x128xf32, #tpu.memory_space<hbm>>
        tpu.enqueue_indirect_dma source(%dma_start3A_607 : memref<10000x128xf32, #tpu.memory_space<hbm>>) target(%arg9 : memref<64x128xf32, #tpu.memory_space<vmem>>) offsets(%dma_start3A_604 : memref<64xi32, #tpu.memory_space<vmem>>) semaphore(%arg14 : memref<!tpu.dma_semaphore, #tpu.memory_space<semaphore_mem>>)
      } else {
      }
      %add3A_554 = arith.constant 2 : i32
      %add3A_555 = arith.addi %mul3A_514, %add3A_554 : i32
      %mul3A_556 = arith.constant 64 : i32
      %mul3A_557 = arith.muli %add3A_555, %mul3A_556 : i32
      %dma_wait3A_558 = arith.constant 0 : i32
      %dma_wait3A_559 = tpu.memref_slice %arg5[%dma_wait3A_558, %mul3A_557] : memref<2x1280xi32, #tpu.memory_space<vmem>> -> memref<1x64xi32, #tpu.memory_space<vmem>>
      %dma_wait3A_560 = tpu.memref_squeeze %dma_wait3A_559 : memref<1x64xi32, #tpu.memory_space<vmem>> -> memref<64xi32, #tpu.memory_space<vmem>>
      %dma_wait3A_561 = arith.constant 0 : i32
      %dma_wait3A_562 = arith.constant 0 : i32
      %dma_wait3A_563 = tpu.memref_slice %arg2[%dma_wait3A_561, %dma_wait3A_562] : memref<10000x128xf32, #tpu.memory_space<hbm>> -> memref<10000x128xf32, #tpu.memory_space<hbm>>
      tpu.wait_indirect_dma semaphore(%arg15 : memref<!tpu.dma_semaphore, #tpu.memory_space<semaphore_mem>>) src(%dma_wait3A_563 : memref<10000x128xf32, #tpu.memory_space<hbm>>) dst(%arg10 : memref<64x128xf32, #tpu.memory_space<vmem>>)
      %add3A_564 = arith.constant 2 : i32
      %add3A_565 = arith.addi %mul3A_514, %add3A_564 : i32
      "tpu.region"() ({
        %run_scoped3A = tpu.sem_alloc : memref<!tpu.dma_semaphore, #tpu.memory_space<semaphore_mem>>
        %dma_start3A_596 = arith.constant 0 : i32
        %dma_start3A_597 = tpu.memref_slice %arg7[%add3A_565, %dma_start3A_596] : memref<20x64xi32, #tpu.memory_space<vmem>> -> memref<1x64xi32, #tpu.memory_space<vmem>>
        %dma_start3A_598 = tpu.memref_squeeze %dma_start3A_597 : memref<1x64xi32, #tpu.memory_space<vmem>> -> memref<64xi32, #tpu.memory_space<vmem>>
        %dma_start3A_599 = arith.constant 0 : i32
        %dma_start3A_600 = arith.constant 0 : i32
        %dma_start3A_601 = tpu.memref_slice %arg12[%dma_start3A_599, %dma_start3A_600] : memref<10112x128xf32, #tpu.memory_space<vmem_shared>> -> memref<10112x128xf32, #tpu.memory_space<vmem_shared>>
        tpu.enqueue_indirect_dma source(%arg10 : memref<64x128xf32, #tpu.memory_space<vmem>>) target(%dma_start3A_601 : memref<10112x128xf32, #tpu.memory_space<vmem_shared>>) offsets(%dma_start3A_598 : memref<64xi32, #tpu.memory_space<vmem>>) semaphore(%run_scoped3A : memref<!tpu.dma_semaphore, #tpu.memory_space<semaphore_mem>>) {add = true}
        %dma_wait3A_602 = arith.constant 0 : i32
        %dma_wait3A_603 = tpu.memref_slice %arg7[%add3A_565, %dma_wait3A_602] : memref<20x64xi32, #tpu.memory_space<vmem>> -> memref<1x64xi32, #tpu.memory_space<vmem>>
        %dma_wait3A_604 = tpu.memref_squeeze %dma_wait3A_603 : memref<1x64xi32, #tpu.memory_space<vmem>> -> memref<64xi32, #tpu.memory_space<vmem>>
        %dma_wait3A_605 = arith.constant 0 : i32
        %dma_wait3A_606 = arith.constant 0 : i32
        %dma_wait3A_607 = tpu.memref_slice %arg12[%dma_wait3A_605, %dma_wait3A_606] : memref<10112x128xf32, #tpu.memory_space<vmem_shared>> -> memref<10112x128xf32, #tpu.memory_space<vmem_shared>>
        tpu.wait_indirect_dma semaphore(%run_scoped3A : memref<!tpu.dma_semaphore, #tpu.memory_space<semaphore_mem>>) src(%arg10 : memref<64x128xf32, #tpu.memory_space<vmem>>) dst(%dma_wait3A_607 : memref<10112x128xf32, #tpu.memory_space<vmem_shared>>)
        tpu.yield
      }) : () -> ()
      %add3A_566 = arith.constant 2 : i32
      %add3A_567 = arith.addi %mul3A_514, %add3A_566 : i32
      %add3A_568 = arith.constant 4 : i32
      %add3A_569 = arith.addi %add3A_567, %add3A_568 : i32
      %lt3A_570 = arith.constant 20 : i32
      %lt3A_571 = arith.cmpi slt, %add3A_569, %lt3A_570 : i32
      %convert_element_type3A_572 = arith.extui %lt3A_571 : i1 to i32
      %cond3A_573 = arith.constant 0 : i32
      %cond3A_574 = arith.cmpi ne, %convert_element_type3A_572, %cond3A_573 : i32
      scf.if %cond3A_574 {
        %add3A_596 = arith.constant 2 : i32
        %add3A_597 = arith.addi %mul3A_514, %add3A_596 : i32
        %add3A_598 = arith.constant 4 : i32
        %add3A_599 = arith.addi %add3A_597, %add3A_598 : i32
        %mul3A_600 = arith.constant 64 : i32
        %mul3A_601 = arith.muli %add3A_599, %mul3A_600 : i32
        %dma_start3A_602 = arith.constant 0 : i32
        %dma_start3A_603 = tpu.memref_slice %arg5[%dma_start3A_602, %mul3A_601] : memref<2x1280xi32, #tpu.memory_space<vmem>> -> memref<1x64xi32, #tpu.memory_space<vmem>>
        %dma_start3A_604 = tpu.memref_squeeze %dma_start3A_603 : memref<1x64xi32, #tpu.memory_space<vmem>> -> memref<64xi32, #tpu.memory_space<vmem>>
        %dma_start3A_605 = arith.constant 0 : i32
        %dma_start3A_606 = arith.constant 0 : i32
        %dma_start3A_607 = tpu.memref_slice %arg2[%dma_start3A_605, %dma_start3A_606] : memref<10000x128xf32, #tpu.memory_space<hbm>> -> memref<10000x128xf32, #tpu.memory_space<hbm>>
        tpu.enqueue_indirect_dma source(%dma_start3A_607 : memref<10000x128xf32, #tpu.memory_space<hbm>>) target(%arg10 : memref<64x128xf32, #tpu.memory_space<vmem>>) offsets(%dma_start3A_604 : memref<64xi32, #tpu.memory_space<vmem>>) semaphore(%arg15 : memref<!tpu.dma_semaphore, #tpu.memory_space<semaphore_mem>>)
      } else {
      }
      %add3A_575 = arith.constant 3 : i32
      %add3A_576 = arith.addi %mul3A_514, %add3A_575 : i32
      %mul3A_577 = arith.constant 64 : i32
      %mul3A_578 = arith.muli %add3A_576, %mul3A_577 : i32
      %dma_wait3A_579 = arith.constant 0 : i32
      %dma_wait3A_580 = tpu.memref_slice %arg5[%dma_wait3A_579, %mul3A_578] : memref<2x1280xi32, #tpu.memory_space<vmem>> -> memref<1x64xi32, #tpu.memory_space<vmem>>
      %dma_wait3A_581 = tpu.memref_squeeze %dma_wait3A_580 : memref<1x64xi32, #tpu.memory_space<vmem>> -> memref<64xi32, #tpu.memory_space<vmem>>
      %dma_wait3A_582 = arith.constant 0 : i32
      %dma_wait3A_583 = arith.constant 0 : i32
      %dma_wait3A_584 = tpu.memref_slice %arg2[%dma_wait3A_582, %dma_wait3A_583] : memref<10000x128xf32, #tpu.memory_space<hbm>> -> memref<10000x128xf32, #tpu.memory_space<hbm>>
      tpu.wait_indirect_dma semaphore(%arg16 : memref<!tpu.dma_semaphore, #tpu.memory_space<semaphore_mem>>) src(%dma_wait3A_584 : memref<10000x128xf32, #tpu.memory_space<hbm>>) dst(%arg11 : memref<64x128xf32, #tpu.memory_space<vmem>>)
      %add3A_585 = arith.constant 3 : i32
      %add3A_586 = arith.addi %mul3A_514, %add3A_585 : i32
      "tpu.region"() ({
        %run_scoped3A = tpu.sem_alloc : memref<!tpu.dma_semaphore, #tpu.memory_space<semaphore_mem>>
        %dma_start3A_596 = arith.constant 0 : i32
        %dma_start3A_597 = tpu.memref_slice %arg7[%add3A_586, %dma_start3A_596] : memref<20x64xi32, #tpu.memory_space<vmem>> -> memref<1x64xi32, #tpu.memory_space<vmem>>
        %dma_start3A_598 = tpu.memref_squeeze %dma_start3A_597 : memref<1x64xi32, #tpu.memory_space<vmem>> -> memref<64xi32, #tpu.memory_space<vmem>>
        %dma_start3A_599 = arith.constant 0 : i32
        %dma_start3A_600 = arith.constant 0 : i32
        %dma_start3A_601 = tpu.memref_slice %arg12[%dma_start3A_599, %dma_start3A_600] : memref<10112x128xf32, #tpu.memory_space<vmem_shared>> -> memref<10112x128xf32, #tpu.memory_space<vmem_shared>>
        tpu.enqueue_indirect_dma source(%arg11 : memref<64x128xf32, #tpu.memory_space<vmem>>) target(%dma_start3A_601 : memref<10112x128xf32, #tpu.memory_space<vmem_shared>>) offsets(%dma_start3A_598 : memref<64xi32, #tpu.memory_space<vmem>>) semaphore(%run_scoped3A : memref<!tpu.dma_semaphore, #tpu.memory_space<semaphore_mem>>) {add = true}
        %dma_wait3A_602 = arith.constant 0 : i32
        %dma_wait3A_603 = tpu.memref_slice %arg7[%add3A_586, %dma_wait3A_602] : memref<20x64xi32, #tpu.memory_space<vmem>> -> memref<1x64xi32, #tpu.memory_space<vmem>>
        %dma_wait3A_604 = tpu.memref_squeeze %dma_wait3A_603 : memref<1x64xi32, #tpu.memory_space<vmem>> -> memref<64xi32, #tpu.memory_space<vmem>>
        %dma_wait3A_605 = arith.constant 0 : i32
        %dma_wait3A_606 = arith.constant 0 : i32
        %dma_wait3A_607 = tpu.memref_slice %arg12[%dma_wait3A_605, %dma_wait3A_606] : memref<10112x128xf32, #tpu.memory_space<vmem_shared>> -> memref<10112x128xf32, #tpu.memory_space<vmem_shared>>
        tpu.wait_indirect_dma semaphore(%run_scoped3A : memref<!tpu.dma_semaphore, #tpu.memory_space<semaphore_mem>>) src(%arg11 : memref<64x128xf32, #tpu.memory_space<vmem>>) dst(%dma_wait3A_607 : memref<10112x128xf32, #tpu.memory_space<vmem_shared>>)
        tpu.yield
      }) : () -> ()
      %add3A_587 = arith.constant 3 : i32
      %add3A_588 = arith.addi %mul3A_514, %add3A_587 : i32
      %add3A_589 = arith.constant 4 : i32
      %add3A_590 = arith.addi %add3A_588, %add3A_589 : i32
      %lt3A_591 = arith.constant 20 : i32
      %lt3A_592 = arith.cmpi slt, %add3A_590, %lt3A_591 : i32
      %convert_element_type3A_593 = arith.extui %lt3A_592 : i1 to i32
      %cond3A_594 = arith.constant 0 : i32
      %cond3A_595 = arith.cmpi ne, %convert_element_type3A_593, %cond3A_594 : i32
      scf.if %cond3A_595 {
        %add3A_596 = arith.constant 3 : i32
        %add3A_597 = arith.addi %mul3A_514, %add3A_596 : i32
        %add3A_598 = arith.constant 4 : i32
        %add3A_599 = arith.addi %add3A_597, %add3A_598 : i32
        %mul3A_600 = arith.constant 64 : i32
        %mul3A_601 = arith.muli %add3A_599, %mul3A_600 : i32
        %dma_start3A_602 = arith.constant 0 : i32
        %dma_start3A_603 = tpu.memref_slice %arg5[%dma_start3A_602, %mul3A_601] : memref<2x1280xi32, #tpu.memory_space<vmem>> -> memref<1x64xi32, #tpu.memory_space<vmem>>
        %dma_start3A_604 = tpu.memref_squeeze %dma_start3A_603 : memref<1x64xi32, #tpu.memory_space<vmem>> -> memref<64xi32, #tpu.memory_space<vmem>>
        %dma_start3A_605 = arith.constant 0 : i32
        %dma_start3A_606 = arith.constant 0 : i32
        %dma_start3A_607 = tpu.memref_slice %arg2[%dma_start3A_605, %dma_start3A_606] : memref<10000x128xf32, #tpu.memory_space<hbm>> -> memref<10000x128xf32, #tpu.memory_space<hbm>>
        tpu.enqueue_indirect_dma source(%dma_start3A_607 : memref<10000x128xf32, #tpu.memory_space<hbm>>) target(%arg11 : memref<64x128xf32, #tpu.memory_space<vmem>>) offsets(%dma_start3A_604 : memref<64xi32, #tpu.memory_space<vmem>>) semaphore(%arg16 : memref<!tpu.dma_semaphore, #tpu.memory_space<semaphore_mem>>)
      } else {
      }
    }
    %scan3A_466 = arith.constant 5 : i32
    %dma_wait3A_467 = arith.constant 0 : i32
    %dma_wait3A_468 = tpu.memref_slice %arg3[%dma_wait3A_467, %add3A_418] : memref<2x327680xi32, #tpu.memory_space<hbm>> -> memref<2x1280xi32, #tpu.memory_space<hbm>>
    %dma_wait3A_469 = arith.constant 0 : i32
    %dma_wait3A_470 = tpu.memref_slice %arg3[%dma_wait3A_469, %add3A_418] : memref<2x327680xi32, #tpu.memory_space<hbm>> -> memref<2x1280xi32, #tpu.memory_space<hbm>>
    tpu.wait_dma2 semaphore(%arg19 : memref<!tpu.dma_semaphore, #tpu.memory_space<semaphore_mem>>) src(%dma_wait3A_470 : memref<2x1280xi32, #tpu.memory_space<hbm>>) dst(%arg6 : memref<2x1280xi32, #tpu.memory_space<vmem>>)
    %dma_start3A_471 = arith.constant 0 : i32
    %dma_start3A_472 = arith.constant 0 : i32
    %dma_start3A_473 = tpu.memref_slice %arg6[%dma_start3A_471, %dma_start3A_472] : memref<2x1280xi32, #tpu.memory_space<vmem>> -> memref<1x64xi32, #tpu.memory_space<vmem>>
    %dma_start3A_474 = tpu.memref_squeeze %dma_start3A_473 : memref<1x64xi32, #tpu.memory_space<vmem>> -> memref<64xi32, #tpu.memory_space<vmem>>
    %dma_start3A_475 = arith.constant 0 : i32
    %dma_start3A_476 = arith.constant 0 : i32
    %dma_start3A_477 = tpu.memref_slice %arg2[%dma_start3A_475, %dma_start3A_476] : memref<10000x128xf32, #tpu.memory_space<hbm>> -> memref<10000x128xf32, #tpu.memory_space<hbm>>
    tpu.enqueue_indirect_dma source(%dma_start3A_477 : memref<10000x128xf32, #tpu.memory_space<hbm>>) target(%arg8 : memref<64x128xf32, #tpu.memory_space<vmem>>) offsets(%dma_start3A_474 : memref<64xi32, #tpu.memory_space<vmem>>) semaphore(%arg13 : memref<!tpu.dma_semaphore, #tpu.memory_space<semaphore_mem>>)
    %dma_start3A_478 = arith.constant 0 : i32
    %dma_start3A_479 = arith.constant 64 : i32
    %dma_start3A_480 = tpu.memref_slice %arg6[%dma_start3A_478, %dma_start3A_479] : memref<2x1280xi32, #tpu.memory_space<vmem>> -> memref<1x64xi32, #tpu.memory_space<vmem>>
    %dma_start3A_481 = tpu.memref_squeeze %dma_start3A_480 : memref<1x64xi32, #tpu.memory_space<vmem>> -> memref<64xi32, #tpu.memory_space<vmem>>
    %dma_start3A_482 = arith.constant 0 : i32
    %dma_start3A_483 = arith.constant 0 : i32
    %dma_start3A_484 = tpu.memref_slice %arg2[%dma_start3A_482, %dma_start3A_483] : memref<10000x128xf32, #tpu.memory_space<hbm>> -> memref<10000x128xf32, #tpu.memory_space<hbm>>
    tpu.enqueue_indirect_dma source(%dma_start3A_484 : memref<10000x128xf32, #tpu.memory_space<hbm>>) target(%arg9 : memref<64x128xf32, #tpu.memory_space<vmem>>) offsets(%dma_start3A_481 : memref<64xi32, #tpu.memory_space<vmem>>) semaphore(%arg14 : memref<!tpu.dma_semaphore, #tpu.memory_space<semaphore_mem>>)
    %dma_start3A_485 = arith.constant 0 : i32
    %dma_start3A_486 = arith.constant 128 : i32
    %dma_start3A_487 = tpu.memref_slice %arg6[%dma_start3A_485, %dma_start3A_486] : memref<2x1280xi32, #tpu.memory_space<vmem>> -> memref<1x64xi32, #tpu.memory_space<vmem>>
    %dma_start3A_488 = tpu.memref_squeeze %dma_start3A_487 : memref<1x64xi32, #tpu.memory_space<vmem>> -> memref<64xi32, #tpu.memory_space<vmem>>
    %dma_start3A_489 = arith.constant 0 : i32
    %dma_start3A_490 = arith.constant 0 : i32
    %dma_start3A_491 = tpu.memref_slice %arg2[%dma_start3A_489, %dma_start3A_490] : memref<10000x128xf32, #tpu.memory_space<hbm>> -> memref<10000x128xf32, #tpu.memory_space<hbm>>
    tpu.enqueue_indirect_dma source(%dma_start3A_491 : memref<10000x128xf32, #tpu.memory_space<hbm>>) target(%arg10 : memref<64x128xf32, #tpu.memory_space<vmem>>) offsets(%dma_start3A_488 : memref<64xi32, #tpu.memory_space<vmem>>) semaphore(%arg15 : memref<!tpu.dma_semaphore, #tpu.memory_space<semaphore_mem>>)
    %dma_start3A_492 = arith.constant 0 : i32
    %dma_start3A_493 = arith.constant 192 : i32
    %dma_start3A_494 = tpu.memref_slice %arg6[%dma_start3A_492, %dma_start3A_493] : memref<2x1280xi32, #tpu.memory_space<vmem>> -> memref<1x64xi32, #tpu.memory_space<vmem>>
    %dma_start3A_495 = tpu.memref_squeeze %dma_start3A_494 : memref<1x64xi32, #tpu.memory_space<vmem>> -> memref<64xi32, #tpu.memory_space<vmem>>
    %dma_start3A_496 = arith.constant 0 : i32
    %dma_start3A_497 = arith.constant 0 : i32
    %dma_start3A_498 = tpu.memref_slice %arg2[%dma_start3A_496, %dma_start3A_497] : memref<10000x128xf32, #tpu.memory_space<hbm>> -> memref<10000x128xf32, #tpu.memory_space<hbm>>
    tpu.enqueue_indirect_dma source(%dma_start3A_498 : memref<10000x128xf32, #tpu.memory_space<hbm>>) target(%arg11 : memref<64x128xf32, #tpu.memory_space<vmem>>) offsets(%dma_start3A_495 : memref<64xi32, #tpu.memory_space<vmem>>) semaphore(%arg16 : memref<!tpu.dma_semaphore, #tpu.memory_space<semaphore_mem>>)
    %scan3A_499 = arith.constant 0 : i32
    %scan3A_500 = arith.constant 0 : i32
    %scan3A_501 = arith.constant 80 : i32
    %scan3A_502 = arith.addi %scan3A_500, %scan3A_501 : i32
    %scan3A_503 = arith.constant 1 : i32
    scf.for %scan3A_512 = %scan3A_500 to %scan3A_502 step %scan3A_503  : i32 {
      %mul3A_513 = arith.constant 16 : i32
      %mul3A_514 = arith.muli %scan3A_512, %mul3A_513 : i32
      %get3A = arith.constant 1 : i32
      %get3A_515 = arith.index_cast %get3A : i32 to index
      %get3A_516 = arith.index_cast %mul3A_514 : i32 to index
      %get3A_517 = tpu.vector_load %arg6[%get3A_515, %get3A_516] {strides = array<i32>} : memref<2x1280xi32, #tpu.memory_space<vmem>>, vector<1x16xi32>,
      %get3A_518 = vector.shape_cast %get3A_517 : vector<1x16xi32> to vector<16xi32>
      %jit3A = arith.constant 4 : i32
      %div3A = arith.divsi %scan3A_512, %jit3A : i32
      %sign3A = arith.constant 0 : i32
      %sign3A_519 = arith.cmpi sgt, %scan3A_512, %sign3A : i32
      %sign3A_520 = arith.extui %sign3A_519 : i1 to i32
      %sign3A_521 = arith.constant 0 : i32
      %sign3A_522 = arith.cmpi slt, %scan3A_512, %sign3A_521 : i32
      %sign3A_523 = arith.extui %sign3A_522 : i1 to i32
      %sign3A_524 = arith.subi %sign3A_520, %sign3A_523 : i32
      %sign3A_525 = arith.constant 0 : i32
      %sign3A_526 = arith.cmpi sgt, %jit3A, %sign3A_525 : i32
      %sign3A_527 = arith.extui %sign3A_526 : i1 to i32
      %sign3A_528 = arith.constant 0 : i32
      %sign3A_529 = arith.cmpi slt, %jit3A, %sign3A_528 : i32
      %sign3A_530 = arith.extui %sign3A_529 : i1 to i32
      %sign3A_531 = arith.subi %sign3A_527, %sign3A_530 : i32
      %ne3A = arith.cmpi ne, %sign3A_524, %sign3A_531 : i32
      %rem3A = arith.remsi %scan3A_512, %jit3A : i32
      %ne3A_532 = arith.constant 0 : i32
      %ne3A_533 = arith.cmpi ne, %rem3A, %ne3A_532 : i32
      %and3A = arith.andi %ne3A, %ne3A_533 : i1
      %sub3A = arith.constant 1 : i32
      %sub3A_534 = arith.subi %div3A, %sub3A : i32
      %select_n3A = arith.select %and3A, %sub3A_534, %div3A : i32
      %jit3A_535 = arith.constant 4 : i32
      %eq3A = arith.constant 0 : i32
      %eq3A_536 = arith.cmpi eq, %jit3A_535, %eq3A : i32
      %jit3A_537 = arith.constant 1 : i32
      %select_n3A_538 = arith.select %eq3A_536, %jit3A_537, %jit3A_535 : i32
      %rem3A_539 = arith.remsi %scan3A_512, %select_n3A_538 : i32
      %ne3A_540 = arith.constant 0 : i32
      %ne3A_541 = arith.cmpi ne, %rem3A_539, %ne3A_540 : i32
      %lt3A = arith.constant 0 : i32
      %lt3A_542 = arith.cmpi slt, %rem3A_539, %lt3A : i32
      %lt3A_543 = arith.constant 0 : i32
      %lt3A_544 = arith.cmpi slt, %select_n3A_538, %lt3A_543 : i32
      %ne3A_545 = arith.xori %lt3A_542, %lt3A_544 : i1
      %and3A_546 = arith.andi %ne3A_545, %ne3A_541 : i1
      %add3A_547 = arith.addi %rem3A_539, %select_n3A_538 : i32
      %select_n3A_548 = arith.select %and3A_546, %add3A_547, %rem3A_539 : i32
      %mul3A_549 = arith.constant 16 : i32
      %mul3A_550 = arith.muli %select_n3A_548, %mul3A_549 : i32
      %swap3A = arith.index_cast %select_n3A : i32 to index
      %swap3A_551 = arith.index_cast %mul3A_550 : i32 to index
      %swap3A_552 = tpu.vector_load %arg7[%swap3A, %swap3A_551] {strides = array<i32>} : memref<20x64xi32, #tpu.memory_space<vmem>>, vector<1x16xi32>,
      %swap3A_553 = vector.shape_cast %swap3A_552 : vector<1x16xi32> to vector<16xi32>
      %swap3A_554 = vector.shape_cast %get3A_518 : vector<16xi32> to vector<1x16xi32>
      tpu.vector_store %arg7[%swap3A, %swap3A_551], %swap3A_554 {strides = array<i32>} : memref<20x64xi32, #tpu.memory_space<vmem>>, vector<1x16xi32>,
    }
    %scan3A_504 = arith.constant 80 : i32
    %scan3A_505 = arith.constant 0 : i32
    %scan3A_506 = arith.constant 0 : i32
    %scan3A_507 = arith.constant 5 : i32
    %scan3A_508 = arith.addi %scan3A_506, %scan3A_507 : i32
    %scan3A_509 = arith.constant 1 : i32
    scf.for %scan3A_512 = %scan3A_506 to %scan3A_508 step %scan3A_509  : i32 {
      %mul3A_513 = arith.constant 4 : i32
      %mul3A_514 = arith.muli %mul3A_513, %scan3A_512 : i32
      %add3A_515 = arith.constant 0 : i32
      %add3A_516 = arith.addi %mul3A_514, %add3A_515 : i32
      %mul3A_517 = arith.constant 64 : i32
      %mul3A_518 = arith.muli %add3A_516, %mul3A_517 : i32
      %dma_wait3A_519 = arith.constant 0 : i32
      %dma_wait3A_520 = tpu.memref_slice %arg6[%dma_wait3A_519, %mul3A_518] : memref<2x1280xi32, #tpu.memory_space<vmem>> -> memref<1x64xi32, #tpu.memory_space<vmem>>
      %dma_wait3A_521 = tpu.memref_squeeze %dma_wait3A_520 : memref<1x64xi32, #tpu.memory_space<vmem>> -> memref<64xi32, #tpu.memory_space<vmem>>
      %dma_wait3A_522 = arith.constant 0 : i32
      %dma_wait3A_523 = arith.constant 0 : i32
      %dma_wait3A_524 = tpu.memref_slice %arg2[%dma_wait3A_522, %dma_wait3A_523] : memref<10000x128xf32, #tpu.memory_space<hbm>> -> memref<10000x128xf32, #tpu.memory_space<hbm>>
      tpu.wait_indirect_dma semaphore(%arg13 : memref<!tpu.dma_semaphore, #tpu.memory_space<semaphore_mem>>) src(%dma_wait3A_524 : memref<10000x128xf32, #tpu.memory_space<hbm>>) dst(%arg8 : memref<64x128xf32, #tpu.memory_space<vmem>>)
      %add3A_525 = arith.constant 0 : i32
      %add3A_526 = arith.addi %mul3A_514, %add3A_525 : i32
      "tpu.region"() ({
        %run_scoped3A = tpu.sem_alloc : memref<!tpu.dma_semaphore, #tpu.memory_space<semaphore_mem>>
        %dma_start3A_596 = arith.constant 0 : i32
        %dma_start3A_597 = tpu.memref_slice %arg7[%add3A_526, %dma_start3A_596] : memref<20x64xi32, #tpu.memory_space<vmem>> -> memref<1x64xi32, #tpu.memory_space<vmem>>
        %dma_start3A_598 = tpu.memref_squeeze %dma_start3A_597 : memref<1x64xi32, #tpu.memory_space<vmem>> -> memref<64xi32, #tpu.memory_space<vmem>>
        %dma_start3A_599 = arith.constant 0 : i32
        %dma_start3A_600 = arith.constant 0 : i32
        %dma_start3A_601 = tpu.memref_slice %arg12[%dma_start3A_599, %dma_start3A_600] : memref<10112x128xf32, #tpu.memory_space<vmem_shared>> -> memref<10112x128xf32, #tpu.memory_space<vmem_shared>>
        tpu.enqueue_indirect_dma source(%arg8 : memref<64x128xf32, #tpu.memory_space<vmem>>) target(%dma_start3A_601 : memref<10112x128xf32, #tpu.memory_space<vmem_shared>>) offsets(%dma_start3A_598 : memref<64xi32, #tpu.memory_space<vmem>>) semaphore(%run_scoped3A : memref<!tpu.dma_semaphore, #tpu.memory_space<semaphore_mem>>) {add = true}
        %dma_wait3A_602 = arith.constant 0 : i32
        %dma_wait3A_603 = tpu.memref_slice %arg7[%add3A_526, %dma_wait3A_602] : memref<20x64xi32, #tpu.memory_space<vmem>> -> memref<1x64xi32, #tpu.memory_space<vmem>>
        %dma_wait3A_604 = tpu.memref_squeeze %dma_wait3A_603 : memref<1x64xi32, #tpu.memory_space<vmem>> -> memref<64xi32, #tpu.memory_space<vmem>>
        %dma_wait3A_605 = arith.constant 0 : i32
        %dma_wait3A_606 = arith.constant 0 : i32
        %dma_wait3A_607 = tpu.memref_slice %arg12[%dma_wait3A_605, %dma_wait3A_606] : memref<10112x128xf32, #tpu.memory_space<vmem_shared>> -> memref<10112x128xf32, #tpu.memory_space<vmem_shared>>
        tpu.wait_indirect_dma semaphore(%run_scoped3A : memref<!tpu.dma_semaphore, #tpu.memory_space<semaphore_mem>>) src(%arg8 : memref<64x128xf32, #tpu.memory_space<vmem>>) dst(%dma_wait3A_607 : memref<10112x128xf32, #tpu.memory_space<vmem_shared>>)
        tpu.yield
      }) : () -> ()
      %add3A_527 = arith.constant 0 : i32
      %add3A_528 = arith.addi %mul3A_514, %add3A_527 : i32
      %add3A_529 = arith.constant 4 : i32
      %add3A_530 = arith.addi %add3A_528, %add3A_529 : i32
      %lt3A = arith.constant 20 : i32
      %lt3A_531 = arith.cmpi slt, %add3A_530, %lt3A : i32
      %convert_element_type3A = arith.extui %lt3A_531 : i1 to i32
      %cond3A = arith.constant 0 : i32
      %cond3A_532 = arith.cmpi ne, %convert_element_type3A, %cond3A : i32
      scf.if %cond3A_532 {
        %add3A_596 = arith.constant 0 : i32
        %add3A_597 = arith.addi %mul3A_514, %add3A_596 : i32
        %add3A_598 = arith.constant 4 : i32
        %add3A_599 = arith.addi %add3A_597, %add3A_598 : i32
        %mul3A_600 = arith.constant 64 : i32
        %mul3A_601 = arith.muli %add3A_599, %mul3A_600 : i32
        %dma_start3A_602 = arith.constant 0 : i32
        %dma_start3A_603 = tpu.memref_slice %arg6[%dma_start3A_602, %mul3A_601] : memref<2x1280xi32, #tpu.memory_space<vmem>> -> memref<1x64xi32, #tpu.memory_space<vmem>>
        %dma_start3A_604 = tpu.memref_squeeze %dma_start3A_603 : memref<1x64xi32, #tpu.memory_space<vmem>> -> memref<64xi32, #tpu.memory_space<vmem>>
        %dma_start3A_605 = arith.constant 0 : i32
        %dma_start3A_606 = arith.constant 0 : i32
        %dma_start3A_607 = tpu.memref_slice %arg2[%dma_start3A_605, %dma_start3A_606] : memref<10000x128xf32, #tpu.memory_space<hbm>> -> memref<10000x128xf32, #tpu.memory_space<hbm>>
        tpu.enqueue_indirect_dma source(%dma_start3A_607 : memref<10000x128xf32, #tpu.memory_space<hbm>>) target(%arg8 : memref<64x128xf32, #tpu.memory_space<vmem>>) offsets(%dma_start3A_604 : memref<64xi32, #tpu.memory_space<vmem>>) semaphore(%arg13 : memref<!tpu.dma_semaphore, #tpu.memory_space<semaphore_mem>>)
      } else {
      }
      %add3A_533 = arith.constant 1 : i32
      %add3A_534 = arith.addi %mul3A_514, %add3A_533 : i32
      %mul3A_535 = arith.constant 64 : i32
      %mul3A_536 = arith.muli %add3A_534, %mul3A_535 : i32
      %dma_wait3A_537 = arith.constant 0 : i32
      %dma_wait3A_538 = tpu.memref_slice %arg6[%dma_wait3A_537, %mul3A_536] : memref<2x1280xi32, #tpu.memory_space<vmem>> -> memref<1x64xi32, #tpu.memory_space<vmem>>
      %dma_wait3A_539 = tpu.memref_squeeze %dma_wait3A_538 : memref<1x64xi32, #tpu.memory_space<vmem>> -> memref<64xi32, #tpu.memory_space<vmem>>
      %dma_wait3A_540 = arith.constant 0 : i32
      %dma_wait3A_541 = arith.constant 0 : i32
      %dma_wait3A_542 = tpu.memref_slice %arg2[%dma_wait3A_540, %dma_wait3A_541] : memref<10000x128xf32, #tpu.memory_space<hbm>> -> memref<10000x128xf32, #tpu.memory_space<hbm>>
      tpu.wait_indirect_dma semaphore(%arg14 : memref<!tpu.dma_semaphore, #tpu.memory_space<semaphore_mem>>) src(%dma_wait3A_542 : memref<10000x128xf32, #tpu.memory_space<hbm>>) dst(%arg9 : memref<64x128xf32, #tpu.memory_space<vmem>>)
      %add3A_543 = arith.constant 1 : i32
      %add3A_544 = arith.addi %mul3A_514, %add3A_543 : i32
      "tpu.region"() ({
        %run_scoped3A = tpu.sem_alloc : memref<!tpu.dma_semaphore, #tpu.memory_space<semaphore_mem>>
        %dma_start3A_596 = arith.constant 0 : i32
        %dma_start3A_597 = tpu.memref_slice %arg7[%add3A_544, %dma_start3A_596] : memref<20x64xi32, #tpu.memory_space<vmem>> -> memref<1x64xi32, #tpu.memory_space<vmem>>
        %dma_start3A_598 = tpu.memref_squeeze %dma_start3A_597 : memref<1x64xi32, #tpu.memory_space<vmem>> -> memref<64xi32, #tpu.memory_space<vmem>>
        %dma_start3A_599 = arith.constant 0 : i32
        %dma_start3A_600 = arith.constant 0 : i32
        %dma_start3A_601 = tpu.memref_slice %arg12[%dma_start3A_599, %dma_start3A_600] : memref<10112x128xf32, #tpu.memory_space<vmem_shared>> -> memref<10112x128xf32, #tpu.memory_space<vmem_shared>>
        tpu.enqueue_indirect_dma source(%arg9 : memref<64x128xf32, #tpu.memory_space<vmem>>) target(%dma_start3A_601 : memref<10112x128xf32, #tpu.memory_space<vmem_shared>>) offsets(%dma_start3A_598 : memref<64xi32, #tpu.memory_space<vmem>>) semaphore(%run_scoped3A : memref<!tpu.dma_semaphore, #tpu.memory_space<semaphore_mem>>) {add = true}
        %dma_wait3A_602 = arith.constant 0 : i32
        %dma_wait3A_603 = tpu.memref_slice %arg7[%add3A_544, %dma_wait3A_602] : memref<20x64xi32, #tpu.memory_space<vmem>> -> memref<1x64xi32, #tpu.memory_space<vmem>>
        %dma_wait3A_604 = tpu.memref_squeeze %dma_wait3A_603 : memref<1x64xi32, #tpu.memory_space<vmem>> -> memref<64xi32, #tpu.memory_space<vmem>>
        %dma_wait3A_605 = arith.constant 0 : i32
        %dma_wait3A_606 = arith.constant 0 : i32
        %dma_wait3A_607 = tpu.memref_slice %arg12[%dma_wait3A_605, %dma_wait3A_606] : memref<10112x128xf32, #tpu.memory_space<vmem_shared>> -> memref<10112x128xf32, #tpu.memory_space<vmem_shared>>
        tpu.wait_indirect_dma semaphore(%run_scoped3A : memref<!tpu.dma_semaphore, #tpu.memory_space<semaphore_mem>>) src(%arg9 : memref<64x128xf32, #tpu.memory_space<vmem>>) dst(%dma_wait3A_607 : memref<10112x128xf32, #tpu.memory_space<vmem_shared>>)
        tpu.yield
      }) : () -> ()
      %add3A_545 = arith.constant 1 : i32
      %add3A_546 = arith.addi %mul3A_514, %add3A_545 : i32
      %add3A_547 = arith.constant 4 : i32
      %add3A_548 = arith.addi %add3A_546, %add3A_547 : i32
      %lt3A_549 = arith.constant 20 : i32
      %lt3A_550 = arith.cmpi slt, %add3A_548, %lt3A_549 : i32
      %convert_element_type3A_551 = arith.extui %lt3A_550 : i1 to i32
      %cond3A_552 = arith.constant 0 : i32
      %cond3A_553 = arith.cmpi ne, %convert_element_type3A_551, %cond3A_552 : i32
      scf.if %cond3A_553 {
        %add3A_596 = arith.constant 1 : i32
        %add3A_597 = arith.addi %mul3A_514, %add3A_596 : i32
        %add3A_598 = arith.constant 4 : i32
        %add3A_599 = arith.addi %add3A_597, %add3A_598 : i32
        %mul3A_600 = arith.constant 64 : i32
        %mul3A_601 = arith.muli %add3A_599, %mul3A_600 : i32
        %dma_start3A_602 = arith.constant 0 : i32
        %dma_start3A_603 = tpu.memref_slice %arg6[%dma_start3A_602, %mul3A_601] : memref<2x1280xi32, #tpu.memory_space<vmem>> -> memref<1x64xi32, #tpu.memory_space<vmem>>
        %dma_start3A_604 = tpu.memref_squeeze %dma_start3A_603 : memref<1x64xi32, #tpu.memory_space<vmem>> -> memref<64xi32, #tpu.memory_space<vmem>>
        %dma_start3A_605 = arith.constant 0 : i32
        %dma_start3A_606 = arith.constant 0 : i32
        %dma_start3A_607 = tpu.memref_slice %arg2[%dma_start3A_605, %dma_start3A_606] : memref<10000x128xf32, #tpu.memory_space<hbm>> -> memref<10000x128xf32, #tpu.memory_space<hbm>>
        tpu.enqueue_indirect_dma source(%dma_start3A_607 : memref<10000x128xf32, #tpu.memory_space<hbm>>) target(%arg9 : memref<64x128xf32, #tpu.memory_space<vmem>>) offsets(%dma_start3A_604 : memref<64xi32, #tpu.memory_space<vmem>>) semaphore(%arg14 : memref<!tpu.dma_semaphore, #tpu.memory_space<semaphore_mem>>)
      } else {
      }
      %add3A_554 = arith.constant 2 : i32
      %add3A_555 = arith.addi %mul3A_514, %add3A_554 : i32
      %mul3A_556 = arith.constant 64 : i32
      %mul3A_557 = arith.muli %add3A_555, %mul3A_556 : i32
      %dma_wait3A_558 = arith.constant 0 : i32
      %dma_wait3A_559 = tpu.memref_slice %arg6[%dma_wait3A_558, %mul3A_557] : memref<2x1280xi32, #tpu.memory_space<vmem>> -> memref<1x64xi32, #tpu.memory_space<vmem>>
      %dma_wait3A_560 = tpu.memref_squeeze %dma_wait3A_559 : memref<1x64xi32, #tpu.memory_space<vmem>> -> memref<64xi32, #tpu.memory_space<vmem>>
      %dma_wait3A_561 = arith.constant 0 : i32
      %dma_wait3A_562 = arith.constant 0 : i32
      %dma_wait3A_563 = tpu.memref_slice %arg2[%dma_wait3A_561, %dma_wait3A_562] : memref<10000x128xf32, #tpu.memory_space<hbm>> -> memref<10000x128xf32, #tpu.memory_space<hbm>>
      tpu.wait_indirect_dma semaphore(%arg15 : memref<!tpu.dma_semaphore, #tpu.memory_space<semaphore_mem>>) src(%dma_wait3A_563 : memref<10000x128xf32, #tpu.memory_space<hbm>>) dst(%arg10 : memref<64x128xf32, #tpu.memory_space<vmem>>)
      %add3A_564 = arith.constant 2 : i32
      %add3A_565 = arith.addi %mul3A_514, %add3A_564 : i32
      "tpu.region"() ({
        %run_scoped3A = tpu.sem_alloc : memref<!tpu.dma_semaphore, #tpu.memory_space<semaphore_mem>>
        %dma_start3A_596 = arith.constant 0 : i32
        %dma_start3A_597 = tpu.memref_slice %arg7[%add3A_565, %dma_start3A_596] : memref<20x64xi32, #tpu.memory_space<vmem>> -> memref<1x64xi32, #tpu.memory_space<vmem>>
        %dma_start3A_598 = tpu.memref_squeeze %dma_start3A_597 : memref<1x64xi32, #tpu.memory_space<vmem>> -> memref<64xi32, #tpu.memory_space<vmem>>
        %dma_start3A_599 = arith.constant 0 : i32
        %dma_start3A_600 = arith.constant 0 : i32
        %dma_start3A_601 = tpu.memref_slice %arg12[%dma_start3A_599, %dma_start3A_600] : memref<10112x128xf32, #tpu.memory_space<vmem_shared>> -> memref<10112x128xf32, #tpu.memory_space<vmem_shared>>
        tpu.enqueue_indirect_dma source(%arg10 : memref<64x128xf32, #tpu.memory_space<vmem>>) target(%dma_start3A_601 : memref<10112x128xf32, #tpu.memory_space<vmem_shared>>) offsets(%dma_start3A_598 : memref<64xi32, #tpu.memory_space<vmem>>) semaphore(%run_scoped3A : memref<!tpu.dma_semaphore, #tpu.memory_space<semaphore_mem>>) {add = true}
        %dma_wait3A_602 = arith.constant 0 : i32
        %dma_wait3A_603 = tpu.memref_slice %arg7[%add3A_565, %dma_wait3A_602] : memref<20x64xi32, #tpu.memory_space<vmem>> -> memref<1x64xi32, #tpu.memory_space<vmem>>
        %dma_wait3A_604 = tpu.memref_squeeze %dma_wait3A_603 : memref<1x64xi32, #tpu.memory_space<vmem>> -> memref<64xi32, #tpu.memory_space<vmem>>
        %dma_wait3A_605 = arith.constant 0 : i32
        %dma_wait3A_606 = arith.constant 0 : i32
        %dma_wait3A_607 = tpu.memref_slice %arg12[%dma_wait3A_605, %dma_wait3A_606] : memref<10112x128xf32, #tpu.memory_space<vmem_shared>> -> memref<10112x128xf32, #tpu.memory_space<vmem_shared>>
        tpu.wait_indirect_dma semaphore(%run_scoped3A : memref<!tpu.dma_semaphore, #tpu.memory_space<semaphore_mem>>) src(%arg10 : memref<64x128xf32, #tpu.memory_space<vmem>>) dst(%dma_wait3A_607 : memref<10112x128xf32, #tpu.memory_space<vmem_shared>>)
        tpu.yield
      }) : () -> ()
      %add3A_566 = arith.constant 2 : i32
      %add3A_567 = arith.addi %mul3A_514, %add3A_566 : i32
      %add3A_568 = arith.constant 4 : i32
      %add3A_569 = arith.addi %add3A_567, %add3A_568 : i32
      %lt3A_570 = arith.constant 20 : i32
      %lt3A_571 = arith.cmpi slt, %add3A_569, %lt3A_570 : i32
      %convert_element_type3A_572 = arith.extui %lt3A_571 : i1 to i32
      %cond3A_573 = arith.constant 0 : i32
      %cond3A_574 = arith.cmpi ne, %convert_element_type3A_572, %cond3A_573 : i32
      scf.if %cond3A_574 {
        %add3A_596 = arith.constant 2 : i32
        %add3A_597 = arith.addi %mul3A_514, %add3A_596 : i32
        %add3A_598 = arith.constant 4 : i32
        %add3A_599 = arith.addi %add3A_597, %add3A_598 : i32
        %mul3A_600 = arith.constant 64 : i32
        %mul3A_601 = arith.muli %add3A_599, %mul3A_600 : i32
        %dma_start3A_602 = arith.constant 0 : i32
        %dma_start3A_603 = tpu.memref_slice %arg6[%dma_start3A_602, %mul3A_601] : memref<2x1280xi32, #tpu.memory_space<vmem>> -> memref<1x64xi32, #tpu.memory_space<vmem>>
        %dma_start3A_604 = tpu.memref_squeeze %dma_start3A_603 : memref<1x64xi32, #tpu.memory_space<vmem>> -> memref<64xi32, #tpu.memory_space<vmem>>
        %dma_start3A_605 = arith.constant 0 : i32
        %dma_start3A_606 = arith.constant 0 : i32
        %dma_start3A_607 = tpu.memref_slice %arg2[%dma_start3A_605, %dma_start3A_606] : memref<10000x128xf32, #tpu.memory_space<hbm>> -> memref<10000x128xf32, #tpu.memory_space<hbm>>
        tpu.enqueue_indirect_dma source(%dma_start3A_607 : memref<10000x128xf32, #tpu.memory_space<hbm>>) target(%arg10 : memref<64x128xf32, #tpu.memory_space<vmem>>) offsets(%dma_start3A_604 : memref<64xi32, #tpu.memory_space<vmem>>) semaphore(%arg15 : memref<!tpu.dma_semaphore, #tpu.memory_space<semaphore_mem>>)
      } else {
      }
      %add3A_575 = arith.constant 3 : i32
      %add3A_576 = arith.addi %mul3A_514, %add3A_575 : i32
      %mul3A_577 = arith.constant 64 : i32
      %mul3A_578 = arith.muli %add3A_576, %mul3A_577 : i32
      %dma_wait3A_579 = arith.constant 0 : i32
      %dma_wait3A_580 = tpu.memref_slice %arg6[%dma_wait3A_579, %mul3A_578] : memref<2x1280xi32, #tpu.memory_space<vmem>> -> memref<1x64xi32, #tpu.memory_space<vmem>>
      %dma_wait3A_581 = tpu.memref_squeeze %dma_wait3A_580 : memref<1x64xi32, #tpu.memory_space<vmem>> -> memref<64xi32, #tpu.memory_space<vmem>>
      %dma_wait3A_582 = arith.constant 0 : i32
      %dma_wait3A_583 = arith.constant 0 : i32
      %dma_wait3A_584 = tpu.memref_slice %arg2[%dma_wait3A_582, %dma_wait3A_583] : memref<10000x128xf32, #tpu.memory_space<hbm>> -> memref<10000x128xf32, #tpu.memory_space<hbm>>
      tpu.wait_indirect_dma semaphore(%arg16 : memref<!tpu.dma_semaphore, #tpu.memory_space<semaphore_mem>>) src(%dma_wait3A_584 : memref<10000x128xf32, #tpu.memory_space<hbm>>) dst(%arg11 : memref<64x128xf32, #tpu.memory_space<vmem>>)
      %add3A_585 = arith.constant 3 : i32
      %add3A_586 = arith.addi %mul3A_514, %add3A_585 : i32
      "tpu.region"() ({
        %run_scoped3A = tpu.sem_alloc : memref<!tpu.dma_semaphore, #tpu.memory_space<semaphore_mem>>
        %dma_start3A_596 = arith.constant 0 : i32
        %dma_start3A_597 = tpu.memref_slice %arg7[%add3A_586, %dma_start3A_596] : memref<20x64xi32, #tpu.memory_space<vmem>> -> memref<1x64xi32, #tpu.memory_space<vmem>>
        %dma_start3A_598 = tpu.memref_squeeze %dma_start3A_597 : memref<1x64xi32, #tpu.memory_space<vmem>> -> memref<64xi32, #tpu.memory_space<vmem>>
        %dma_start3A_599 = arith.constant 0 : i32
        %dma_start3A_600 = arith.constant 0 : i32
        %dma_start3A_601 = tpu.memref_slice %arg12[%dma_start3A_599, %dma_start3A_600] : memref<10112x128xf32, #tpu.memory_space<vmem_shared>> -> memref<10112x128xf32, #tpu.memory_space<vmem_shared>>
        tpu.enqueue_indirect_dma source(%arg11 : memref<64x128xf32, #tpu.memory_space<vmem>>) target(%dma_start3A_601 : memref<10112x128xf32, #tpu.memory_space<vmem_shared>>) offsets(%dma_start3A_598 : memref<64xi32, #tpu.memory_space<vmem>>) semaphore(%run_scoped3A : memref<!tpu.dma_semaphore, #tpu.memory_space<semaphore_mem>>) {add = true}
        %dma_wait3A_602 = arith.constant 0 : i32
        %dma_wait3A_603 = tpu.memref_slice %arg7[%add3A_586, %dma_wait3A_602] : memref<20x64xi32, #tpu.memory_space<vmem>> -> memref<1x64xi32, #tpu.memory_space<vmem>>
        %dma_wait3A_604 = tpu.memref_squeeze %dma_wait3A_603 : memref<1x64xi32, #tpu.memory_space<vmem>> -> memref<64xi32, #tpu.memory_space<vmem>>
        %dma_wait3A_605 = arith.constant 0 : i32
        %dma_wait3A_606 = arith.constant 0 : i32
        %dma_wait3A_607 = tpu.memref_slice %arg12[%dma_wait3A_605, %dma_wait3A_606] : memref<10112x128xf32, #tpu.memory_space<vmem_shared>> -> memref<10112x128xf32, #tpu.memory_space<vmem_shared>>
        tpu.wait_indirect_dma semaphore(%run_scoped3A : memref<!tpu.dma_semaphore, #tpu.memory_space<semaphore_mem>>) src(%arg11 : memref<64x128xf32, #tpu.memory_space<vmem>>) dst(%dma_wait3A_607 : memref<10112x128xf32, #tpu.memory_space<vmem_shared>>)
        tpu.yield
      }) : () -> ()
      %add3A_587 = arith.constant 3 : i32
      %add3A_588 = arith.addi %mul3A_514, %add3A_587 : i32
      %add3A_589 = arith.constant 4 : i32
      %add3A_590 = arith.addi %add3A_588, %add3A_589 : i32
      %lt3A_591 = arith.constant 20 : i32
      %lt3A_592 = arith.cmpi slt, %add3A_590, %lt3A_591 : i32
      %convert_element_type3A_593 = arith.extui %lt3A_592 : i1 to i32
      %cond3A_594 = arith.constant 0 : i32
      %cond3A_595 = arith.cmpi ne, %convert_element_type3A_593, %cond3A_594 : i32
      scf.if %cond3A_595 {
        %add3A_596 = arith.constant 3 : i32
        %add3A_597 = arith.addi %mul3A_514, %add3A_596 : i32
        %add3A_598 = arith.constant 4 : i32
        %add3A_599 = arith.addi %add3A_597, %add3A_598 : i32
        %mul3A_600 = arith.constant 64 : i32
        %mul3A_601 = arith.muli %add3A_599, %mul3A_600 : i32
        %dma_start3A_602 = arith.constant 0 : i32
        %dma_start3A_603 = tpu.memref_slice %arg6[%dma_start3A_602, %mul3A_601] : memref<2x1280xi32, #tpu.memory_space<vmem>> -> memref<1x64xi32, #tpu.memory_space<vmem>>
        %dma_start3A_604 = tpu.memref_squeeze %dma_start3A_603 : memref<1x64xi32, #tpu.memory_space<vmem>> -> memref<64xi32, #tpu.memory_space<vmem>>
        %dma_start3A_605 = arith.constant 0 : i32
        %dma_start3A_606 = arith.constant 0 : i32
        %dma_start3A_607 = tpu.memref_slice %arg2[%dma_start3A_605, %dma_start3A_606] : memref<10000x128xf32, #tpu.memory_space<hbm>> -> memref<10000x128xf32, #tpu.memory_space<hbm>>
        tpu.enqueue_indirect_dma source(%dma_start3A_607 : memref<10000x128xf32, #tpu.memory_space<hbm>>) target(%arg11 : memref<64x128xf32, #tpu.memory_space<vmem>>) offsets(%dma_start3A_604 : memref<64xi32, #tpu.memory_space<vmem>>) semaphore(%arg16 : memref<!tpu.dma_semaphore, #tpu.memory_space<semaphore_mem>>)
      } else {
      }
    }
    %scan3A_510 = arith.constant 5 : i32
    %barrier3A_511 = arith.constant 0 : index
    tpu.barrier barrier_id(%barrier3A_511)
    "tpu.region"() ({
      %run_scoped3A = tpu.sem_alloc : memref<!tpu.dma_semaphore, #tpu.memory_space<semaphore_mem>>
      %dma_start3A_512 = arith.constant 0 : i32
      %dma_start3A_513 = tpu.memref_slice %arg4[%arg0, %mul3A_2, %dma_start3A_512] : memref<2x10112x128xf32, #tpu.memory_space<hbm>> -> memref<1x632x128xf32, #tpu.memory_space<hbm>>
      %dma_start3A_514 = tpu.memref_squeeze %dma_start3A_513 : memref<1x632x128xf32, #tpu.memory_space<hbm>> -> memref<632x128xf32, #tpu.memory_space<hbm>>
      %dma_start3A_515 = arith.constant 0 : i32
      %dma_start3A_516 = tpu.memref_slice %arg12[%mul3A_2, %dma_start3A_515] : memref<10112x128xf32, #tpu.memory_space<vmem_shared>> -> memref<632x128xf32, #tpu.memory_space<vmem_shared>>
      tpu.enqueue_dma source(%dma_start3A_516 : memref<632x128xf32, #tpu.memory_space<vmem_shared>>) target(%dma_start3A_514 : memref<632x128xf32, #tpu.memory_space<hbm>>) target_semaphore(%run_scoped3A : memref<!tpu.dma_semaphore, #tpu.memory_space<semaphore_mem>>)
      %dma_wait3A_517 = arith.constant 0 : i32
      %dma_wait3A_518 = tpu.memref_slice %arg4[%arg0, %mul3A_2, %dma_wait3A_517] : memref<2x10112x128xf32, #tpu.memory_space<hbm>> -> memref<1x632x128xf32, #tpu.memory_space<hbm>>
      %dma_wait3A_519 = tpu.memref_squeeze %dma_wait3A_518 : memref<1x632x128xf32, #tpu.memory_space<hbm>> -> memref<632x128xf32, #tpu.memory_space<hbm>>
      %dma_wait3A_520 = arith.constant 0 : i32
      %dma_wait3A_521 = tpu.memref_slice %arg12[%mul3A_2, %dma_wait3A_520] : memref<10112x128xf32, #tpu.memory_space<vmem_shared>> -> memref<632x128xf32, #tpu.memory_space<vmem_shared>>
      tpu.wait_dma2 semaphore(%run_scoped3A : memref<!tpu.dma_semaphore, #tpu.memory_space<semaphore_mem>>) src(%dma_wait3A_521 : memref<632x128xf32, #tpu.memory_space<vmem_shared>>) dst(%dma_wait3A_519 : memref<632x128xf32, #tpu.memory_space<hbm>>)
      tpu.yield
    }) : () -> ()
    return
  }
}

module attributes {stable_mosaic.version = 14 : i64} {
  func.func @body(%arg0: i32, %arg1: memref<2x2000x128xf32, #tpu.memory_space<vmem>>, %arg2: memref<128x128xf32, #tpu.memory_space<vmem>>, %arg3: memref<1x128xf32, #tpu.memory_space<vmem>>, %arg4: memref<2000x128xf32, #tpu.memory_space<vmem>>) attributes {dimension_semantics = [#tpu.dimension_semantics<arbitrary>], iteration_bounds = array<i64: 5>, scalar_prefetch = 0 : i64, scratch_operands = 0 : i64, tpu.core_type = #tpu.core_type<tc>, window_params = [{transform_indices = @transform_0, window_bounds = array<i64: 2, 2000, 128>}, {pipeline_mode = #tpu.pipeline_mode<synchronous>, transform_indices = @transform_1, window_bounds = array<i64: 128, 128>}, {pipeline_mode = #tpu.pipeline_mode<synchronous>, transform_indices = @transform_2, window_bounds = array<i64: 1, 128>}, {transform_indices = @transform_3, window_bounds = array<i64: 2000, 128>}]} {
    %get3A = arith.constant 0 : index
    %get3A_0 = arith.constant 0 : index
    %get3A_1 = arith.constant 0 : index
    %get3A_2 = vector.load %arg1[%get3A, %get3A_0, %get3A_1] : memref<2x2000x128xf32, #tpu.memory_space<vmem>>, vector<1x2000x128xf32>
    %get3A_3 = vector.shape_cast %get3A_2 : vector<1x2000x128xf32> to vector<2000x128xf32>
    %get3A_4 = arith.constant 1 : index
    %get3A_5 = arith.constant 0 : index
    %get3A_6 = arith.constant 0 : index
    %get3A_7 = vector.load %arg1[%get3A_4, %get3A_5, %get3A_6] : memref<2x2000x128xf32, #tpu.memory_space<vmem>>, vector<1x2000x128xf32>
    %get3A_8 = vector.shape_cast %get3A_7 : vector<1x2000x128xf32> to vector<2000x128xf32>
    %add3A = arith.addf %get3A_3, %get3A_8 : vector<2000x128xf32>
    %get3A_9 = arith.constant 0 : index
    %get3A_10 = arith.constant 0 : index
    %get3A_11 = vector.load %arg2[%get3A_9, %get3A_10] : memref<128x128xf32, #tpu.memory_space<vmem>>, vector<128x128xf32>
    %dot_general3A = arith.constant dense<0.000000e+00> : vector<2000x128xf32>
    %dot_general3A_12 = tpu.matmul %add3A, %get3A_11, %dot_general3A {dimension_numbers = #tpu.dot_dimension_numbers<[1], [1], [0], [0], [0, 0, 1, 0], [], []>, transpose_lhs_hint = false} : vector<2000x128xf32>, vector<128x128xf32>, vector<2000x128xf32> -> vector<2000x128xf32>
    %get3A_13 = arith.constant 0 : index
    %get3A_14 = arith.constant 0 : index
    %get3A_15 = vector.load %arg3[%get3A_13, %get3A_14] : memref<1x128xf32, #tpu.memory_space<vmem>>, vector<1x128xf32>
    %add3A_16 = vector.broadcast %get3A_15 : vector<1x128xf32> to vector<2000x128xf32>
    %add3A_17 = arith.addf %dot_general3A_12, %add3A_16 : vector<2000x128xf32>
    %swap3A = arith.constant 0 : index
    %swap3A_18 = arith.constant 0 : index
    %swap3A_19 = vector.load %arg4[%swap3A, %swap3A_18] : memref<2000x128xf32, #tpu.memory_space<vmem>>, vector<2000x128xf32>
    tpu.vector_store %arg4[%swap3A, %swap3A_18], %add3A_17 {strides = array<i32>} : memref<2000x128xf32, #tpu.memory_space<vmem>>, vector<2000x128xf32>,
    return
  }
  func.func @transform_0(%arg0: i32) -> (i32, i32, i32) {
    %c0_i32 = arith.constant 0 : i32
    %c0_i32_0 = arith.constant 0 : i32
    %c0_i32_1 = arith.constant 0 : i32
    return %c0_i32, %arg0, %c0_i32_0 : i32, i32, i32
  }
  func.func @transform_1(%arg0: i32) -> (i32, i32) {
    %c0_i32 = arith.constant 0 : i32
    %c0_i32_0 = arith.constant 0 : i32
    %c0_i32_1 = arith.constant 0 : i32
    return %c0_i32, %c0_i32_0 : i32, i32
  }
  func.func @transform_2(%arg0: i32) -> (i32, i32) {
    %c0_i32 = arith.constant 0 : i32
    %c0_i32_0 = arith.constant 0 : i32
    %c0_i32_1 = arith.constant 0 : i32
    return %c0_i32, %c0_i32_0 : i32, i32
  }
  func.func @transform_3(%arg0: i32) -> (i32, i32) {
    %c0_i32 = arith.constant 0 : i32
    %c0_i32_0 = arith.constant 0 : i32
    return %arg0, %c0_i32 : i32, i32
  }
}

</mosaic_0001>

<sc_bundles>
// kernel: kernel.4.cloned.1.call-start
scs
__scs_entry_jumppad:
0x0: {  	(pc) =	sbr.rel $0x88, $3  }
0x1: {  	(tag) =	ssettag $0x0;
	lr =	simm.s32 $0x1  }
0x2: {  	[smem:$0x3F9D] =	sst lr;
	_ =	strace $0xD0000000  }
0x3: {  	_ = 	snop  }
0x4: {  	_ = 	snop  }
0x5: {  	_ = 	snop  }
0x6: {  	_ = 	snop  }
0x7: {  	_ = 	snop  }
__scs_overlays_trampoline_lowered:
0x8: {  	[smem:$0x3FAC] =	sst s0  }
0x9: {  	[smem:$0x3FAD] =	sst s1  }
0xa: {  	[smem:$0x3FAE] =	sst s2  }
0xb: {  	[smem:$0x3FAF] =	sst s3  }
0xc: {  	[smem:$0x3FB0] =	sst s4  }
0xd: {  	[smem:$0x3FB1] =	sst s5  }
0xe: {  	[smem:$0x3FB2] =	sst s6  }
0xf: {  	[smem:$0x3FB3] =	sst s7  }
0x10: {  	[smem:$0x3FB4] =	sst s8  }
0x11: {  	[smem:$0x3FB5] =	sst s9;
	s0 =	simm.s32 @!p0 $0x0  }
0x12: {  	s1 =	sld [smem:$0x3F9B];
	s0 =	simm.s32 @p0 $0x1  }
0x13: {  	[smem:$0x3FB6] =	sst s0;
	s0 =	simm.s32 @!p1 $0x0  }
0x14: {  	s2 =	sld [smem:$0x3F9A];
	s0 =	simm.s32 @p1 $0x1  }
0x15: {  	[smem:$0x3FB7] =	sst s0;
	s0 =	simm.s32 @!p2 $0x0  }
0x16: {  	s3 =	sld [smem:$0x3FDB];
	s0 =	simm.s32 @p2 $0x1  }
0x17: {  	s4 =	simm.s32 $0x1BF5;
	[smem:$0x3FB9] =	sst s0  }
0x18: {  	s0 =	sld [smem:$0x3F9C];
	_ =	swait.ge [sflag:s4], $0x0  }
0x19: {  	s7 =	sld [smem:$0x3F9D]  }
0x1a: {  	s8 =	sadd.s32 $0xFFFFE003, lr  }
0x1b: {  	s9 =	sadd.s32 $0xFFFFFEF7, lr;
	s5 =	simm.s32 $0xFFFFFFFF;
	p2 =	slt.u32 s8, $0xFFFFF086  }
0x1c: {  	p1 =	slt.u32 s9, $0xF7A;
	s5 =	simm.s32 @!p2 $0x0  }
0x1d: {  	s5 =	simm.s32 @p1 $0x1;
	p0 =	seq.s32 s7, s2  }
0x1e: {  	s7 =	smul.u32 @!p0 $0xF7A, s2;
	p2 =	seq.s32 @!p0 s5, $0x0  }
0x1f: {  	s9 =	smul.u32 $0xF7A, s1;
	s8 =	simm.s32 @!p0 $0x1BF5;
	p2 =	por !p2, p0  }
0x20: {  	[sflag:s8] =	ssyncset.s32 @!p0 $0xFFFFF086;
	s6 =	sadd.s32 @!p0 s3, s7;
	s7 =	simm.s32 @!p0 $0x108  }
0x21: {  	s3 =	sadd.s32 s3, s9;
	s6 =	sadd.s32 @!p0 $0x88, s6;
	s7 =	simm.s32 @p2 $0x1082  }
0x22: {  	[simem:s7], [sflag:s8] =	dma.local @!p0 [hbm:s6], $0xF7A  }
0x23: {  	s9 =	sor.u32 $0xD0000000, s2;
	s6 =	simm.s32 $0x108;
	_ =	swait.ge @!p0 [sflag:s8], $0x0  }
0x24: {  	s3 =	sadd.s32 $0x88, s3;
	s6 =	simm.s32 @!p1 $0x1082;
	[sflag:s4] =	ssyncset.s32 $0xFFFFF086  }
0x25: {  	[simem:s6], [sflag:s4] =	dma.local [hbm:s3], $0xF7A  }
0x26: {  	[smem:$0x3F9D] =	sst s1;
	(tag) =	ssettag s2;
	_ =	strace s9  }
0x27: {  	s1 =	sld [smem:$0x3FAD]  }
0x28: {  	s2 =	sld [smem:$0x3FAE]  }
0x29: {  	s4 =	sld [smem:$0x3FB0]  }
0x2a: {  	p0 =	seq.s32 s5, $0x0;
	s5 =	sld [smem:$0x3FB1]  }
0x2b: {  	s6 =	sld [smem:$0x3FB2]  }
0x2c: {  	s7 =	sld [smem:$0x3FB3]  }
0x2d: {  	s3 =	simm.s32 $0x108;
	s8 =	sld [smem:$0x3FB4]  }
0x2e: {  	s3 =	simm.s32 @!p0 $0x1082;
	s9 =	sld [smem:$0x3FB5]  }
0x2f: {  	lr =	sadd.s32 s0, s3;
	s0 =	sld [smem:$0x3FAC]  }
0x30: {  	s3 =	sld [smem:$0x3FAF]  }
0x31: {  	[smem:$0x3FB8] =	sst s10  }
0x32: {  	s10 =	sld [smem:$0x3FB6];
	_ =	sdelay $0x3  }
0x33: {  	p0 =	seq.s32 s10, $0x1;
	s10 =	sld [smem:$0x3FB8];
	_ =	sdelay $0x3  }
0x34: {  	[smem:$0x3FB8] =	sst s10  }
0x35: {  	s10 =	sld [smem:$0x3FB7];
	_ =	sdelay $0x3  }
0x36: {  	p1 =	seq.s32 s10, $0x1;
	s10 =	sld [smem:$0x3FB8];
	_ =	sdelay $0x3  }
0x37: {  	[smem:$0x3FB8] =	sst s10  }
0x38: {  	s10 =	sld [smem:$0x3FB9]  }
0x39: {  	_ = 	snop;
	(pc) =	sbr.ind lr, $3  }
0x3a: {  	_ = 	snop  }
0x3b: {  	_ = 	snop  }
0x3c: {  	p2 =	seq.s32 s10, $0x1;
	s10 =	sld [smem:$0x3FB8]  }
0x3d: {  	_ =	shalt  }
0x3e: {  	_ =	shalt  }
0x3f: {  	_ =	shalt  }
0x40: {  	_ =	shalt  }
0x41: {  	_ =	shalt  }
0x42: {  	_ =	shalt  }
0x43: {  	_ =	shalt  }
0x44: {  	_ =	shalt  }
0x45: {  	_ =	shalt  }
0x46: {  	_ =	shalt  }
0x47: {  	_ =	shalt  }
0x48: {  	_ =	shalt  }
0x49: {  	_ =	shalt  }
0x4a: {  	_ =	shalt  }
0x4b: {  	_ =	shalt  }
0x4c: {  	_ =	shalt  }
0x4d: {  	_ =	shalt  }
0x4e: {  	_ =	shalt  }
0x4f: {  	_ =	shalt  }
0x50: {  	_ =	shalt  }
0x51: {  	_ =	shalt  }
0x52: {  	_ =	shalt  }
0x53: {  	_ =	shalt  }
0x54: {  	_ =	shalt  }
0x55: {  	_ =	shalt  }
0x56: {  	_ =	shalt  }
0x57: {  	_ =	shalt  }
0x58: {  	_ =	shalt  }
0x59: {  	_ =	shalt  }
0x5a: {  	_ =	shalt  }
0x5b: {  	_ =	shalt  }
0x5c: {  	_ =	shalt  }
0x5d: {  	_ =	shalt  }
0x5e: {  	_ =	shalt  }
0x5f: {  	_ =	shalt  }
0x60: {  	_ =	shalt  }
0x61: {  	_ =	shalt  }
0x62: {  	_ =	shalt  }
0x63: {  	_ =	shalt  }
0x64: {  	_ =	shalt  }
0x65: {  	_ =	shalt  }
0x66: {  	_ =	shalt  }
0x67: {  	_ =	shalt  }
0x68: {  	_ =	shalt  }
0x69: {  	_ =	shalt  }
0x6a: {  	_ =	shalt  }
0x6b: {  	_ =	shalt  }
0x6c: {  	_ =	shalt  }
0x6d: {  	_ =	shalt  }
0x6e: {  	_ =	shalt  }
0x6f: {  	_ =	shalt  }
0x70: {  	_ =	shalt  }
0x71: {  	_ =	shalt  }
0x72: {  	_ =	shalt  }
0x73: {  	_ =	shalt  }
0x74: {  	_ =	shalt  }
0x75: {  	_ =	shalt  }
0x76: {  	_ =	shalt  }
0x77: {  	_ =	shalt  }
0x78: {  	_ =	shalt  }
0x79: {  	_ =	shalt  }
0x7a: {  	_ =	shalt  }
0x7b: {  	_ =	shalt  }
0x7c: {  	_ =	shalt  }
0x7d: {  	_ =	shalt  }
0x7e: {  	_ =	shalt  }
0x7f: {  	_ =	shalt  }
0x80: {  	_ =	shalt  }
0x81: {  	_ =	shalt  }
0x82: {  	_ =	shalt  }
0x83: {  	_ =	shalt  }
0x84: {  	_ =	shalt  }
0x85: {  	_ =	shalt  }
0x86: {  	_ =	shalt  }
0x87: {  	_ =	shalt  }
.Lfunc_end0:
.L_simem_size_0:
called_computation_lowered:
.L_overlay_start_0:
0x88: {  	s2 =	sld [smem:$0x3FD9]  }
0x89: {  	s3 =	sld [smem:$0x3FFE];
	_ =	sdelay $0x1  }
0x8a: {  	s1 =	srdreg.scid  }
0x8b: {  	s0 =	sand.u32 $0x1, s1  }
0x8c: {  	s17 =	sshll.u32 s0, $0xA;
	s2 =	sadd.s32 s3, s2  }
0x8d: {  	s2 =	sadd.s32 s2, s17  }
0x8e: {  	[smem:$0x3FC4] =	sst s2  }
0x8f: {  	_ = 	snop  }
0x90: {  	s2 =	sld [smem:$0x3FC9]  }
0x91: {  	s18 =	sld [smem:$0x3FD0];
	(tm) =	ssettm $0x1  }
0x92: {  	s4 =	sld [smem:$0x3FFB];
	_ =	sdelay $0x3  }
0x93: {  	_ =	strace s4  }
0x94: {  	s4 =	sld [smem:$0x3FFC];
	_ =	sdelay $0x3  }
0x95: {  	_ =	strace s4  }
0x96: {  	s4 =	sld [smem:$0x3FFD];
	_ =	sdelay $0x3  }
0x97: {  	_ =	strace s4  }
0x98: {  	_ =	strace $0x8FFFFFFF  }
0x99: {  	s19 =	sld [smem:$0x3FDB];
	_ =	sdelay $0x1  }
0x9a: {  	s5 =	simm.s32 $_scs_section_size  }
0x9b: {  	s6 =	simm.s32 $_size__tile_overlayer_lowered;
	s7 =	simm.s32 $_tile_overlayer_lowered  }
0x9c: {  	s22 =	simm.s32 $0x1BFF;
	s21 =	sshll.u32 s7, $0x1;
	s4 =	sadd.s32 s5, s19  }
0x9d: {  	s8 =	simm.s32 $0x0;
	s20 =	sshll.u32 s6, $0x1;
	s6 =	sadd.s32 s21, s4  }
0x9e: {  	[timem:s8], [sflag:s22] =	dma.local [hbm:s6], s20  }
0x9f: {  	_ =	swait.ge [sflag:s22], s20  }
0xa0: {  	s5 =	ssub.s32 $0x0, s20;
	[sflag:s22] =	ssyncset.done $0x0  }
0xa1: {  	[sflag:s22] =	ssyncadd.s32 s5;
	_ =	sdelay $0x1  }
0xa2: {  	s23 =	simm.s32 $0x1B8B  }
0xa3: {  	_ =	swait.ge [sflag:s23], $0x1  }
0xa4: {  	[sflag:s23] =	ssyncset.done $0x0  }
0xa5: {  	s25 =	simm.s32 $0x1B8E;
	s24 =	sld [smem:$0x3FFE];
	[sflag:s23] =	ssyncadd.s32 $0xFFFFFFFF  }
0xa6: {  	s26 =	simm.s32 $execute0_lowered;
	[smem:$0x3FD2] =	sst s25  }
0xa7: {  	s6 =	sshll.u32 s26, $0x1;
	_ =	strace $0x80000046;
	[dreg:$0x1] =	wrdreg $0xFFFFFFFF  }
0xa8: {  	s28 =	simm.s32 $_size_execute0_lowered;
	s4 =	sadd.s32 s4, s6;
	[dreg:$0x0] =	wrdreg $0x0  }
0xa9: {  	s6 =	sshll.u32 s28, $0x1;
	[dreg:$0x2] =	wrdreg s4  }
0xaa: {  	[dreg:$0x3] =	wrdreg s6  }
0xab: {  	[dreg:$0x4] =	wrdreg $0xC0  }
0xac: {  	_ =	task [dreg:s8], $0x5FFFF  }
0xad: {  	[dreg:$0x1] =	wrdreg $0xFFFFFFFF  }
0xae: {  	[dreg:$0x0] =	wrdreg $0x60  }
0xaf: {  	[dreg:$0x2] =	wrdreg s2  }
0xb0: {  	[dreg:$0x3] =	wrdreg s18  }
0xb1: {  	[dreg:$0x4] =	wrdreg s24  }
0xb2: {  	[dreg:$0x5] =	wrdreg $0xA0000  }
0xb3: {  	[dreg:$0x6] =	wrdreg $0x9  }
0xb4: {  	_ =	task.clear_ibuf [dreg:s8], $0x7FFFF;
	_ =	strace $0x90000046  }
0xb5: {  	s29 =	simm.s32 $0x9;
	_ =	strace $0x80000048  }
0xb6: {  	_ =	swait.ge [sflag:s29], $0x1  }
0xb7: {  	[sflag:s29] =	ssyncadd.s32 $0xFFFFFFFF  }
0xb8: {  	_ =	strace $0x90000048  }
0xb9: {  	_ =	sfence  }
0xba: {  	s30 =	sld [smem:$0x0];
	_ =	sdelay $0x2  }
0xbb: {  	s31 =	sshll.u32 s1, $0xD;
	s1 =	sshrl.u32 s1, $0x2  }
0xbc: {  	s3 =	sand.u32 $0x4000, s31;
	s1 =	sadd.s32 s1, s30  }
0xbd: {  	s0 =	sor.u32 s3, s0;
	s1 =	sshll.u32 s1, $0x11  }
0xbe: {  	s0 =	sor.u32 s1, s0  }
0xbf: {  	s0 =	sadd.s32 $0x8F2B, s0  }
0xc0: {  	[sflag:s0] =	ssyncadd.remote.s32 $0x1  }
0xc1: {  	_ =	sfence.sel $0xFFFF  }
0xc2: {  	[dreg:$0x0] =	wrdreg $0xFFFFFFFF;
	(pc) =	sbr.abs _section_cstart, $3  }
0xc3: {  	[dreg:$0x1] =	wrdreg $0xFFFFFFFF  }
0xc4: {  	_ =	task.clear_ibuf [dreg:s8], $0x2FFFF;
	_ =	strace $0x9FFFFFFF  }
0xc5: {  	(tm) =	ssettm $0x7FFFFFFF  }
tec
execute0_lowered:
.L_overlay_start_1:
0x0: {  	(tag) =	ssettag $0x1  }
0x1: {  	s0 =	rddreg [dreg:$0x0]  }
0x2: {  	s1 =	rddreg [dreg:$0x1];
	s9 =	stileid.u32  }
0x3: {  	s2 =	srdreg.scid;
	s7 =	smul.u32 $0x13C00, s9  }
0x4: {  	s2 =	sand.u32 $0x1, s2;
	s25 =	smul.u32 $0x4F000, s9;
	s9 =	sshll.u32 s9, $0x1  }
0x5: {  	s6 =	smul.u32 $0x13C000, s2;
	s26 =	ssub.s32 $0x2, s2;
	s2 =	sor.u32 s2, s9  }
0x6: {  	s5 =	rddreg [dreg:$0x2];
	s12 =	smul.u32 $0x5000, s2  }
0x7: {  	s3 =	rddreg [dreg:$0x3];
	s4 =	simm.s32 $0x0;
	s2 =	smul.u32 $0xA00, s2  }
0x8: {  	[smem:$0x7FF] =	sst s4  }
0x9: {  	s6 =	sadd.s32 s7, s6;
	s7 =	sshrl.u32 s25, $0x2;
	s2 =	sadd.s32 s1, s2  }
0xa: {  	_ =	strace $0x80000047;
	s13 =	sadd.s32 s7, s3;
	[dreg:$0xe] =	wrdreg s2  }
0xb: {  	s29 =	simm.s32 $0x40;
	s7 =	sadd.s32 $0x2000, s13;
	[dreg:$0x5] =	wrdreg s13  }
0xc: {  	s30 =	simm.s32 $0x4000;
	s10 =	sadd.s32 $0x4000, s13;
	[dreg:$0x6] =	wrdreg s7  }
0xd: {  	s31 =	simm.s32 $0x1B00;
	s11 =	sadd.s32 $0x6000, s13;
	[dreg:$0x7] =	wrdreg s10  }
0xe: {  	s28 =	simm.s32 $0x1C00;
	s14 =	sadd.s32 $0x8000, s13;
	[dreg:$0x8] =	wrdreg s11  }
0xf: {  	s9 =	simm.s32 $0x1C80;
	s15 =	sadd.s32 $0xA000, s13;
	[dreg:$0x9] =	wrdreg s14  }
0x10: {  	s8 =	sshrl.u32 s26, $0x1;
	s16 =	sadd.s32 $0xC000, s13;
	[dreg:$0xa] =	wrdreg s15  }
0x11: {  	s6 =	sshrl.u32 s6, $0x3;
	s17 =	sadd.s32 $0xE000, s13;
	[dreg:$0xb] =	wrdreg s16  }
0x12: {  	s5 =	sadd.s32 s6, s5;
	s18 =	sadd.s32 $0x10000, s13;
	[dreg:$0xc] =	wrdreg s17  }
0x13: {  	s6 =	ssub.s32 s26, s8;
	s19 =	sadd.s32 $0x12000, s13;
	[dreg:$0xd] =	wrdreg s18  }
0x14: {  	s2 =	sadd.s32 $0x140, s2;
	s8 =	simm.s32 $0x1;
	[dreg:$0xf] =	wrdreg s19  }
0x15: {  	s7 =	sshrl.u32 s12, $0x3;
	[dreg:$0x10] =	wrdreg s2;
	s25 =	sadd.s32 $0xA00, s5  }
0x16: {  	s26 =	smax.u32 s6, $0x1;
	s2 =	simm.s32 $0x6000;
	s6 =	simm.s32 $0x8000  }
0x17: {  	s11 =	simm.s32 $0x2;
	s15 =	simm.s32 $0x3;
	s18 =	simm.s32 $0x4  }
0x18: {  	s17 =	simm.s32 $0x1A80;
	s1 =	sadd.s32 s1, s7;
	[dreg:$0x17] =	wrdreg s25  }
0x19: {  	s5 =	simm.s32 $0x1B80;
	[dreg:$0x18] =	wrdreg s26;
	s20 =	sadd.s32 $0x280, s1  }
0x1a: {  	s12 =	simm.s32 $0x1D00;
	s21 =	sadd.s32 $0x3C0, s1;
	[dreg:$0x11] =	wrdreg s20  }
0x1b: {  	s16 =	simm.s32 $0x1D80;
	s22 =	sadd.s32 $0x500, s1;
	[dreg:$0x12] =	wrdreg s21  }
0x1c: {  	s19 =	simm.s32 $0x7;
	s23 =	sadd.s32 $0x640, s1;
	[dreg:$0x13] =	wrdreg s22  }
0x1d: {  	s25 =	simm.s32 $0x2000;
	s24 =	sadd.s32 $0x780, s1;
	[dreg:$0x14] =	wrdreg s23  }
0x1e: {  	s26 =	simm.s32 $0x8;
	s1 =	sadd.s32 $0x8C0, s1;
	[dreg:$0x15] =	wrdreg s24  }
0x1f: {  	v0 =	vimm.f32 $0.0e+00;
	s7 =	simm.s32 $0x5;
	[dreg:$0x16] =	wrdreg s1;
	s21 =	simm.s32 $0x6  }
.LBB2_1:
0x20: {  	s23 =	simm.s32 $0x0;
	s1 =	simm.s32 $0x200  }
.LBB2_2:
0x21: {  	p0 =	sne.s32 s1, $0x7E00;
	[tilespmem:s23+$0x2070] =	vst v0  }
0x22: {  	[tilespmem:s23+$0x2000] =	vst v0  }
0x23: {  	[tilespmem:s23+$0x2010] =	vst v0  }
.Ltmp0:
0x24: {  	[tilespmem:s23+$0x2020] =	vst v0;
	(pc) =	sbr.rel @p0 .LBB2_2-.Ltmp0, $4  }
0x25: {  	[tilespmem:s23+$0x2030] =	vst v0  }
0x26: {  	[tilespmem:s23+$0x2040] =	vst v0  }
0x27: {  	[tilespmem:s23+$0x2050] =	vst v0  }
0x28: {  	[tilespmem:s23+$0x2060] =	vst v0;
	s23 =	sshra.s32 s1, $0x2;
	s1 =	sadd.s32 $0x200, s1  }
0x29: {  	[tilespmem:s23+$0x2070] =	vst v0  }
0x2a: {  	[tilespmem:s23+$0x2000] =	vst v0  }
0x2b: {  	[tilespmem:s23+$0x2010] =	vst v0  }
0x2c: {  	[tilespmem:s23+$0x2020] =	vst v0  }
0x2d: {  	[tilespmem:s23+$0x2030] =	vst v0  }
0x2e: {  	[tilespmem:s23+$0x2040] =	vst v0  }
0x2f: {  	[tilespmem:s23+$0x2050] =	vst v0  }
0x30: {  	[tilespmem:s23+$0x2060] =	vst v0  }
0x31: {  	[spmem:s13] =	stream.linear.scatter [tilespmem:s25], [sflag:$0x5], $0x2000, $0x38;
	[tilespmem:$0x1DC00] =	vst v63  }
0x32: {  	s1 =	rddreg [dreg:$0x6]  }
0x33: {  	[spmem:s1] =	stream.linear.scatter [tilespmem:s25], [sflag:$0x5], $0x2000, $0x38;
	[tilespmem:$0x1DC00] =	vst v63  }
0x34: {  	s13 =	rddreg [dreg:$0x7]  }
0x35: {  	[spmem:s13] =	stream.linear.scatter [tilespmem:s25], [sflag:$0x5], $0x2000, $0x38;
	[tilespmem:$0x1DC00] =	vst v63  }
0x36: {  	s14 =	rddreg [dreg:$0x8]  }
0x37: {  	[spmem:s14] =	stream.linear.scatter [tilespmem:s25], [sflag:$0x5], $0x2000, $0x38;
	[tilespmem:$0x1DC00] =	vst v63  }
0x38: {  	s20 =	rddreg [dreg:$0x9]  }
0x39: {  	[spmem:s20] =	stream.linear.scatter [tilespmem:s25], [sflag:$0x5], $0x2000, $0x38;
	[tilespmem:$0x1DC00] =	vst v63  }
0x3a: {  	s22 =	rddreg [dreg:$0xa]  }
0x3b: {  	[spmem:s22] =	stream.linear.scatter [tilespmem:s25], [sflag:$0x5], $0x2000, $0x38;
	[tilespmem:$0x1DC00] =	vst v63  }
0x3c: {  	s23 =	rddreg [dreg:$0xb]  }
0x3d: {  	[spmem:s23] =	stream.linear.scatter [tilespmem:s25], [sflag:$0x5], $0x2000, $0x38;
	[tilespmem:$0x1DC00] =	vst v63  }
0x3e: {  	s24 =	rddreg [dreg:$0xc]  }
0x3f: {  	[spmem:s24] =	stream.linear.scatter [tilespmem:s25], [sflag:$0x5], $0x2000, $0x38;
	[tilespmem:$0x1DC00] =	vst v63  }
0x40: {  	s10 =	rddreg [dreg:$0xd]  }
0x41: {  	[spmem:s10] =	stream.linear.scatter [tilespmem:s25], [sflag:$0x5], $0x2000, $0x38;
	[tilespmem:$0x1DC00] =	vst v63  }
0x42: {  	s13 =	rddreg [dreg:$0xf]  }
0x43: {  	[spmem:s13] =	stream.linear.scatter [tilespmem:s25], [sflag:$0x5], $0x1C00, $0x38;
	[tilespmem:$0x1DC00] =	vst v63  }
0x44: {  	s1 =	simm.s32 $0x0;
	s10 =	rddreg [dreg:$0xe]  }
0x45: {  	[tilespmem:s1], [sflag:$0x8] =	stream.linear.gather [hbm4b:s10+s1], $0xA00, $0x38;
	[tilespmem:$0x1DC00] =	vst v63  }
0x46: {  	_ =	swait.ge [sflag:s26], $0xA00  }
0x47: {  	[sflag:s26] =	ssyncset.done $0x0  }
0x48: {  	s20 =	simm.s32 $0xA00;
	s14 =	rddreg [dreg:$0x10];
	[sflag:s26] =	ssyncadd.s32 $0xFFFFF600  }
0x49: {  	[tilespmem:s20], [sflag:$0x7] =	stream.linear.gather [hbm4b:s14+s1], $0xA00, $0x38;
	[tilespmem:$0x1DC00] =	vst v63  }
0x4a: {  	_ = 	snop  }
0x4b: {  	[tilespmem:s30], [sflag:$0x2] =	stream.indirect.gather [hbm4b:s0+s29], $0x80, s29, s29, $0xb8;
	[tilespmem:$0x1DC00] =	vst v63  }
0x4c: {  	s22 =	simm.s32 $0x100;
	s24 =	sand.u32 $0x70, s1;
	s14 =	sand.u32 $0xF00, s1  }
0x4d: {  	[tilespmem:s2], [sflag:$0x3] =	stream.indirect.gather [hbm4b:s0+s29], $0x80, s22, s29, $0xb8;
	[tilespmem:$0x1DC00] =	vst v63  }
0x4e: {  	s23 =	simm.s32 $0x140;
	s13 =	sor.u32 s24, s14  }
0x4f: {  	[tilespmem:s6], [sflag:$0x4] =	stream.indirect.gather [hbm4b:s0+s29], $0x80, s23, s29, $0xb8;
	[tilespmem:$0x1DC00] =	vst v63  }
0x50: {  	s20 =	sand.u32 $0x3E00, s1;
	s14 =	simm.s32 $0x20;
	v1 =	vld [tilespmem:s13+$0x80]  }
0x51: {  	s23 =	simm.s32 $0x80;
	s13 =	sand.u32 $0x30, s1;
	s1 =	simm.s32 $0x10  }
.LBB2_4:
0x52: {  	s24 =	sand.u32 $0x70, s1;
	s10 =	sand.u32 $0xF00, s14  }
0x53: {  	s20 =	sshrl.u32 s20, $0x2;
	s22 =	smov.u32 s23;
	p0 =	sne.s32 s23, $0x2780  }
.Ltmp1:
0x54: {  	s23 =	sadd.s32 $0x80, s23;
	s13 =	sor.u32 s13, s20;
	(pc) =	sbr.rel @p0 .LBB2_4-.Ltmp1, $4  }
0x55: {  	s10 =	sor.u32 s24, s10;
	[tilespmem:s13+$0x1400] =	vst v1  }
0x56: {  	v1 =	vld [tilespmem:s10+$0x80]  }
0x57: {  	s14 =	sadd.s32 $0x20, s14  }
0x58: {  	s20 =	sand.u32 $0x3E00, s22;
	s13 =	sand.u32 $0x30, s1;
	s1 =	sadd.s32 $0x10, s1  }
0x59: {  	s1 =	sshrl.u32 s20, $0x2  }
0x5a: {  	s1 =	sor.u32 s13, s1  }
0x5b: {  	[tilespmem:s1+$0x1400] =	vst v1  }
0x5c: {  	_ =	swait.ge [sflag:s7], $0x2000  }
0x5d: {  	[sflag:s7] =	ssyncset.done $0x0  }
0x5e: {  	[sflag:s7] =	ssyncadd.s32 $0xFFFFE000  }
0x5f: {  	_ =	swait.ge [sflag:s7], $0x2000  }
0x60: {  	[sflag:s7] =	ssyncset.done $0x0  }
0x61: {  	[sflag:s7] =	ssyncadd.s32 $0xFFFFE000  }
0x62: {  	_ =	swait.ge [sflag:s7], $0x2000  }
0x63: {  	[sflag:s7] =	ssyncset.done $0x0  }
0x64: {  	[sflag:s7] =	ssyncadd.s32 $0xFFFFE000  }
0x65: {  	_ =	swait.ge [sflag:s7], $0x2000  }
0x66: {  	[sflag:s7] =	ssyncset.done $0x0  }
0x67: {  	[sflag:s7] =	ssyncadd.s32 $0xFFFFE000  }
0x68: {  	_ =	swait.ge [sflag:s7], $0x2000  }
0x69: {  	[sflag:s7] =	ssyncset.done $0x0  }
0x6a: {  	[sflag:s7] =	ssyncadd.s32 $0xFFFFE000  }
0x6b: {  	_ =	swait.ge [sflag:s7], $0x2000  }
0x6c: {  	[sflag:s7] =	ssyncset.done $0x0  }
0x6d: {  	[sflag:s7] =	ssyncadd.s32 $0xFFFFE000  }
0x6e: {  	_ =	swait.ge [sflag:s7], $0x2000  }
0x6f: {  	[sflag:s7] =	ssyncset.done $0x0  }
0x70: {  	[sflag:s7] =	ssyncadd.s32 $0xFFFFE000  }
0x71: {  	_ =	swait.ge [sflag:s7], $0x2000  }
0x72: {  	[sflag:s7] =	ssyncset.done $0x0  }
0x73: {  	[sflag:s7] =	ssyncadd.s32 $0xFFFFE000  }
0x74: {  	_ =	swait.ge [sflag:s7], $0x2000  }
0x75: {  	[sflag:s7] =	ssyncset.done $0x0  }
0x76: {  	[sflag:s7] =	ssyncadd.s32 $0xFFFFE000  }
0x77: {  	_ =	swait.ge [sflag:s7], $0x1C00  }
0x78: {  	[sflag:s7] =	ssyncset.done $0x0  }
0x79: {  	s23 =	simm.s32 $0x0;
	[sflag:s7] =	ssyncadd.s32 $0xFFFFE400  }
0x7a: {  	[tilespmem:s25], [sflag:$0x1] =	stream.indirect.gather [hbm4b:s0+s29], $0x80, s23, s29, $0xb8;
	[tilespmem:$0x1DC00] =	vst v63  }
0x7b: {  	[bflag:$0x0] =	sbarrier.arrive $0xFFFF  }
0x7c: {  	_ =	swait.ge [sflag:s8], $0x2000  }
0x7d: {  	[sflag:s8] =	ssyncset.done $0x0  }
0x7e: {  	s13 =	simm.s32 $0x1400;
	[sflag:s8] =	ssyncadd.s32 $0xFFFFE000  }
0x7f: {  	[spmem:s3] =	stream.indirect.scatter.add.f32 [tilespmem:s25], [sflag:$0x8], $0x80, s13, s29, $0xb8;
	[tilespmem:$0x1DC00] =	vst v63  }
0x80: {  	_ =	swait.ge [sflag:s26], $0x2000  }
0x81: {  	[sflag:s26] =	ssyncset.done $0x0  }
0x82: {  	s14 =	simm.s32 $0x200;
	[sflag:s26] =	ssyncadd.s32 $0xFFFFE000  }
0x83: {  	[tilespmem:s25], [sflag:$0x1] =	stream.indirect.gather [hbm4b:s0+s29], $0x80, s14, s29, $0xb8;
	[tilespmem:$0x1DC00] =	vst v63  }
0x84: {  	_ =	swait.ge [sflag:s11], $0x2000  }
0x85: {  	[sflag:s11] =	ssyncset.done $0x0  }
0x86: {  	s20 =	simm.s32 $0x1480;
	[sflag:s11] =	ssyncadd.s32 $0xFFFFE000  }
0x87: {  	[spmem:s3] =	stream.indirect.scatter.add.f32 [tilespmem:s30], [sflag:$0x8], $0x80, s20, s29, $0xb8;
	[tilespmem:$0x1DC00] =	vst v63  }
0x88: {  	_ =	swait.ge [sflag:s26], $0x2000  }
0x89: {  	[sflag:s26] =	ssyncset.done $0x0  }
0x8a: {  	s22 =	simm.s32 $0x240;
	[sflag:s26] =	ssyncadd.s32 $0xFFFFE000  }
0x8b: {  	[tilespmem:s30], [sflag:$0x2] =	stream.indirect.gather [hbm4b:s0+s29], $0x80, s22, s29, $0xb8;
	[tilespmem:$0x1DC00] =	vst v63  }
0x8c: {  	_ =	swait.ge [sflag:s15], $0x2000  }
0x8d: {  	[sflag:s15] =	ssyncset.done $0x0  }
0x8e: {  	s24 =	simm.s32 $0x1500;
	[sflag:s15] =	ssyncadd.s32 $0xFFFFE000  }
0x8f: {  	[spmem:s3] =	stream.indirect.scatter.add.f32 [tilespmem:s2], [sflag:$0x8], $0x80, s24, s29, $0xb8;
	[tilespmem:$0x1DC00] =	vst v63  }
0x90: {  	_ =	swait.ge [sflag:s26], $0x2000  }
0x91: {  	[sflag:s26] =	ssyncset.done $0x0  }
0x92: {  	s10 =	simm.s32 $0x300;
	[sflag:s26] =	ssyncadd.s32 $0xFFFFE000  }
0x93: {  	[tilespmem:s2], [sflag:$0x3] =	stream.indirect.gather [hbm4b:s0+s29], $0x80, s10, s29, $0xb8;
	[tilespmem:$0x1DC00] =	vst v63  }
0x94: {  	_ =	swait.ge [sflag:s18], $0x2000  }
0x95: {  	[sflag:s18] =	ssyncset.done $0x0  }
0x96: {  	s13 =	simm.s32 $0x1580;
	[sflag:s18] =	ssyncadd.s32 $0xFFFFE000  }
0x97: {  	[spmem:s3] =	stream.indirect.scatter.add.f32 [tilespmem:s6], [sflag:$0x8], $0x80, s13, s29, $0xb8;
	[tilespmem:$0x1DC00] =	vst v63  }
0x98: {  	_ =	swait.ge [sflag:s26], $0x2000  }
0x99: {  	[sflag:s26] =	ssyncset.done $0x0  }
0x9a: {  	s14 =	simm.s32 $0x340;
	[sflag:s26] =	ssyncadd.s32 $0xFFFFE000  }
0x9b: {  	[tilespmem:s6], [sflag:$0x4] =	stream.indirect.gather [hbm4b:s0+s29], $0x80, s14, s29, $0xb8;
	[tilespmem:$0x1DC00] =	vst v63  }
0x9c: {  	_ =	swait.ge [sflag:s8], $0x2000  }
0x9d: {  	[sflag:s8] =	ssyncset.done $0x0  }
0x9e: {  	s20 =	simm.s32 $0x1600;
	[sflag:s8] =	ssyncadd.s32 $0xFFFFE000  }
0x9f: {  	[spmem:s3] =	stream.indirect.scatter.add.f32 [tilespmem:s25], [sflag:$0x8], $0x80, s20, s29, $0xb8;
	[tilespmem:$0x1DC00] =	vst v63  }
0xa0: {  	_ =	swait.ge [sflag:s26], $0x2000  }
0xa1: {  	[sflag:s26] =	ssyncset.done $0x0  }
0xa2: {  	s22 =	simm.s32 $0x400;
	[sflag:s26] =	ssyncadd.s32 $0xFFFFE000  }
0xa3: {  	[tilespmem:s25], [sflag:$0x1] =	stream.indirect.gather [hbm4b:s0+s29], $0x80, s22, s29, $0xb8;
	[tilespmem:$0x1DC00] =	vst v63  }
0xa4: {  	_ =	swait.ge [sflag:s11], $0x2000  }
0xa5: {  	[sflag:s11] =	ssyncset.done $0x0  }
0xa6: {  	s24 =	simm.s32 $0x1680;
	[sflag:s11] =	ssyncadd.s32 $0xFFFFE000  }
0xa7: {  	[spmem:s3] =	stream.indirect.scatter.add.f32 [tilespmem:s30], [sflag:$0x8], $0x80, s24, s29, $0xb8;
	[tilespmem:$0x1DC00] =	vst v63  }
0xa8: {  	_ =	swait.ge [sflag:s26], $0x2000  }
0xa9: {  	[sflag:s26] =	ssyncset.done $0x0  }
0xaa: {  	s10 =	simm.s32 $0x440;
	[sflag:s26] =	ssyncadd.s32 $0xFFFFE000  }
0xab: {  	[tilespmem:s30], [sflag:$0x2] =	stream.indirect.gather [hbm4b:s0+s29], $0x80, s10, s29, $0xb8;
	[tilespmem:$0x1DC00] =	vst v63  }
0xac: {  	_ =	swait.ge [sflag:s15], $0x2000  }
0xad: {  	[sflag:s15] =	ssyncset.done $0x0  }
0xae: {  	s13 =	simm.s32 $0x1700;
	[sflag:s15] =	ssyncadd.s32 $0xFFFFE000  }
0xaf: {  	[spmem:s3] =	stream.indirect.scatter.add.f32 [tilespmem:s2], [sflag:$0x8], $0x80, s13, s29, $0xb8;
	[tilespmem:$0x1DC00] =	vst v63  }
0xb0: {  	_ =	swait.ge [sflag:s26], $0x2000  }
0xb1: {  	[sflag:s26] =	ssyncset.done $0x0  }
0xb2: {  	s14 =	simm.s32 $0x500;
	[sflag:s26] =	ssyncadd.s32 $0xFFFFE000  }
0xb3: {  	[tilespmem:s2], [sflag:$0x3] =	stream.indirect.gather [hbm4b:s0+s29], $0x80, s14, s29, $0xb8;
	[tilespmem:$0x1DC00] =	vst v63  }
0xb4: {  	_ =	swait.ge [sflag:s18], $0x2000  }
0xb5: {  	[sflag:s18] =	ssyncset.done $0x0  }
0xb6: {  	s20 =	simm.s32 $0x1780;
	[sflag:s18] =	ssyncadd.s32 $0xFFFFE000  }
0xb7: {  	[spmem:s3] =	stream.indirect.scatter.add.f32 [tilespmem:s6], [sflag:$0x8], $0x80, s20, s29, $0xb8;
	[tilespmem:$0x1DC00] =	vst v63  }
0xb8: {  	_ =	swait.ge [sflag:s26], $0x2000  }
0xb9: {  	[sflag:s26] =	ssyncset.done $0x0  }
0xba: {  	s22 =	simm.s32 $0x540;
	[sflag:s26] =	ssyncadd.s32 $0xFFFFE000  }
0xbb: {  	[tilespmem:s6], [sflag:$0x4] =	stream.indirect.gather [hbm4b:s0+s29], $0x80, s22, s29, $0xb8;
	[tilespmem:$0x1DC00] =	vst v63  }
0xbc: {  	_ =	swait.ge [sflag:s8], $0x2000  }
0xbd: {  	[sflag:s8] =	ssyncset.done $0x0  }
0xbe: {  	s24 =	simm.s32 $0x1800;
	[sflag:s8] =	ssyncadd.s32 $0xFFFFE000  }
0xbf: {  	[spmem:s3] =	stream.indirect.scatter.add.f32 [tilespmem:s25], [sflag:$0x8], $0x80, s24, s29, $0xb8;
	[tilespmem:$0x1DC00] =	vst v63  }
0xc0: {  	_ =	swait.ge [sflag:s26], $0x2000  }
0xc1: {  	[sflag:s26] =	ssyncset.done $0x0  }
0xc2: {  	s10 =	simm.s32 $0x600;
	[sflag:s26] =	ssyncadd.s32 $0xFFFFE000  }
0xc3: {  	[tilespmem:s25], [sflag:$0x1] =	stream.indirect.gather [hbm4b:s0+s29], $0x80, s10, s29, $0xb8;
	[tilespmem:$0x1DC00] =	vst v63  }
0xc4: {  	_ =	swait.ge [sflag:s11], $0x2000  }
0xc5: {  	[sflag:s11] =	ssyncset.done $0x0  }
0xc6: {  	s13 =	simm.s32 $0x1880;
	[sflag:s11] =	ssyncadd.s32 $0xFFFFE000  }
0xc7: {  	[spmem:s3] =	stream.indirect.scatter.add.f32 [tilespmem:s30], [sflag:$0x8], $0x80, s13, s29, $0xb8;
	[tilespmem:$0x1DC00] =	vst v63  }
0xc8: {  	_ =	swait.ge [sflag:s26], $0x2000  }
0xc9: {  	[sflag:s26] =	ssyncset.done $0x0  }
0xca: {  	s14 =	simm.s32 $0x640;
	[sflag:s26] =	ssyncadd.s32 $0xFFFFE000  }
0xcb: {  	[tilespmem:s30], [sflag:$0x2] =	stream.indirect.gather [hbm4b:s0+s29], $0x80, s14, s29, $0xb8;
	[tilespmem:$0x1DC00] =	vst v63  }
0xcc: {  	_ =	swait.ge [sflag:s15], $0x2000  }
0xcd: {  	[sflag:s15] =	ssyncset.done $0x0  }
0xce: {  	s20 =	simm.s32 $0x1900;
	[sflag:s15] =	ssyncadd.s32 $0xFFFFE000  }
0xcf: {  	[spmem:s3] =	stream.indirect.scatter.add.f32 [tilespmem:s2], [sflag:$0x8], $0x80, s20, s29, $0xb8;
	[tilespmem:$0x1DC00] =	vst v63  }
0xd0: {  	_ =	swait.ge [sflag:s26], $0x2000  }
0xd1: {  	[sflag:s26] =	ssyncset.done $0x0  }
0xd2: {  	s22 =	simm.s32 $0x700;
	[sflag:s26] =	ssyncadd.s32 $0xFFFFE000  }
0xd3: {  	[tilespmem:s2], [sflag:$0x3] =	stream.indirect.gather [hbm4b:s0+s29], $0x80, s22, s29, $0xb8;
	[tilespmem:$0x1DC00] =	vst v63  }
0xd4: {  	_ =	swait.ge [sflag:s18], $0x2000  }
0xd5: {  	[sflag:s18] =	ssyncset.done $0x0  }
0xd6: {  	s24 =	simm.s32 $0x1980;
	[sflag:s18] =	ssyncadd.s32 $0xFFFFE000  }
0xd7: {  	[spmem:s3] =	stream.indirect.scatter.add.f32 [tilespmem:s6], [sflag:$0x8], $0x80, s24, s29, $0xb8;
	[tilespmem:$0x1DC00] =	vst v63  }
0xd8: {  	_ =	swait.ge [sflag:s26], $0x2000  }
0xd9: {  	[sflag:s26] =	ssyncset.done $0x0  }
0xda: {  	s10 =	simm.s32 $0x740;
	[sflag:s26] =	ssyncadd.s32 $0xFFFFE000  }
0xdb: {  	[tilespmem:s6], [sflag:$0x4] =	stream.indirect.gather [hbm4b:s0+s29], $0x80, s10, s29, $0xb8;
	[tilespmem:$0x1DC00] =	vst v63  }
0xdc: {  	_ =	swait.ge [sflag:s8], $0x2000  }
0xdd: {  	[sflag:s8] =	ssyncset.done $0x0  }
0xde: {  	s13 =	simm.s32 $0x1A00;
	[sflag:s8] =	ssyncadd.s32 $0xFFFFE000  }
0xdf: {  	[spmem:s3] =	stream.indirect.scatter.add.f32 [tilespmem:s25], [sflag:$0x8], $0x80, s13, s29, $0xb8;
	[tilespmem:$0x1DC00] =	vst v63  }
0xe0: {  	_ =	swait.ge [sflag:s26], $0x2000  }
0xe1: {  	[sflag:s26] =	ssyncset.done $0x0  }
0xe2: {  	s14 =	simm.s32 $0x800;
	[sflag:s26] =	ssyncadd.s32 $0xFFFFE000  }
0xe3: {  	[tilespmem:s25], [sflag:$0x1] =	stream.indirect.gather [hbm4b:s0+s29], $0x80, s14, s29, $0xb8;
	[tilespmem:$0x1DC00] =	vst v63  }
0xe4: {  	_ =	swait.ge [sflag:s11], $0x2000  }
0xe5: {  	[sflag:s11] =	ssyncset.done $0x0  }
0xe6: {  	[sflag:s11] =	ssyncadd.s32 $0xFFFFE000  }
0xe7: {  	[spmem:s3] =	stream.indirect.scatter.add.f32 [tilespmem:s30], [sflag:$0x8], $0x80, s17, s29, $0xb8;
	[tilespmem:$0x1DC00] =	vst v63  }
0xe8: {  	_ =	swait.ge [sflag:s26], $0x2000  }
0xe9: {  	[sflag:s26] =	ssyncset.done $0x0  }
0xea: {  	s20 =	simm.s32 $0x840;
	[sflag:s26] =	ssyncadd.s32 $0xFFFFE000  }
0xeb: {  	[tilespmem:s30], [sflag:$0x2] =	stream.indirect.gather [hbm4b:s0+s29], $0x80, s20, s29, $0xb8;
	[tilespmem:$0x1DC00] =	vst v63  }
0xec: {  	_ =	swait.ge [sflag:s15], $0x2000  }
0xed: {  	[sflag:s15] =	ssyncset.done $0x0  }
0xee: {  	[sflag:s15] =	ssyncadd.s32 $0xFFFFE000  }
0xef: {  	[spmem:s3] =	stream.indirect.scatter.add.f32 [tilespmem:s2], [sflag:$0x8], $0x80, s31, s29, $0xb8;
	[tilespmem:$0x1DC00] =	vst v63  }
0xf0: {  	_ =	swait.ge [sflag:s26], $0x2000  }
0xf1: {  	[sflag:s26] =	ssyncset.done $0x0  }
0xf2: {  	s22 =	simm.s32 $0x900;
	[sflag:s26] =	ssyncadd.s32 $0xFFFFE000  }
0xf3: {  	[tilespmem:s2], [sflag:$0x3] =	stream.indirect.gather [hbm4b:s0+s29], $0x80, s22, s29, $0xb8;
	[tilespmem:$0x1DC00] =	vst v63  }
0xf4: {  	_ =	swait.ge [sflag:s18], $0x2000  }
0xf5: {  	[sflag:s18] =	ssyncset.done $0x0  }
0xf6: {  	[sflag:s18] =	ssyncadd.s32 $0xFFFFE000  }
0xf7: {  	[spmem:s3] =	stream.indirect.scatter.add.f32 [tilespmem:s6], [sflag:$0x8], $0x80, s5, s29, $0xb8;
	[tilespmem:$0x1DC00] =	vst v63  }
0xf8: {  	_ =	swait.ge [sflag:s26], $0x2000  }
0xf9: {  	[sflag:s26] =	ssyncset.done $0x0  }
0xfa: {  	s24 =	simm.s32 $0x940;
	[sflag:s26] =	ssyncadd.s32 $0xFFFFE000  }
0xfb: {  	[tilespmem:s6], [sflag:$0x4] =	stream.indirect.gather [hbm4b:s0+s29], $0x80, s24, s29, $0xb8;
	[tilespmem:$0x1DC00] =	vst v63  }
0xfc: {  	_ =	swait.ge [sflag:s8], $0x2000  }
0xfd: {  	[sflag:s8] =	ssyncset.done $0x0  }
0xfe: {  	[sflag:s8] =	ssyncadd.s32 $0xFFFFE000  }
0xff: {  	[spmem:s3] =	stream.indirect.scatter.add.f32 [tilespmem:s25], [sflag:$0x8], $0x80, s28, s29, $0xb8;
	[tilespmem:$0x1DC00] =	vst v63  }
0x100: {  	_ =	swait.ge [sflag:s26], $0x2000  }
0x101: {  	[sflag:s26] =	ssyncset.done $0x0  }
0x102: {  	[sflag:s26] =	ssyncadd.s32 $0xFFFFE000  }
0x103: {  	_ =	swait.ge [sflag:s11], $0x2000  }
0x104: {  	[sflag:s11] =	ssyncset.done $0x0  }
0x105: {  	[sflag:s11] =	ssyncadd.s32 $0xFFFFE000  }
0x106: {  	[spmem:s3] =	stream.indirect.scatter.add.f32 [tilespmem:s30], [sflag:$0x8], $0x80, s9, s29, $0xb8;
	[tilespmem:$0x1DC00] =	vst v63  }
0x107: {  	_ =	swait.ge [sflag:s26], $0x2000  }
0x108: {  	[sflag:s26] =	ssyncset.done $0x0  }
0x109: {  	[sflag:s26] =	ssyncadd.s32 $0xFFFFE000  }
0x10a: {  	_ =	swait.ge [sflag:s15], $0x2000  }
0x10b: {  	[sflag:s15] =	ssyncset.done $0x0  }
0x10c: {  	[sflag:s15] =	ssyncadd.s32 $0xFFFFE000  }
0x10d: {  	[spmem:s3] =	stream.indirect.scatter.add.f32 [tilespmem:s2], [sflag:$0x8], $0x80, s12, s29, $0xb8;
	[tilespmem:$0x1DC00] =	vst v63  }
0x10e: {  	_ =	swait.ge [sflag:s26], $0x2000  }
0x10f: {  	[sflag:s26] =	ssyncset.done $0x0  }
0x110: {  	[sflag:s26] =	ssyncadd.s32 $0xFFFFE000  }
0x111: {  	_ =	swait.ge [sflag:s18], $0x2000  }
0x112: {  	[sflag:s18] =	ssyncset.done $0x0  }
0x113: {  	[sflag:s18] =	ssyncadd.s32 $0xFFFFE000  }
0x114: {  	[spmem:s3] =	stream.indirect.scatter.add.f32 [tilespmem:s6], [sflag:$0x8], $0x80, s16, s29, $0xb8;
	[tilespmem:$0x1DC00] =	vst v63  }
0x115: {  	_ =	swait.ge [sflag:s26], $0x2000  }
0x116: {  	[sflag:s26] =	ssyncset.done $0x0  }
0x117: {  	s10 =	rddreg [dreg:$0x11];
	[sflag:s26] =	ssyncadd.s32 $0xFFFFE000  }
0x118: {  	[tilespmem:s23], [sflag:$0x6] =	stream.linear.gather [hbm4b:s10+s23], $0xA00, $0x38;
	[tilespmem:$0x1DC00] =	vst v63  }
0x119: {  	_ =	swait.ge [sflag:s19], $0xA00  }
0x11a: {  	[sflag:s19] =	ssyncset.done $0x0  }
0x11b: {  	s13 =	simm.s32 $0xA00;
	[sflag:s19] =	ssyncadd.s32 $0xFFFFF600  }
0x11c: {  	[tilespmem:s25], [sflag:$0x1] =	stream.indirect.gather [hbm4b:s0+s29], $0x80, s13, s29, $0xb8;
	[tilespmem:$0x1DC00] =	vst v63  }
0x11d: {  	s14 =	simm.s32 $0xA40  }
0x11e: {  	[tilespmem:s30], [sflag:$0x2] =	stream.indirect.gather [hbm4b:s0+s29], $0x80, s14, s29, $0xb8;
	[tilespmem:$0x1DC00] =	vst v63  }
0x11f: {  	s20 =	simm.s32 $0xB00;
	s24 =	sand.u32 $0x70, s23;
	s10 =	sand.u32 $0xF00, s23  }
0x120: {  	[tilespmem:s2], [sflag:$0x3] =	stream.indirect.gather [hbm4b:s0+s29], $0x80, s20, s29, $0xb8;
	[tilespmem:$0x1DC00] =	vst v63  }
0x121: {  	s22 =	simm.s32 $0xB40;
	s10 =	sor.u32 s24, s10  }
0x122: {  	[tilespmem:s6], [sflag:$0x4] =	stream.indirect.gather [hbm4b:s0+s29], $0x80, s22, s29, $0xb8;
	[tilespmem:$0x1DC00] =	vst v63  }
0x123: {  	s1 =	simm.s32 $0x20;
	s13 =	sand.u32 $0x30, s23;
	v1 =	vld [tilespmem:s10+$0xA80]  }
0x124: {  	s14 =	simm.s32 $0x80;
	s20 =	sand.u32 $0x3E00, s23;
	s23 =	simm.s32 $0x10  }
.LBB2_6:
0x125: {  	s10 =	sand.u32 $0x70, s23;
	s22 =	sand.u32 $0xF00, s1  }
0x126: {  	s20 =	sshrl.u32 s20, $0x2;
	s24 =	smov.u32 s14;
	p0 =	sne.s32 s14, $0x2780  }
.Ltmp2:
0x127: {  	s14 =	sadd.s32 $0x80, s14;
	s13 =	sor.u32 s13, s20;
	(pc) =	sbr.rel @p0 .LBB2_6-.Ltmp2, $4  }
0x128: {  	s10 =	sor.u32 s10, s22;
	[tilespmem:s13+$0x1400] =	vst v1  }
0x129: {  	v1 =	vld [tilespmem:s10+$0xA80]  }
0x12a: {  	s1 =	sadd.s32 $0x20, s1  }
0x12b: {  	s20 =	sand.u32 $0x3E00, s24;
	s13 =	sand.u32 $0x30, s23;
	s23 =	sadd.s32 $0x10, s23  }
0x12c: {  	s1 =	sshrl.u32 s20, $0x2  }
0x12d: {  	s1 =	sor.u32 s13, s1  }
0x12e: {  	[tilespmem:s1+$0x1400] =	vst v1  }
0x12f: {  	_ =	swait.ge [sflag:s8], $0x2000  }
0x130: {  	[sflag:s8] =	ssyncset.done $0x0  }
0x131: {  	s10 =	simm.s32 $0x1400;
	[sflag:s8] =	ssyncadd.s32 $0xFFFFE000  }
0x132: {  	[spmem:s3] =	stream.indirect.scatter.add.f32 [tilespmem:s25], [sflag:$0x8], $0x80, s10, s29, $0xb8;
	[tilespmem:$0x1DC00] =	vst v63  }
0x133: {  	_ =	swait.ge [sflag:s26], $0x2000  }
0x134: {  	[sflag:s26] =	ssyncset.done $0x0  }
0x135: {  	s13 =	simm.s32 $0xC00;
	[sflag:s26] =	ssyncadd.s32 $0xFFFFE000  }
0x136: {  	[tilespmem:s25], [sflag:$0x1] =	stream.indirect.gather [hbm4b:s0+s29], $0x80, s13, s29, $0xb8;
	[tilespmem:$0x1DC00] =	vst v63  }
0x137: {  	_ =	swait.ge [sflag:s11], $0x2000  }
0x138: {  	[sflag:s11] =	ssyncset.done $0x0  }
0x139: {  	s14 =	simm.s32 $0x1480;
	[sflag:s11] =	ssyncadd.s32 $0xFFFFE000  }
0x13a: {  	[spmem:s3] =	stream.indirect.scatter.add.f32 [tilespmem:s30], [sflag:$0x8], $0x80, s14, s29, $0xb8;
	[tilespmem:$0x1DC00] =	vst v63  }
0x13b: {  	_ =	swait.ge [sflag:s26], $0x2000  }
0x13c: {  	[sflag:s26] =	ssyncset.done $0x0  }
0x13d: {  	s20 =	simm.s32 $0xC40;
	[sflag:s26] =	ssyncadd.s32 $0xFFFFE000  }
0x13e: {  	[tilespmem:s30], [sflag:$0x2] =	stream.indirect.gather [hbm4b:s0+s29], $0x80, s20, s29, $0xb8;
	[tilespmem:$0x1DC00] =	vst v63  }
0x13f: {  	_ =	swait.ge [sflag:s15], $0x2000  }
0x140: {  	[sflag:s15] =	ssyncset.done $0x0  }
0x141: {  	s22 =	simm.s32 $0x1500;
	[sflag:s15] =	ssyncadd.s32 $0xFFFFE000  }
0x142: {  	[spmem:s3] =	stream.indirect.scatter.add.f32 [tilespmem:s2], [sflag:$0x8], $0x80, s22, s29, $0xb8;
	[tilespmem:$0x1DC00] =	vst v63  }
0x143: {  	_ =	swait.ge [sflag:s26], $0x2000  }
0x144: {  	[sflag:s26] =	ssyncset.done $0x0  }
0x145: {  	s23 =	simm.s32 $0xD00;
	[sflag:s26] =	ssyncadd.s32 $0xFFFFE000  }
0x146: {  	[tilespmem:s2], [sflag:$0x3] =	stream.indirect.gather [hbm4b:s0+s29], $0x80, s23, s29, $0xb8;
	[tilespmem:$0x1DC00] =	vst v63  }
0x147: {  	_ =	swait.ge [sflag:s18], $0x2000  }
0x148: {  	[sflag:s18] =	ssyncset.done $0x0  }
0x149: {  	s24 =	simm.s32 $0x1580;
	[sflag:s18] =	ssyncadd.s32 $0xFFFFE000  }
0x14a: {  	[spmem:s3] =	stream.indirect.scatter.add.f32 [tilespmem:s6], [sflag:$0x8], $0x80, s24, s29, $0xb8;
	[tilespmem:$0x1DC00] =	vst v63  }
0x14b: {  	_ =	swait.ge [sflag:s26], $0x2000  }
0x14c: {  	[sflag:s26] =	ssyncset.done $0x0  }
0x14d: {  	s10 =	simm.s32 $0xD40;
	[sflag:s26] =	ssyncadd.s32 $0xFFFFE000  }
0x14e: {  	[tilespmem:s6], [sflag:$0x4] =	stream.indirect.gather [hbm4b:s0+s29], $0x80, s10, s29, $0xb8;
	[tilespmem:$0x1DC00] =	vst v63  }
0x14f: {  	_ =	swait.ge [sflag:s8], $0x2000  }
0x150: {  	[sflag:s8] =	ssyncset.done $0x0  }
0x151: {  	s13 =	simm.s32 $0x1600;
	[sflag:s8] =	ssyncadd.s32 $0xFFFFE000  }
0x152: {  	[spmem:s3] =	stream.indirect.scatter.add.f32 [tilespmem:s25], [sflag:$0x8], $0x80, s13, s29, $0xb8;
	[tilespmem:$0x1DC00] =	vst v63  }
0x153: {  	_ =	swait.ge [sflag:s26], $0x2000  }
0x154: {  	[sflag:s26] =	ssyncset.done $0x0  }
0x155: {  	s14 =	simm.s32 $0xE00;
	[sflag:s26] =	ssyncadd.s32 $0xFFFFE000  }
0x156: {  	[tilespmem:s25], [sflag:$0x1] =	stream.indirect.gather [hbm4b:s0+s29], $0x80, s14, s29, $0xb8;
	[tilespmem:$0x1DC00] =	vst v63  }
0x157: {  	_ =	swait.ge [sflag:s11], $0x2000  }
0x158: {  	[sflag:s11] =	ssyncset.done $0x0  }
0x159: {  	s20 =	simm.s32 $0x1680;
	[sflag:s11] =	ssyncadd.s32 $0xFFFFE000  }
0x15a: {  	[spmem:s3] =	stream.indirect.scatter.add.f32 [tilespmem:s30], [sflag:$0x8], $0x80, s20, s29, $0xb8;
	[tilespmem:$0x1DC00] =	vst v63  }
0x15b: {  	_ =	swait.ge [sflag:s26], $0x2000  }
0x15c: {  	[sflag:s26] =	ssyncset.done $0x0  }
0x15d: {  	s22 =	simm.s32 $0xE40;
	[sflag:s26] =	ssyncadd.s32 $0xFFFFE000  }
0x15e: {  	[tilespmem:s30], [sflag:$0x2] =	stream.indirect.gather [hbm4b:s0+s29], $0x80, s22, s29, $0xb8;
	[tilespmem:$0x1DC00] =	vst v63  }
0x15f: {  	_ =	swait.ge [sflag:s15], $0x2000  }
0x160: {  	[sflag:s15] =	ssyncset.done $0x0  }
0x161: {  	s23 =	simm.s32 $0x1700;
	[sflag:s15] =	ssyncadd.s32 $0xFFFFE000  }
0x162: {  	[spmem:s3] =	stream.indirect.scatter.add.f32 [tilespmem:s2], [sflag:$0x8], $0x80, s23, s29, $0xb8;
	[tilespmem:$0x1DC00] =	vst v63  }
0x163: {  	_ =	swait.ge [sflag:s26], $0x2000  }
0x164: {  	[sflag:s26] =	ssyncset.done $0x0  }
0x165: {  	s24 =	simm.s32 $0xF00;
	[sflag:s26] =	ssyncadd.s32 $0xFFFFE000  }
0x166: {  	[tilespmem:s2], [sflag:$0x3] =	stream.indirect.gather [hbm4b:s0+s29], $0x80, s24, s29, $0xb8;
	[tilespmem:$0x1DC00] =	vst v63  }
0x167: {  	_ =	swait.ge [sflag:s18], $0x2000  }
0x168: {  	[sflag:s18] =	ssyncset.done $0x0  }
0x169: {  	s10 =	simm.s32 $0x1780;
	[sflag:s18] =	ssyncadd.s32 $0xFFFFE000  }
0x16a: {  	[spmem:s3] =	stream.indirect.scatter.add.f32 [tilespmem:s6], [sflag:$0x8], $0x80, s10, s29, $0xb8;
	[tilespmem:$0x1DC00] =	vst v63  }
0x16b: {  	_ =	swait.ge [sflag:s26], $0x2000  }
0x16c: {  	[sflag:s26] =	ssyncset.done $0x0  }
0x16d: {  	s13 =	simm.s32 $0xF40;
	[sflag:s26] =	ssyncadd.s32 $0xFFFFE000  }
0x16e: {  	[tilespmem:s6], [sflag:$0x4] =	stream.indirect.gather [hbm4b:s0+s29], $0x80, s13, s29, $0xb8;
	[tilespmem:$0x1DC00] =	vst v63  }
0x16f: {  	_ =	swait.ge [sflag:s8], $0x2000  }
0x170: {  	[sflag:s8] =	ssyncset.done $0x0  }
0x171: {  	s14 =	simm.s32 $0x1800;
	[sflag:s8] =	ssyncadd.s32 $0xFFFFE000  }
0x172: {  	[spmem:s3] =	stream.indirect.scatter.add.f32 [tilespmem:s25], [sflag:$0x8], $0x80, s14, s29, $0xb8;
	[tilespmem:$0x1DC00] =	vst v63  }
0x173: {  	_ =	swait.ge [sflag:s26], $0x2000  }
0x174: {  	[sflag:s26] =	ssyncset.done $0x0  }
0x175: {  	s20 =	simm.s32 $0x1000;
	[sflag:s26] =	ssyncadd.s32 $0xFFFFE000  }
0x176: {  	[tilespmem:s25], [sflag:$0x1] =	stream.indirect.gather [hbm4b:s0+s29], $0x80, s20, s29, $0xb8;
	[tilespmem:$0x1DC00] =	vst v63  }
0x177: {  	_ =	swait.ge [sflag:s11], $0x2000  }
0x178: {  	[sflag:s11] =	ssyncset.done $0x0  }
0x179: {  	s22 =	simm.s32 $0x1880;
	[sflag:s11] =	ssyncadd.s32 $0xFFFFE000  }
0x17a: {  	[spmem:s3] =	stream.indirect.scatter.add.f32 [tilespmem:s30], [sflag:$0x8], $0x80, s22, s29, $0xb8;
	[tilespmem:$0x1DC00] =	vst v63  }
0x17b: {  	_ =	swait.ge [sflag:s26], $0x2000  }
0x17c: {  	[sflag:s26] =	ssyncset.done $0x0  }
0x17d: {  	s23 =	simm.s32 $0x1040;
	[sflag:s26] =	ssyncadd.s32 $0xFFFFE000  }
0x17e: {  	[tilespmem:s30], [sflag:$0x2] =	stream.indirect.gather [hbm4b:s0+s29], $0x80, s23, s29, $0xb8;
	[tilespmem:$0x1DC00] =	vst v63  }
0x17f: {  	_ =	swait.ge [sflag:s15], $0x2000  }
0x180: {  	[sflag:s15] =	ssyncset.done $0x0  }
0x181: {  	s24 =	simm.s32 $0x1900;
	[sflag:s15] =	ssyncadd.s32 $0xFFFFE000  }
0x182: {  	[spmem:s3] =	stream.indirect.scatter.add.f32 [tilespmem:s2], [sflag:$0x8], $0x80, s24, s29, $0xb8;
	[tilespmem:$0x1DC00] =	vst v63  }
0x183: {  	_ =	swait.ge [sflag:s26], $0x2000  }
0x184: {  	[sflag:s26] =	ssyncset.done $0x0  }
0x185: {  	s10 =	simm.s32 $0x1100;
	[sflag:s26] =	ssyncadd.s32 $0xFFFFE000  }
0x186: {  	[tilespmem:s2], [sflag:$0x3] =	stream.indirect.gather [hbm4b:s0+s29], $0x80, s10, s29, $0xb8;
	[tilespmem:$0x1DC00] =	vst v63  }
0x187: {  	_ =	swait.ge [sflag:s18], $0x2000  }
0x188: {  	[sflag:s18] =	ssyncset.done $0x0  }
0x189: {  	s13 =	simm.s32 $0x1980;
	[sflag:s18] =	ssyncadd.s32 $0xFFFFE000  }
0x18a: {  	[spmem:s3] =	stream.indirect.scatter.add.f32 [tilespmem:s6], [sflag:$0x8], $0x80, s13, s29, $0xb8;
	[tilespmem:$0x1DC00] =	vst v63  }
0x18b: {  	_ =	swait.ge [sflag:s26], $0x2000  }
0x18c: {  	[sflag:s26] =	ssyncset.done $0x0  }
0x18d: {  	s14 =	simm.s32 $0x1140;
	[sflag:s26] =	ssyncadd.s32 $0xFFFFE000  }
0x18e: {  	[tilespmem:s6], [sflag:$0x4] =	stream.indirect.gather [hbm4b:s0+s29], $0x80, s14, s29, $0xb8;
	[tilespmem:$0x1DC00] =	vst v63  }
0x18f: {  	_ =	swait.ge [sflag:s8], $0x2000  }
0x190: {  	[sflag:s8] =	ssyncset.done $0x0  }
0x191: {  	s20 =	simm.s32 $0x1A00;
	[sflag:s8] =	ssyncadd.s32 $0xFFFFE000  }
0x192: {  	[spmem:s3] =	stream.indirect.scatter.add.f32 [tilespmem:s25], [sflag:$0x8], $0x80, s20, s29, $0xb8;
	[tilespmem:$0x1DC00] =	vst v63  }
0x193: {  	_ =	swait.ge [sflag:s26], $0x2000  }
0x194: {  	[sflag:s26] =	ssyncset.done $0x0  }
0x195: {  	s22 =	simm.s32 $0x1200;
	[sflag:s26] =	ssyncadd.s32 $0xFFFFE000  }
0x196: {  	[tilespmem:s25], [sflag:$0x1] =	stream.indirect.gather [hbm4b:s0+s29], $0x80, s22, s29, $0xb8;
	[tilespmem:$0x1DC00] =	vst v63  }
0x197: {  	_ =	swait.ge [sflag:s11], $0x2000  }
0x198: {  	[sflag:s11] =	ssyncset.done $0x0  }
0x199: {  	[sflag:s11] =	ssyncadd.s32 $0xFFFFE000  }
0x19a: {  	[spmem:s3] =	stream.indirect.scatter.add.f32 [tilespmem:s30], [sflag:$0x8], $0x80, s17, s29, $0xb8;
	[tilespmem:$0x1DC00] =	vst v63  }
0x19b: {  	_ =	swait.ge [sflag:s26], $0x2000  }
0x19c: {  	[sflag:s26] =	ssyncset.done $0x0  }
0x19d: {  	s23 =	simm.s32 $0x1240;
	[sflag:s26] =	ssyncadd.s32 $0xFFFFE000  }
0x19e: {  	[tilespmem:s30], [sflag:$0x2] =	stream.indirect.gather [hbm4b:s0+s29], $0x80, s23, s29, $0xb8;
	[tilespmem:$0x1DC00] =	vst v63  }
0x19f: {  	_ =	swait.ge [sflag:s15], $0x2000  }
0x1a0: {  	[sflag:s15] =	ssyncset.done $0x0  }
0x1a1: {  	[sflag:s15] =	ssyncadd.s32 $0xFFFFE000  }
0x1a2: {  	[spmem:s3] =	stream.indirect.scatter.add.f32 [tilespmem:s2], [sflag:$0x8], $0x80, s31, s29, $0xb8;
	[tilespmem:$0x1DC00] =	vst v63  }
0x1a3: {  	_ =	swait.ge [sflag:s26], $0x2000  }
0x1a4: {  	[sflag:s26] =	ssyncset.done $0x0  }
0x1a5: {  	s24 =	simm.s32 $0x1300;
	[sflag:s26] =	ssyncadd.s32 $0xFFFFE000  }
0x1a6: {  	[tilespmem:s2], [sflag:$0x3] =	stream.indirect.gather [hbm4b:s0+s29], $0x80, s24, s29, $0xb8;
	[tilespmem:$0x1DC00] =	vst v63  }
0x1a7: {  	_ =	swait.ge [sflag:s18], $0x2000  }
0x1a8: {  	[sflag:s18] =	ssyncset.done $0x0  }
0x1a9: {  	[sflag:s18] =	ssyncadd.s32 $0xFFFFE000  }
0x1aa: {  	[spmem:s3] =	stream.indirect.scatter.add.f32 [tilespmem:s6], [sflag:$0x8], $0x80, s5, s29, $0xb8;
	[tilespmem:$0x1DC00] =	vst v63  }
0x1ab: {  	_ =	swait.ge [sflag:s26], $0x2000  }
0x1ac: {  	[sflag:s26] =	ssyncset.done $0x0  }
0x1ad: {  	s10 =	simm.s32 $0x1340;
	[sflag:s26] =	ssyncadd.s32 $0xFFFFE000  }
0x1ae: {  	[tilespmem:s6], [sflag:$0x4] =	stream.indirect.gather [hbm4b:s0+s29], $0x80, s10, s29, $0xb8;
	[tilespmem:$0x1DC00] =	vst v63  }
0x1af: {  	_ =	swait.ge [sflag:s8], $0x2000  }
0x1b0: {  	[sflag:s8] =	ssyncset.done $0x0  }
0x1b1: {  	[sflag:s8] =	ssyncadd.s32 $0xFFFFE000  }
0x1b2: {  	[spmem:s3] =	stream.indirect.scatter.add.f32 [tilespmem:s25], [sflag:$0x8], $0x80, s28, s29, $0xb8;
	[tilespmem:$0x1DC00] =	vst v63  }
0x1b3: {  	_ =	swait.ge [sflag:s26], $0x2000  }
0x1b4: {  	[sflag:s26] =	ssyncset.done $0x0  }
0x1b5: {  	[sflag:s26] =	ssyncadd.s32 $0xFFFFE000  }
0x1b6: {  	_ =	swait.ge [sflag:s11], $0x2000  }
0x1b7: {  	[sflag:s11] =	ssyncset.done $0x0  }
0x1b8: {  	[sflag:s11] =	ssyncadd.s32 $0xFFFFE000  }
0x1b9: {  	[spmem:s3] =	stream.indirect.scatter.add.f32 [tilespmem:s30], [sflag:$0x8], $0x80, s9, s29, $0xb8;
	[tilespmem:$0x1DC00] =	vst v63  }
0x1ba: {  	_ =	swait.ge [sflag:s26], $0x2000  }
0x1bb: {  	[sflag:s26] =	ssyncset.done $0x0  }
0x1bc: {  	[sflag:s26] =	ssyncadd.s32 $0xFFFFE000  }
0x1bd: {  	_ =	swait.ge [sflag:s15], $0x2000  }
0x1be: {  	[sflag:s15] =	ssyncset.done $0x0  }
0x1bf: {  	[sflag:s15] =	ssyncadd.s32 $0xFFFFE000  }
0x1c0: {  	[spmem:s3] =	stream.indirect.scatter.add.f32 [tilespmem:s2], [sflag:$0x8], $0x80, s12, s29, $0xb8;
	[tilespmem:$0x1DC00] =	vst v63  }
0x1c1: {  	_ =	swait.ge [sflag:s26], $0x2000  }
0x1c2: {  	[sflag:s26] =	ssyncset.done $0x0  }
0x1c3: {  	[sflag:s26] =	ssyncadd.s32 $0xFFFFE000  }
0x1c4: {  	_ =	swait.ge [sflag:s18], $0x2000  }
0x1c5: {  	[sflag:s18] =	ssyncset.done $0x0  }
0x1c6: {  	[sflag:s18] =	ssyncadd.s32 $0xFFFFE000  }
0x1c7: {  	[spmem:s3] =	stream.indirect.scatter.add.f32 [tilespmem:s6], [sflag:$0x8], $0x80, s16, s29, $0xb8;
	[tilespmem:$0x1DC00] =	vst v63  }
0x1c8: {  	_ =	swait.ge [sflag:s26], $0x2000  }
0x1c9: {  	s14 =	simm.s32 $0xA00;
	[sflag:s26] =	ssyncset.done $0x0  }
0x1ca: {  	s10 =	simm.s32 $0x0;
	s13 =	rddreg [dreg:$0x12];
	[sflag:s26] =	ssyncadd.s32 $0xFFFFE000  }
0x1cb: {  	[tilespmem:s14], [sflag:$0x7] =	stream.linear.gather [hbm4b:s13+s10], $0xA00, $0x38;
	[tilespmem:$0x1DC00] =	vst v63  }
0x1cc: {  	_ =	swait.ge [sflag:s21], $0xA00  }
0x1cd: {  	[sflag:s21] =	ssyncset.done $0x0  }
0x1ce: {  	[sflag:s21] =	ssyncadd.s32 $0xFFFFF600  }
0x1cf: {  	[tilespmem:s25], [sflag:$0x1] =	stream.indirect.gather [hbm4b:s0+s29], $0x80, s10, s29, $0xb8;
	[tilespmem:$0x1DC00] =	vst v63  }
0x1d0: {  	_ = 	snop  }
0x1d1: {  	[tilespmem:s30], [sflag:$0x2] =	stream.indirect.gather [hbm4b:s0+s29], $0x80, s29, s29, $0xb8;
	[tilespmem:$0x1DC00] =	vst v63  }
0x1d2: {  	s20 =	simm.s32 $0x100;
	s23 =	sand.u32 $0x70, s10;
	s24 =	sand.u32 $0xF00, s10  }
0x1d3: {  	[tilespmem:s2], [sflag:$0x3] =	stream.indirect.gather [hbm4b:s0+s29], $0x80, s20, s29, $0xb8;
	[tilespmem:$0x1DC00] =	vst v63  }
0x1d4: {  	s22 =	simm.s32 $0x140;
	s13 =	sor.u32 s23, s24  }
0x1d5: {  	[tilespmem:s6], [sflag:$0x4] =	stream.indirect.gather [hbm4b:s0+s29], $0x80, s22, s29, $0xb8;
	[tilespmem:$0x1DC00] =	vst v63  }
0x1d6: {  	s1 =	simm.s32 $0x20;
	s14 =	simm.s32 $0x80;
	v1 =	vld [tilespmem:s13+$0x80]  }
0x1d7: {  	s23 =	simm.s32 $0x10;
	s20 =	sand.u32 $0x3E00, s10;
	s13 =	sand.u32 $0x30, s10  }
.LBB2_8:
0x1d8: {  	s10 =	sand.u32 $0x70, s23;
	s22 =	sand.u32 $0xF00, s1  }
0x1d9: {  	s20 =	sshrl.u32 s20, $0x2;
	s24 =	smov.u32 s14;
	p0 =	sne.s32 s14, $0x2780  }
.Ltmp3:
0x1da: {  	s14 =	sadd.s32 $0x80, s14;
	s13 =	sor.u32 s13, s20;
	(pc) =	sbr.rel @p0 .LBB2_8-.Ltmp3, $4  }
0x1db: {  	s10 =	sor.u32 s10, s22;
	[tilespmem:s13+$0x1400] =	vst v1  }
0x1dc: {  	v1 =	vld [tilespmem:s10+$0x80]  }
0x1dd: {  	s1 =	sadd.s32 $0x20, s1  }
0x1de: {  	s20 =	sand.u32 $0x3E00, s24;
	s13 =	sand.u32 $0x30, s23;
	s23 =	sadd.s32 $0x10, s23  }
0x1df: {  	s1 =	sshrl.u32 s20, $0x2  }
0x1e0: {  	s1 =	sor.u32 s13, s1  }
0x1e1: {  	[tilespmem:s1+$0x1400] =	vst v1  }
0x1e2: {  	_ =	swait.ge [sflag:s8], $0x2000  }
0x1e3: {  	[sflag:s8] =	ssyncset.done $0x0  }
0x1e4: {  	s23 =	simm.s32 $0x1400;
	[sflag:s8] =	ssyncadd.s32 $0xFFFFE000  }
0x1e5: {  	[spmem:s3] =	stream.indirect.scatter.add.f32 [tilespmem:s25], [sflag:$0x8], $0x80, s23, s29, $0xb8;
	[tilespmem:$0x1DC00] =	vst v63  }
0x1e6: {  	_ =	swait.ge [sflag:s26], $0x2000  }
0x1e7: {  	[sflag:s26] =	ssyncset.done $0x0  }
0x1e8: {  	s24 =	simm.s32 $0x200;
	[sflag:s26] =	ssyncadd.s32 $0xFFFFE000  }
0x1e9: {  	[tilespmem:s25], [sflag:$0x1] =	stream.indirect.gather [hbm4b:s0+s29], $0x80, s24, s29, $0xb8;
	[tilespmem:$0x1DC00] =	vst v63  }
0x1ea: {  	_ =	swait.ge [sflag:s11], $0x2000  }
0x1eb: {  	[sflag:s11] =	ssyncset.done $0x0  }
0x1ec: {  	s10 =	simm.s32 $0x1480;
	[sflag:s11] =	ssyncadd.s32 $0xFFFFE000  }
0x1ed: {  	[spmem:s3] =	stream.indirect.scatter.add.f32 [tilespmem:s30], [sflag:$0x8], $0x80, s10, s29, $0xb8;
	[tilespmem:$0x1DC00] =	vst v63  }
0x1ee: {  	_ =	swait.ge [sflag:s26], $0x2000  }
0x1ef: {  	[sflag:s26] =	ssyncset.done $0x0  }
0x1f0: {  	s13 =	simm.s32 $0x240;
	[sflag:s26] =	ssyncadd.s32 $0xFFFFE000  }
0x1f1: {  	[tilespmem:s30], [sflag:$0x2] =	stream.indirect.gather [hbm4b:s0+s29], $0x80, s13, s29, $0xb8;
	[tilespmem:$0x1DC00] =	vst v63  }
0x1f2: {  	_ =	swait.ge [sflag:s15], $0x2000  }
0x1f3: {  	[sflag:s15] =	ssyncset.done $0x0  }
0x1f4: {  	s14 =	simm.s32 $0x1500;
	[sflag:s15] =	ssyncadd.s32 $0xFFFFE000  }
0x1f5: {  	[spmem:s3] =	stream.indirect.scatter.add.f32 [tilespmem:s2], [sflag:$0x8], $0x80, s14, s29, $0xb8;
	[tilespmem:$0x1DC00] =	vst v63  }
0x1f6: {  	_ =	swait.ge [sflag:s26], $0x2000  }
0x1f7: {  	[sflag:s26] =	ssyncset.done $0x0  }
0x1f8: {  	s20 =	simm.s32 $0x300;
	[sflag:s26] =	ssyncadd.s32 $0xFFFFE000  }
0x1f9: {  	[tilespmem:s2], [sflag:$0x3] =	stream.indirect.gather [hbm4b:s0+s29], $0x80, s20, s29, $0xb8;
	[tilespmem:$0x1DC00] =	vst v63  }
0x1fa: {  	_ =	swait.ge [sflag:s18], $0x2000  }
0x1fb: {  	[sflag:s18] =	ssyncset.done $0x0  }
0x1fc: {  	s22 =	simm.s32 $0x1580;
	[sflag:s18] =	ssyncadd.s32 $0xFFFFE000  }
0x1fd: {  	[spmem:s3] =	stream.indirect.scatter.add.f32 [tilespmem:s6], [sflag:$0x8], $0x80, s22, s29, $0xb8;
	[tilespmem:$0x1DC00] =	vst v63  }
0x1fe: {  	_ =	swait.ge [sflag:s26], $0x2000  }
0x1ff: {  	[sflag:s26] =	ssyncset.done $0x0  }
0x200: {  	s23 =	simm.s32 $0x340;
	[sflag:s26] =	ssyncadd.s32 $0xFFFFE000  }
0x201: {  	[tilespmem:s6], [sflag:$0x4] =	stream.indirect.gather [hbm4b:s0+s29], $0x80, s23, s29, $0xb8;
	[tilespmem:$0x1DC00] =	vst v63  }
0x202: {  	_ =	swait.ge [sflag:s8], $0x2000  }
0x203: {  	[sflag:s8] =	ssyncset.done $0x0  }
0x204: {  	s24 =	simm.s32 $0x1600;
	[sflag:s8] =	ssyncadd.s32 $0xFFFFE000  }
0x205: {  	[spmem:s3] =	stream.indirect.scatter.add.f32 [tilespmem:s25], [sflag:$0x8], $0x80, s24, s29, $0xb8;
	[tilespmem:$0x1DC00] =	vst v63  }
0x206: {  	_ =	swait.ge [sflag:s26], $0x2000  }
0x207: {  	[sflag:s26] =	ssyncset.done $0x0  }
0x208: {  	s10 =	simm.s32 $0x400;
	[sflag:s26] =	ssyncadd.s32 $0xFFFFE000  }
0x209: {  	[tilespmem:s25], [sflag:$0x1] =	stream.indirect.gather [hbm4b:s0+s29], $0x80, s10, s29, $0xb8;
	[tilespmem:$0x1DC00] =	vst v63  }
0x20a: {  	_ =	swait.ge [sflag:s11], $0x2000  }
0x20b: {  	[sflag:s11] =	ssyncset.done $0x0  }
0x20c: {  	s13 =	simm.s32 $0x1680;
	[sflag:s11] =	ssyncadd.s32 $0xFFFFE000  }
0x20d: {  	[spmem:s3] =	stream.indirect.scatter.add.f32 [tilespmem:s30], [sflag:$0x8], $0x80, s13, s29, $0xb8;
	[tilespmem:$0x1DC00] =	vst v63  }
0x20e: {  	_ =	swait.ge [sflag:s26], $0x2000  }
0x20f: {  	[sflag:s26] =	ssyncset.done $0x0  }
0x210: {  	s14 =	simm.s32 $0x440;
	[sflag:s26] =	ssyncadd.s32 $0xFFFFE000  }
0x211: {  	[tilespmem:s30], [sflag:$0x2] =	stream.indirect.gather [hbm4b:s0+s29], $0x80, s14, s29, $0xb8;
	[tilespmem:$0x1DC00] =	vst v63  }
0x212: {  	_ =	swait.ge [sflag:s15], $0x2000  }
0x213: {  	[sflag:s15] =	ssyncset.done $0x0  }
0x214: {  	s20 =	simm.s32 $0x1700;
	[sflag:s15] =	ssyncadd.s32 $0xFFFFE000  }
0x215: {  	[spmem:s3] =	stream.indirect.scatter.add.f32 [tilespmem:s2], [sflag:$0x8], $0x80, s20, s29, $0xb8;
	[tilespmem:$0x1DC00] =	vst v63  }
0x216: {  	_ =	swait.ge [sflag:s26], $0x2000  }
0x217: {  	[sflag:s26] =	ssyncset.done $0x0  }
0x218: {  	s22 =	simm.s32 $0x500;
	[sflag:s26] =	ssyncadd.s32 $0xFFFFE000  }
0x219: {  	[tilespmem:s2], [sflag:$0x3] =	stream.indirect.gather [hbm4b:s0+s29], $0x80, s22, s29, $0xb8;
	[tilespmem:$0x1DC00] =	vst v63  }
0x21a: {  	_ =	swait.ge [sflag:s18], $0x2000  }
0x21b: {  	[sflag:s18] =	ssyncset.done $0x0  }
0x21c: {  	s23 =	simm.s32 $0x1780;
	[sflag:s18] =	ssyncadd.s32 $0xFFFFE000  }
0x21d: {  	[spmem:s3] =	stream.indirect.scatter.add.f32 [tilespmem:s6], [sflag:$0x8], $0x80, s23, s29, $0xb8;
	[tilespmem:$0x1DC00] =	vst v63  }
0x21e: {  	_ =	swait.ge [sflag:s26], $0x2000  }
0x21f: {  	[sflag:s26] =	ssyncset.done $0x0  }
0x220: {  	s24 =	simm.s32 $0x540;
	[sflag:s26] =	ssyncadd.s32 $0xFFFFE000  }
0x221: {  	[tilespmem:s6], [sflag:$0x4] =	stream.indirect.gather [hbm4b:s0+s29], $0x80, s24, s29, $0xb8;
	[tilespmem:$0x1DC00] =	vst v63  }
0x222: {  	_ =	swait.ge [sflag:s8], $0x2000  }
0x223: {  	[sflag:s8] =	ssyncset.done $0x0  }
0x224: {  	s10 =	simm.s32 $0x1800;
	[sflag:s8] =	ssyncadd.s32 $0xFFFFE000  }
0x225: {  	[spmem:s3] =	stream.indirect.scatter.add.f32 [tilespmem:s25], [sflag:$0x8], $0x80, s10, s29, $0xb8;
	[tilespmem:$0x1DC00] =	vst v63  }
0x226: {  	_ =	swait.ge [sflag:s26], $0x2000  }
0x227: {  	[sflag:s26] =	ssyncset.done $0x0  }
0x228: {  	s13 =	simm.s32 $0x600;
	[sflag:s26] =	ssyncadd.s32 $0xFFFFE000  }
0x229: {  	[tilespmem:s25], [sflag:$0x1] =	stream.indirect.gather [hbm4b:s0+s29], $0x80, s13, s29, $0xb8;
	[tilespmem:$0x1DC00] =	vst v63  }
0x22a: {  	_ =	swait.ge [sflag:s11], $0x2000  }
0x22b: {  	[sflag:s11] =	ssyncset.done $0x0  }
0x22c: {  	s14 =	simm.s32 $0x1880;
	[sflag:s11] =	ssyncadd.s32 $0xFFFFE000  }
0x22d: {  	[spmem:s3] =	stream.indirect.scatter.add.f32 [tilespmem:s30], [sflag:$0x8], $0x80, s14, s29, $0xb8;
	[tilespmem:$0x1DC00] =	vst v63  }
0x22e: {  	_ =	swait.ge [sflag:s26], $0x2000  }
0x22f: {  	[sflag:s26] =	ssyncset.done $0x0  }
0x230: {  	s20 =	simm.s32 $0x640;
	[sflag:s26] =	ssyncadd.s32 $0xFFFFE000  }
0x231: {  	[tilespmem:s30], [sflag:$0x2] =	stream.indirect.gather [hbm4b:s0+s29], $0x80, s20, s29, $0xb8;
	[tilespmem:$0x1DC00] =	vst v63  }
0x232: {  	_ =	swait.ge [sflag:s15], $0x2000  }
0x233: {  	[sflag:s15] =	ssyncset.done $0x0  }
0x234: {  	s22 =	simm.s32 $0x1900;
	[sflag:s15] =	ssyncadd.s32 $0xFFFFE000  }
0x235: {  	[spmem:s3] =	stream.indirect.scatter.add.f32 [tilespmem:s2], [sflag:$0x8], $0x80, s22, s29, $0xb8;
	[tilespmem:$0x1DC00] =	vst v63  }
0x236: {  	_ =	swait.ge [sflag:s26], $0x2000  }
0x237: {  	[sflag:s26] =	ssyncset.done $0x0  }
0x238: {  	s23 =	simm.s32 $0x700;
	[sflag:s26] =	ssyncadd.s32 $0xFFFFE000  }
0x239: {  	[tilespmem:s2], [sflag:$0x3] =	stream.indirect.gather [hbm4b:s0+s29], $0x80, s23, s29, $0xb8;
	[tilespmem:$0x1DC00] =	vst v63  }
0x23a: {  	_ =	swait.ge [sflag:s18], $0x2000  }
0x23b: {  	[sflag:s18] =	ssyncset.done $0x0  }
0x23c: {  	s24 =	simm.s32 $0x1980;
	[sflag:s18] =	ssyncadd.s32 $0xFFFFE000  }
0x23d: {  	[spmem:s3] =	stream.indirect.scatter.add.f32 [tilespmem:s6], [sflag:$0x8], $0x80, s24, s29, $0xb8;
	[tilespmem:$0x1DC00] =	vst v63  }
0x23e: {  	_ =	swait.ge [sflag:s26], $0x2000  }
0x23f: {  	[sflag:s26] =	ssyncset.done $0x0  }
0x240: {  	s10 =	simm.s32 $0x740;
	[sflag:s26] =	ssyncadd.s32 $0xFFFFE000  }
0x241: {  	[tilespmem:s6], [sflag:$0x4] =	stream.indirect.gather [hbm4b:s0+s29], $0x80, s10, s29, $0xb8;
	[tilespmem:$0x1DC00] =	vst v63  }
0x242: {  	_ =	swait.ge [sflag:s8], $0x2000  }
0x243: {  	[sflag:s8] =	ssyncset.done $0x0  }
0x244: {  	s13 =	simm.s32 $0x1A00;
	[sflag:s8] =	ssyncadd.s32 $0xFFFFE000  }
0x245: {  	[spmem:s3] =	stream.indirect.scatter.add.f32 [tilespmem:s25], [sflag:$0x8], $0x80, s13, s29, $0xb8;
	[tilespmem:$0x1DC00] =	vst v63  }
0x246: {  	_ =	swait.ge [sflag:s26], $0x2000  }
0x247: {  	[sflag:s26] =	ssyncset.done $0x0  }
0x248: {  	s14 =	simm.s32 $0x800;
	[sflag:s26] =	ssyncadd.s32 $0xFFFFE000  }
0x249: {  	[tilespmem:s25], [sflag:$0x1] =	stream.indirect.gather [hbm4b:s0+s29], $0x80, s14, s29, $0xb8;
	[tilespmem:$0x1DC00] =	vst v63  }
0x24a: {  	_ =	swait.ge [sflag:s11], $0x2000  }
0x24b: {  	[sflag:s11] =	ssyncset.done $0x0  }
0x24c: {  	[sflag:s11] =	ssyncadd.s32 $0xFFFFE000  }
0x24d: {  	[spmem:s3] =	stream.indirect.scatter.add.f32 [tilespmem:s30], [sflag:$0x8], $0x80, s17, s29, $0xb8;
	[tilespmem:$0x1DC00] =	vst v63  }
0x24e: {  	_ =	swait.ge [sflag:s26], $0x2000  }
0x24f: {  	[sflag:s26] =	ssyncset.done $0x0  }
0x250: {  	s20 =	simm.s32 $0x840;
	[sflag:s26] =	ssyncadd.s32 $0xFFFFE000  }
0x251: {  	[tilespmem:s30], [sflag:$0x2] =	stream.indirect.gather [hbm4b:s0+s29], $0x80, s20, s29, $0xb8;
	[tilespmem:$0x1DC00] =	vst v63  }
0x252: {  	_ =	swait.ge [sflag:s15], $0x2000  }
0x253: {  	[sflag:s15] =	ssyncset.done $0x0  }
0x254: {  	[sflag:s15] =	ssyncadd.s32 $0xFFFFE000  }
0x255: {  	[spmem:s3] =	stream.indirect.scatter.add.f32 [tilespmem:s2], [sflag:$0x8], $0x80, s31, s29, $0xb8;
	[tilespmem:$0x1DC00] =	vst v63  }
0x256: {  	_ =	swait.ge [sflag:s26], $0x2000  }
0x257: {  	[sflag:s26] =	ssyncset.done $0x0  }
0x258: {  	s22 =	simm.s32 $0x900;
	[sflag:s26] =	ssyncadd.s32 $0xFFFFE000  }
0x259: {  	[tilespmem:s2], [sflag:$0x3] =	stream.indirect.gather [hbm4b:s0+s29], $0x80, s22, s29, $0xb8;
	[tilespmem:$0x1DC00] =	vst v63  }
0x25a: {  	_ =	swait.ge [sflag:s18], $0x2000  }
0x25b: {  	[sflag:s18] =	ssyncset.done $0x0  }
0x25c: {  	[sflag:s18] =	ssyncadd.s32 $0xFFFFE000  }
0x25d: {  	[spmem:s3] =	stream.indirect.scatter.add.f32 [tilespmem:s6], [sflag:$0x8], $0x80, s5, s29, $0xb8;
	[tilespmem:$0x1DC00] =	vst v63  }
0x25e: {  	_ =	swait.ge [sflag:s26], $0x2000  }
0x25f: {  	[sflag:s26] =	ssyncset.done $0x0  }
0x260: {  	s23 =	simm.s32 $0x940;
	[sflag:s26] =	ssyncadd.s32 $0xFFFFE000  }
0x261: {  	[tilespmem:s6], [sflag:$0x4] =	stream.indirect.gather [hbm4b:s0+s29], $0x80, s23, s29, $0xb8;
	[tilespmem:$0x1DC00] =	vst v63  }
0x262: {  	_ =	swait.ge [sflag:s8], $0x2000  }
0x263: {  	[sflag:s8] =	ssyncset.done $0x0  }
0x264: {  	[sflag:s8] =	ssyncadd.s32 $0xFFFFE000  }
0x265: {  	[spmem:s3] =	stream.indirect.scatter.add.f32 [tilespmem:s25], [sflag:$0x8], $0x80, s28, s29, $0xb8;
	[tilespmem:$0x1DC00] =	vst v63  }
0x266: {  	_ =	swait.ge [sflag:s26], $0x2000  }
0x267: {  	[sflag:s26] =	ssyncset.done $0x0  }
0x268: {  	[sflag:s26] =	ssyncadd.s32 $0xFFFFE000  }
0x269: {  	_ =	swait.ge [sflag:s11], $0x2000  }
0x26a: {  	[sflag:s11] =	ssyncset.done $0x0  }
0x26b: {  	[sflag:s11] =	ssyncadd.s32 $0xFFFFE000  }
0x26c: {  	[spmem:s3] =	stream.indirect.scatter.add.f32 [tilespmem:s30], [sflag:$0x8], $0x80, s9, s29, $0xb8;
	[tilespmem:$0x1DC00] =	vst v63  }
0x26d: {  	_ =	swait.ge [sflag:s26], $0x2000  }
0x26e: {  	[sflag:s26] =	ssyncset.done $0x0  }
0x26f: {  	[sflag:s26] =	ssyncadd.s32 $0xFFFFE000  }
0x270: {  	_ =	swait.ge [sflag:s15], $0x2000  }
0x271: {  	[sflag:s15] =	ssyncset.done $0x0  }
0x272: {  	[sflag:s15] =	ssyncadd.s32 $0xFFFFE000  }
0x273: {  	[spmem:s3] =	stream.indirect.scatter.add.f32 [tilespmem:s2], [sflag:$0x8], $0x80, s12, s29, $0xb8;
	[tilespmem:$0x1DC00] =	vst v63  }
0x274: {  	_ =	swait.ge [sflag:s26], $0x2000  }
0x275: {  	[sflag:s26] =	ssyncset.done $0x0  }
0x276: {  	[sflag:s26] =	ssyncadd.s32 $0xFFFFE000  }
0x277: {  	_ =	swait.ge [sflag:s18], $0x2000  }
0x278: {  	[sflag:s18] =	ssyncset.done $0x0  }
0x279: {  	[sflag:s18] =	ssyncadd.s32 $0xFFFFE000  }
0x27a: {  	[spmem:s3] =	stream.indirect.scatter.add.f32 [tilespmem:s6], [sflag:$0x8], $0x80, s16, s29, $0xb8;
	[tilespmem:$0x1DC00] =	vst v63  }
0x27b: {  	_ =	swait.ge [sflag:s26], $0x2000  }
0x27c: {  	[sflag:s26] =	ssyncset.done $0x0  }
0x27d: {  	s10 =	simm.s32 $0x0;
	s24 =	rddreg [dreg:$0x13];
	[sflag:s26] =	ssyncadd.s32 $0xFFFFE000  }
0x27e: {  	[tilespmem:s10], [sflag:$0x6] =	stream.linear.gather [hbm4b:s24+s10], $0xA00, $0x38;
	[tilespmem:$0x1DC00] =	vst v63  }
0x27f: {  	_ =	swait.ge [sflag:s19], $0xA00  }
0x280: {  	[sflag:s19] =	ssyncset.done $0x0  }
0x281: {  	s13 =	simm.s32 $0xA00;
	[sflag:s19] =	ssyncadd.s32 $0xFFFFF600  }
0x282: {  	[tilespmem:s25], [sflag:$0x1] =	stream.indirect.gather [hbm4b:s0+s29], $0x80, s13, s29, $0xb8;
	[tilespmem:$0x1DC00] =	vst v63  }
0x283: {  	s14 =	simm.s32 $0xA40  }
0x284: {  	[tilespmem:s30], [sflag:$0x2] =	stream.indirect.gather [hbm4b:s0+s29], $0x80, s14, s29, $0xb8;
	[tilespmem:$0x1DC00] =	vst v63  }
0x285: {  	s20 =	simm.s32 $0xB00;
	s23 =	sand.u32 $0x70, s10;
	s24 =	sand.u32 $0xF00, s10  }
0x286: {  	[tilespmem:s2], [sflag:$0x3] =	stream.indirect.gather [hbm4b:s0+s29], $0x80, s20, s29, $0xb8;
	[tilespmem:$0x1DC00] =	vst v63  }
0x287: {  	s22 =	simm.s32 $0xB40;
	s13 =	sor.u32 s23, s24  }
0x288: {  	[tilespmem:s6], [sflag:$0x4] =	stream.indirect.gather [hbm4b:s0+s29], $0x80, s22, s29, $0xb8;
	[tilespmem:$0x1DC00] =	vst v63  }
0x289: {  	s1 =	simm.s32 $0x20;
	s23 =	simm.s32 $0x10;
	v1 =	vld [tilespmem:s13+$0xA80]  }
0x28a: {  	s14 =	simm.s32 $0x80;
	s20 =	sand.u32 $0x3E00, s10;
	s13 =	sand.u32 $0x30, s10  }
.LBB2_10:
0x28b: {  	s10 =	sand.u32 $0x70, s23;
	s22 =	sand.u32 $0xF00, s1  }
0x28c: {  	s20 =	sshrl.u32 s20, $0x2;
	s24 =	smov.u32 s14;
	p0 =	sne.s32 s14, $0x2780  }
.Ltmp4:
0x28d: {  	s14 =	sadd.s32 $0x80, s14;
	s13 =	sor.u32 s13, s20;
	(pc) =	sbr.rel @p0 .LBB2_10-.Ltmp4, $4  }
0x28e: {  	s10 =	sor.u32 s10, s22;
	[tilespmem:s13+$0x1400] =	vst v1  }
0x28f: {  	v1 =	vld [tilespmem:s10+$0xA80]  }
0x290: {  	s1 =	sadd.s32 $0x20, s1  }
0x291: {  	s20 =	sand.u32 $0x3E00, s24;
	s13 =	sand.u32 $0x30, s23;
	s23 =	sadd.s32 $0x10, s23  }
0x292: {  	s1 =	sshrl.u32 s20, $0x2  }
0x293: {  	s1 =	sor.u32 s13, s1  }
0x294: {  	[tilespmem:s1+$0x1400] =	vst v1  }
0x295: {  	_ =	swait.ge [sflag:s8], $0x2000  }
0x296: {  	[sflag:s8] =	ssyncset.done $0x0  }
0x297: {  	s10 =	simm.s32 $0x1400;
	[sflag:s8] =	ssyncadd.s32 $0xFFFFE000  }
0x298: {  	[spmem:s3] =	stream.indirect.scatter.add.f32 [tilespmem:s25], [sflag:$0x8], $0x80, s10, s29, $0xb8;
	[tilespmem:$0x1DC00] =	vst v63  }
0x299: {  	_ =	swait.ge [sflag:s26], $0x2000  }
0x29a: {  	[sflag:s26] =	ssyncset.done $0x0  }
0x29b: {  	s13 =	simm.s32 $0xC00;
	[sflag:s26] =	ssyncadd.s32 $0xFFFFE000  }
0x29c: {  	[tilespmem:s25], [sflag:$0x1] =	stream.indirect.gather [hbm4b:s0+s29], $0x80, s13, s29, $0xb8;
	[tilespmem:$0x1DC00] =	vst v63  }
0x29d: {  	_ =	swait.ge [sflag:s11], $0x2000  }
0x29e: {  	[sflag:s11] =	ssyncset.done $0x0  }
0x29f: {  	s14 =	simm.s32 $0x1480;
	[sflag:s11] =	ssyncadd.s32 $0xFFFFE000  }
0x2a0: {  	[spmem:s3] =	stream.indirect.scatter.add.f32 [tilespmem:s30], [sflag:$0x8], $0x80, s14, s29, $0xb8;
	[tilespmem:$0x1DC00] =	vst v63  }
0x2a1: {  	_ =	swait.ge [sflag:s26], $0x2000  }
0x2a2: {  	[sflag:s26] =	ssyncset.done $0x0  }
0x2a3: {  	s20 =	simm.s32 $0xC40;
	[sflag:s26] =	ssyncadd.s32 $0xFFFFE000  }
0x2a4: {  	[tilespmem:s30], [sflag:$0x2] =	stream.indirect.gather [hbm4b:s0+s29], $0x80, s20, s29, $0xb8;
	[tilespmem:$0x1DC00] =	vst v63  }
0x2a5: {  	_ =	swait.ge [sflag:s15], $0x2000  }
0x2a6: {  	[sflag:s15] =	ssyncset.done $0x0  }
0x2a7: {  	s22 =	simm.s32 $0x1500;
	[sflag:s15] =	ssyncadd.s32 $0xFFFFE000  }
0x2a8: {  	[spmem:s3] =	stream.indirect.scatter.add.f32 [tilespmem:s2], [sflag:$0x8], $0x80, s22, s29, $0xb8;
	[tilespmem:$0x1DC00] =	vst v63  }
0x2a9: {  	_ =	swait.ge [sflag:s26], $0x2000  }
0x2aa: {  	[sflag:s26] =	ssyncset.done $0x0  }
0x2ab: {  	s23 =	simm.s32 $0xD00;
	[sflag:s26] =	ssyncadd.s32 $0xFFFFE000  }
0x2ac: {  	[tilespmem:s2], [sflag:$0x3] =	stream.indirect.gather [hbm4b:s0+s29], $0x80, s23, s29, $0xb8;
	[tilespmem:$0x1DC00] =	vst v63  }
0x2ad: {  	_ =	swait.ge [sflag:s18], $0x2000  }
0x2ae: {  	[sflag:s18] =	ssyncset.done $0x0  }
0x2af: {  	s24 =	simm.s32 $0x1580;
	[sflag:s18] =	ssyncadd.s32 $0xFFFFE000  }
0x2b0: {  	[spmem:s3] =	stream.indirect.scatter.add.f32 [tilespmem:s6], [sflag:$0x8], $0x80, s24, s29, $0xb8;
	[tilespmem:$0x1DC00] =	vst v63  }
0x2b1: {  	_ =	swait.ge [sflag:s26], $0x2000  }
0x2b2: {  	[sflag:s26] =	ssyncset.done $0x0  }
0x2b3: {  	s10 =	simm.s32 $0xD40;
	[sflag:s26] =	ssyncadd.s32 $0xFFFFE000  }
0x2b4: {  	[tilespmem:s6], [sflag:$0x4] =	stream.indirect.gather [hbm4b:s0+s29], $0x80, s10, s29, $0xb8;
	[tilespmem:$0x1DC00] =	vst v63  }
0x2b5: {  	_ =	swait.ge [sflag:s8], $0x2000  }
0x2b6: {  	[sflag:s8] =	ssyncset.done $0x0  }
0x2b7: {  	s13 =	simm.s32 $0x1600;
	[sflag:s8] =	ssyncadd.s32 $0xFFFFE000  }
0x2b8: {  	[spmem:s3] =	stream.indirect.scatter.add.f32 [tilespmem:s25], [sflag:$0x8], $0x80, s13, s29, $0xb8;
	[tilespmem:$0x1DC00] =	vst v63  }
0x2b9: {  	_ =	swait.ge [sflag:s26], $0x2000  }
0x2ba: {  	[sflag:s26] =	ssyncset.done $0x0  }
0x2bb: {  	s14 =	simm.s32 $0xE00;
	[sflag:s26] =	ssyncadd.s32 $0xFFFFE000  }
0x2bc: {  	[tilespmem:s25], [sflag:$0x1] =	stream.indirect.gather [hbm4b:s0+s29], $0x80, s14, s29, $0xb8;
	[tilespmem:$0x1DC00] =	vst v63  }
0x2bd: {  	_ =	swait.ge [sflag:s11], $0x2000  }
0x2be: {  	[sflag:s11] =	ssyncset.done $0x0  }
0x2bf: {  	s20 =	simm.s32 $0x1680;
	[sflag:s11] =	ssyncadd.s32 $0xFFFFE000  }
0x2c0: {  	[spmem:s3] =	stream.indirect.scatter.add.f32 [tilespmem:s30], [sflag:$0x8], $0x80, s20, s29, $0xb8;
	[tilespmem:$0x1DC00] =	vst v63  }
0x2c1: {  	_ =	swait.ge [sflag:s26], $0x2000  }
0x2c2: {  	[sflag:s26] =	ssyncset.done $0x0  }
0x2c3: {  	s22 =	simm.s32 $0xE40;
	[sflag:s26] =	ssyncadd.s32 $0xFFFFE000  }
0x2c4: {  	[tilespmem:s30], [sflag:$0x2] =	stream.indirect.gather [hbm4b:s0+s29], $0x80, s22, s29, $0xb8;
	[tilespmem:$0x1DC00] =	vst v63  }
0x2c5: {  	_ =	swait.ge [sflag:s15], $0x2000  }
0x2c6: {  	[sflag:s15] =	ssyncset.done $0x0  }
0x2c7: {  	s23 =	simm.s32 $0x1700;
	[sflag:s15] =	ssyncadd.s32 $0xFFFFE000  }
0x2c8: {  	[spmem:s3] =	stream.indirect.scatter.add.f32 [tilespmem:s2], [sflag:$0x8], $0x80, s23, s29, $0xb8;
	[tilespmem:$0x1DC00] =	vst v63  }
0x2c9: {  	_ =	swait.ge [sflag:s26], $0x2000  }
0x2ca: {  	[sflag:s26] =	ssyncset.done $0x0  }
0x2cb: {  	s24 =	simm.s32 $0xF00;
	[sflag:s26] =	ssyncadd.s32 $0xFFFFE000  }
0x2cc: {  	[tilespmem:s2], [sflag:$0x3] =	stream.indirect.gather [hbm4b:s0+s29], $0x80, s24, s29, $0xb8;
	[tilespmem:$0x1DC00] =	vst v63  }
0x2cd: {  	_ =	swait.ge [sflag:s18], $0x2000  }
0x2ce: {  	[sflag:s18] =	ssyncset.done $0x0  }
0x2cf: {  	s10 =	simm.s32 $0x1780;
	[sflag:s18] =	ssyncadd.s32 $0xFFFFE000  }
0x2d0: {  	[spmem:s3] =	stream.indirect.scatter.add.f32 [tilespmem:s6], [sflag:$0x8], $0x80, s10, s29, $0xb8;
	[tilespmem:$0x1DC00] =	vst v63  }
0x2d1: {  	_ =	swait.ge [sflag:s26], $0x2000  }
0x2d2: {  	[sflag:s26] =	ssyncset.done $0x0  }
0x2d3: {  	s13 =	simm.s32 $0xF40;
	[sflag:s26] =	ssyncadd.s32 $0xFFFFE000  }
0x2d4: {  	[tilespmem:s6], [sflag:$0x4] =	stream.indirect.gather [hbm4b:s0+s29], $0x80, s13, s29, $0xb8;
	[tilespmem:$0x1DC00] =	vst v63  }
0x2d5: {  	_ =	swait.ge [sflag:s8], $0x2000  }
0x2d6: {  	[sflag:s8] =	ssyncset.done $0x0  }
0x2d7: {  	s14 =	simm.s32 $0x1800;
	[sflag:s8] =	ssyncadd.s32 $0xFFFFE000  }
0x2d8: {  	[spmem:s3] =	stream.indirect.scatter.add.f32 [tilespmem:s25], [sflag:$0x8], $0x80, s14, s29, $0xb8;
	[tilespmem:$0x1DC00] =	vst v63  }
0x2d9: {  	_ =	swait.ge [sflag:s26], $0x2000  }
0x2da: {  	[sflag:s26] =	ssyncset.done $0x0  }
0x2db: {  	s20 =	simm.s32 $0x1000;
	[sflag:s26] =	ssyncadd.s32 $0xFFFFE000  }
0x2dc: {  	[tilespmem:s25], [sflag:$0x1] =	stream.indirect.gather [hbm4b:s0+s29], $0x80, s20, s29, $0xb8;
	[tilespmem:$0x1DC00] =	vst v63  }
0x2dd: {  	_ =	swait.ge [sflag:s11], $0x2000  }
0x2de: {  	[sflag:s11] =	ssyncset.done $0x0  }
0x2df: {  	s22 =	simm.s32 $0x1880;
	[sflag:s11] =	ssyncadd.s32 $0xFFFFE000  }
0x2e0: {  	[spmem:s3] =	stream.indirect.scatter.add.f32 [tilespmem:s30], [sflag:$0x8], $0x80, s22, s29, $0xb8;
	[tilespmem:$0x1DC00] =	vst v63  }
0x2e1: {  	_ =	swait.ge [sflag:s26], $0x2000  }
0x2e2: {  	[sflag:s26] =	ssyncset.done $0x0  }
0x2e3: {  	s23 =	simm.s32 $0x1040;
	[sflag:s26] =	ssyncadd.s32 $0xFFFFE000  }
0x2e4: {  	[tilespmem:s30], [sflag:$0x2] =	stream.indirect.gather [hbm4b:s0+s29], $0x80, s23, s29, $0xb8;
	[tilespmem:$0x1DC00] =	vst v63  }
0x2e5: {  	_ =	swait.ge [sflag:s15], $0x2000  }
0x2e6: {  	[sflag:s15] =	ssyncset.done $0x0  }
0x2e7: {  	s24 =	simm.s32 $0x1900;
	[sflag:s15] =	ssyncadd.s32 $0xFFFFE000  }
0x2e8: {  	[spmem:s3] =	stream.indirect.scatter.add.f32 [tilespmem:s2], [sflag:$0x8], $0x80, s24, s29, $0xb8;
	[tilespmem:$0x1DC00] =	vst v63  }
0x2e9: {  	_ =	swait.ge [sflag:s26], $0x2000  }
0x2ea: {  	[sflag:s26] =	ssyncset.done $0x0  }
0x2eb: {  	s10 =	simm.s32 $0x1100;
	[sflag:s26] =	ssyncadd.s32 $0xFFFFE000  }
0x2ec: {  	[tilespmem:s2], [sflag:$0x3] =	stream.indirect.gather [hbm4b:s0+s29], $0x80, s10, s29, $0xb8;
	[tilespmem:$0x1DC00] =	vst v63  }
0x2ed: {  	_ =	swait.ge [sflag:s18], $0x2000  }
0x2ee: {  	[sflag:s18] =	ssyncset.done $0x0  }
0x2ef: {  	s13 =	simm.s32 $0x1980;
	[sflag:s18] =	ssyncadd.s32 $0xFFFFE000  }
0x2f0: {  	[spmem:s3] =	stream.indirect.scatter.add.f32 [tilespmem:s6], [sflag:$0x8], $0x80, s13, s29, $0xb8;
	[tilespmem:$0x1DC00] =	vst v63  }
0x2f1: {  	_ =	swait.ge [sflag:s26], $0x2000  }
0x2f2: {  	[sflag:s26] =	ssyncset.done $0x0  }
0x2f3: {  	s14 =	simm.s32 $0x1140;
	[sflag:s26] =	ssyncadd.s32 $0xFFFFE000  }
0x2f4: {  	[tilespmem:s6], [sflag:$0x4] =	stream.indirect.gather [hbm4b:s0+s29], $0x80, s14, s29, $0xb8;
	[tilespmem:$0x1DC00] =	vst v63  }
0x2f5: {  	_ =	swait.ge [sflag:s8], $0x2000  }
0x2f6: {  	[sflag:s8] =	ssyncset.done $0x0  }
0x2f7: {  	s20 =	simm.s32 $0x1A00;
	[sflag:s8] =	ssyncadd.s32 $0xFFFFE000  }
0x2f8: {  	[spmem:s3] =	stream.indirect.scatter.add.f32 [tilespmem:s25], [sflag:$0x8], $0x80, s20, s29, $0xb8;
	[tilespmem:$0x1DC00] =	vst v63  }
0x2f9: {  	_ =	swait.ge [sflag:s26], $0x2000  }
0x2fa: {  	[sflag:s26] =	ssyncset.done $0x0  }
0x2fb: {  	s22 =	simm.s32 $0x1200;
	[sflag:s26] =	ssyncadd.s32 $0xFFFFE000  }
0x2fc: {  	[tilespmem:s25], [sflag:$0x1] =	stream.indirect.gather [hbm4b:s0+s29], $0x80, s22, s29, $0xb8;
	[tilespmem:$0x1DC00] =	vst v63  }
0x2fd: {  	_ =	swait.ge [sflag:s11], $0x2000  }
0x2fe: {  	[sflag:s11] =	ssyncset.done $0x0  }
0x2ff: {  	[sflag:s11] =	ssyncadd.s32 $0xFFFFE000  }
0x300: {  	[spmem:s3] =	stream.indirect.scatter.add.f32 [tilespmem:s30], [sflag:$0x8], $0x80, s17, s29, $0xb8;
	[tilespmem:$0x1DC00] =	vst v63  }
0x301: {  	_ =	swait.ge [sflag:s26], $0x2000  }
0x302: {  	[sflag:s26] =	ssyncset.done $0x0  }
0x303: {  	s23 =	simm.s32 $0x1240;
	[sflag:s26] =	ssyncadd.s32 $0xFFFFE000  }
0x304: {  	[tilespmem:s30], [sflag:$0x2] =	stream.indirect.gather [hbm4b:s0+s29], $0x80, s23, s29, $0xb8;
	[tilespmem:$0x1DC00] =	vst v63  }
0x305: {  	_ =	swait.ge [sflag:s15], $0x2000  }
0x306: {  	[sflag:s15] =	ssyncset.done $0x0  }
0x307: {  	[sflag:s15] =	ssyncadd.s32 $0xFFFFE000  }
0x308: {  	[spmem:s3] =	stream.indirect.scatter.add.f32 [tilespmem:s2], [sflag:$0x8], $0x80, s31, s29, $0xb8;
	[tilespmem:$0x1DC00] =	vst v63  }
0x309: {  	_ =	swait.ge [sflag:s26], $0x2000  }
0x30a: {  	[sflag:s26] =	ssyncset.done $0x0  }
0x30b: {  	s24 =	simm.s32 $0x1300;
	[sflag:s26] =	ssyncadd.s32 $0xFFFFE000  }
0x30c: {  	[tilespmem:s2], [sflag:$0x3] =	stream.indirect.gather [hbm4b:s0+s29], $0x80, s24, s29, $0xb8;
	[tilespmem:$0x1DC00] =	vst v63  }
0x30d: {  	_ =	swait.ge [sflag:s18], $0x2000  }
0x30e: {  	[sflag:s18] =	ssyncset.done $0x0  }
0x30f: {  	[sflag:s18] =	ssyncadd.s32 $0xFFFFE000  }
0x310: {  	[spmem:s3] =	stream.indirect.scatter.add.f32 [tilespmem:s6], [sflag:$0x8], $0x80, s5, s29, $0xb8;
	[tilespmem:$0x1DC00] =	vst v63  }
0x311: {  	_ =	swait.ge [sflag:s26], $0x2000  }
0x312: {  	[sflag:s26] =	ssyncset.done $0x0  }
0x313: {  	s10 =	simm.s32 $0x1340;
	[sflag:s26] =	ssyncadd.s32 $0xFFFFE000  }
0x314: {  	[tilespmem:s6], [sflag:$0x4] =	stream.indirect.gather [hbm4b:s0+s29], $0x80, s10, s29, $0xb8;
	[tilespmem:$0x1DC00] =	vst v63  }
0x315: {  	_ =	swait.ge [sflag:s8], $0x2000  }
0x316: {  	[sflag:s8] =	ssyncset.done $0x0  }
0x317: {  	[sflag:s8] =	ssyncadd.s32 $0xFFFFE000  }
0x318: {  	[spmem:s3] =	stream.indirect.scatter.add.f32 [tilespmem:s25], [sflag:$0x8], $0x80, s28, s29, $0xb8;
	[tilespmem:$0x1DC00] =	vst v63  }
0x319: {  	_ =	swait.ge [sflag:s26], $0x2000  }
0x31a: {  	[sflag:s26] =	ssyncset.done $0x0  }
0x31b: {  	[sflag:s26] =	ssyncadd.s32 $0xFFFFE000  }
0x31c: {  	_ =	swait.ge [sflag:s11], $0x2000  }
0x31d: {  	[sflag:s11] =	ssyncset.done $0x0  }
0x31e: {  	[sflag:s11] =	ssyncadd.s32 $0xFFFFE000  }
0x31f: {  	[spmem:s3] =	stream.indirect.scatter.add.f32 [tilespmem:s30], [sflag:$0x8], $0x80, s9, s29, $0xb8;
	[tilespmem:$0x1DC00] =	vst v63  }
0x320: {  	_ =	swait.ge [sflag:s26], $0x2000  }
0x321: {  	[sflag:s26] =	ssyncset.done $0x0  }
0x322: {  	[sflag:s26] =	ssyncadd.s32 $0xFFFFE000  }
0x323: {  	_ =	swait.ge [sflag:s15], $0x2000  }
0x324: {  	[sflag:s15] =	ssyncset.done $0x0  }
0x325: {  	[sflag:s15] =	ssyncadd.s32 $0xFFFFE000  }
0x326: {  	[spmem:s3] =	stream.indirect.scatter.add.f32 [tilespmem:s2], [sflag:$0x8], $0x80, s12, s29, $0xb8;
	[tilespmem:$0x1DC00] =	vst v63  }
0x327: {  	_ =	swait.ge [sflag:s26], $0x2000  }
0x328: {  	[sflag:s26] =	ssyncset.done $0x0  }
0x329: {  	[sflag:s26] =	ssyncadd.s32 $0xFFFFE000  }
0x32a: {  	_ =	swait.ge [sflag:s18], $0x2000  }
0x32b: {  	[sflag:s18] =	ssyncset.done $0x0  }
0x32c: {  	[sflag:s18] =	ssyncadd.s32 $0xFFFFE000  }
0x32d: {  	[spmem:s3] =	stream.indirect.scatter.add.f32 [tilespmem:s6], [sflag:$0x8], $0x80, s16, s29, $0xb8;
	[tilespmem:$0x1DC00] =	vst v63  }
0x32e: {  	_ =	swait.ge [sflag:s26], $0x2000  }
0x32f: {  	s14 =	simm.s32 $0xA00;
	[sflag:s26] =	ssyncset.done $0x0  }
0x330: {  	s10 =	simm.s32 $0x0;
	s13 =	rddreg [dreg:$0x14];
	[sflag:s26] =	ssyncadd.s32 $0xFFFFE000  }
0x331: {  	[tilespmem:s14], [sflag:$0x7] =	stream.linear.gather [hbm4b:s13+s10], $0xA00, $0x38;
	[tilespmem:$0x1DC00] =	vst v63  }
0x332: {  	_ =	swait.ge [sflag:s21], $0xA00  }
0x333: {  	[sflag:s21] =	ssyncset.done $0x0  }
0x334: {  	[sflag:s21] =	ssyncadd.s32 $0xFFFFF600  }
0x335: {  	[tilespmem:s25], [sflag:$0x1] =	stream.indirect.gather [hbm4b:s0+s29], $0x80, s10, s29, $0xb8;
	[tilespmem:$0x1DC00] =	vst v63  }
0x336: {  	_ = 	snop  }
0x337: {  	[tilespmem:s30], [sflag:$0x2] =	stream.indirect.gather [hbm4b:s0+s29], $0x80, s29, s29, $0xb8;
	[tilespmem:$0x1DC00] =	vst v63  }
0x338: {  	s20 =	simm.s32 $0x100;
	s23 =	sand.u32 $0x70, s10;
	s24 =	sand.u32 $0xF00, s10  }
0x339: {  	[tilespmem:s2], [sflag:$0x3] =	stream.indirect.gather [hbm4b:s0+s29], $0x80, s20, s29, $0xb8;
	[tilespmem:$0x1DC00] =	vst v63  }
0x33a: {  	s22 =	simm.s32 $0x140;
	s13 =	sor.u32 s23, s24  }
0x33b: {  	[tilespmem:s6], [sflag:$0x4] =	stream.indirect.gather [hbm4b:s0+s29], $0x80, s22, s29, $0xb8;
	[tilespmem:$0x1DC00] =	vst v63  }
0x33c: {  	s1 =	simm.s32 $0x20;
	s14 =	simm.s32 $0x80;
	v1 =	vld [tilespmem:s13+$0x80]  }
0x33d: {  	s23 =	simm.s32 $0x10;
	s20 =	sand.u32 $0x3E00, s10;
	s13 =	sand.u32 $0x30, s10  }
.LBB2_12:
0x33e: {  	s10 =	sand.u32 $0x70, s23;
	s22 =	sand.u32 $0xF00, s1  }
0x33f: {  	s20 =	sshrl.u32 s20, $0x2;
	s24 =	smov.u32 s14;
	p0 =	sne.s32 s14, $0x2780  }
.Ltmp5:
0x340: {  	s14 =	sadd.s32 $0x80, s14;
	s13 =	sor.u32 s13, s20;
	(pc) =	sbr.rel @p0 .LBB2_12-.Ltmp5, $4  }
0x341: {  	s10 =	sor.u32 s10, s22;
	[tilespmem:s13+$0x1400] =	vst v1  }
0x342: {  	v1 =	vld [tilespmem:s10+$0x80]  }
0x343: {  	s1 =	sadd.s32 $0x20, s1  }
0x344: {  	s20 =	sand.u32 $0x3E00, s24;
	s13 =	sand.u32 $0x30, s23;
	s23 =	sadd.s32 $0x10, s23  }
0x345: {  	s1 =	sshrl.u32 s20, $0x2  }
0x346: {  	s1 =	sor.u32 s13, s1  }
0x347: {  	[tilespmem:s1+$0x1400] =	vst v1  }
0x348: {  	_ =	swait.ge [sflag:s8], $0x2000  }
0x349: {  	[sflag:s8] =	ssyncset.done $0x0  }
0x34a: {  	s23 =	simm.s32 $0x1400;
	[sflag:s8] =	ssyncadd.s32 $0xFFFFE000  }
0x34b: {  	[spmem:s3] =	stream.indirect.scatter.add.f32 [tilespmem:s25], [sflag:$0x8], $0x80, s23, s29, $0xb8;
	[tilespmem:$0x1DC00] =	vst v63  }
0x34c: {  	_ =	swait.ge [sflag:s26], $0x2000  }
0x34d: {  	[sflag:s26] =	ssyncset.done $0x0  }
0x34e: {  	s24 =	simm.s32 $0x200;
	[sflag:s26] =	ssyncadd.s32 $0xFFFFE000  }
0x34f: {  	[tilespmem:s25], [sflag:$0x1] =	stream.indirect.gather [hbm4b:s0+s29], $0x80, s24, s29, $0xb8;
	[tilespmem:$0x1DC00] =	vst v63  }
0x350: {  	_ =	swait.ge [sflag:s11], $0x2000  }
0x351: {  	[sflag:s11] =	ssyncset.done $0x0  }
0x352: {  	s10 =	simm.s32 $0x1480;
	[sflag:s11] =	ssyncadd.s32 $0xFFFFE000  }
0x353: {  	[spmem:s3] =	stream.indirect.scatter.add.f32 [tilespmem:s30], [sflag:$0x8], $0x80, s10, s29, $0xb8;
	[tilespmem:$0x1DC00] =	vst v63  }
0x354: {  	_ =	swait.ge [sflag:s26], $0x2000  }
0x355: {  	[sflag:s26] =	ssyncset.done $0x0  }
0x356: {  	s13 =	simm.s32 $0x240;
	[sflag:s26] =	ssyncadd.s32 $0xFFFFE000  }
0x357: {  	[tilespmem:s30], [sflag:$0x2] =	stream.indirect.gather [hbm4b:s0+s29], $0x80, s13, s29, $0xb8;
	[tilespmem:$0x1DC00] =	vst v63  }
0x358: {  	_ =	swait.ge [sflag:s15], $0x2000  }
0x359: {  	[sflag:s15] =	ssyncset.done $0x0  }
0x35a: {  	s14 =	simm.s32 $0x1500;
	[sflag:s15] =	ssyncadd.s32 $0xFFFFE000  }
0x35b: {  	[spmem:s3] =	stream.indirect.scatter.add.f32 [tilespmem:s2], [sflag:$0x8], $0x80, s14, s29, $0xb8;
	[tilespmem:$0x1DC00] =	vst v63  }
0x35c: {  	_ =	swait.ge [sflag:s26], $0x2000  }
0x35d: {  	[sflag:s26] =	ssyncset.done $0x0  }
0x35e: {  	s20 =	simm.s32 $0x300;
	[sflag:s26] =	ssyncadd.s32 $0xFFFFE000  }
0x35f: {  	[tilespmem:s2], [sflag:$0x3] =	stream.indirect.gather [hbm4b:s0+s29], $0x80, s20, s29, $0xb8;
	[tilespmem:$0x1DC00] =	vst v63  }
0x360: {  	_ =	swait.ge [sflag:s18], $0x2000  }
0x361: {  	[sflag:s18] =	ssyncset.done $0x0  }
0x362: {  	s22 =	simm.s32 $0x1580;
	[sflag:s18] =	ssyncadd.s32 $0xFFFFE000  }
0x363: {  	[spmem:s3] =	stream.indirect.scatter.add.f32 [tilespmem:s6], [sflag:$0x8], $0x80, s22, s29, $0xb8;
	[tilespmem:$0x1DC00] =	vst v63  }
0x364: {  	_ =	swait.ge [sflag:s26], $0x2000  }
0x365: {  	[sflag:s26] =	ssyncset.done $0x0  }
0x366: {  	s23 =	simm.s32 $0x340;
	[sflag:s26] =	ssyncadd.s32 $0xFFFFE000  }
0x367: {  	[tilespmem:s6], [sflag:$0x4] =	stream.indirect.gather [hbm4b:s0+s29], $0x80, s23, s29, $0xb8;
	[tilespmem:$0x1DC00] =	vst v63  }
0x368: {  	_ =	swait.ge [sflag:s8], $0x2000  }
0x369: {  	[sflag:s8] =	ssyncset.done $0x0  }
0x36a: {  	s24 =	simm.s32 $0x1600;
	[sflag:s8] =	ssyncadd.s32 $0xFFFFE000  }
0x36b: {  	[spmem:s3] =	stream.indirect.scatter.add.f32 [tilespmem:s25], [sflag:$0x8], $0x80, s24, s29, $0xb8;
	[tilespmem:$0x1DC00] =	vst v63  }
0x36c: {  	_ =	swait.ge [sflag:s26], $0x2000  }
0x36d: {  	[sflag:s26] =	ssyncset.done $0x0  }
0x36e: {  	s10 =	simm.s32 $0x400;
	[sflag:s26] =	ssyncadd.s32 $0xFFFFE000  }
0x36f: {  	[tilespmem:s25], [sflag:$0x1] =	stream.indirect.gather [hbm4b:s0+s29], $0x80, s10, s29, $0xb8;
	[tilespmem:$0x1DC00] =	vst v63  }
0x370: {  	_ =	swait.ge [sflag:s11], $0x2000  }
0x371: {  	[sflag:s11] =	ssyncset.done $0x0  }
0x372: {  	s13 =	simm.s32 $0x1680;
	[sflag:s11] =	ssyncadd.s32 $0xFFFFE000  }
0x373: {  	[spmem:s3] =	stream.indirect.scatter.add.f32 [tilespmem:s30], [sflag:$0x8], $0x80, s13, s29, $0xb8;
	[tilespmem:$0x1DC00] =	vst v63  }
0x374: {  	_ =	swait.ge [sflag:s26], $0x2000  }
0x375: {  	[sflag:s26] =	ssyncset.done $0x0  }
0x376: {  	s14 =	simm.s32 $0x440;
	[sflag:s26] =	ssyncadd.s32 $0xFFFFE000  }
0x377: {  	[tilespmem:s30], [sflag:$0x2] =	stream.indirect.gather [hbm4b:s0+s29], $0x80, s14, s29, $0xb8;
	[tilespmem:$0x1DC00] =	vst v63  }
0x378: {  	_ =	swait.ge [sflag:s15], $0x2000  }
0x379: {  	[sflag:s15] =	ssyncset.done $0x0  }
0x37a: {  	s20 =	simm.s32 $0x1700;
	[sflag:s15] =	ssyncadd.s32 $0xFFFFE000  }
0x37b: {  	[spmem:s3] =	stream.indirect.scatter.add.f32 [tilespmem:s2], [sflag:$0x8], $0x80, s20, s29, $0xb8;
	[tilespmem:$0x1DC00] =	vst v63  }
0x37c: {  	_ =	swait.ge [sflag:s26], $0x2000  }
0x37d: {  	[sflag:s26] =	ssyncset.done $0x0  }
0x37e: {  	s22 =	simm.s32 $0x500;
	[sflag:s26] =	ssyncadd.s32 $0xFFFFE000  }
0x37f: {  	[tilespmem:s2], [sflag:$0x3] =	stream.indirect.gather [hbm4b:s0+s29], $0x80, s22, s29, $0xb8;
	[tilespmem:$0x1DC00] =	vst v63  }
0x380: {  	_ =	swait.ge [sflag:s18], $0x2000  }
0x381: {  	[sflag:s18] =	ssyncset.done $0x0  }
0x382: {  	s23 =	simm.s32 $0x1780;
	[sflag:s18] =	ssyncadd.s32 $0xFFFFE000  }
0x383: {  	[spmem:s3] =	stream.indirect.scatter.add.f32 [tilespmem:s6], [sflag:$0x8], $0x80, s23, s29, $0xb8;
	[tilespmem:$0x1DC00] =	vst v63  }
0x384: {  	_ =	swait.ge [sflag:s26], $0x2000  }
0x385: {  	[sflag:s26] =	ssyncset.done $0x0  }
0x386: {  	s24 =	simm.s32 $0x540;
	[sflag:s26] =	ssyncadd.s32 $0xFFFFE000  }
0x387: {  	[tilespmem:s6], [sflag:$0x4] =	stream.indirect.gather [hbm4b:s0+s29], $0x80, s24, s29, $0xb8;
	[tilespmem:$0x1DC00] =	vst v63  }
0x388: {  	_ =	swait.ge [sflag:s8], $0x2000  }
0x389: {  	[sflag:s8] =	ssyncset.done $0x0  }
0x38a: {  	s10 =	simm.s32 $0x1800;
	[sflag:s8] =	ssyncadd.s32 $0xFFFFE000  }
0x38b: {  	[spmem:s3] =	stream.indirect.scatter.add.f32 [tilespmem:s25], [sflag:$0x8], $0x80, s10, s29, $0xb8;
	[tilespmem:$0x1DC00] =	vst v63  }
0x38c: {  	_ =	swait.ge [sflag:s26], $0x2000  }
0x38d: {  	[sflag:s26] =	ssyncset.done $0x0  }
0x38e: {  	s13 =	simm.s32 $0x600;
	[sflag:s26] =	ssyncadd.s32 $0xFFFFE000  }
0x38f: {  	[tilespmem:s25], [sflag:$0x1] =	stream.indirect.gather [hbm4b:s0+s29], $0x80, s13, s29, $0xb8;
	[tilespmem:$0x1DC00] =	vst v63  }
0x390: {  	_ =	swait.ge [sflag:s11], $0x2000  }
0x391: {  	[sflag:s11] =	ssyncset.done $0x0  }
0x392: {  	s14 =	simm.s32 $0x1880;
	[sflag:s11] =	ssyncadd.s32 $0xFFFFE000  }
0x393: {  	[spmem:s3] =	stream.indirect.scatter.add.f32 [tilespmem:s30], [sflag:$0x8], $0x80, s14, s29, $0xb8;
	[tilespmem:$0x1DC00] =	vst v63  }
0x394: {  	_ =	swait.ge [sflag:s26], $0x2000  }
0x395: {  	[sflag:s26] =	ssyncset.done $0x0  }
0x396: {  	s20 =	simm.s32 $0x640;
	[sflag:s26] =	ssyncadd.s32 $0xFFFFE000  }
0x397: {  	[tilespmem:s30], [sflag:$0x2] =	stream.indirect.gather [hbm4b:s0+s29], $0x80, s20, s29, $0xb8;
	[tilespmem:$0x1DC00] =	vst v63  }
0x398: {  	_ =	swait.ge [sflag:s15], $0x2000  }
0x399: {  	[sflag:s15] =	ssyncset.done $0x0  }
0x39a: {  	s22 =	simm.s32 $0x1900;
	[sflag:s15] =	ssyncadd.s32 $0xFFFFE000  }
0x39b: {  	[spmem:s3] =	stream.indirect.scatter.add.f32 [tilespmem:s2], [sflag:$0x8], $0x80, s22, s29, $0xb8;
	[tilespmem:$0x1DC00] =	vst v63  }
0x39c: {  	_ =	swait.ge [sflag:s26], $0x2000  }
0x39d: {  	[sflag:s26] =	ssyncset.done $0x0  }
0x39e: {  	s23 =	simm.s32 $0x700;
	[sflag:s26] =	ssyncadd.s32 $0xFFFFE000  }
0x39f: {  	[tilespmem:s2], [sflag:$0x3] =	stream.indirect.gather [hbm4b:s0+s29], $0x80, s23, s29, $0xb8;
	[tilespmem:$0x1DC00] =	vst v63  }
0x3a0: {  	_ =	swait.ge [sflag:s18], $0x2000  }
0x3a1: {  	[sflag:s18] =	ssyncset.done $0x0  }
0x3a2: {  	s24 =	simm.s32 $0x1980;
	[sflag:s18] =	ssyncadd.s32 $0xFFFFE000  }
0x3a3: {  	[spmem:s3] =	stream.indirect.scatter.add.f32 [tilespmem:s6], [sflag:$0x8], $0x80, s24, s29, $0xb8;
	[tilespmem:$0x1DC00] =	vst v63  }
0x3a4: {  	_ =	swait.ge [sflag:s26], $0x2000  }
0x3a5: {  	[sflag:s26] =	ssyncset.done $0x0  }
0x3a6: {  	s10 =	simm.s32 $0x740;
	[sflag:s26] =	ssyncadd.s32 $0xFFFFE000  }
0x3a7: {  	[tilespmem:s6], [sflag:$0x4] =	stream.indirect.gather [hbm4b:s0+s29], $0x80, s10, s29, $0xb8;
	[tilespmem:$0x1DC00] =	vst v63  }
0x3a8: {  	_ =	swait.ge [sflag:s8], $0x2000  }
0x3a9: {  	[sflag:s8] =	ssyncset.done $0x0  }
0x3aa: {  	s13 =	simm.s32 $0x1A00;
	[sflag:s8] =	ssyncadd.s32 $0xFFFFE000  }
0x3ab: {  	[spmem:s3] =	stream.indirect.scatter.add.f32 [tilespmem:s25], [sflag:$0x8], $0x80, s13, s29, $0xb8;
	[tilespmem:$0x1DC00] =	vst v63  }
0x3ac: {  	_ =	swait.ge [sflag:s26], $0x2000  }
0x3ad: {  	[sflag:s26] =	ssyncset.done $0x0  }
0x3ae: {  	s14 =	simm.s32 $0x800;
	[sflag:s26] =	ssyncadd.s32 $0xFFFFE000  }
0x3af: {  	[tilespmem:s25], [sflag:$0x1] =	stream.indirect.gather [hbm4b:s0+s29], $0x80, s14, s29, $0xb8;
	[tilespmem:$0x1DC00] =	vst v63  }
0x3b0: {  	_ =	swait.ge [sflag:s11], $0x2000  }
0x3b1: {  	[sflag:s11] =	ssyncset.done $0x0  }
0x3b2: {  	[sflag:s11] =	ssyncadd.s32 $0xFFFFE000  }
0x3b3: {  	[spmem:s3] =	stream.indirect.scatter.add.f32 [tilespmem:s30], [sflag:$0x8], $0x80, s17, s29, $0xb8;
	[tilespmem:$0x1DC00] =	vst v63  }
0x3b4: {  	_ =	swait.ge [sflag:s26], $0x2000  }
0x3b5: {  	[sflag:s26] =	ssyncset.done $0x0  }
0x3b6: {  	s20 =	simm.s32 $0x840;
	[sflag:s26] =	ssyncadd.s32 $0xFFFFE000  }
0x3b7: {  	[tilespmem:s30], [sflag:$0x2] =	stream.indirect.gather [hbm4b:s0+s29], $0x80, s20, s29, $0xb8;
	[tilespmem:$0x1DC00] =	vst v63  }
0x3b8: {  	_ =	swait.ge [sflag:s15], $0x2000  }
0x3b9: {  	[sflag:s15] =	ssyncset.done $0x0  }
0x3ba: {  	[sflag:s15] =	ssyncadd.s32 $0xFFFFE000  }
0x3bb: {  	[spmem:s3] =	stream.indirect.scatter.add.f32 [tilespmem:s2], [sflag:$0x8], $0x80, s31, s29, $0xb8;
	[tilespmem:$0x1DC00] =	vst v63  }
0x3bc: {  	_ =	swait.ge [sflag:s26], $0x2000  }
0x3bd: {  	[sflag:s26] =	ssyncset.done $0x0  }
0x3be: {  	s22 =	simm.s32 $0x900;
	[sflag:s26] =	ssyncadd.s32 $0xFFFFE000  }
0x3bf: {  	[tilespmem:s2], [sflag:$0x3] =	stream.indirect.gather [hbm4b:s0+s29], $0x80, s22, s29, $0xb8;
	[tilespmem:$0x1DC00] =	vst v63  }
0x3c0: {  	_ =	swait.ge [sflag:s18], $0x2000  }
0x3c1: {  	[sflag:s18] =	ssyncset.done $0x0  }
0x3c2: {  	[sflag:s18] =	ssyncadd.s32 $0xFFFFE000  }
0x3c3: {  	[spmem:s3] =	stream.indirect.scatter.add.f32 [tilespmem:s6], [sflag:$0x8], $0x80, s5, s29, $0xb8;
	[tilespmem:$0x1DC00] =	vst v63  }
0x3c4: {  	_ =	swait.ge [sflag:s26], $0x2000  }
0x3c5: {  	[sflag:s26] =	ssyncset.done $0x0  }
0x3c6: {  	s23 =	simm.s32 $0x940;
	[sflag:s26] =	ssyncadd.s32 $0xFFFFE000  }
0x3c7: {  	[tilespmem:s6], [sflag:$0x4] =	stream.indirect.gather [hbm4b:s0+s29], $0x80, s23, s29, $0xb8;
	[tilespmem:$0x1DC00] =	vst v63  }
0x3c8: {  	_ =	swait.ge [sflag:s8], $0x2000  }
0x3c9: {  	[sflag:s8] =	ssyncset.done $0x0  }
0x3ca: {  	[sflag:s8] =	ssyncadd.s32 $0xFFFFE000  }
0x3cb: {  	[spmem:s3] =	stream.indirect.scatter.add.f32 [tilespmem:s25], [sflag:$0x8], $0x80, s28, s29, $0xb8;
	[tilespmem:$0x1DC00] =	vst v63  }
0x3cc: {  	_ =	swait.ge [sflag:s26], $0x2000  }
0x3cd: {  	[sflag:s26] =	ssyncset.done $0x0  }
0x3ce: {  	[sflag:s26] =	ssyncadd.s32 $0xFFFFE000  }
0x3cf: {  	_ =	swait.ge [sflag:s11], $0x2000  }
0x3d0: {  	[sflag:s11] =	ssyncset.done $0x0  }
0x3d1: {  	[sflag:s11] =	ssyncadd.s32 $0xFFFFE000  }
0x3d2: {  	[spmem:s3] =	stream.indirect.scatter.add.f32 [tilespmem:s30], [sflag:$0x8], $0x80, s9, s29, $0xb8;
	[tilespmem:$0x1DC00] =	vst v63  }
0x3d3: {  	_ =	swait.ge [sflag:s26], $0x2000  }
0x3d4: {  	[sflag:s26] =	ssyncset.done $0x0  }
0x3d5: {  	[sflag:s26] =	ssyncadd.s32 $0xFFFFE000  }
0x3d6: {  	_ =	swait.ge [sflag:s15], $0x2000  }
0x3d7: {  	[sflag:s15] =	ssyncset.done $0x0  }
0x3d8: {  	[sflag:s15] =	ssyncadd.s32 $0xFFFFE000  }
0x3d9: {  	[spmem:s3] =	stream.indirect.scatter.add.f32 [tilespmem:s2], [sflag:$0x8], $0x80, s12, s29, $0xb8;
	[tilespmem:$0x1DC00] =	vst v63  }
0x3da: {  	_ =	swait.ge [sflag:s26], $0x2000  }
0x3db: {  	[sflag:s26] =	ssyncset.done $0x0  }
0x3dc: {  	[sflag:s26] =	ssyncadd.s32 $0xFFFFE000  }
0x3dd: {  	_ =	swait.ge [sflag:s18], $0x2000  }
0x3de: {  	[sflag:s18] =	ssyncset.done $0x0  }
0x3df: {  	[sflag:s18] =	ssyncadd.s32 $0xFFFFE000  }
0x3e0: {  	[spmem:s3] =	stream.indirect.scatter.add.f32 [tilespmem:s6], [sflag:$0x8], $0x80, s16, s29, $0xb8;
	[tilespmem:$0x1DC00] =	vst v63  }
0x3e1: {  	_ =	swait.ge [sflag:s26], $0x2000  }
0x3e2: {  	[sflag:s26] =	ssyncset.done $0x0  }
0x3e3: {  	s10 =	simm.s32 $0x0;
	s24 =	rddreg [dreg:$0x15];
	[sflag:s26] =	ssyncadd.s32 $0xFFFFE000  }
0x3e4: {  	[tilespmem:s10], [sflag:$0x6] =	stream.linear.gather [hbm4b:s24+s10], $0xA00, $0x38;
	[tilespmem:$0x1DC00] =	vst v63  }
0x3e5: {  	_ =	swait.ge [sflag:s19], $0xA00  }
0x3e6: {  	[sflag:s19] =	ssyncset.done $0x0  }
0x3e7: {  	s13 =	simm.s32 $0xA00;
	[sflag:s19] =	ssyncadd.s32 $0xFFFFF600  }
0x3e8: {  	[tilespmem:s25], [sflag:$0x1] =	stream.indirect.gather [hbm4b:s0+s29], $0x80, s13, s29, $0xb8;
	[tilespmem:$0x1DC00] =	vst v63  }
0x3e9: {  	s14 =	simm.s32 $0xA40  }
0x3ea: {  	[tilespmem:s30], [sflag:$0x2] =	stream.indirect.gather [hbm4b:s0+s29], $0x80, s14, s29, $0xb8;
	[tilespmem:$0x1DC00] =	vst v63  }
0x3eb: {  	s20 =	simm.s32 $0xB00;
	s23 =	sand.u32 $0x70, s10;
	s24 =	sand.u32 $0xF00, s10  }
0x3ec: {  	[tilespmem:s2], [sflag:$0x3] =	stream.indirect.gather [hbm4b:s0+s29], $0x80, s20, s29, $0xb8;
	[tilespmem:$0x1DC00] =	vst v63  }
0x3ed: {  	s22 =	simm.s32 $0xB40;
	s13 =	sor.u32 s23, s24  }
0x3ee: {  	[tilespmem:s6], [sflag:$0x4] =	stream.indirect.gather [hbm4b:s0+s29], $0x80, s22, s29, $0xb8;
	[tilespmem:$0x1DC00] =	vst v63  }
0x3ef: {  	s1 =	simm.s32 $0x20;
	s23 =	simm.s32 $0x10;
	v1 =	vld [tilespmem:s13+$0xA80]  }
0x3f0: {  	s14 =	simm.s32 $0x80;
	s20 =	sand.u32 $0x3E00, s10;
	s13 =	sand.u32 $0x30, s10  }
.LBB2_14:
0x3f1: {  	s10 =	sand.u32 $0x70, s23;
	s22 =	sand.u32 $0xF00, s1  }
0x3f2: {  	s20 =	sshrl.u32 s20, $0x2;
	s24 =	smov.u32 s14;
	p0 =	sne.s32 s14, $0x2780  }
.Ltmp6:
0x3f3: {  	s14 =	sadd.s32 $0x80, s14;
	s13 =	sor.u32 s13, s20;
	(pc) =	sbr.rel @p0 .LBB2_14-.Ltmp6, $4  }
0x3f4: {  	s10 =	sor.u32 s10, s22;
	[tilespmem:s13+$0x1400] =	vst v1  }
0x3f5: {  	v1 =	vld [tilespmem:s10+$0xA80]  }
0x3f6: {  	s1 =	sadd.s32 $0x20, s1  }
0x3f7: {  	s20 =	sand.u32 $0x3E00, s24;
	s13 =	sand.u32 $0x30, s23;
	s23 =	sadd.s32 $0x10, s23  }
0x3f8: {  	s1 =	sshrl.u32 s20, $0x2  }
0x3f9: {  	s1 =	sor.u32 s13, s1  }
0x3fa: {  	[tilespmem:s1+$0x1400] =	vst v1  }
0x3fb: {  	_ =	swait.ge [sflag:s8], $0x2000  }
0x3fc: {  	[sflag:s8] =	ssyncset.done $0x0  }
0x3fd: {  	s10 =	simm.s32 $0x1400;
	[sflag:s8] =	ssyncadd.s32 $0xFFFFE000  }
0x3fe: {  	[spmem:s3] =	stream.indirect.scatter.add.f32 [tilespmem:s25], [sflag:$0x8], $0x80, s10, s29, $0xb8;
	[tilespmem:$0x1DC00] =	vst v63  }
0x3ff: {  	_ =	swait.ge [sflag:s26], $0x2000  }
0x400: {  	[sflag:s26] =	ssyncset.done $0x0  }
0x401: {  	s13 =	simm.s32 $0xC00;
	[sflag:s26] =	ssyncadd.s32 $0xFFFFE000  }
0x402: {  	[tilespmem:s25], [sflag:$0x1] =	stream.indirect.gather [hbm4b:s0+s29], $0x80, s13, s29, $0xb8;
	[tilespmem:$0x1DC00] =	vst v63  }
0x403: {  	_ =	swait.ge [sflag:s11], $0x2000  }
0x404: {  	[sflag:s11] =	ssyncset.done $0x0  }
0x405: {  	s14 =	simm.s32 $0x1480;
	[sflag:s11] =	ssyncadd.s32 $0xFFFFE000  }
0x406: {  	[spmem:s3] =	stream.indirect.scatter.add.f32 [tilespmem:s30], [sflag:$0x8], $0x80, s14, s29, $0xb8;
	[tilespmem:$0x1DC00] =	vst v63  }
0x407: {  	_ =	swait.ge [sflag:s26], $0x2000  }
0x408: {  	[sflag:s26] =	ssyncset.done $0x0  }
0x409: {  	s20 =	simm.s32 $0xC40;
	[sflag:s26] =	ssyncadd.s32 $0xFFFFE000  }
0x40a: {  	[tilespmem:s30], [sflag:$0x2] =	stream.indirect.gather [hbm4b:s0+s29], $0x80, s20, s29, $0xb8;
	[tilespmem:$0x1DC00] =	vst v63  }
0x40b: {  	_ =	swait.ge [sflag:s15], $0x2000  }
0x40c: {  	[sflag:s15] =	ssyncset.done $0x0  }
0x40d: {  	s22 =	simm.s32 $0x1500;
	[sflag:s15] =	ssyncadd.s32 $0xFFFFE000  }
0x40e: {  	[spmem:s3] =	stream.indirect.scatter.add.f32 [tilespmem:s2], [sflag:$0x8], $0x80, s22, s29, $0xb8;
	[tilespmem:$0x1DC00] =	vst v63  }
0x40f: {  	_ =	swait.ge [sflag:s26], $0x2000  }
0x410: {  	[sflag:s26] =	ssyncset.done $0x0  }
0x411: {  	s23 =	simm.s32 $0xD00;
	[sflag:s26] =	ssyncadd.s32 $0xFFFFE000  }
0x412: {  	[tilespmem:s2], [sflag:$0x3] =	stream.indirect.gather [hbm4b:s0+s29], $0x80, s23, s29, $0xb8;
	[tilespmem:$0x1DC00] =	vst v63  }
0x413: {  	_ =	swait.ge [sflag:s18], $0x2000  }
0x414: {  	[sflag:s18] =	ssyncset.done $0x0  }
0x415: {  	s24 =	simm.s32 $0x1580;
	[sflag:s18] =	ssyncadd.s32 $0xFFFFE000  }
0x416: {  	[spmem:s3] =	stream.indirect.scatter.add.f32 [tilespmem:s6], [sflag:$0x8], $0x80, s24, s29, $0xb8;
	[tilespmem:$0x1DC00] =	vst v63  }
0x417: {  	_ =	swait.ge [sflag:s26], $0x2000  }
0x418: {  	[sflag:s26] =	ssyncset.done $0x0  }
0x419: {  	s10 =	simm.s32 $0xD40;
	[sflag:s26] =	ssyncadd.s32 $0xFFFFE000  }
0x41a: {  	[tilespmem:s6], [sflag:$0x4] =	stream.indirect.gather [hbm4b:s0+s29], $0x80, s10, s29, $0xb8;
	[tilespmem:$0x1DC00] =	vst v63  }
0x41b: {  	_ =	swait.ge [sflag:s8], $0x2000  }
0x41c: {  	[sflag:s8] =	ssyncset.done $0x0  }
0x41d: {  	s13 =	simm.s32 $0x1600;
	[sflag:s8] =	ssyncadd.s32 $0xFFFFE000  }
0x41e: {  	[spmem:s3] =	stream.indirect.scatter.add.f32 [tilespmem:s25], [sflag:$0x8], $0x80, s13, s29, $0xb8;
	[tilespmem:$0x1DC00] =	vst v63  }
0x41f: {  	_ =	swait.ge [sflag:s26], $0x2000  }
0x420: {  	[sflag:s26] =	ssyncset.done $0x0  }
0x421: {  	s14 =	simm.s32 $0xE00;
	[sflag:s26] =	ssyncadd.s32 $0xFFFFE000  }
0x422: {  	[tilespmem:s25], [sflag:$0x1] =	stream.indirect.gather [hbm4b:s0+s29], $0x80, s14, s29, $0xb8;
	[tilespmem:$0x1DC00] =	vst v63  }
0x423: {  	_ =	swait.ge [sflag:s11], $0x2000  }
0x424: {  	[sflag:s11] =	ssyncset.done $0x0  }
0x425: {  	s20 =	simm.s32 $0x1680;
	[sflag:s11] =	ssyncadd.s32 $0xFFFFE000  }
0x426: {  	[spmem:s3] =	stream.indirect.scatter.add.f32 [tilespmem:s30], [sflag:$0x8], $0x80, s20, s29, $0xb8;
	[tilespmem:$0x1DC00] =	vst v63  }
0x427: {  	_ =	swait.ge [sflag:s26], $0x2000  }
0x428: {  	[sflag:s26] =	ssyncset.done $0x0  }
0x429: {  	s22 =	simm.s32 $0xE40;
	[sflag:s26] =	ssyncadd.s32 $0xFFFFE000  }
0x42a: {  	[tilespmem:s30], [sflag:$0x2] =	stream.indirect.gather [hbm4b:s0+s29], $0x80, s22, s29, $0xb8;
	[tilespmem:$0x1DC00] =	vst v63  }
0x42b: {  	_ =	swait.ge [sflag:s15], $0x2000  }
0x42c: {  	[sflag:s15] =	ssyncset.done $0x0  }
0x42d: {  	s23 =	simm.s32 $0x1700;
	[sflag:s15] =	ssyncadd.s32 $0xFFFFE000  }
0x42e: {  	[spmem:s3] =	stream.indirect.scatter.add.f32 [tilespmem:s2], [sflag:$0x8], $0x80, s23, s29, $0xb8;
	[tilespmem:$0x1DC00] =	vst v63  }
0x42f: {  	_ =	swait.ge [sflag:s26], $0x2000  }
0x430: {  	[sflag:s26] =	ssyncset.done $0x0  }
0x431: {  	s24 =	simm.s32 $0xF00;
	[sflag:s26] =	ssyncadd.s32 $0xFFFFE000  }
0x432: {  	[tilespmem:s2], [sflag:$0x3] =	stream.indirect.gather [hbm4b:s0+s29], $0x80, s24, s29, $0xb8;
	[tilespmem:$0x1DC00] =	vst v63  }
0x433: {  	_ =	swait.ge [sflag:s18], $0x2000  }
0x434: {  	[sflag:s18] =	ssyncset.done $0x0  }
0x435: {  	s10 =	simm.s32 $0x1780;
	[sflag:s18] =	ssyncadd.s32 $0xFFFFE000  }
0x436: {  	[spmem:s3] =	stream.indirect.scatter.add.f32 [tilespmem:s6], [sflag:$0x8], $0x80, s10, s29, $0xb8;
	[tilespmem:$0x1DC00] =	vst v63  }
0x437: {  	_ =	swait.ge [sflag:s26], $0x2000  }
0x438: {  	[sflag:s26] =	ssyncset.done $0x0  }
0x439: {  	s13 =	simm.s32 $0xF40;
	[sflag:s26] =	ssyncadd.s32 $0xFFFFE000  }
0x43a: {  	[tilespmem:s6], [sflag:$0x4] =	stream.indirect.gather [hbm4b:s0+s29], $0x80, s13, s29, $0xb8;
	[tilespmem:$0x1DC00] =	vst v63  }
0x43b: {  	_ =	swait.ge [sflag:s8], $0x2000  }
0x43c: {  	[sflag:s8] =	ssyncset.done $0x0  }
0x43d: {  	s14 =	simm.s32 $0x1800;
	[sflag:s8] =	ssyncadd.s32 $0xFFFFE000  }
0x43e: {  	[spmem:s3] =	stream.indirect.scatter.add.f32 [tilespmem:s25], [sflag:$0x8], $0x80, s14, s29, $0xb8;
	[tilespmem:$0x1DC00] =	vst v63  }
0x43f: {  	_ =	swait.ge [sflag:s26], $0x2000  }
0x440: {  	[sflag:s26] =	ssyncset.done $0x0  }
0x441: {  	s20 =	simm.s32 $0x1000;
	[sflag:s26] =	ssyncadd.s32 $0xFFFFE000  }
0x442: {  	[tilespmem:s25], [sflag:$0x1] =	stream.indirect.gather [hbm4b:s0+s29], $0x80, s20, s29, $0xb8;
	[tilespmem:$0x1DC00] =	vst v63  }
0x443: {  	_ =	swait.ge [sflag:s11], $0x2000  }
0x444: {  	[sflag:s11] =	ssyncset.done $0x0  }
0x445: {  	s22 =	simm.s32 $0x1880;
	[sflag:s11] =	ssyncadd.s32 $0xFFFFE000  }
0x446: {  	[spmem:s3] =	stream.indirect.scatter.add.f32 [tilespmem:s30], [sflag:$0x8], $0x80, s22, s29, $0xb8;
	[tilespmem:$0x1DC00] =	vst v63  }
0x447: {  	_ =	swait.ge [sflag:s26], $0x2000  }
0x448: {  	[sflag:s26] =	ssyncset.done $0x0  }
0x449: {  	s23 =	simm.s32 $0x1040;
	[sflag:s26] =	ssyncadd.s32 $0xFFFFE000  }
0x44a: {  	[tilespmem:s30], [sflag:$0x2] =	stream.indirect.gather [hbm4b:s0+s29], $0x80, s23, s29, $0xb8;
	[tilespmem:$0x1DC00] =	vst v63  }
0x44b: {  	_ =	swait.ge [sflag:s15], $0x2000  }
0x44c: {  	[sflag:s15] =	ssyncset.done $0x0  }
0x44d: {  	s24 =	simm.s32 $0x1900;
	[sflag:s15] =	ssyncadd.s32 $0xFFFFE000  }
0x44e: {  	[spmem:s3] =	stream.indirect.scatter.add.f32 [tilespmem:s2], [sflag:$0x8], $0x80, s24, s29, $0xb8;
	[tilespmem:$0x1DC00] =	vst v63  }
0x44f: {  	_ =	swait.ge [sflag:s26], $0x2000  }
0x450: {  	[sflag:s26] =	ssyncset.done $0x0  }
0x451: {  	s10 =	simm.s32 $0x1100;
	[sflag:s26] =	ssyncadd.s32 $0xFFFFE000  }
0x452: {  	[tilespmem:s2], [sflag:$0x3] =	stream.indirect.gather [hbm4b:s0+s29], $0x80, s10, s29, $0xb8;
	[tilespmem:$0x1DC00] =	vst v63  }
0x453: {  	_ =	swait.ge [sflag:s18], $0x2000  }
0x454: {  	[sflag:s18] =	ssyncset.done $0x0  }
0x455: {  	s13 =	simm.s32 $0x1980;
	[sflag:s18] =	ssyncadd.s32 $0xFFFFE000  }
0x456: {  	[spmem:s3] =	stream.indirect.scatter.add.f32 [tilespmem:s6], [sflag:$0x8], $0x80, s13, s29, $0xb8;
	[tilespmem:$0x1DC00] =	vst v63  }
0x457: {  	_ =	swait.ge [sflag:s26], $0x2000  }
0x458: {  	[sflag:s26] =	ssyncset.done $0x0  }
0x459: {  	s14 =	simm.s32 $0x1140;
	[sflag:s26] =	ssyncadd.s32 $0xFFFFE000  }
0x45a: {  	[tilespmem:s6], [sflag:$0x4] =	stream.indirect.gather [hbm4b:s0+s29], $0x80, s14, s29, $0xb8;
	[tilespmem:$0x1DC00] =	vst v63  }
0x45b: {  	_ =	swait.ge [sflag:s8], $0x2000  }
0x45c: {  	[sflag:s8] =	ssyncset.done $0x0  }
0x45d: {  	s20 =	simm.s32 $0x1A00;
	[sflag:s8] =	ssyncadd.s32 $0xFFFFE000  }
0x45e: {  	[spmem:s3] =	stream.indirect.scatter.add.f32 [tilespmem:s25], [sflag:$0x8], $0x80, s20, s29, $0xb8;
	[tilespmem:$0x1DC00] =	vst v63  }
0x45f: {  	_ =	swait.ge [sflag:s26], $0x2000  }
0x460: {  	[sflag:s26] =	ssyncset.done $0x0  }
0x461: {  	s22 =	simm.s32 $0x1200;
	[sflag:s26] =	ssyncadd.s32 $0xFFFFE000  }
0x462: {  	[tilespmem:s25], [sflag:$0x1] =	stream.indirect.gather [hbm4b:s0+s29], $0x80, s22, s29, $0xb8;
	[tilespmem:$0x1DC00] =	vst v63  }
0x463: {  	_ =	swait.ge [sflag:s11], $0x2000  }
0x464: {  	[sflag:s11] =	ssyncset.done $0x0  }
0x465: {  	[sflag:s11] =	ssyncadd.s32 $0xFFFFE000  }
0x466: {  	[spmem:s3] =	stream.indirect.scatter.add.f32 [tilespmem:s30], [sflag:$0x8], $0x80, s17, s29, $0xb8;
	[tilespmem:$0x1DC00] =	vst v63  }
0x467: {  	_ =	swait.ge [sflag:s26], $0x2000  }
0x468: {  	[sflag:s26] =	ssyncset.done $0x0  }
0x469: {  	s23 =	simm.s32 $0x1240;
	[sflag:s26] =	ssyncadd.s32 $0xFFFFE000  }
0x46a: {  	[tilespmem:s30], [sflag:$0x2] =	stream.indirect.gather [hbm4b:s0+s29], $0x80, s23, s29, $0xb8;
	[tilespmem:$0x1DC00] =	vst v63  }
0x46b: {  	_ =	swait.ge [sflag:s15], $0x2000  }
0x46c: {  	[sflag:s15] =	ssyncset.done $0x0  }
0x46d: {  	[sflag:s15] =	ssyncadd.s32 $0xFFFFE000  }
0x46e: {  	[spmem:s3] =	stream.indirect.scatter.add.f32 [tilespmem:s2], [sflag:$0x8], $0x80, s31, s29, $0xb8;
	[tilespmem:$0x1DC00] =	vst v63  }
0x46f: {  	_ =	swait.ge [sflag:s26], $0x2000  }
0x470: {  	[sflag:s26] =	ssyncset.done $0x0  }
0x471: {  	s24 =	simm.s32 $0x1300;
	[sflag:s26] =	ssyncadd.s32 $0xFFFFE000  }
0x472: {  	[tilespmem:s2], [sflag:$0x3] =	stream.indirect.gather [hbm4b:s0+s29], $0x80, s24, s29, $0xb8;
	[tilespmem:$0x1DC00] =	vst v63  }
0x473: {  	_ =	swait.ge [sflag:s18], $0x2000  }
0x474: {  	[sflag:s18] =	ssyncset.done $0x0  }
0x475: {  	[sflag:s18] =	ssyncadd.s32 $0xFFFFE000  }
0x476: {  	[spmem:s3] =	stream.indirect.scatter.add.f32 [tilespmem:s6], [sflag:$0x8], $0x80, s5, s29, $0xb8;
	[tilespmem:$0x1DC00] =	vst v63  }
0x477: {  	_ =	swait.ge [sflag:s26], $0x2000  }
0x478: {  	[sflag:s26] =	ssyncset.done $0x0  }
0x479: {  	s10 =	simm.s32 $0x1340;
	[sflag:s26] =	ssyncadd.s32 $0xFFFFE000  }
0x47a: {  	[tilespmem:s6], [sflag:$0x4] =	stream.indirect.gather [hbm4b:s0+s29], $0x80, s10, s29, $0xb8;
	[tilespmem:$0x1DC00] =	vst v63  }
0x47b: {  	_ =	swait.ge [sflag:s8], $0x2000  }
0x47c: {  	[sflag:s8] =	ssyncset.done $0x0  }
0x47d: {  	[sflag:s8] =	ssyncadd.s32 $0xFFFFE000  }
0x47e: {  	[spmem:s3] =	stream.indirect.scatter.add.f32 [tilespmem:s25], [sflag:$0x8], $0x80, s28, s29, $0xb8;
	[tilespmem:$0x1DC00] =	vst v63  }
0x47f: {  	_ =	swait.ge [sflag:s26], $0x2000  }
0x480: {  	[sflag:s26] =	ssyncset.done $0x0  }
0x481: {  	[sflag:s26] =	ssyncadd.s32 $0xFFFFE000  }
0x482: {  	_ =	swait.ge [sflag:s11], $0x2000  }
0x483: {  	[sflag:s11] =	ssyncset.done $0x0  }
0x484: {  	[sflag:s11] =	ssyncadd.s32 $0xFFFFE000  }
0x485: {  	[spmem:s3] =	stream.indirect.scatter.add.f32 [tilespmem:s30], [sflag:$0x8], $0x80, s9, s29, $0xb8;
	[tilespmem:$0x1DC00] =	vst v63  }
0x486: {  	_ =	swait.ge [sflag:s26], $0x2000  }
0x487: {  	[sflag:s26] =	ssyncset.done $0x0  }
0x488: {  	[sflag:s26] =	ssyncadd.s32 $0xFFFFE000  }
0x489: {  	_ =	swait.ge [sflag:s15], $0x2000  }
0x48a: {  	[sflag:s15] =	ssyncset.done $0x0  }
0x48b: {  	[sflag:s15] =	ssyncadd.s32 $0xFFFFE000  }
0x48c: {  	[spmem:s3] =	stream.indirect.scatter.add.f32 [tilespmem:s2], [sflag:$0x8], $0x80, s12, s29, $0xb8;
	[tilespmem:$0x1DC00] =	vst v63  }
0x48d: {  	_ =	swait.ge [sflag:s26], $0x2000  }
0x48e: {  	[sflag:s26] =	ssyncset.done $0x0  }
0x48f: {  	[sflag:s26] =	ssyncadd.s32 $0xFFFFE000  }
0x490: {  	_ =	swait.ge [sflag:s18], $0x2000  }
0x491: {  	[sflag:s18] =	ssyncset.done $0x0  }
0x492: {  	[sflag:s18] =	ssyncadd.s32 $0xFFFFE000  }
0x493: {  	[spmem:s3] =	stream.indirect.scatter.add.f32 [tilespmem:s6], [sflag:$0x8], $0x80, s16, s29, $0xb8;
	[tilespmem:$0x1DC00] =	vst v63  }
0x494: {  	_ =	swait.ge [sflag:s26], $0x2000  }
0x495: {  	s14 =	simm.s32 $0xA00;
	[sflag:s26] =	ssyncset.done $0x0  }
0x496: {  	s10 =	simm.s32 $0x0;
	s13 =	rddreg [dreg:$0x16];
	[sflag:s26] =	ssyncadd.s32 $0xFFFFE000  }
0x497: {  	[tilespmem:s14], [sflag:$0x7] =	stream.linear.gather [hbm4b:s13+s10], $0xA00, $0x38;
	[tilespmem:$0x1DC00] =	vst v63  }
0x498: {  	_ =	swait.ge [sflag:s21], $0xA00  }
0x499: {  	[sflag:s21] =	ssyncset.done $0x0  }
0x49a: {  	[sflag:s21] =	ssyncadd.s32 $0xFFFFF600  }
0x49b: {  	[tilespmem:s25], [sflag:$0x1] =	stream.indirect.gather [hbm4b:s0+s29], $0x80, s10, s29, $0xb8;
	[tilespmem:$0x1DC00] =	vst v63  }
0x49c: {  	_ = 	snop  }
0x49d: {  	[tilespmem:s30], [sflag:$0x2] =	stream.indirect.gather [hbm4b:s0+s29], $0x80, s29, s29, $0xb8;
	[tilespmem:$0x1DC00] =	vst v63  }
0x49e: {  	s20 =	simm.s32 $0x100;
	s23 =	sand.u32 $0x70, s10;
	s24 =	sand.u32 $0xF00, s10  }
0x49f: {  	[tilespmem:s2], [sflag:$0x3] =	stream.indirect.gather [hbm4b:s0+s29], $0x80, s20, s29, $0xb8;
	[tilespmem:$0x1DC00] =	vst v63  }
0x4a0: {  	s22 =	simm.s32 $0x140;
	s13 =	sor.u32 s23, s24  }
0x4a1: {  	[tilespmem:s6], [sflag:$0x4] =	stream.indirect.gather [hbm4b:s0+s29], $0x80, s22, s29, $0xb8;
	[tilespmem:$0x1DC00] =	vst v63  }
0x4a2: {  	s1 =	simm.s32 $0x20;
	s14 =	simm.s32 $0x80;
	v1 =	vld [tilespmem:s13+$0x80]  }
0x4a3: {  	s23 =	simm.s32 $0x10;
	s20 =	sand.u32 $0x3E00, s10;
	s13 =	sand.u32 $0x30, s10  }
.LBB2_16:
0x4a4: {  	s10 =	sand.u32 $0x70, s23;
	s22 =	sand.u32 $0xF00, s1  }
0x4a5: {  	s20 =	sshrl.u32 s20, $0x2;
	s24 =	smov.u32 s14;
	p0 =	sne.s32 s14, $0x2780  }
.Ltmp7:
0x4a6: {  	s14 =	sadd.s32 $0x80, s14;
	s13 =	sor.u32 s13, s20;
	(pc) =	sbr.rel @p0 .LBB2_16-.Ltmp7, $4  }
0x4a7: {  	s10 =	sor.u32 s10, s22;
	[tilespmem:s13+$0x1400] =	vst v1  }
0x4a8: {  	v1 =	vld [tilespmem:s10+$0x80]  }
0x4a9: {  	s1 =	sadd.s32 $0x20, s1  }
0x4aa: {  	s20 =	sand.u32 $0x3E00, s24;
	s13 =	sand.u32 $0x30, s23;
	s23 =	sadd.s32 $0x10, s23  }
0x4ab: {  	s1 =	sshrl.u32 s20, $0x2  }
0x4ac: {  	s1 =	sor.u32 s13, s1  }
0x4ad: {  	[tilespmem:s1+$0x1400] =	vst v1  }
0x4ae: {  	_ =	swait.ge [sflag:s8], $0x2000  }
0x4af: {  	[sflag:s8] =	ssyncset.done $0x0  }
0x4b0: {  	s10 =	simm.s32 $0x1400;
	[sflag:s8] =	ssyncadd.s32 $0xFFFFE000  }
0x4b1: {  	[spmem:s3] =	stream.indirect.scatter.add.f32 [tilespmem:s25], [sflag:$0x8], $0x80, s10, s29, $0xb8;
	[tilespmem:$0x1DC00] =	vst v63  }
0x4b2: {  	_ =	swait.ge [sflag:s26], $0x2000  }
0x4b3: {  	[sflag:s26] =	ssyncset.done $0x0  }
0x4b4: {  	s13 =	simm.s32 $0x200;
	[sflag:s26] =	ssyncadd.s32 $0xFFFFE000  }
0x4b5: {  	[tilespmem:s25], [sflag:$0x1] =	stream.indirect.gather [hbm4b:s0+s29], $0x80, s13, s29, $0xb8;
	[tilespmem:$0x1DC00] =	vst v63  }
0x4b6: {  	_ =	swait.ge [sflag:s11], $0x2000  }
0x4b7: {  	[sflag:s11] =	ssyncset.done $0x0  }
0x4b8: {  	s14 =	simm.s32 $0x1480;
	[sflag:s11] =	ssyncadd.s32 $0xFFFFE000  }
0x4b9: {  	[spmem:s3] =	stream.indirect.scatter.add.f32 [tilespmem:s30], [sflag:$0x8], $0x80, s14, s29, $0xb8;
	[tilespmem:$0x1DC00] =	vst v63  }
0x4ba: {  	_ =	swait.ge [sflag:s26], $0x2000  }
0x4bb: {  	[sflag:s26] =	ssyncset.done $0x0  }
0x4bc: {  	s20 =	simm.s32 $0x240;
	[sflag:s26] =	ssyncadd.s32 $0xFFFFE000  }
0x4bd: {  	[tilespmem:s30], [sflag:$0x2] =	stream.indirect.gather [hbm4b:s0+s29], $0x80, s20, s29, $0xb8;
	[tilespmem:$0x1DC00] =	vst v63  }
0x4be: {  	_ =	swait.ge [sflag:s15], $0x2000  }
0x4bf: {  	[sflag:s15] =	ssyncset.done $0x0  }
0x4c0: {  	s22 =	simm.s32 $0x1500;
	[sflag:s15] =	ssyncadd.s32 $0xFFFFE000  }
0x4c1: {  	[spmem:s3] =	stream.indirect.scatter.add.f32 [tilespmem:s2], [sflag:$0x8], $0x80, s22, s29, $0xb8;
	[tilespmem:$0x1DC00] =	vst v63  }
0x4c2: {  	_ =	swait.ge [sflag:s26], $0x2000  }
0x4c3: {  	[sflag:s26] =	ssyncset.done $0x0  }
0x4c4: {  	s23 =	simm.s32 $0x300;
	[sflag:s26] =	ssyncadd.s32 $0xFFFFE000  }
0x4c5: {  	[tilespmem:s2], [sflag:$0x3] =	stream.indirect.gather [hbm4b:s0+s29], $0x80, s23, s29, $0xb8;
	[tilespmem:$0x1DC00] =	vst v63  }
0x4c6: {  	_ =	swait.ge [sflag:s18], $0x2000  }
0x4c7: {  	[sflag:s18] =	ssyncset.done $0x0  }
0x4c8: {  	s24 =	simm.s32 $0x1580;
	[sflag:s18] =	ssyncadd.s32 $0xFFFFE000  }
0x4c9: {  	[spmem:s3] =	stream.indirect.scatter.add.f32 [tilespmem:s6], [sflag:$0x8], $0x80, s24, s29, $0xb8;
	[tilespmem:$0x1DC00] =	vst v63  }
0x4ca: {  	_ =	swait.ge [sflag:s26], $0x2000  }
0x4cb: {  	[sflag:s26] =	ssyncset.done $0x0  }
0x4cc: {  	s10 =	simm.s32 $0x340;
	[sflag:s26] =	ssyncadd.s32 $0xFFFFE000  }
0x4cd: {  	[tilespmem:s6], [sflag:$0x4] =	stream.indirect.gather [hbm4b:s0+s29], $0x80, s10, s29, $0xb8;
	[tilespmem:$0x1DC00] =	vst v63  }
0x4ce: {  	_ =	swait.ge [sflag:s8], $0x2000  }
0x4cf: {  	[sflag:s8] =	ssyncset.done $0x0  }
0x4d0: {  	s13 =	simm.s32 $0x1600;
	[sflag:s8] =	ssyncadd.s32 $0xFFFFE000  }
0x4d1: {  	[spmem:s3] =	stream.indirect.scatter.add.f32 [tilespmem:s25], [sflag:$0x8], $0x80, s13, s29, $0xb8;
	[tilespmem:$0x1DC00] =	vst v63  }
0x4d2: {  	_ =	swait.ge [sflag:s26], $0x2000  }
0x4d3: {  	[sflag:s26] =	ssyncset.done $0x0  }
0x4d4: {  	s14 =	simm.s32 $0x400;
	[sflag:s26] =	ssyncadd.s32 $0xFFFFE000  }
0x4d5: {  	[tilespmem:s25], [sflag:$0x1] =	stream.indirect.gather [hbm4b:s0+s29], $0x80, s14, s29, $0xb8;
	[tilespmem:$0x1DC00] =	vst v63  }
0x4d6: {  	_ =	swait.ge [sflag:s11], $0x2000  }
0x4d7: {  	[sflag:s11] =	ssyncset.done $0x0  }
0x4d8: {  	s20 =	simm.s32 $0x1680;
	[sflag:s11] =	ssyncadd.s32 $0xFFFFE000  }
0x4d9: {  	[spmem:s3] =	stream.indirect.scatter.add.f32 [tilespmem:s30], [sflag:$0x8], $0x80, s20, s29, $0xb8;
	[tilespmem:$0x1DC00] =	vst v63  }
0x4da: {  	_ =	swait.ge [sflag:s26], $0x2000  }
0x4db: {  	[sflag:s26] =	ssyncset.done $0x0  }
0x4dc: {  	s22 =	simm.s32 $0x440;
	[sflag:s26] =	ssyncadd.s32 $0xFFFFE000  }
0x4dd: {  	[tilespmem:s30], [sflag:$0x2] =	stream.indirect.gather [hbm4b:s0+s29], $0x80, s22, s29, $0xb8;
	[tilespmem:$0x1DC00] =	vst v63  }
0x4de: {  	_ =	swait.ge [sflag:s15], $0x2000  }
0x4df: {  	[sflag:s15] =	ssyncset.done $0x0  }
0x4e0: {  	s23 =	simm.s32 $0x1700;
	[sflag:s15] =	ssyncadd.s32 $0xFFFFE000  }
0x4e1: {  	[spmem:s3] =	stream.indirect.scatter.add.f32 [tilespmem:s2], [sflag:$0x8], $0x80, s23, s29, $0xb8;
	[tilespmem:$0x1DC00] =	vst v63  }
0x4e2: {  	_ =	swait.ge [sflag:s26], $0x2000  }
0x4e3: {  	[sflag:s26] =	ssyncset.done $0x0  }
0x4e4: {  	s24 =	simm.s32 $0x500;
	[sflag:s26] =	ssyncadd.s32 $0xFFFFE000  }
0x4e5: {  	[tilespmem:s2], [sflag:$0x3] =	stream.indirect.gather [hbm4b:s0+s29], $0x80, s24, s29, $0xb8;
	[tilespmem:$0x1DC00] =	vst v63  }
0x4e6: {  	_ =	swait.ge [sflag:s18], $0x2000  }
0x4e7: {  	[sflag:s18] =	ssyncset.done $0x0  }
0x4e8: {  	s10 =	simm.s32 $0x1780;
	[sflag:s18] =	ssyncadd.s32 $0xFFFFE000  }
0x4e9: {  	[spmem:s3] =	stream.indirect.scatter.add.f32 [tilespmem:s6], [sflag:$0x8], $0x80, s10, s29, $0xb8;
	[tilespmem:$0x1DC00] =	vst v63  }
0x4ea: {  	_ =	swait.ge [sflag:s26], $0x2000  }
0x4eb: {  	[sflag:s26] =	ssyncset.done $0x0  }
0x4ec: {  	s13 =	simm.s32 $0x540;
	[sflag:s26] =	ssyncadd.s32 $0xFFFFE000  }
0x4ed: {  	[tilespmem:s6], [sflag:$0x4] =	stream.indirect.gather [hbm4b:s0+s29], $0x80, s13, s29, $0xb8;
	[tilespmem:$0x1DC00] =	vst v63  }
0x4ee: {  	_ =	swait.ge [sflag:s8], $0x2000  }
0x4ef: {  	[sflag:s8] =	ssyncset.done $0x0  }
0x4f0: {  	s14 =	simm.s32 $0x1800;
	[sflag:s8] =	ssyncadd.s32 $0xFFFFE000  }
0x4f1: {  	[spmem:s3] =	stream.indirect.scatter.add.f32 [tilespmem:s25], [sflag:$0x8], $0x80, s14, s29, $0xb8;
	[tilespmem:$0x1DC00] =	vst v63  }
0x4f2: {  	_ =	swait.ge [sflag:s26], $0x2000  }
0x4f3: {  	[sflag:s26] =	ssyncset.done $0x0  }
0x4f4: {  	s20 =	simm.s32 $0x600;
	[sflag:s26] =	ssyncadd.s32 $0xFFFFE000  }
0x4f5: {  	[tilespmem:s25], [sflag:$0x1] =	stream.indirect.gather [hbm4b:s0+s29], $0x80, s20, s29, $0xb8;
	[tilespmem:$0x1DC00] =	vst v63  }
0x4f6: {  	_ =	swait.ge [sflag:s11], $0x2000  }
0x4f7: {  	[sflag:s11] =	ssyncset.done $0x0  }
0x4f8: {  	s22 =	simm.s32 $0x1880;
	[sflag:s11] =	ssyncadd.s32 $0xFFFFE000  }
0x4f9: {  	[spmem:s3] =	stream.indirect.scatter.add.f32 [tilespmem:s30], [sflag:$0x8], $0x80, s22, s29, $0xb8;
	[tilespmem:$0x1DC00] =	vst v63  }
0x4fa: {  	_ =	swait.ge [sflag:s26], $0x2000  }
0x4fb: {  	[sflag:s26] =	ssyncset.done $0x0  }
0x4fc: {  	s23 =	simm.s32 $0x640;
	[sflag:s26] =	ssyncadd.s32 $0xFFFFE000  }
0x4fd: {  	[tilespmem:s30], [sflag:$0x2] =	stream.indirect.gather [hbm4b:s0+s29], $0x80, s23, s29, $0xb8;
	[tilespmem:$0x1DC00] =	vst v63  }
0x4fe: {  	_ =	swait.ge [sflag:s15], $0x2000  }
0x4ff: {  	[sflag:s15] =	ssyncset.done $0x0  }
0x500: {  	s24 =	simm.s32 $0x1900;
	[sflag:s15] =	ssyncadd.s32 $0xFFFFE000  }
0x501: {  	[spmem:s3] =	stream.indirect.scatter.add.f32 [tilespmem:s2], [sflag:$0x8], $0x80, s24, s29, $0xb8;
	[tilespmem:$0x1DC00] =	vst v63  }
0x502: {  	_ =	swait.ge [sflag:s26], $0x2000  }
0x503: {  	[sflag:s26] =	ssyncset.done $0x0  }
0x504: {  	s10 =	simm.s32 $0x700;
	[sflag:s26] =	ssyncadd.s32 $0xFFFFE000  }
0x505: {  	[tilespmem:s2], [sflag:$0x3] =	stream.indirect.gather [hbm4b:s0+s29], $0x80, s10, s29, $0xb8;
	[tilespmem:$0x1DC00] =	vst v63  }
0x506: {  	_ =	swait.ge [sflag:s18], $0x2000  }
0x507: {  	[sflag:s18] =	ssyncset.done $0x0  }
0x508: {  	s13 =	simm.s32 $0x1980;
	[sflag:s18] =	ssyncadd.s32 $0xFFFFE000  }
0x509: {  	[spmem:s3] =	stream.indirect.scatter.add.f32 [tilespmem:s6], [sflag:$0x8], $0x80, s13, s29, $0xb8;
	[tilespmem:$0x1DC00] =	vst v63  }
0x50a: {  	_ =	swait.ge [sflag:s26], $0x2000  }
0x50b: {  	[sflag:s26] =	ssyncset.done $0x0  }
0x50c: {  	s14 =	simm.s32 $0x740;
	[sflag:s26] =	ssyncadd.s32 $0xFFFFE000  }
0x50d: {  	[tilespmem:s6], [sflag:$0x4] =	stream.indirect.gather [hbm4b:s0+s29], $0x80, s14, s29, $0xb8;
	[tilespmem:$0x1DC00] =	vst v63  }
0x50e: {  	_ =	swait.ge [sflag:s8], $0x2000  }
0x50f: {  	[sflag:s8] =	ssyncset.done $0x0  }
0x510: {  	s20 =	simm.s32 $0x1A00;
	[sflag:s8] =	ssyncadd.s32 $0xFFFFE000  }
0x511: {  	[spmem:s3] =	stream.indirect.scatter.add.f32 [tilespmem:s25], [sflag:$0x8], $0x80, s20, s29, $0xb8;
	[tilespmem:$0x1DC00] =	vst v63  }
0x512: {  	_ =	swait.ge [sflag:s26], $0x2000  }
0x513: {  	[sflag:s26] =	ssyncset.done $0x0  }
0x514: {  	s22 =	simm.s32 $0x800;
	[sflag:s26] =	ssyncadd.s32 $0xFFFFE000  }
0x515: {  	[tilespmem:s25], [sflag:$0x1] =	stream.indirect.gather [hbm4b:s0+s29], $0x80, s22, s29, $0xb8;
	[tilespmem:$0x1DC00] =	vst v63  }
0x516: {  	_ =	swait.ge [sflag:s11], $0x2000  }
0x517: {  	[sflag:s11] =	ssyncset.done $0x0  }
0x518: {  	[sflag:s11] =	ssyncadd.s32 $0xFFFFE000  }
0x519: {  	[spmem:s3] =	stream.indirect.scatter.add.f32 [tilespmem:s30], [sflag:$0x8], $0x80, s17, s29, $0xb8;
	[tilespmem:$0x1DC00] =	vst v63  }
0x51a: {  	_ =	swait.ge [sflag:s26], $0x2000  }
0x51b: {  	[sflag:s26] =	ssyncset.done $0x0  }
0x51c: {  	s23 =	simm.s32 $0x840;
	[sflag:s26] =	ssyncadd.s32 $0xFFFFE000  }
0x51d: {  	[tilespmem:s30], [sflag:$0x2] =	stream.indirect.gather [hbm4b:s0+s29], $0x80, s23, s29, $0xb8;
	[tilespmem:$0x1DC00] =	vst v63  }
0x51e: {  	_ =	swait.ge [sflag:s15], $0x2000  }
0x51f: {  	[sflag:s15] =	ssyncset.done $0x0  }
0x520: {  	[sflag:s15] =	ssyncadd.s32 $0xFFFFE000  }
0x521: {  	[spmem:s3] =	stream.indirect.scatter.add.f32 [tilespmem:s2], [sflag:$0x8], $0x80, s31, s29, $0xb8;
	[tilespmem:$0x1DC00] =	vst v63  }
0x522: {  	_ =	swait.ge [sflag:s26], $0x2000  }
0x523: {  	[sflag:s26] =	ssyncset.done $0x0  }
0x524: {  	s24 =	simm.s32 $0x900;
	[sflag:s26] =	ssyncadd.s32 $0xFFFFE000  }
0x525: {  	[tilespmem:s2], [sflag:$0x3] =	stream.indirect.gather [hbm4b:s0+s29], $0x80, s24, s29, $0xb8;
	[tilespmem:$0x1DC00] =	vst v63  }
0x526: {  	_ =	swait.ge [sflag:s18], $0x2000  }
0x527: {  	[sflag:s18] =	ssyncset.done $0x0  }
0x528: {  	[sflag:s18] =	ssyncadd.s32 $0xFFFFE000  }
0x529: {  	[spmem:s3] =	stream.indirect.scatter.add.f32 [tilespmem:s6], [sflag:$0x8], $0x80, s5, s29, $0xb8;
	[tilespmem:$0x1DC00] =	vst v63  }
0x52a: {  	_ =	swait.ge [sflag:s26], $0x2000  }
0x52b: {  	[sflag:s26] =	ssyncset.done $0x0  }
0x52c: {  	s10 =	simm.s32 $0x940;
	[sflag:s26] =	ssyncadd.s32 $0xFFFFE000  }
0x52d: {  	[tilespmem:s6], [sflag:$0x4] =	stream.indirect.gather [hbm4b:s0+s29], $0x80, s10, s29, $0xb8;
	[tilespmem:$0x1DC00] =	vst v63  }
0x52e: {  	_ =	swait.ge [sflag:s8], $0x2000  }
0x52f: {  	[sflag:s8] =	ssyncset.done $0x0  }
0x530: {  	[sflag:s8] =	ssyncadd.s32 $0xFFFFE000  }
0x531: {  	[spmem:s3] =	stream.indirect.scatter.add.f32 [tilespmem:s25], [sflag:$0x8], $0x80, s28, s29, $0xb8;
	[tilespmem:$0x1DC00] =	vst v63  }
0x532: {  	_ =	swait.ge [sflag:s26], $0x2000  }
0x533: {  	[sflag:s26] =	ssyncset.done $0x0  }
0x534: {  	[sflag:s26] =	ssyncadd.s32 $0xFFFFE000  }
0x535: {  	_ =	swait.ge [sflag:s11], $0x2000  }
0x536: {  	[sflag:s11] =	ssyncset.done $0x0  }
0x537: {  	[sflag:s11] =	ssyncadd.s32 $0xFFFFE000  }
0x538: {  	[spmem:s3] =	stream.indirect.scatter.add.f32 [tilespmem:s30], [sflag:$0x8], $0x80, s9, s29, $0xb8;
	[tilespmem:$0x1DC00] =	vst v63  }
0x539: {  	_ =	swait.ge [sflag:s26], $0x2000  }
0x53a: {  	[sflag:s26] =	ssyncset.done $0x0  }
0x53b: {  	[sflag:s26] =	ssyncadd.s32 $0xFFFFE000  }
0x53c: {  	_ =	swait.ge [sflag:s15], $0x2000  }
0x53d: {  	[sflag:s15] =	ssyncset.done $0x0  }
0x53e: {  	[sflag:s15] =	ssyncadd.s32 $0xFFFFE000  }
0x53f: {  	[spmem:s3] =	stream.indirect.scatter.add.f32 [tilespmem:s2], [sflag:$0x8], $0x80, s12, s29, $0xb8;
	[tilespmem:$0x1DC00] =	vst v63  }
0x540: {  	_ =	swait.ge [sflag:s26], $0x2000  }
0x541: {  	[sflag:s26] =	ssyncset.done $0x0  }
0x542: {  	[sflag:s26] =	ssyncadd.s32 $0xFFFFE000  }
0x543: {  	_ =	swait.ge [sflag:s18], $0x2000  }
0x544: {  	[sflag:s18] =	ssyncset.done $0x0  }
0x545: {  	[sflag:s18] =	ssyncadd.s32 $0xFFFFE000  }
0x546: {  	[spmem:s3] =	stream.indirect.scatter.add.f32 [tilespmem:s6], [sflag:$0x8], $0x80, s16, s29, $0xb8;
	[tilespmem:$0x1DC00] =	vst v63  }
0x547: {  	_ =	swait.ge [sflag:s26], $0x2000  }
0x548: {  	[sflag:s26] =	ssyncset.done $0x0  }
0x549: {  	[sflag:s26] =	ssyncadd.s32 $0xFFFFE000  }
0x54a: {  	_ =	swait.ge [sflag:s19], $0xA00  }
0x54b: {  	[sflag:s19] =	ssyncset.done $0x0  }
0x54c: {  	s13 =	simm.s32 $0xA00;
	[sflag:s19] =	ssyncadd.s32 $0xFFFFF600  }
0x54d: {  	[tilespmem:s25], [sflag:$0x1] =	stream.indirect.gather [hbm4b:s0+s29], $0x80, s13, s29, $0xb8;
	[tilespmem:$0x1DC00] =	vst v63  }
0x54e: {  	s14 =	simm.s32 $0xA40;
	s10 =	simm.s32 $0x0  }
0x54f: {  	[tilespmem:s30], [sflag:$0x2] =	stream.indirect.gather [hbm4b:s0+s29], $0x80, s14, s29, $0xb8;
	[tilespmem:$0x1DC00] =	vst v63  }
0x550: {  	s20 =	simm.s32 $0xB00;
	s23 =	sand.u32 $0x70, s10;
	s24 =	sand.u32 $0xF00, s10  }
0x551: {  	[tilespmem:s2], [sflag:$0x3] =	stream.indirect.gather [hbm4b:s0+s29], $0x80, s20, s29, $0xb8;
	[tilespmem:$0x1DC00] =	vst v63  }
0x552: {  	s22 =	simm.s32 $0xB40;
	s13 =	sor.u32 s23, s24  }
0x553: {  	[tilespmem:s6], [sflag:$0x4] =	stream.indirect.gather [hbm4b:s0+s29], $0x80, s22, s29, $0xb8;
	[tilespmem:$0x1DC00] =	vst v63  }
0x554: {  	s1 =	simm.s32 $0x20;
	s23 =	simm.s32 $0x10;
	v1 =	vld [tilespmem:s13+$0xA80]  }
0x555: {  	s14 =	simm.s32 $0x80;
	s20 =	sand.u32 $0x3E00, s10;
	s13 =	sand.u32 $0x30, s10  }
.LBB2_18:
0x556: {  	s10 =	sand.u32 $0x70, s23;
	s22 =	sand.u32 $0xF00, s1  }
0x557: {  	s20 =	sshrl.u32 s20, $0x2;
	s24 =	smov.u32 s14;
	p0 =	sne.s32 s14, $0x2780  }
.Ltmp8:
0x558: {  	s14 =	sadd.s32 $0x80, s14;
	s13 =	sor.u32 s13, s20;
	(pc) =	sbr.rel @p0 .LBB2_18-.Ltmp8, $4  }
0x559: {  	s10 =	sor.u32 s10, s22;
	[tilespmem:s13+$0x1400] =	vst v1  }
0x55a: {  	v1 =	vld [tilespmem:s10+$0xA80]  }
0x55b: {  	s1 =	sadd.s32 $0x20, s1  }
0x55c: {  	s20 =	sand.u32 $0x3E00, s24;
	s13 =	sand.u32 $0x30, s23;
	s23 =	sadd.s32 $0x10, s23  }
0x55d: {  	s1 =	sshrl.u32 s20, $0x2  }
0x55e: {  	s1 =	sor.u32 s13, s1  }
0x55f: {  	[tilespmem:s1+$0x1400] =	vst v1  }
0x560: {  	_ =	swait.ge [sflag:s8], $0x2000  }
0x561: {  	[sflag:s8] =	ssyncset.done $0x0  }
0x562: {  	s22 =	simm.s32 $0x1400;
	[sflag:s8] =	ssyncadd.s32 $0xFFFFE000  }
0x563: {  	[spmem:s3] =	stream.indirect.scatter.add.f32 [tilespmem:s25], [sflag:$0x8], $0x80, s22, s29, $0xb8;
	[tilespmem:$0x1DC00] =	vst v63  }
0x564: {  	_ =	swait.ge [sflag:s26], $0x2000  }
0x565: {  	[sflag:s26] =	ssyncset.done $0x0  }
0x566: {  	s23 =	simm.s32 $0xC00;
	[sflag:s26] =	ssyncadd.s32 $0xFFFFE000  }
0x567: {  	[tilespmem:s25], [sflag:$0x1] =	stream.indirect.gather [hbm4b:s0+s29], $0x80, s23, s29, $0xb8;
	[tilespmem:$0x1DC00] =	vst v63  }
0x568: {  	_ =	swait.ge [sflag:s11], $0x2000  }
0x569: {  	[sflag:s11] =	ssyncset.done $0x0  }
0x56a: {  	s24 =	simm.s32 $0x1480;
	[sflag:s11] =	ssyncadd.s32 $0xFFFFE000  }
0x56b: {  	[spmem:s3] =	stream.indirect.scatter.add.f32 [tilespmem:s30], [sflag:$0x8], $0x80, s24, s29, $0xb8;
	[tilespmem:$0x1DC00] =	vst v63  }
0x56c: {  	_ =	swait.ge [sflag:s26], $0x2000  }
0x56d: {  	[sflag:s26] =	ssyncset.done $0x0  }
0x56e: {  	s10 =	simm.s32 $0xC40;
	[sflag:s26] =	ssyncadd.s32 $0xFFFFE000  }
0x56f: {  	[tilespmem:s30], [sflag:$0x2] =	stream.indirect.gather [hbm4b:s0+s29], $0x80, s10, s29, $0xb8;
	[tilespmem:$0x1DC00] =	vst v63  }
0x570: {  	_ =	swait.ge [sflag:s15], $0x2000  }
0x571: {  	[sflag:s15] =	ssyncset.done $0x0  }
0x572: {  	s13 =	simm.s32 $0x1500;
	[sflag:s15] =	ssyncadd.s32 $0xFFFFE000  }
0x573: {  	[spmem:s3] =	stream.indirect.scatter.add.f32 [tilespmem:s2], [sflag:$0x8], $0x80, s13, s29, $0xb8;
	[tilespmem:$0x1DC00] =	vst v63  }
0x574: {  	_ =	swait.ge [sflag:s26], $0x2000  }
0x575: {  	[sflag:s26] =	ssyncset.done $0x0  }
0x576: {  	s14 =	simm.s32 $0xD00;
	[sflag:s26] =	ssyncadd.s32 $0xFFFFE000  }
0x577: {  	[tilespmem:s2], [sflag:$0x3] =	stream.indirect.gather [hbm4b:s0+s29], $0x80, s14, s29, $0xb8;
	[tilespmem:$0x1DC00] =	vst v63  }
0x578: {  	_ =	swait.ge [sflag:s18], $0x2000  }
0x579: {  	[sflag:s18] =	ssyncset.done $0x0  }
0x57a: {  	s20 =	simm.s32 $0x1580;
	[sflag:s18] =	ssyncadd.s32 $0xFFFFE000  }
0x57b: {  	[spmem:s3] =	stream.indirect.scatter.add.f32 [tilespmem:s6], [sflag:$0x8], $0x80, s20, s29, $0xb8;
	[tilespmem:$0x1DC00] =	vst v63  }
0x57c: {  	_ =	swait.ge [sflag:s26], $0x2000  }
0x57d: {  	[sflag:s26] =	ssyncset.done $0x0  }
0x57e: {  	s22 =	simm.s32 $0xD40;
	[sflag:s26] =	ssyncadd.s32 $0xFFFFE000  }
0x57f: {  	[tilespmem:s6], [sflag:$0x4] =	stream.indirect.gather [hbm4b:s0+s29], $0x80, s22, s29, $0xb8;
	[tilespmem:$0x1DC00] =	vst v63  }
0x580: {  	_ =	swait.ge [sflag:s8], $0x2000  }
0x581: {  	[sflag:s8] =	ssyncset.done $0x0  }
0x582: {  	s23 =	simm.s32 $0x1600;
	[sflag:s8] =	ssyncadd.s32 $0xFFFFE000  }
0x583: {  	[spmem:s3] =	stream.indirect.scatter.add.f32 [tilespmem:s25], [sflag:$0x8], $0x80, s23, s29, $0xb8;
	[tilespmem:$0x1DC00] =	vst v63  }
0x584: {  	_ =	swait.ge [sflag:s26], $0x2000  }
0x585: {  	[sflag:s26] =	ssyncset.done $0x0  }
0x586: {  	s24 =	simm.s32 $0xE00;
	[sflag:s26] =	ssyncadd.s32 $0xFFFFE000  }
0x587: {  	[tilespmem:s25], [sflag:$0x1] =	stream.indirect.gather [hbm4b:s0+s29], $0x80, s24, s29, $0xb8;
	[tilespmem:$0x1DC00] =	vst v63  }
0x588: {  	_ =	swait.ge [sflag:s11], $0x2000  }
0x589: {  	[sflag:s11] =	ssyncset.done $0x0  }
0x58a: {  	s10 =	simm.s32 $0x1680;
	[sflag:s11] =	ssyncadd.s32 $0xFFFFE000  }
0x58b: {  	[spmem:s3] =	stream.indirect.scatter.add.f32 [tilespmem:s30], [sflag:$0x8], $0x80, s10, s29, $0xb8;
	[tilespmem:$0x1DC00] =	vst v63  }
0x58c: {  	_ =	swait.ge [sflag:s26], $0x2000  }
0x58d: {  	[sflag:s26] =	ssyncset.done $0x0  }
0x58e: {  	s13 =	simm.s32 $0xE40;
	[sflag:s26] =	ssyncadd.s32 $0xFFFFE000  }
0x58f: {  	[tilespmem:s30], [sflag:$0x2] =	stream.indirect.gather [hbm4b:s0+s29], $0x80, s13, s29, $0xb8;
	[tilespmem:$0x1DC00] =	vst v63  }
0x590: {  	_ =	swait.ge [sflag:s15], $0x2000  }
0x591: {  	[sflag:s15] =	ssyncset.done $0x0  }
0x592: {  	s14 =	simm.s32 $0x1700;
	[sflag:s15] =	ssyncadd.s32 $0xFFFFE000  }
0x593: {  	[spmem:s3] =	stream.indirect.scatter.add.f32 [tilespmem:s2], [sflag:$0x8], $0x80, s14, s29, $0xb8;
	[tilespmem:$0x1DC00] =	vst v63  }
0x594: {  	_ =	swait.ge [sflag:s26], $0x2000  }
0x595: {  	[sflag:s26] =	ssyncset.done $0x0  }
0x596: {  	s20 =	simm.s32 $0xF00;
	[sflag:s26] =	ssyncadd.s32 $0xFFFFE000  }
0x597: {  	[tilespmem:s2], [sflag:$0x3] =	stream.indirect.gather [hbm4b:s0+s29], $0x80, s20, s29, $0xb8;
	[tilespmem:$0x1DC00] =	vst v63  }
0x598: {  	_ =	swait.ge [sflag:s18], $0x2000  }
0x599: {  	[sflag:s18] =	ssyncset.done $0x0  }
0x59a: {  	s22 =	simm.s32 $0x1780;
	[sflag:s18] =	ssyncadd.s32 $0xFFFFE000  }
0x59b: {  	[spmem:s3] =	stream.indirect.scatter.add.f32 [tilespmem:s6], [sflag:$0x8], $0x80, s22, s29, $0xb8;
	[tilespmem:$0x1DC00] =	vst v63  }
0x59c: {  	_ =	swait.ge [sflag:s26], $0x2000  }
0x59d: {  	[sflag:s26] =	ssyncset.done $0x0  }
0x59e: {  	s23 =	simm.s32 $0xF40;
	[sflag:s26] =	ssyncadd.s32 $0xFFFFE000  }
0x59f: {  	[tilespmem:s6], [sflag:$0x4] =	stream.indirect.gather [hbm4b:s0+s29], $0x80, s23, s29, $0xb8;
	[tilespmem:$0x1DC00] =	vst v63  }
0x5a0: {  	_ =	swait.ge [sflag:s8], $0x2000  }
0x5a1: {  	[sflag:s8] =	ssyncset.done $0x0  }
0x5a2: {  	s24 =	simm.s32 $0x1800;
	[sflag:s8] =	ssyncadd.s32 $0xFFFFE000  }
0x5a3: {  	[spmem:s3] =	stream.indirect.scatter.add.f32 [tilespmem:s25], [sflag:$0x8], $0x80, s24, s29, $0xb8;
	[tilespmem:$0x1DC00] =	vst v63  }
0x5a4: {  	_ =	swait.ge [sflag:s26], $0x2000  }
0x5a5: {  	[sflag:s26] =	ssyncset.done $0x0  }
0x5a6: {  	s10 =	simm.s32 $0x1000;
	[sflag:s26] =	ssyncadd.s32 $0xFFFFE000  }
0x5a7: {  	[tilespmem:s25], [sflag:$0x1] =	stream.indirect.gather [hbm4b:s0+s29], $0x80, s10, s29, $0xb8;
	[tilespmem:$0x1DC00] =	vst v63  }
0x5a8: {  	_ =	swait.ge [sflag:s11], $0x2000  }
0x5a9: {  	[sflag:s11] =	ssyncset.done $0x0  }
0x5aa: {  	s13 =	simm.s32 $0x1880;
	[sflag:s11] =	ssyncadd.s32 $0xFFFFE000  }
0x5ab: {  	[spmem:s3] =	stream.indirect.scatter.add.f32 [tilespmem:s30], [sflag:$0x8], $0x80, s13, s29, $0xb8;
	[tilespmem:$0x1DC00] =	vst v63  }
0x5ac: {  	_ =	swait.ge [sflag:s26], $0x2000  }
0x5ad: {  	[sflag:s26] =	ssyncset.done $0x0  }
0x5ae: {  	s14 =	simm.s32 $0x1040;
	[sflag:s26] =	ssyncadd.s32 $0xFFFFE000  }
0x5af: {  	[tilespmem:s30], [sflag:$0x2] =	stream.indirect.gather [hbm4b:s0+s29], $0x80, s14, s29, $0xb8;
	[tilespmem:$0x1DC00] =	vst v63  }
0x5b0: {  	_ =	swait.ge [sflag:s15], $0x2000  }
0x5b1: {  	[sflag:s15] =	ssyncset.done $0x0  }
0x5b2: {  	s20 =	simm.s32 $0x1900;
	[sflag:s15] =	ssyncadd.s32 $0xFFFFE000  }
0x5b3: {  	[spmem:s3] =	stream.indirect.scatter.add.f32 [tilespmem:s2], [sflag:$0x8], $0x80, s20, s29, $0xb8;
	[tilespmem:$0x1DC00] =	vst v63  }
0x5b4: {  	_ =	swait.ge [sflag:s26], $0x2000  }
0x5b5: {  	[sflag:s26] =	ssyncset.done $0x0  }
0x5b6: {  	s22 =	simm.s32 $0x1100;
	[sflag:s26] =	ssyncadd.s32 $0xFFFFE000  }
0x5b7: {  	[tilespmem:s2], [sflag:$0x3] =	stream.indirect.gather [hbm4b:s0+s29], $0x80, s22, s29, $0xb8;
	[tilespmem:$0x1DC00] =	vst v63  }
0x5b8: {  	_ =	swait.ge [sflag:s18], $0x2000  }
0x5b9: {  	[sflag:s18] =	ssyncset.done $0x0  }
0x5ba: {  	s23 =	simm.s32 $0x1980;
	[sflag:s18] =	ssyncadd.s32 $0xFFFFE000  }
0x5bb: {  	[spmem:s3] =	stream.indirect.scatter.add.f32 [tilespmem:s6], [sflag:$0x8], $0x80, s23, s29, $0xb8;
	[tilespmem:$0x1DC00] =	vst v63  }
0x5bc: {  	_ =	swait.ge [sflag:s26], $0x2000  }
0x5bd: {  	[sflag:s26] =	ssyncset.done $0x0  }
0x5be: {  	s24 =	simm.s32 $0x1140;
	[sflag:s26] =	ssyncadd.s32 $0xFFFFE000  }
0x5bf: {  	[tilespmem:s6], [sflag:$0x4] =	stream.indirect.gather [hbm4b:s0+s29], $0x80, s24, s29, $0xb8;
	[tilespmem:$0x1DC00] =	vst v63  }
0x5c0: {  	_ =	swait.ge [sflag:s8], $0x2000  }
0x5c1: {  	[sflag:s8] =	ssyncset.done $0x0  }
0x5c2: {  	s10 =	simm.s32 $0x1A00;
	[sflag:s8] =	ssyncadd.s32 $0xFFFFE000  }
0x5c3: {  	[spmem:s3] =	stream.indirect.scatter.add.f32 [tilespmem:s25], [sflag:$0x8], $0x80, s10, s29, $0xb8;
	[tilespmem:$0x1DC00] =	vst v63  }
0x5c4: {  	_ =	swait.ge [sflag:s26], $0x2000  }
0x5c5: {  	[sflag:s26] =	ssyncset.done $0x0  }
0x5c6: {  	s13 =	simm.s32 $0x1200;
	[sflag:s26] =	ssyncadd.s32 $0xFFFFE000  }
0x5c7: {  	[tilespmem:s25], [sflag:$0x1] =	stream.indirect.gather [hbm4b:s0+s29], $0x80, s13, s29, $0xb8;
	[tilespmem:$0x1DC00] =	vst v63  }
0x5c8: {  	_ =	swait.ge [sflag:s11], $0x2000  }
0x5c9: {  	[sflag:s11] =	ssyncset.done $0x0  }
0x5ca: {  	[sflag:s11] =	ssyncadd.s32 $0xFFFFE000  }
0x5cb: {  	[spmem:s3] =	stream.indirect.scatter.add.f32 [tilespmem:s30], [sflag:$0x8], $0x80, s17, s29, $0xb8;
	[tilespmem:$0x1DC00] =	vst v63  }
0x5cc: {  	_ =	swait.ge [sflag:s26], $0x2000  }
0x5cd: {  	[sflag:s26] =	ssyncset.done $0x0  }
0x5ce: {  	s14 =	simm.s32 $0x1240;
	[sflag:s26] =	ssyncadd.s32 $0xFFFFE000  }
0x5cf: {  	[tilespmem:s30], [sflag:$0x2] =	stream.indirect.gather [hbm4b:s0+s29], $0x80, s14, s29, $0xb8;
	[tilespmem:$0x1DC00] =	vst v63  }
0x5d0: {  	_ =	swait.ge [sflag:s15], $0x2000  }
0x5d1: {  	[sflag:s15] =	ssyncset.done $0x0  }
0x5d2: {  	[sflag:s15] =	ssyncadd.s32 $0xFFFFE000  }
0x5d3: {  	[spmem:s3] =	stream.indirect.scatter.add.f32 [tilespmem:s2], [sflag:$0x8], $0x80, s31, s29, $0xb8;
	[tilespmem:$0x1DC00] =	vst v63  }
0x5d4: {  	_ =	swait.ge [sflag:s26], $0x2000  }
0x5d5: {  	[sflag:s26] =	ssyncset.done $0x0  }
0x5d6: {  	s20 =	simm.s32 $0x1300;
	[sflag:s26] =	ssyncadd.s32 $0xFFFFE000  }
0x5d7: {  	[tilespmem:s2], [sflag:$0x3] =	stream.indirect.gather [hbm4b:s0+s29], $0x80, s20, s29, $0xb8;
	[tilespmem:$0x1DC00] =	vst v63  }
0x5d8: {  	_ =	swait.ge [sflag:s18], $0x2000  }
0x5d9: {  	[sflag:s18] =	ssyncset.done $0x0  }
0x5da: {  	[sflag:s18] =	ssyncadd.s32 $0xFFFFE000  }
0x5db: {  	[spmem:s3] =	stream.indirect.scatter.add.f32 [tilespmem:s6], [sflag:$0x8], $0x80, s5, s29, $0xb8;
	[tilespmem:$0x1DC00] =	vst v63  }
0x5dc: {  	_ =	swait.ge [sflag:s26], $0x2000  }
0x5dd: {  	[sflag:s26] =	ssyncset.done $0x0  }
0x5de: {  	s22 =	simm.s32 $0x1340;
	[sflag:s26] =	ssyncadd.s32 $0xFFFFE000  }
0x5df: {  	[tilespmem:s6], [sflag:$0x4] =	stream.indirect.gather [hbm4b:s0+s29], $0x80, s22, s29, $0xb8;
	[tilespmem:$0x1DC00] =	vst v63  }
0x5e0: {  	_ =	swait.ge [sflag:s8], $0x2000  }
0x5e1: {  	[sflag:s8] =	ssyncset.done $0x0  }
0x5e2: {  	[sflag:s8] =	ssyncadd.s32 $0xFFFFE000  }
0x5e3: {  	[spmem:s3] =	stream.indirect.scatter.add.f32 [tilespmem:s25], [sflag:$0x8], $0x80, s28, s29, $0xb8;
	[tilespmem:$0x1DC00] =	vst v63  }
0x5e4: {  	_ =	swait.ge [sflag:s26], $0x2000  }
0x5e5: {  	[sflag:s26] =	ssyncset.done $0x0  }
0x5e6: {  	[sflag:s26] =	ssyncadd.s32 $0xFFFFE000  }
0x5e7: {  	_ =	swait.ge [sflag:s11], $0x2000  }
0x5e8: {  	[sflag:s11] =	ssyncset.done $0x0  }
0x5e9: {  	[sflag:s11] =	ssyncadd.s32 $0xFFFFE000  }
0x5ea: {  	[spmem:s3] =	stream.indirect.scatter.add.f32 [tilespmem:s30], [sflag:$0x8], $0x80, s9, s29, $0xb8;
	[tilespmem:$0x1DC00] =	vst v63  }
0x5eb: {  	_ =	swait.ge [sflag:s26], $0x2000  }
0x5ec: {  	[sflag:s26] =	ssyncset.done $0x0  }
0x5ed: {  	[sflag:s26] =	ssyncadd.s32 $0xFFFFE000  }
0x5ee: {  	_ =	swait.ge [sflag:s15], $0x2000  }
0x5ef: {  	[sflag:s15] =	ssyncset.done $0x0  }
0x5f0: {  	[sflag:s15] =	ssyncadd.s32 $0xFFFFE000  }
0x5f1: {  	[spmem:s3] =	stream.indirect.scatter.add.f32 [tilespmem:s2], [sflag:$0x8], $0x80, s12, s29, $0xb8;
	[tilespmem:$0x1DC00] =	vst v63  }
0x5f2: {  	_ =	swait.ge [sflag:s26], $0x2000  }
0x5f3: {  	[sflag:s26] =	ssyncset.done $0x0  }
0x5f4: {  	[sflag:s26] =	ssyncadd.s32 $0xFFFFE000  }
0x5f5: {  	_ =	swait.ge [sflag:s18], $0x2000  }
0x5f6: {  	[sflag:s18] =	ssyncset.done $0x0  }
0x5f7: {  	[sflag:s18] =	ssyncadd.s32 $0xFFFFE000  }
0x5f8: {  	[spmem:s3] =	stream.indirect.scatter.add.f32 [tilespmem:s6], [sflag:$0x8], $0x80, s16, s29, $0xb8;
	[tilespmem:$0x1DC00] =	vst v63  }
0x5f9: {  	_ =	swait.ge [sflag:s26], $0x2000  }
0x5fa: {  	[sflag:s26] =	ssyncset.done $0x0  }
0x5fb: {  	[sflag:s26] =	ssyncadd.s32 $0xFFFFE000  }
0x5fc: {  	s23 =	stileid.u32;
	[bflag:$0x0] =	sbarrier.arrive $0xFFFF  }
0x5fd: {  	s1 =	sshll.u32 s23, $0x6;
	s13 =	rddreg [dreg:$0x5]  }
0x5fe: {  	s1 =	sor.u32 $0x1C08, s1;
	s14 =	rddreg [dreg:$0x17];
	s10 =	sshrl.u32 s13, $0x3  }
0x5ff: {  	[hbm:s14], [sflag:s1] =	dma.local [spmem:s10], $0x2780  }
0x600: {  	_ =	swait.ge [sflag:s26], $0x2780  }
0x601: {  	s4 =	sadd.s32 $0x1, s4;
	s24 =	rddreg [dreg:$0x18]  }
0x602: {  	p0 =	sne.s32 s4, s24  }
.Ltmp9:
0x603: {  	_ = 	snop;
	(pc) =	sbr.rel @p0 .LBB2_1-.Ltmp9, $3  }
0x604: {  	_ =	sdelay $0x1  }
0x605: {  	[sflag:s26] =	ssyncset.done $0x0  }
0x606: {  	[sflag:s26] =	ssyncadd.s32 $0xFFFFD880  }
0x607: {  	_ =	sfence.sel $0x180000  }
0x608: {  	[bflag:$0x0] =	sbarrier.arrive $0xFFFF  }
0x609: {  	_ =	strace $0x90000047  }
0x60a: {  	s0 =	stileid.u32;
	[bflag:$0x2] =	sbarrier.arrive $0xFFFF  }
0x60b: {  	p0 =	sne.s32 s0, $0x0;
	s0 =	rddreg [dreg:$0x4]  }
0x60c: {  	s0 =	sadd.s32 @!p0 $0x100000, s0  }
0x60d: {  	[sflag:s0] =	ssyncadd.tile.s32 @!p0 $0x1;
	_ =	shalt  }
.Lfunc_end2:
_tile_overlayer_lowered:
.L_overlay_start_2:
0x60e: {  	(tag) =	ssettag $0x2  }
0x60f: {  	s0 =	rddreg [dreg:$0x0];
	s2 =	stileid.u32  }
0x610: {  	s1 =	rddreg [dreg:$0x1];
	p0 =	sne.s32 s2, $0x0  }
0x611: {  	s3 =	rddreg [dreg:$0x2];
	[bflag:$0x3] =	sbarrier.arrive $0xFFFF;
	s2 =	simm.s32 @!p0 $0x1C08  }
0x612: {  	[timem:s3], [sflag:s2] =	dma.local @!p0 [hbm:s0], s1  }
0x613: {  	s0 =	simm.s32 @!p0 $0x8  }
0x614: {  	_ =	swait.ge @!p0 [sflag:s0], s1  }
0x615: {  	s1 =	ssub.s32 @!p0 $0x0, s1;
	[sflag:s0] =	ssyncset.done @!p0 $0x0  }
0x616: {  	[sflag:s0] =	ssyncadd.s32 @!p0 s1  }
0x617: {  	[bflag:$0x3] =	sbarrier.arrive $0xFFFF  }
0x618: {  	_ =	shalt  }

</sc_bundles>
